<compile_context>
chip_gen: v7x
topology: tpu7x:2x2x1
jax: 0.10.2.dev20260603
libtpu: 0.0.44.dev20260713+nightly
codegen_flags: <defaults>
</compile_context>

<pallas_src>
import jax
import jax.numpy as jnp
from jax import lax
from jax.experimental import pallas as pl
from jax.experimental.pallas import tpu as pltpu
from jax.experimental.pallas import tpu_sc as plsc

N = 10000
E = 320000
NPAD = 10240
F = 64
NUM_GRAPHS = 64

NC = 2
NS = 16
NW = NC * NS
EPT = E // NW
SP_CH = 400

_MESH = plsc.VectorSubcoreMesh(core_axis_name="c", subcore_axis_name="s")


def _deg_body(cols_hbm, ew_hbm, zeros_hbm, out_hbm, colbuf, ewbuf, acc_sp,
              isem):
  c = lax.axis_index("c")
  s = lax.axis_index("s")
  wid = c * NS + s
  base = wid * EPT
  d_c = pltpu.async_copy(cols_hbm.at[pl.ds(base, EPT)], colbuf, isem)
  d_e = pltpu.async_copy(ew_hbm.at[pl.ds(base, EPT)], ewbuf, isem)
  pltpu.sync_copy(zeros_hbm.at[pl.ds(s * 640, 640)],
                  acc_sp.at[pl.ds(s * 640, 640)])
  d_c.wait()
  d_e.wait()
  plsc.subcore_barrier()
  pltpu.sync_copy(ewbuf, acc_sp.at[colbuf], add=True)
  plsc.subcore_barrier()
  pltpu.sync_copy(acc_sp.at[pl.ds(s * 640, 640)],
                  out_hbm.at[c, pl.ds(s * 640, 640)])


def _sc_deg(cols, ew, zeros1):
  return pl.kernel(
      _deg_body,
      out_type=jax.ShapeDtypeStruct((NC, NPAD), jnp.float32),
      mesh=_MESH,
      compiler_params=pltpu.CompilerParams(needs_layout_passes=False,
                                           use_tc_tiling_on_sc=False),
      scratch_types=[
          pltpu.VMEM((EPT,), jnp.int32),
          pltpu.VMEM((EPT,), jnp.float32),
          pltpu.VMEM_SHARED((NPAD,), jnp.float32),
          pltpu.SemaphoreType.DMA,
      ],
  )(cols, ew, zeros1)


NCH = EPT // SP_CH


def _spmm_body(xs_hbm, rows2_hbm, cols2_hbm, ew2_hbm, zeros_hbm, out_hbm,
               rowb, colb, ewb, g0, g1, acc_sp, isem, gsem0, gsem1):
  c = lax.axis_index("c")
  s = lax.axis_index("s")
  wid = c * NS + s
  crow = wid * NCH
  d_r = pltpu.async_copy(rows2_hbm.at[pl.ds(crow, NCH)], rowb, isem)
  d_c = pltpu.async_copy(cols2_hbm.at[pl.ds(crow, NCH)], colb, isem)
  d_e = pltpu.async_copy(ew2_hbm.at[pl.ds(crow, NCH)], ewb, isem)
  pltpu.sync_copy(zeros_hbm.at[pl.ds(s * 640, 640)],
                  acc_sp.at[pl.ds(s * 640, 640)])
  d_r.wait()
  d_c.wait()
  d_e.wait()
  plsc.subcore_barrier()

  def gstart(ch, buf, sem):
    pltpu.async_copy(xs_hbm.at[rowb.at[ch]], buf, sem)

  def gwait(buf, sem):
    pltpu.make_async_copy(xs_hbm.at[rowb.at[0]], buf, sem).wait()

  def scale_scatter(ch, buf):
    def grp(g, carry):
      ev = ewb[ch, pl.ds(g * 16, 16)]
      for q in range(4):
        svs = [jnp.full((16,), ev[q * 4 + j]) for j in range(4)]
        es = [g * 16 + q * 4 + j for j in range(4)]
        vals = [buf[es[j], pl.ds(f * 16, 16)] * svs[j]
                for j in range(4) for f in range(F // 16)]
        k = 0
        for j in range(4):
          for f in range(F // 16):
            buf[es[j], pl.ds(f * 16, 16)] = vals[k]
            k += 1
      return carry

    lax.fori_loop(0, SP_CH // 16, grp, 0)
    pltpu.sync_copy(buf, acc_sp.at[colb.at[ch]], add=True)

  gstart(0, g0, gsem0)

  def outer(k, carry):
    c0 = 2 * k
    gstart(c0 + 1, g1, gsem1)
    gwait(g0, gsem0)
    scale_scatter(c0, g0)

    @pl.when(c0 + 2 < NCH)
    def _():
      gstart(c0 + 2, g0, gsem0)

    gwait(g1, gsem1)
    scale_scatter(c0 + 1, g1)
    return carry

  lax.fori_loop(0, NCH // 2, outer, 0)
  gwait(g0, gsem0)
  scale_scatter(NCH - 1, g0)
  plsc.subcore_barrier()
  pltpu.sync_copy(acc_sp.at[pl.ds(s * 640, 640)],
                  out_hbm.at[c, pl.ds(s * 640, 640)])


def _sc_spmm(xs, rows2, cols2, ew2, zeros2):
  return pl.kernel(
      _spmm_body,
      out_type=jax.ShapeDtypeStruct((NC, NPAD, F), jnp.float32),
      mesh=_MESH,
      compiler_params=pltpu.CompilerParams(needs_layout_passes=False,
                                           use_tc_tiling_on_sc=False),
      scratch_types=[
          pltpu.VMEM((NCH, SP_CH), jnp.int32),
          pltpu.VMEM((NCH, SP_CH), jnp.int32),
          pltpu.VMEM((NCH, SP_CH), jnp.float32),
          pltpu.VMEM((SP_CH, F), jnp.float32),
          pltpu.VMEM((SP_CH, F), jnp.float32),
          pltpu.VMEM_SHARED((NPAD, F), jnp.float32),
          pltpu.SemaphoreType.DMA,
          pltpu.SemaphoreType.DMA,
          pltpu.SemaphoreType.DMA,
      ],
  )(xs, rows2, cols2, ew2, zeros2)


def _dotT(a, b):
  return lax.dot_general(a, b, (((1,), (1,)), ((), ())),
                         preferred_element_type=jnp.float32)




EB = 16000
EG = E // EB


def _tc_edge_body(ef, We1, be1c, We2, be2, ew_o):
  tT = jnp.maximum(_dotT(We1[...], ef[...]) + be1c[...], 0.0)
  ew = lax.dot_general(We2[...], tT, (((1,), (0,)), ((), ())),
                       preferred_element_type=jnp.float32)
  ew_o[...] = jnp.reshape(ew + be2[...], (1, 1, EB))


def _tc_edge(ef, We1, be1c, We2, be2):
  out3 = pl.pallas_call(
      _tc_edge_body,
      grid=(EG,),
      in_specs=[
          pl.BlockSpec((EB, 16), lambda i: (i, 0)),
          pl.BlockSpec((16, 16), lambda i: (0, 0)),
          pl.BlockSpec((16, 1), lambda i: (0, 0)),
          pl.BlockSpec((1, 16), lambda i: (0, 0)),
          pl.BlockSpec((1,), lambda i: (0,)),
      ],
      out_specs=pl.BlockSpec((1, 1, EB), lambda i: (i, 0, 0)),
      out_shape=jax.ShapeDtypeStruct((EG, 1, EB), jnp.float32),
  )(ef, We1, be1c, We2, be2)
  return jnp.reshape(out3, (E,))


def _tc_mid1_body(degp, nf, Wn1, bn1, Wn2, bn2, Wg1,
                  xw1_o, dis_o, xs1_o):
  h = jnp.maximum(_dotT(nf[...], Wn1[...]) + bn1[...][None, :], 0.0)
  h2 = _dotT(h, Wn2[...]) + bn2[...][None, :]
  xw1 = _dotT(h2, Wg1[...])
  xw1_o[...] = xw1
  deg = degp[0, :] + degp[1, :] + 1.0
  safe = jnp.where(deg > 0, deg, 1.0)
  dis = jnp.where(deg > 0, lax.rsqrt(safe), 0.0)
  dis_o[...] = dis
  xs1_o[...] = xw1 * dis[:N][:, None]


def _tc_mid1(degp, nf, Wn1, bn1, Wn2, bn2, Wg1):
  return pl.pallas_call(
      _tc_mid1_body,
      out_shape=[
          jax.ShapeDtypeStruct((N, F), jnp.float32),
          jax.ShapeDtypeStruct((NPAD,), jnp.float32),
          jax.ShapeDtypeStruct((N, F), jnp.float32),
      ],
  )(degp, nf, Wn1, bn1, Wn2, bn2, Wg1)


def _tc_mid2_body(p, xw1, dis, bg1, Wg2, xw2_o, xs2_o):
  agg = p[0, :N, :] + p[1, :N, :]
  d = dis[:N]
  x1 = jnp.maximum(d[:, None] * agg + (d * d)[:, None] * xw1[...]
                   + bg1[...][None, :], 0.0)
  xw2 = _dotT(x1, Wg2[...])
  xw2_o[...] = xw2
  xs2_o[...] = xw2 * d[:, None]


def _tc_mid2(p, xw1, dis, bg1, Wg2):
  return pl.pallas_call(
      _tc_mid2_body,
      out_shape=[
          jax.ShapeDtypeStruct((N, F), jnp.float32),
          jax.ShapeDtypeStruct((N, F), jnp.float32),
      ],
  )(p, xw1, dis, bg1, Wg2)


def _tc_final_body(p2, xw2, dis, bg2, batch, Wo, bo, out_o):
  agg = p2[0, :N, :] + p2[1, :N, :]
  d = dis[:N]
  x2 = jnp.maximum(d[:, None] * agg + (d * d)[:, None] * xw2[...]
                   + bg2[...][None, :], 0.0)
  gids = lax.broadcasted_iota(jnp.int32, (NUM_GRAPHS, N), 0)
  m = (batch[...][None, :] == gids).astype(jnp.float32)
  counts = jnp.sum(m, axis=1, keepdims=True)
  pooled = lax.dot_general(m, x2, (((1,), (0,)), ((), ())),
                           preferred_element_type=jnp.float32)
  pooled = pooled / jnp.maximum(counts, 1.0)
  out_o[...] = lax.dot_general(Wo[...], pooled, (((1,), (1,)), ((), ())),
                               preferred_element_type=jnp.float32) + bo[...]


def _tc_final(p2, xw2, dis, bg2, batch, Wo, bo):
  return pl.pallas_call(
      _tc_final_body,
      out_shape=jax.ShapeDtypeStruct((1, NUM_GRAPHS), jnp.float32),
  )(p2, xw2, dis, bg2, batch, Wo, bo)


def kernel(node_features, edge_index, edge_features, batch,
           Wn1, bn1, Wn2, bn2, We1, be1, We2, be2,
           Wg1, bg1, Wg2, bg2, Wo, bo):
  rows = edge_index[0]
  cols = edge_index[1]
  zeros1 = jnp.zeros((NPAD,), jnp.float32)
  zeros2 = jnp.zeros((NPAD, F), jnp.float32)

  ew = _tc_edge(edge_features, We1, jnp.reshape(be1, (16, 1)), We2, be2)

  degp = _sc_deg(cols, ew, zeros1)
  xw1, dis, xs1 = _tc_mid1(degp, node_features, Wn1, bn1, Wn2, bn2, Wg1)

  rows2 = jnp.reshape(rows, (E // SP_CH, SP_CH))
  cols2 = jnp.reshape(cols, (E // SP_CH, SP_CH))
  ew2 = jnp.reshape(ew, (E // SP_CH, SP_CH))

  p = _sc_spmm(xs1, rows2, cols2, ew2, zeros2)
  xw2, xs2 = _tc_mid2(p, xw1, dis, bg1, Wg2)

  p2 = _sc_spmm(xs2, rows2, cols2, ew2, zeros2)

  out = _tc_final(p2, xw2, dis, bg2, batch, Wo, jnp.reshape(bo, (1, 1)))
  return jnp.reshape(out, (NUM_GRAPHS, 1))

# --- scband reference (transcript-rebuilt; emitter-appended) ---
"""Pipeline reference for scband-gnn-25082609008815 (READ-ONLY COPY).

The authoritative reference and input builder live on the scoring server;
editing this copy changes nothing except your own understanding.
"""

import jax, jax.numpy as jnp
import numpy as np

N = 10000
E = 320000
NODE_DIM = 128
H_NODE = 128
OUT_NODE = 64
EDGE_DIM = 16
H_EDGE = 16
G1 = 64
G2 = 64
OUT_DIM = 1
NUM_GRAPHS = 64


def _gcn_conv(x, edge_index, edge_weight, W, b):
    # Faithful PyG GCNConv with edge_weight: add self-loops (weight 1),
    # symmetric normalization deg^-1/2[row] * w * deg^-1/2[col],
    # linear transform (no bias in lin), aggregate at col, then add bias.
    n = x.shape[0]
    row = edge_index[0]
    col = edge_index[1]
    loop = jnp.arange(n, dtype=row.dtype)
    row2 = jnp.concatenate([row, loop])
    col2 = jnp.concatenate([col, loop])
    ew2 = jnp.concatenate([edge_weight, jnp.ones((n,), dtype=edge_weight.dtype)])
    deg = jax.ops.segment_sum(ew2, col2, num_segments=n)
    safe = jnp.where(deg > 0, deg, 1.0)
    dis = jnp.where(deg > 0, jax.lax.rsqrt(safe), 0.0)
    norm = dis[row2] * ew2 * dis[col2]
    xw = x @ W.T
    out = jax.ops.segment_sum(xw[row2] * norm[:, None], col2, num_segments=n)
    return out + b


def _global_mean_pool(x, batch, num_graphs):
    sums = jax.ops.segment_sum(x, batch, num_segments=num_graphs)
    counts = jax.ops.segment_sum(jnp.ones((x.shape[0],), dtype=x.dtype), batch, num_segments=num_graphs)
    return sums / jnp.maximum(counts, 1.0)[:, None]


def setup_inputs(seed: int = 0) -> dict:
    key = jax.random.key(seed)
    ks = jax.random.split(key, 20)
    node_features = jax.random.normal(ks[0], (N, NODE_DIM), dtype=jnp.float32)
    edge_index = jax.random.randint(ks[1], (2, E), 0, N, dtype=jnp.int32)
    edge_features = jax.random.uniform(ks[2], (E, EDGE_DIM), dtype=jnp.float32)
    batch = jnp.sort(jax.random.randint(ks[3], (N,), 0, NUM_GRAPHS, dtype=jnp.int32))
    s = 0.05
    Wn1 = jax.random.normal(ks[4], (H_NODE, NODE_DIM), dtype=jnp.float32) * s
    bn1 = jax.random.normal(ks[5], (H_NODE,), dtype=jnp.float32) * s
    Wn2 = jax.random.normal(ks[6], (OUT_NODE, H_NODE), dtype=jnp.float32) * s
    bn2 = jax.random.normal(ks[7], (OUT_NODE,), dtype=jnp.float32) * s
    We1 = jax.random.normal(ks[8], (H_EDGE, EDGE_DIM), dtype=jnp.float32) * s
    be1 = jax.random.normal(ks[9], (H_EDGE,), dtype=jnp.float32) * s
    We2 = jax.random.normal(ks[10], (1, H_EDGE), dtype=jnp.float32) * s
    # positive bias so learned edge weights stay positive (avoids NaN in deg^-1/2)
    be2 = jnp.ones((1,), dtype=jnp.float32)
    Wg1 = jax.random.normal(ks[11], (G1, OUT_NODE), dtype=jnp.float32) * s
    bg1 = jax.random.normal(ks[12], (G1,), dtype=jnp.float32) * s
    Wg2 = jax.random.normal(ks[13], (G2, G1), dtype=jnp.float32) * s
    bg2 = jax.random.normal(ks[14], (G2,), dtype=jnp.float32) * s
    Wo = jax.random.normal(ks[15], (OUT_DIM, G2), dtype=jnp.float32) * s
    bo = jax.random.normal(ks[16], (OUT_DIM,), dtype=jnp.float32) * s
    return {
        "node_features": node_features,
        "edge_index": edge_index,
        "edge_features": edge_features,
        "batch": batch,
        "Wn1": Wn1, "bn1": bn1, "Wn2": Wn2, "bn2": bn2,
        "We1": We1, "be1": be1, "We2": We2, "be2": be2,
        "Wg1": Wg1, "bg1": bg1, "Wg2": Wg2, "bg2": bg2,
        "Wo": Wo, "bo": bo,
    }


def reference(node_features, edge_index, edge_features, batch,
              Wn1, bn1, Wn2, bn2, We1, be1, We2, be2,
              Wg1, bg1, Wg2, bg2, Wo, bo):
    # node feature combiner (Linear -> ReLU -> Linear)
    h = jax.nn.relu(node_features @ Wn1.T + bn1) @ Wn2.T + bn2
    # edge feature combiner -> scalar edge weights
    ew = (jax.nn.relu(edge_features @ We1.T + be1) @ We2.T + be2)
    ew = jnp.squeeze(ew, axis=-1)
    x = jax.nn.relu(_gcn_conv(h, edge_index, ew, Wg1, bg1))
    x = jax.nn.relu(_gcn_conv(x, edge_index, ew, Wg2, bg2))
    pooled = _global_mean_pool(x, batch, NUM_GRAPHS)
    return pooled @ Wo.T + bo

if __name__ == "__main__":
    import jax
    _d = setup_inputs()
    print(jax.jit(kernel)(*tuple(_d.values())))

</pallas_src>

<mosaic_0001>
#map = affine_map<(d0, d1) -> (0, 0)>
#map1 = affine_map<(d0, d1) -> (0, 0, 0)>
module attributes {stable_mosaic.version = 14 : i64} {
  func.func @_spmm_body(%arg0: i32, %arg1: i32, %arg2: memref<10000x64xf32, #tpu.memory_space<hbm>>, %arg3: memref<800x400xi32, #tpu.memory_space<hbm>>, %arg4: memref<800x400xi32, #tpu.memory_space<hbm>>, %arg5: memref<800x400xf32, #tpu.memory_space<hbm>>, %arg6: memref<10240x64xf32, #tpu.memory_space<hbm>>, %arg7: memref<2x10240x64xf32, #tpu.memory_space<hbm>>, %arg8: memref<25x400xi32, #tpu.memory_space<vmem>>, %arg9: memref<25x400xi32, #tpu.memory_space<vmem>>, %arg10: memref<25x400xf32, #tpu.memory_space<vmem>>, %arg11: memref<400x64xf32, #tpu.memory_space<vmem>>, %arg12: memref<400x64xf32, #tpu.memory_space<vmem>>, %arg13: memref<10240x64xf32, #tpu.memory_space<vmem_shared>>, %arg14: memref<!tpu.dma_semaphore, #tpu.memory_space<semaphore_mem>>, %arg15: memref<!tpu.dma_semaphore, #tpu.memory_space<semaphore_mem>>, %arg16: memref<!tpu.dma_semaphore, #tpu.memory_space<semaphore_mem>>) attributes {dimension_semantics = [#tpu.dimension_semantics<core_parallel>, #tpu.dimension_semantics<subcore_parallel>], iteration_bounds = array<i64: 2, 16>, scalar_prefetch = 0 : i64, scratch_operands = 9 : i64, tpu.core_type = #tpu.core_type<sc_vector_subcore>, window_params = [{transform_indices = #map}, {transform_indices = #map}, {transform_indices = #map}, {transform_indices = #map}, {transform_indices = #map}, {transform_indices = #map1}]} {
    %mul3A = arith.constant 16 : i32
    %mul3A_0 = arith.muli %arg0, %mul3A : i32
    %add3A = arith.addi %mul3A_0, %arg1 : i32
    %mul3A_1 = arith.constant 25 : i32
    %mul3A_2 = arith.muli %add3A, %mul3A_1 : i32
    %dma_start3A = arith.constant 0 : i32
    %dma_start3A_3 = tpu.memref_slice %arg3[%mul3A_2, %dma_start3A] : memref<800x400xi32, #tpu.memory_space<hbm>> -> memref<25x400xi32, #tpu.memory_space<hbm>>
    %dma_start3A_4 = arith.constant 0 : i32
    %dma_start3A_5 = tpu.memref_slice %arg3[%mul3A_2, %dma_start3A_4] : memref<800x400xi32, #tpu.memory_space<hbm>> -> memref<25x400xi32, #tpu.memory_space<hbm>>
    tpu.enqueue_dma source(%dma_start3A_5 : memref<25x400xi32, #tpu.memory_space<hbm>>) target(%arg8 : memref<25x400xi32, #tpu.memory_space<vmem>>) target_semaphore(%arg14 : memref<!tpu.dma_semaphore, #tpu.memory_space<semaphore_mem>>)
    %dma_start3A_6 = arith.constant 0 : i32
    %dma_start3A_7 = tpu.memref_slice %arg4[%mul3A_2, %dma_start3A_6] : memref<800x400xi32, #tpu.memory_space<hbm>> -> memref<25x400xi32, #tpu.memory_space<hbm>>
    %dma_start3A_8 = arith.constant 0 : i32
    %dma_start3A_9 = tpu.memref_slice %arg4[%mul3A_2, %dma_start3A_8] : memref<800x400xi32, #tpu.memory_space<hbm>> -> memref<25x400xi32, #tpu.memory_space<hbm>>
    tpu.enqueue_dma source(%dma_start3A_9 : memref<25x400xi32, #tpu.memory_space<hbm>>) target(%arg9 : memref<25x400xi32, #tpu.memory_space<vmem>>) target_semaphore(%arg14 : memref<!tpu.dma_semaphore, #tpu.memory_space<semaphore_mem>>)
    %dma_start3A_10 = arith.constant 0 : i32
    %dma_start3A_11 = tpu.memref_slice %arg5[%mul3A_2, %dma_start3A_10] : memref<800x400xf32, #tpu.memory_space<hbm>> -> memref<25x400xf32, #tpu.memory_space<hbm>>
    %dma_start3A_12 = arith.constant 0 : i32
    %dma_start3A_13 = tpu.memref_slice %arg5[%mul3A_2, %dma_start3A_12] : memref<800x400xf32, #tpu.memory_space<hbm>> -> memref<25x400xf32, #tpu.memory_space<hbm>>
    tpu.enqueue_dma source(%dma_start3A_13 : memref<25x400xf32, #tpu.memory_space<hbm>>) target(%arg10 : memref<25x400xf32, #tpu.memory_space<vmem>>) target_semaphore(%arg14 : memref<!tpu.dma_semaphore, #tpu.memory_space<semaphore_mem>>)
    %mul3A_14 = arith.constant 640 : i32
    %mul3A_15 = arith.muli %arg1, %mul3A_14 : i32
    %mul3A_16 = arith.constant 640 : i32
    %mul3A_17 = arith.muli %arg1, %mul3A_16 : i32
    "tpu.region"() ({
      %run_scoped3A_59 = tpu.sem_alloc : memref<!tpu.dma_semaphore, #tpu.memory_space<semaphore_mem>>
      %dma_start3A_60 = arith.constant 0 : i32
      %dma_start3A_61 = tpu.memref_slice %arg13[%mul3A_17, %dma_start3A_60] : memref<10240x64xf32, #tpu.memory_space<vmem_shared>> -> memref<640x64xf32, #tpu.memory_space<vmem_shared>>
      %dma_start3A_62 = arith.constant 0 : i32
      %dma_start3A_63 = tpu.memref_slice %arg6[%mul3A_15, %dma_start3A_62] : memref<10240x64xf32, #tpu.memory_space<hbm>> -> memref<640x64xf32, #tpu.memory_space<hbm>>
      tpu.enqueue_dma source(%dma_start3A_63 : memref<640x64xf32, #tpu.memory_space<hbm>>) target(%dma_start3A_61 : memref<640x64xf32, #tpu.memory_space<vmem_shared>>) target_semaphore(%run_scoped3A_59 : memref<!tpu.dma_semaphore, #tpu.memory_space<semaphore_mem>>)
      %dma_wait3A_64 = arith.constant 0 : i32
      %dma_wait3A_65 = tpu.memref_slice %arg13[%mul3A_17, %dma_wait3A_64] : memref<10240x64xf32, #tpu.memory_space<vmem_shared>> -> memref<640x64xf32, #tpu.memory_space<vmem_shared>>
      %dma_wait3A_66 = arith.constant 0 : i32
      %dma_wait3A_67 = tpu.memref_slice %arg6[%mul3A_15, %dma_wait3A_66] : memref<10240x64xf32, #tpu.memory_space<hbm>> -> memref<640x64xf32, #tpu.memory_space<hbm>>
      tpu.wait_dma2 semaphore(%run_scoped3A_59 : memref<!tpu.dma_semaphore, #tpu.memory_space<semaphore_mem>>) src(%dma_wait3A_67 : memref<640x64xf32, #tpu.memory_space<hbm>>) dst(%dma_wait3A_65 : memref<640x64xf32, #tpu.memory_space<vmem_shared>>)
      tpu.yield
    }) : () -> ()
    %dma_wait3A = arith.constant 0 : i32
    %dma_wait3A_18 = tpu.memref_slice %arg3[%mul3A_2, %dma_wait3A] : memref<800x400xi32, #tpu.memory_space<hbm>> -> memref<25x400xi32, #tpu.memory_space<hbm>>
    %dma_wait3A_19 = arith.constant 0 : i32
    %dma_wait3A_20 = tpu.memref_slice %arg3[%mul3A_2, %dma_wait3A_19] : memref<800x400xi32, #tpu.memory_space<hbm>> -> memref<25x400xi32, #tpu.memory_space<hbm>>
    tpu.wait_dma2 semaphore(%arg14 : memref<!tpu.dma_semaphore, #tpu.memory_space<semaphore_mem>>) src(%dma_wait3A_20 : memref<25x400xi32, #tpu.memory_space<hbm>>) dst(%arg8 : memref<25x400xi32, #tpu.memory_space<vmem>>)
    %dma_wait3A_21 = arith.constant 0 : i32
    %dma_wait3A_22 = tpu.memref_slice %arg4[%mul3A_2, %dma_wait3A_21] : memref<800x400xi32, #tpu.memory_space<hbm>> -> memref<25x400xi32, #tpu.memory_space<hbm>>
    %dma_wait3A_23 = arith.constant 0 : i32
    %dma_wait3A_24 = tpu.memref_slice %arg4[%mul3A_2, %dma_wait3A_23] : memref<800x400xi32, #tpu.memory_space<hbm>> -> memref<25x400xi32, #tpu.memory_space<hbm>>
    tpu.wait_dma2 semaphore(%arg14 : memref<!tpu.dma_semaphore, #tpu.memory_space<semaphore_mem>>) src(%dma_wait3A_24 : memref<25x400xi32, #tpu.memory_space<hbm>>) dst(%arg9 : memref<25x400xi32, #tpu.memory_space<vmem>>)
    %dma_wait3A_25 = arith.constant 0 : i32
    %dma_wait3A_26 = tpu.memref_slice %arg5[%mul3A_2, %dma_wait3A_25] : memref<800x400xf32, #tpu.memory_space<hbm>> -> memref<25x400xf32, #tpu.memory_space<hbm>>
    %dma_wait3A_27 = arith.constant 0 : i32
    %dma_wait3A_28 = tpu.memref_slice %arg5[%mul3A_2, %dma_wait3A_27] : memref<800x400xf32, #tpu.memory_space<hbm>> -> memref<25x400xf32, #tpu.memory_space<hbm>>
    tpu.wait_dma2 semaphore(%arg14 : memref<!tpu.dma_semaphore, #tpu.memory_space<semaphore_mem>>) src(%dma_wait3A_28 : memref<25x400xf32, #tpu.memory_space<hbm>>) dst(%arg10 : memref<25x400xf32, #tpu.memory_space<vmem>>)
    %barrier3A = arith.constant 0 : index
    tpu.barrier barrier_id(%barrier3A)
    %dma_start3A_29 = arith.constant 0 : i32
    %dma_start3A_30 = arith.constant 0 : i32
    %dma_start3A_31 = tpu.memref_slice %arg8[%dma_start3A_29, %dma_start3A_30] : memref<25x400xi32, #tpu.memory_space<vmem>> -> memref<1x400xi32, #tpu.memory_space<vmem>>
    %dma_start3A_32 = tpu.memref_squeeze %dma_start3A_31 : memref<1x400xi32, #tpu.memory_space<vmem>> -> memref<400xi32, #tpu.memory_space<vmem>>
    %dma_start3A_33 = arith.constant 0 : i32
    %dma_start3A_34 = arith.constant 0 : i32
    %dma_start3A_35 = tpu.memref_slice %arg2[%dma_start3A_33, %dma_start3A_34] : memref<10000x64xf32, #tpu.memory_space<hbm>> -> memref<10000x64xf32, #tpu.memory_space<hbm>>
    tpu.enqueue_indirect_dma source(%dma_start3A_35 : memref<10000x64xf32, #tpu.memory_space<hbm>>) target(%arg11 : memref<400x64xf32, #tpu.memory_space<vmem>>) offsets(%dma_start3A_32 : memref<400xi32, #tpu.memory_space<vmem>>) semaphore(%arg15 : memref<!tpu.dma_semaphore, #tpu.memory_space<semaphore_mem>>)
    %scan3A = arith.constant 0 : i32
    %scan3A_36 = arith.constant 0 : i32
    %scan3A_37 = arith.constant 12 : i32
    %scan3A_38 = arith.addi %scan3A_36, %scan3A_37 : i32
    %scan3A_39 = arith.constant 1 : i32
    scf.for %scan3A_59 = %scan3A_36 to %scan3A_38 step %scan3A_39  : i32 {
      %mul3A_60 = arith.constant 2 : i32
      %mul3A_61 = arith.muli %mul3A_60, %scan3A_59 : i32
      %add3A_62 = arith.constant 1 : i32
      %add3A_63 = arith.addi %mul3A_61, %add3A_62 : i32
      %dma_start3A_64 = arith.constant 0 : i32
      %dma_start3A_65 = tpu.memref_slice %arg8[%add3A_63, %dma_start3A_64] : memref<25x400xi32, #tpu.memory_space<vmem>> -> memref<1x400xi32, #tpu.memory_space<vmem>>
      %dma_start3A_66 = tpu.memref_squeeze %dma_start3A_65 : memref<1x400xi32, #tpu.memory_space<vmem>> -> memref<400xi32, #tpu.memory_space<vmem>>
      %dma_start3A_67 = arith.constant 0 : i32
      %dma_start3A_68 = arith.constant 0 : i32
      %dma_start3A_69 = tpu.memref_slice %arg2[%dma_start3A_67, %dma_start3A_68] : memref<10000x64xf32, #tpu.memory_space<hbm>> -> memref<10000x64xf32, #tpu.memory_space<hbm>>
      tpu.enqueue_indirect_dma source(%dma_start3A_69 : memref<10000x64xf32, #tpu.memory_space<hbm>>) target(%arg12 : memref<400x64xf32, #tpu.memory_space<vmem>>) offsets(%dma_start3A_66 : memref<400xi32, #tpu.memory_space<vmem>>) semaphore(%arg16 : memref<!tpu.dma_semaphore, #tpu.memory_space<semaphore_mem>>)
      %dma_wait3A_70 = arith.constant 0 : i32
      %dma_wait3A_71 = arith.constant 0 : i32
      %dma_wait3A_72 = tpu.memref_slice %arg8[%dma_wait3A_70, %dma_wait3A_71] : memref<25x400xi32, #tpu.memory_space<vmem>> -> memref<1x400xi32, #tpu.memory_space<vmem>>
      %dma_wait3A_73 = tpu.memref_squeeze %dma_wait3A_72 : memref<1x400xi32, #tpu.memory_space<vmem>> -> memref<400xi32, #tpu.memory_space<vmem>>
      %dma_wait3A_74 = arith.constant 0 : i32
      %dma_wait3A_75 = arith.constant 0 : i32
      %dma_wait3A_76 = tpu.memref_slice %arg2[%dma_wait3A_74, %dma_wait3A_75] : memref<10000x64xf32, #tpu.memory_space<hbm>> -> memref<10000x64xf32, #tpu.memory_space<hbm>>
      tpu.wait_indirect_dma semaphore(%arg15 : memref<!tpu.dma_semaphore, #tpu.memory_space<semaphore_mem>>) src(%dma_wait3A_76 : memref<10000x64xf32, #tpu.memory_space<hbm>>) dst(%arg11 : memref<400x64xf32, #tpu.memory_space<vmem>>)
      %scan3A_77 = arith.constant 0 : i32
      %scan3A_78 = arith.constant 0 : i32
      %scan3A_79 = arith.constant 25 : i32
      %scan3A_80 = arith.addi %scan3A_78, %scan3A_79 : i32
      %scan3A_81 = arith.constant 1 : i32
      scf.for %scan3A_102 = %scan3A_78 to %scan3A_80 step %scan3A_81  : i32 {
        %mul3A_103 = arith.constant 16 : i32
        %mul3A_104 = arith.muli %scan3A_102, %mul3A_103 : i32
        %get3A = arith.index_cast %mul3A_61 : i32 to index
        %get3A_105 = arith.index_cast %mul3A_104 : i32 to index
        %get3A_106 = tpu.vector_load %arg10[%get3A, %get3A_105] {strides = array<i32>} : memref<25x400xf32, #tpu.memory_space<vmem>>, vector<16xf32>,
        %slice3A = vector.extract_strided_slice %get3A_106 {offsets = [0], sizes = [1], strides = [1]} : vector<16xf32> to vector<1xf32>
        %squeeze3A = vector.extract %slice3A[0] : f32 from vector<1xf32>
        %broadcast_in_dim3A = vector.broadcast %squeeze3A : f32 to vector<16xf32>
        %slice3A_107 = vector.extract_strided_slice %get3A_106 {offsets = [1], sizes = [1], strides = [1]} : vector<16xf32> to vector<1xf32>
        %squeeze3A_108 = vector.extract %slice3A_107[0] : f32 from vector<1xf32>
        %broadcast_in_dim3A_109 = vector.broadcast %squeeze3A_108 : f32 to vector<16xf32>
        %slice3A_110 = vector.extract_strided_slice %get3A_106 {offsets = [2], sizes = [1], strides = [1]} : vector<16xf32> to vector<1xf32>
        %squeeze3A_111 = vector.extract %slice3A_110[0] : f32 from vector<1xf32>
        %broadcast_in_dim3A_112 = vector.broadcast %squeeze3A_111 : f32 to vector<16xf32>
        %slice3A_113 = vector.extract_strided_slice %get3A_106 {offsets = [3], sizes = [1], strides = [1]} : vector<16xf32> to vector<1xf32>
        %squeeze3A_114 = vector.extract %slice3A_113[0] : f32 from vector<1xf32>
        %broadcast_in_dim3A_115 = vector.broadcast %squeeze3A_114 : f32 to vector<16xf32>
        %mul3A_116 = arith.constant 16 : i32
        %mul3A_117 = arith.muli %scan3A_102, %mul3A_116 : i32
        %add3A_118 = arith.constant 0 : i32
        %add3A_119 = arith.addi %mul3A_117, %add3A_118 : i32
        %add3A_120 = arith.constant 0 : i32
        %add3A_121 = arith.addi %add3A_119, %add3A_120 : i32
        %mul3A_122 = arith.constant 16 : i32
        %mul3A_123 = arith.muli %scan3A_102, %mul3A_122 : i32
        %add3A_124 = arith.constant 0 : i32
        %add3A_125 = arith.addi %mul3A_123, %add3A_124 : i32
        %add3A_126 = arith.constant 1 : i32
        %add3A_127 = arith.addi %add3A_125, %add3A_126 : i32
        %mul3A_128 = arith.constant 16 : i32
        %mul3A_129 = arith.muli %scan3A_102, %mul3A_128 : i32
        %add3A_130 = arith.constant 0 : i32
        %add3A_131 = arith.addi %mul3A_129, %add3A_130 : i32
        %add3A_132 = arith.constant 2 : i32
        %add3A_133 = arith.addi %add3A_131, %add3A_132 : i32
        %mul3A_134 = arith.constant 16 : i32
        %mul3A_135 = arith.muli %scan3A_102, %mul3A_134 : i32
        %add3A_136 = arith.constant 0 : i32
        %add3A_137 = arith.addi %mul3A_135, %add3A_136 : i32
        %add3A_138 = arith.constant 3 : i32
        %add3A_139 = arith.addi %add3A_137, %add3A_138 : i32
        %get3A_140 = arith.index_cast %add3A_121 : i32 to index
        %get3A_141 = arith.constant 0 : index
        %get3A_142 = tpu.vector_load %arg11[%get3A_140, %get3A_141] {strides = array<i32>} : memref<400x64xf32, #tpu.memory_space<vmem>>, vector<16xf32>,
        %mul3A_143 = arith.mulf %get3A_142, %broadcast_in_dim3A : vector<16xf32>
        %get3A_144 = arith.index_cast %add3A_121 : i32 to index
        %get3A_145 = arith.constant 16 : index
        %get3A_146 = tpu.vector_load %arg11[%get3A_144, %get3A_145] {strides = array<i32>} : memref<400x64xf32, #tpu.memory_space<vmem>>, vector<16xf32>,
        %mul3A_147 = arith.mulf %get3A_146, %broadcast_in_dim3A : vector<16xf32>
        %get3A_148 = arith.index_cast %add3A_121 : i32 to index
        %get3A_149 = arith.constant 32 : index
        %get3A_150 = tpu.vector_load %arg11[%get3A_148, %get3A_149] {strides = array<i32>} : memref<400x64xf32, #tpu.memory_space<vmem>>, vector<16xf32>,
        %mul3A_151 = arith.mulf %get3A_150, %broadcast_in_dim3A : vector<16xf32>
        %get3A_152 = arith.index_cast %add3A_121 : i32 to index
        %get3A_153 = arith.constant 48 : index
        %get3A_154 = tpu.vector_load %arg11[%get3A_152, %get3A_153] {strides = array<i32>} : memref<400x64xf32, #tpu.memory_space<vmem>>, vector<16xf32>,
        %mul3A_155 = arith.mulf %get3A_154, %broadcast_in_dim3A : vector<16xf32>
        %get3A_156 = arith.index_cast %add3A_127 : i32 to index
        %get3A_157 = arith.constant 0 : index
        %get3A_158 = tpu.vector_load %arg11[%get3A_156, %get3A_157] {strides = array<i32>} : memref<400x64xf32, #tpu.memory_space<vmem>>, vector<16xf32>,
        %mul3A_159 = arith.mulf %get3A_158, %broadcast_in_dim3A_109 : vector<16xf32>
        %get3A_160 = arith.index_cast %add3A_127 : i32 to index
        %get3A_161 = arith.constant 16 : index
        %get3A_162 = tpu.vector_load %arg11[%get3A_160, %get3A_161] {strides = array<i32>} : memref<400x64xf32, #tpu.memory_space<vmem>>, vector<16xf32>,
        %mul3A_163 = arith.mulf %get3A_162, %broadcast_in_dim3A_109 : vector<16xf32>
        %get3A_164 = arith.index_cast %add3A_127 : i32 to index
        %get3A_165 = arith.constant 32 : index
        %get3A_166 = tpu.vector_load %arg11[%get3A_164, %get3A_165] {strides = array<i32>} : memref<400x64xf32, #tpu.memory_space<vmem>>, vector<16xf32>,
        %mul3A_167 = arith.mulf %get3A_166, %broadcast_in_dim3A_109 : vector<16xf32>
        %get3A_168 = arith.index_cast %add3A_127 : i32 to index
        %get3A_169 = arith.constant 48 : index
        %get3A_170 = tpu.vector_load %arg11[%get3A_168, %get3A_169] {strides = array<i32>} : memref<400x64xf32, #tpu.memory_space<vmem>>, vector<16xf32>,
        %mul3A_171 = arith.mulf %get3A_170, %broadcast_in_dim3A_109 : vector<16xf32>
        %get3A_172 = arith.index_cast %add3A_133 : i32 to index
        %get3A_173 = arith.constant 0 : index
        %get3A_174 = tpu.vector_load %arg11[%get3A_172, %get3A_173] {strides = array<i32>} : memref<400x64xf32, #tpu.memory_space<vmem>>, vector<16xf32>,
        %mul3A_175 = arith.mulf %get3A_174, %broadcast_in_dim3A_112 : vector<16xf32>
        %get3A_176 = arith.index_cast %add3A_133 : i32 to index
        %get3A_177 = arith.constant 16 : index
        %get3A_178 = tpu.vector_load %arg11[%get3A_176, %get3A_177] {strides = array<i32>} : memref<400x64xf32, #tpu.memory_space<vmem>>, vector<16xf32>,
        %mul3A_179 = arith.mulf %get3A_178, %broadcast_in_dim3A_112 : vector<16xf32>
        %get3A_180 = arith.index_cast %add3A_133 : i32 to index
        %get3A_181 = arith.constant 32 : index
        %get3A_182 = tpu.vector_load %arg11[%get3A_180, %get3A_181] {strides = array<i32>} : memref<400x64xf32, #tpu.memory_space<vmem>>, vector<16xf32>,
        %mul3A_183 = arith.mulf %get3A_182, %broadcast_in_dim3A_112 : vector<16xf32>
        %get3A_184 = arith.index_cast %add3A_133 : i32 to index
        %get3A_185 = arith.constant 48 : index
        %get3A_186 = tpu.vector_load %arg11[%get3A_184, %get3A_185] {strides = array<i32>} : memref<400x64xf32, #tpu.memory_space<vmem>>, vector<16xf32>,
        %mul3A_187 = arith.mulf %get3A_186, %broadcast_in_dim3A_112 : vector<16xf32>
        %get3A_188 = arith.index_cast %add3A_139 : i32 to index
        %get3A_189 = arith.constant 0 : index
        %get3A_190 = tpu.vector_load %arg11[%get3A_188, %get3A_189] {strides = array<i32>} : memref<400x64xf32, #tpu.memory_space<vmem>>, vector<16xf32>,
        %mul3A_191 = arith.mulf %get3A_190, %broadcast_in_dim3A_115 : vector<16xf32>
        %get3A_192 = arith.index_cast %add3A_139 : i32 to index
        %get3A_193 = arith.constant 16 : index
        %get3A_194 = tpu.vector_load %arg11[%get3A_192, %get3A_193] {strides = array<i32>} : memref<400x64xf32, #tpu.memory_space<vmem>>, vector<16xf32>,
        %mul3A_195 = arith.mulf %get3A_194, %broadcast_in_dim3A_115 : vector<16xf32>
        %get3A_196 = arith.index_cast %add3A_139 : i32 to index
        %get3A_197 = arith.constant 32 : index
        %get3A_198 = tpu.vector_load %arg11[%get3A_196, %get3A_197] {strides = array<i32>} : memref<400x64xf32, #tpu.memory_space<vmem>>, vector<16xf32>,
        %mul3A_199 = arith.mulf %get3A_198, %broadcast_in_dim3A_115 : vector<16xf32>
        %get3A_200 = arith.index_cast %add3A_139 : i32 to index
        %get3A_201 = arith.constant 48 : index
        %get3A_202 = tpu.vector_load %arg11[%get3A_200, %get3A_201] {strides = array<i32>} : memref<400x64xf32, #tpu.memory_space<vmem>>, vector<16xf32>,
        %mul3A_203 = arith.mulf %get3A_202, %broadcast_in_dim3A_115 : vector<16xf32>
        %swap3A = arith.index_cast %add3A_121 : i32 to index
        %swap3A_204 = arith.constant 0 : index
        %swap3A_205 = tpu.vector_load %arg11[%swap3A, %swap3A_204] {strides = array<i32>} : memref<400x64xf32, #tpu.memory_space<vmem>>, vector<16xf32>,
        tpu.vector_store %arg11[%swap3A, %swap3A_204], %mul3A_143 {strides = array<i32>} : memref<400x64xf32, #tpu.memory_space<vmem>>, vector<16xf32>,
        %swap3A_206 = arith.index_cast %add3A_121 : i32 to index
        %swap3A_207 = arith.constant 16 : index
        %swap3A_208 = tpu.vector_load %arg11[%swap3A_206, %swap3A_207] {strides = array<i32>} : memref<400x64xf32, #tpu.memory_space<vmem>>, vector<16xf32>,
        tpu.vector_store %arg11[%swap3A_206, %swap3A_207], %mul3A_147 {strides = array<i32>} : memref<400x64xf32, #tpu.memory_space<vmem>>, vector<16xf32>,
        %swap3A_209 = arith.index_cast %add3A_121 : i32 to index
        %swap3A_210 = arith.constant 32 : index
        %swap3A_211 = tpu.vector_load %arg11[%swap3A_209, %swap3A_210] {strides = array<i32>} : memref<400x64xf32, #tpu.memory_space<vmem>>, vector<16xf32>,
        tpu.vector_store %arg11[%swap3A_209, %swap3A_210], %mul3A_151 {strides = array<i32>} : memref<400x64xf32, #tpu.memory_space<vmem>>, vector<16xf32>,
        %swap3A_212 = arith.index_cast %add3A_121 : i32 to index
        %swap3A_213 = arith.constant 48 : index
        %swap3A_214 = tpu.vector_load %arg11[%swap3A_212, %swap3A_213] {strides = array<i32>} : memref<400x64xf32, #tpu.memory_space<vmem>>, vector<16xf32>,
        tpu.vector_store %arg11[%swap3A_212, %swap3A_213], %mul3A_155 {strides = array<i32>} : memref<400x64xf32, #tpu.memory_space<vmem>>, vector<16xf32>,
        %swap3A_215 = arith.index_cast %add3A_127 : i32 to index
        %swap3A_216 = arith.constant 0 : index
        %swap3A_217 = tpu.vector_load %arg11[%swap3A_215, %swap3A_216] {strides = array<i32>} : memref<400x64xf32, #tpu.memory_space<vmem>>, vector<16xf32>,
        tpu.vector_store %arg11[%swap3A_215, %swap3A_216], %mul3A_159 {strides = array<i32>} : memref<400x64xf32, #tpu.memory_space<vmem>>, vector<16xf32>,
        %swap3A_218 = arith.index_cast %add3A_127 : i32 to index
        %swap3A_219 = arith.constant 16 : index
        %swap3A_220 = tpu.vector_load %arg11[%swap3A_218, %swap3A_219] {strides = array<i32>} : memref<400x64xf32, #tpu.memory_space<vmem>>, vector<16xf32>,
        tpu.vector_store %arg11[%swap3A_218, %swap3A_219], %mul3A_163 {strides = array<i32>} : memref<400x64xf32, #tpu.memory_space<vmem>>, vector<16xf32>,
        %swap3A_221 = arith.index_cast %add3A_127 : i32 to index
        %swap3A_222 = arith.constant 32 : index
        %swap3A_223 = tpu.vector_load %arg11[%swap3A_221, %swap3A_222] {strides = array<i32>} : memref<400x64xf32, #tpu.memory_space<vmem>>, vector<16xf32>,
        tpu.vector_store %arg11[%swap3A_221, %swap3A_222], %mul3A_167 {strides = array<i32>} : memref<400x64xf32, #tpu.memory_space<vmem>>, vector<16xf32>,
        %swap3A_224 = arith.index_cast %add3A_127 : i32 to index
        %swap3A_225 = arith.constant 48 : index
        %swap3A_226 = tpu.vector_load %arg11[%swap3A_224, %swap3A_225] {strides = array<i32>} : memref<400x64xf32, #tpu.memory_space<vmem>>, vector<16xf32>,
        tpu.vector_store %arg11[%swap3A_224, %swap3A_225], %mul3A_171 {strides = array<i32>} : memref<400x64xf32, #tpu.memory_space<vmem>>, vector<16xf32>,
        %swap3A_227 = arith.index_cast %add3A_133 : i32 to index
        %swap3A_228 = arith.constant 0 : index
        %swap3A_229 = tpu.vector_load %arg11[%swap3A_227, %swap3A_228] {strides = array<i32>} : memref<400x64xf32, #tpu.memory_space<vmem>>, vector<16xf32>,
        tpu.vector_store %arg11[%swap3A_227, %swap3A_228], %mul3A_175 {strides = array<i32>} : memref<400x64xf32, #tpu.memory_space<vmem>>, vector<16xf32>,
        %swap3A_230 = arith.index_cast %add3A_133 : i32 to index
        %swap3A_231 = arith.constant 16 : index
        %swap3A_232 = tpu.vector_load %arg11[%swap3A_230, %swap3A_231] {strides = array<i32>} : memref<400x64xf32, #tpu.memory_space<vmem>>, vector<16xf32>,
        tpu.vector_store %arg11[%swap3A_230, %swap3A_231], %mul3A_179 {strides = array<i32>} : memref<400x64xf32, #tpu.memory_space<vmem>>, vector<16xf32>,
        %swap3A_233 = arith.index_cast %add3A_133 : i32 to index
        %swap3A_234 = arith.constant 32 : index
        %swap3A_235 = tpu.vector_load %arg11[%swap3A_233, %swap3A_234] {strides = array<i32>} : memref<400x64xf32, #tpu.memory_space<vmem>>, vector<16xf32>,
        tpu.vector_store %arg11[%swap3A_233, %swap3A_234], %mul3A_183 {strides = array<i32>} : memref<400x64xf32, #tpu.memory_space<vmem>>, vector<16xf32>,
        %swap3A_236 = arith.index_cast %add3A_133 : i32 to index
        %swap3A_237 = arith.constant 48 : index
        %swap3A_238 = tpu.vector_load %arg11[%swap3A_236, %swap3A_237] {strides = array<i32>} : memref<400x64xf32, #tpu.memory_space<vmem>>, vector<16xf32>,
        tpu.vector_store %arg11[%swap3A_236, %swap3A_237], %mul3A_187 {strides = array<i32>} : memref<400x64xf32, #tpu.memory_space<vmem>>, vector<16xf32>,
        %swap3A_239 = arith.index_cast %add3A_139 : i32 to index
        %swap3A_240 = arith.constant 0 : index
        %swap3A_241 = tpu.vector_load %arg11[%swap3A_239, %swap3A_240] {strides = array<i32>} : memref<400x64xf32, #tpu.memory_space<vmem>>, vector<16xf32>,
        tpu.vector_store %arg11[%swap3A_239, %swap3A_240], %mul3A_191 {strides = array<i32>} : memref<400x64xf32, #tpu.memory_space<vmem>>, vector<16xf32>,
        %swap3A_242 = arith.index_cast %add3A_139 : i32 to index
        %swap3A_243 = arith.constant 16 : index
        %swap3A_244 = tpu.vector_load %arg11[%swap3A_242, %swap3A_243] {strides = array<i32>} : memref<400x64xf32, #tpu.memory_space<vmem>>, vector<16xf32>,
        tpu.vector_store %arg11[%swap3A_242, %swap3A_243], %mul3A_195 {strides = array<i32>} : memref<400x64xf32, #tpu.memory_space<vmem>>, vector<16xf32>,
        %swap3A_245 = arith.index_cast %add3A_139 : i32 to index
        %swap3A_246 = arith.constant 32 : index
        %swap3A_247 = tpu.vector_load %arg11[%swap3A_245, %swap3A_246] {strides = array<i32>} : memref<400x64xf32, #tpu.memory_space<vmem>>, vector<16xf32>,
        tpu.vector_store %arg11[%swap3A_245, %swap3A_246], %mul3A_199 {strides = array<i32>} : memref<400x64xf32, #tpu.memory_space<vmem>>, vector<16xf32>,
        %swap3A_248 = arith.index_cast %add3A_139 : i32 to index
        %swap3A_249 = arith.constant 48 : index
        %swap3A_250 = tpu.vector_load %arg11[%swap3A_248, %swap3A_249] {strides = array<i32>} : memref<400x64xf32, #tpu.memory_space<vmem>>, vector<16xf32>,
        tpu.vector_store %arg11[%swap3A_248, %swap3A_249], %mul3A_203 {strides = array<i32>} : memref<400x64xf32, #tpu.memory_space<vmem>>, vector<16xf32>,
        %slice3A_251 = vector.extract_strided_slice %get3A_106 {offsets = [4], sizes = [1], strides = [1]} : vector<16xf32> to vector<1xf32>
        %squeeze3A_252 = vector.extract %slice3A_251[0] : f32 from vector<1xf32>
        %broadcast_in_dim3A_253 = vector.broadcast %squeeze3A_252 : f32 to vector<16xf32>
        %slice3A_254 = vector.extract_strided_slice %get3A_106 {offsets = [5], sizes = [1], strides = [1]} : vector<16xf32> to vector<1xf32>
        %squeeze3A_255 = vector.extract %slice3A_254[0] : f32 from vector<1xf32>
        %broadcast_in_dim3A_256 = vector.broadcast %squeeze3A_255 : f32 to vector<16xf32>
        %slice3A_257 = vector.extract_strided_slice %get3A_106 {offsets = [6], sizes = [1], strides = [1]} : vector<16xf32> to vector<1xf32>
        %squeeze3A_258 = vector.extract %slice3A_257[0] : f32 from vector<1xf32>
        %broadcast_in_dim3A_259 = vector.broadcast %squeeze3A_258 : f32 to vector<16xf32>
        %slice3A_260 = vector.extract_strided_slice %get3A_106 {offsets = [7], sizes = [1], strides = [1]} : vector<16xf32> to vector<1xf32>
        %squeeze3A_261 = vector.extract %slice3A_260[0] : f32 from vector<1xf32>
        %broadcast_in_dim3A_262 = vector.broadcast %squeeze3A_261 : f32 to vector<16xf32>
        %mul3A_263 = arith.constant 16 : i32
        %mul3A_264 = arith.muli %scan3A_102, %mul3A_263 : i32
        %add3A_265 = arith.constant 4 : i32
        %add3A_266 = arith.addi %mul3A_264, %add3A_265 : i32
        %add3A_267 = arith.constant 0 : i32
        %add3A_268 = arith.addi %add3A_266, %add3A_267 : i32
        %mul3A_269 = arith.constant 16 : i32
        %mul3A_270 = arith.muli %scan3A_102, %mul3A_269 : i32
        %add3A_271 = arith.constant 4 : i32
        %add3A_272 = arith.addi %mul3A_270, %add3A_271 : i32
        %add3A_273 = arith.constant 1 : i32
        %add3A_274 = arith.addi %add3A_272, %add3A_273 : i32
        %mul3A_275 = arith.constant 16 : i32
        %mul3A_276 = arith.muli %scan3A_102, %mul3A_275 : i32
        %add3A_277 = arith.constant 4 : i32
        %add3A_278 = arith.addi %mul3A_276, %add3A_277 : i32
        %add3A_279 = arith.constant 2 : i32
        %add3A_280 = arith.addi %add3A_278, %add3A_279 : i32
        %mul3A_281 = arith.constant 16 : i32
        %mul3A_282 = arith.muli %scan3A_102, %mul3A_281 : i32
        %add3A_283 = arith.constant 4 : i32
        %add3A_284 = arith.addi %mul3A_282, %add3A_283 : i32
        %add3A_285 = arith.constant 3 : i32
        %add3A_286 = arith.addi %add3A_284, %add3A_285 : i32
        %get3A_287 = arith.index_cast %add3A_268 : i32 to index
        %get3A_288 = arith.constant 0 : index
        %get3A_289 = tpu.vector_load %arg11[%get3A_287, %get3A_288] {strides = array<i32>} : memref<400x64xf32, #tpu.memory_space<vmem>>, vector<16xf32>,
        %mul3A_290 = arith.mulf %get3A_289, %broadcast_in_dim3A_253 : vector<16xf32>
        %get3A_291 = arith.index_cast %add3A_268 : i32 to index
        %get3A_292 = arith.constant 16 : index
        %get3A_293 = tpu.vector_load %arg11[%get3A_291, %get3A_292] {strides = array<i32>} : memref<400x64xf32, #tpu.memory_space<vmem>>, vector<16xf32>,
        %mul3A_294 = arith.mulf %get3A_293, %broadcast_in_dim3A_253 : vector<16xf32>
        %get3A_295 = arith.index_cast %add3A_268 : i32 to index
        %get3A_296 = arith.constant 32 : index
        %get3A_297 = tpu.vector_load %arg11[%get3A_295, %get3A_296] {strides = array<i32>} : memref<400x64xf32, #tpu.memory_space<vmem>>, vector<16xf32>,
        %mul3A_298 = arith.mulf %get3A_297, %broadcast_in_dim3A_253 : vector<16xf32>
        %get3A_299 = arith.index_cast %add3A_268 : i32 to index
        %get3A_300 = arith.constant 48 : index
        %get3A_301 = tpu.vector_load %arg11[%get3A_299, %get3A_300] {strides = array<i32>} : memref<400x64xf32, #tpu.memory_space<vmem>>, vector<16xf32>,
        %mul3A_302 = arith.mulf %get3A_301, %broadcast_in_dim3A_253 : vector<16xf32>
        %get3A_303 = arith.index_cast %add3A_274 : i32 to index
        %get3A_304 = arith.constant 0 : index
        %get3A_305 = tpu.vector_load %arg11[%get3A_303, %get3A_304] {strides = array<i32>} : memref<400x64xf32, #tpu.memory_space<vmem>>, vector<16xf32>,
        %mul3A_306 = arith.mulf %get3A_305, %broadcast_in_dim3A_256 : vector<16xf32>
        %get3A_307 = arith.index_cast %add3A_274 : i32 to index
        %get3A_308 = arith.constant 16 : index
        %get3A_309 = tpu.vector_load %arg11[%get3A_307, %get3A_308] {strides = array<i32>} : memref<400x64xf32, #tpu.memory_space<vmem>>, vector<16xf32>,
        %mul3A_310 = arith.mulf %get3A_309, %broadcast_in_dim3A_256 : vector<16xf32>
        %get3A_311 = arith.index_cast %add3A_274 : i32 to index
        %get3A_312 = arith.constant 32 : index
        %get3A_313 = tpu.vector_load %arg11[%get3A_311, %get3A_312] {strides = array<i32>} : memref<400x64xf32, #tpu.memory_space<vmem>>, vector<16xf32>,
        %mul3A_314 = arith.mulf %get3A_313, %broadcast_in_dim3A_256 : vector<16xf32>
        %get3A_315 = arith.index_cast %add3A_274 : i32 to index
        %get3A_316 = arith.constant 48 : index
        %get3A_317 = tpu.vector_load %arg11[%get3A_315, %get3A_316] {strides = array<i32>} : memref<400x64xf32, #tpu.memory_space<vmem>>, vector<16xf32>,
        %mul3A_318 = arith.mulf %get3A_317, %broadcast_in_dim3A_256 : vector<16xf32>
        %get3A_319 = arith.index_cast %add3A_280 : i32 to index
        %get3A_320 = arith.constant 0 : index
        %get3A_321 = tpu.vector_load %arg11[%get3A_319, %get3A_320] {strides = array<i32>} : memref<400x64xf32, #tpu.memory_space<vmem>>, vector<16xf32>,
        %mul3A_322 = arith.mulf %get3A_321, %broadcast_in_dim3A_259 : vector<16xf32>
        %get3A_323 = arith.index_cast %add3A_280 : i32 to index
        %get3A_324 = arith.constant 16 : index
        %get3A_325 = tpu.vector_load %arg11[%get3A_323, %get3A_324] {strides = array<i32>} : memref<400x64xf32, #tpu.memory_space<vmem>>, vector<16xf32>,
        %mul3A_326 = arith.mulf %get3A_325, %broadcast_in_dim3A_259 : vector<16xf32>
        %get3A_327 = arith.index_cast %add3A_280 : i32 to index
        %get3A_328 = arith.constant 32 : index
        %get3A_329 = tpu.vector_load %arg11[%get3A_327, %get3A_328] {strides = array<i32>} : memref<400x64xf32, #tpu.memory_space<vmem>>, vector<16xf32>,
        %mul3A_330 = arith.mulf %get3A_329, %broadcast_in_dim3A_259 : vector<16xf32>
        %get3A_331 = arith.index_cast %add3A_280 : i32 to index
        %get3A_332 = arith.constant 48 : index
        %get3A_333 = tpu.vector_load %arg11[%get3A_331, %get3A_332] {strides = array<i32>} : memref<400x64xf32, #tpu.memory_space<vmem>>, vector<16xf32>,
        %mul3A_334 = arith.mulf %get3A_333, %broadcast_in_dim3A_259 : vector<16xf32>
        %get3A_335 = arith.index_cast %add3A_286 : i32 to index
        %get3A_336 = arith.constant 0 : index
        %get3A_337 = tpu.vector_load %arg11[%get3A_335, %get3A_336] {strides = array<i32>} : memref<400x64xf32, #tpu.memory_space<vmem>>, vector<16xf32>,
        %mul3A_338 = arith.mulf %get3A_337, %broadcast_in_dim3A_262 : vector<16xf32>
        %get3A_339 = arith.index_cast %add3A_286 : i32 to index
        %get3A_340 = arith.constant 16 : index
        %get3A_341 = tpu.vector_load %arg11[%get3A_339, %get3A_340] {strides = array<i32>} : memref<400x64xf32, #tpu.memory_space<vmem>>, vector<16xf32>,
        %mul3A_342 = arith.mulf %get3A_341, %broadcast_in_dim3A_262 : vector<16xf32>
        %get3A_343 = arith.index_cast %add3A_286 : i32 to index
        %get3A_344 = arith.constant 32 : index
        %get3A_345 = tpu.vector_load %arg11[%get3A_343, %get3A_344] {strides = array<i32>} : memref<400x64xf32, #tpu.memory_space<vmem>>, vector<16xf32>,
        %mul3A_346 = arith.mulf %get3A_345, %broadcast_in_dim3A_262 : vector<16xf32>
        %get3A_347 = arith.index_cast %add3A_286 : i32 to index
        %get3A_348 = arith.constant 48 : index
        %get3A_349 = tpu.vector_load %arg11[%get3A_347, %get3A_348] {strides = array<i32>} : memref<400x64xf32, #tpu.memory_space<vmem>>, vector<16xf32>,
        %mul3A_350 = arith.mulf %get3A_349, %broadcast_in_dim3A_262 : vector<16xf32>
        %swap3A_351 = arith.index_cast %add3A_268 : i32 to index
        %swap3A_352 = arith.constant 0 : index
        %swap3A_353 = tpu.vector_load %arg11[%swap3A_351, %swap3A_352] {strides = array<i32>} : memref<400x64xf32, #tpu.memory_space<vmem>>, vector<16xf32>,
        tpu.vector_store %arg11[%swap3A_351, %swap3A_352], %mul3A_290 {strides = array<i32>} : memref<400x64xf32, #tpu.memory_space<vmem>>, vector<16xf32>,
        %swap3A_354 = arith.index_cast %add3A_268 : i32 to index
        %swap3A_355 = arith.constant 16 : index
        %swap3A_356 = tpu.vector_load %arg11[%swap3A_354, %swap3A_355] {strides = array<i32>} : memref<400x64xf32, #tpu.memory_space<vmem>>, vector<16xf32>,
        tpu.vector_store %arg11[%swap3A_354, %swap3A_355], %mul3A_294 {strides = array<i32>} : memref<400x64xf32, #tpu.memory_space<vmem>>, vector<16xf32>,
        %swap3A_357 = arith.index_cast %add3A_268 : i32 to index
        %swap3A_358 = arith.constant 32 : index
        %swap3A_359 = tpu.vector_load %arg11[%swap3A_357, %swap3A_358] {strides = array<i32>} : memref<400x64xf32, #tpu.memory_space<vmem>>, vector<16xf32>,
        tpu.vector_store %arg11[%swap3A_357, %swap3A_358], %mul3A_298 {strides = array<i32>} : memref<400x64xf32, #tpu.memory_space<vmem>>, vector<16xf32>,
        %swap3A_360 = arith.index_cast %add3A_268 : i32 to index
        %swap3A_361 = arith.constant 48 : index
        %swap3A_362 = tpu.vector_load %arg11[%swap3A_360, %swap3A_361] {strides = array<i32>} : memref<400x64xf32, #tpu.memory_space<vmem>>, vector<16xf32>,
        tpu.vector_store %arg11[%swap3A_360, %swap3A_361], %mul3A_302 {strides = array<i32>} : memref<400x64xf32, #tpu.memory_space<vmem>>, vector<16xf32>,
        %swap3A_363 = arith.index_cast %add3A_274 : i32 to index
        %swap3A_364 = arith.constant 0 : index
        %swap3A_365 = tpu.vector_load %arg11[%swap3A_363, %swap3A_364] {strides = array<i32>} : memref<400x64xf32, #tpu.memory_space<vmem>>, vector<16xf32>,
        tpu.vector_store %arg11[%swap3A_363, %swap3A_364], %mul3A_306 {strides = array<i32>} : memref<400x64xf32, #tpu.memory_space<vmem>>, vector<16xf32>,
        %swap3A_366 = arith.index_cast %add3A_274 : i32 to index
        %swap3A_367 = arith.constant 16 : index
        %swap3A_368 = tpu.vector_load %arg11[%swap3A_366, %swap3A_367] {strides = array<i32>} : memref<400x64xf32, #tpu.memory_space<vmem>>, vector<16xf32>,
        tpu.vector_store %arg11[%swap3A_366, %swap3A_367], %mul3A_310 {strides = array<i32>} : memref<400x64xf32, #tpu.memory_space<vmem>>, vector<16xf32>,
        %swap3A_369 = arith.index_cast %add3A_274 : i32 to index
        %swap3A_370 = arith.constant 32 : index
        %swap3A_371 = tpu.vector_load %arg11[%swap3A_369, %swap3A_370] {strides = array<i32>} : memref<400x64xf32, #tpu.memory_space<vmem>>, vector<16xf32>,
        tpu.vector_store %arg11[%swap3A_369, %swap3A_370], %mul3A_314 {strides = array<i32>} : memref<400x64xf32, #tpu.memory_space<vmem>>, vector<16xf32>,
        %swap3A_372 = arith.index_cast %add3A_274 : i32 to index
        %swap3A_373 = arith.constant 48 : index
        %swap3A_374 = tpu.vector_load %arg11[%swap3A_372, %swap3A_373] {strides = array<i32>} : memref<400x64xf32, #tpu.memory_space<vmem>>, vector<16xf32>,
        tpu.vector_store %arg11[%swap3A_372, %swap3A_373], %mul3A_318 {strides = array<i32>} : memref<400x64xf32, #tpu.memory_space<vmem>>, vector<16xf32>,
        %swap3A_375 = arith.index_cast %add3A_280 : i32 to index
        %swap3A_376 = arith.constant 0 : index
        %swap3A_377 = tpu.vector_load %arg11[%swap3A_375, %swap3A_376] {strides = array<i32>} : memref<400x64xf32, #tpu.memory_space<vmem>>, vector<16xf32>,
        tpu.vector_store %arg11[%swap3A_375, %swap3A_376], %mul3A_322 {strides = array<i32>} : memref<400x64xf32, #tpu.memory_space<vmem>>, vector<16xf32>,
        %swap3A_378 = arith.index_cast %add3A_280 : i32 to index
        %swap3A_379 = arith.constant 16 : index
        %swap3A_380 = tpu.vector_load %arg11[%swap3A_378, %swap3A_379] {strides = array<i32>} : memref<400x64xf32, #tpu.memory_space<vmem>>, vector<16xf32>,
        tpu.vector_store %arg11[%swap3A_378, %swap3A_379], %mul3A_326 {strides = array<i32>} : memref<400x64xf32, #tpu.memory_space<vmem>>, vector<16xf32>,
        %swap3A_381 = arith.index_cast %add3A_280 : i32 to index
        %swap3A_382 = arith.constant 32 : index
        %swap3A_383 = tpu.vector_load %arg11[%swap3A_381, %swap3A_382] {strides = array<i32>} : memref<400x64xf32, #tpu.memory_space<vmem>>, vector<16xf32>,
        tpu.vector_store %arg11[%swap3A_381, %swap3A_382], %mul3A_330 {strides = array<i32>} : memref<400x64xf32, #tpu.memory_space<vmem>>, vector<16xf32>,
        %swap3A_384 = arith.index_cast %add3A_280 : i32 to index
        %swap3A_385 = arith.constant 48 : index
        %swap3A_386 = tpu.vector_load %arg11[%swap3A_384, %swap3A_385] {strides = array<i32>} : memref<400x64xf32, #tpu.memory_space<vmem>>, vector<16xf32>,
        tpu.vector_store %arg11[%swap3A_384, %swap3A_385], %mul3A_334 {strides = array<i32>} : memref<400x64xf32, #tpu.memory_space<vmem>>, vector<16xf32>,
        %swap3A_387 = arith.index_cast %add3A_286 : i32 to index
        %swap3A_388 = arith.constant 0 : index
        %swap3A_389 = tpu.vector_load %arg11[%swap3A_387, %swap3A_388] {strides = array<i32>} : memref<400x64xf32, #tpu.memory_space<vmem>>, vector<16xf32>,
        tpu.vector_store %arg11[%swap3A_387, %swap3A_388], %mul3A_338 {strides = array<i32>} : memref<400x64xf32, #tpu.memory_space<vmem>>, vector<16xf32>,
        %swap3A_390 = arith.index_cast %add3A_286 : i32 to index
        %swap3A_391 = arith.constant 16 : index
        %swap3A_392 = tpu.vector_load %arg11[%swap3A_390, %swap3A_391] {strides = array<i32>} : memref<400x64xf32, #tpu.memory_space<vmem>>, vector<16xf32>,
        tpu.vector_store %arg11[%swap3A_390, %swap3A_391], %mul3A_342 {strides = array<i32>} : memref<400x64xf32, #tpu.memory_space<vmem>>, vector<16xf32>,
        %swap3A_393 = arith.index_cast %add3A_286 : i32 to index
        %swap3A_394 = arith.constant 32 : index
        %swap3A_395 = tpu.vector_load %arg11[%swap3A_393, %swap3A_394] {strides = array<i32>} : memref<400x64xf32, #tpu.memory_space<vmem>>, vector<16xf32>,
        tpu.vector_store %arg11[%swap3A_393, %swap3A_394], %mul3A_346 {strides = array<i32>} : memref<400x64xf32, #tpu.memory_space<vmem>>, vector<16xf32>,
        %swap3A_396 = arith.index_cast %add3A_286 : i32 to index
        %swap3A_397 = arith.constant 48 : index
        %swap3A_398 = tpu.vector_load %arg11[%swap3A_396, %swap3A_397] {strides = array<i32>} : memref<400x64xf32, #tpu.memory_space<vmem>>, vector<16xf32>,
        tpu.vector_store %arg11[%swap3A_396, %swap3A_397], %mul3A_350 {strides = array<i32>} : memref<400x64xf32, #tpu.memory_space<vmem>>, vector<16xf32>,
        %slice3A_399 = vector.extract_strided_slice %get3A_106 {offsets = [8], sizes = [1], strides = [1]} : vector<16xf32> to vector<1xf32>
        %squeeze3A_400 = vector.extract %slice3A_399[0] : f32 from vector<1xf32>
        %broadcast_in_dim3A_401 = vector.broadcast %squeeze3A_400 : f32 to vector<16xf32>
        %slice3A_402 = vector.extract_strided_slice %get3A_106 {offsets = [9], sizes = [1], strides = [1]} : vector<16xf32> to vector<1xf32>
        %squeeze3A_403 = vector.extract %slice3A_402[0] : f32 from vector<1xf32>
        %broadcast_in_dim3A_404 = vector.broadcast %squeeze3A_403 : f32 to vector<16xf32>
        %slice3A_405 = vector.extract_strided_slice %get3A_106 {offsets = [10], sizes = [1], strides = [1]} : vector<16xf32> to vector<1xf32>
        %squeeze3A_406 = vector.extract %slice3A_405[0] : f32 from vector<1xf32>
        %broadcast_in_dim3A_407 = vector.broadcast %squeeze3A_406 : f32 to vector<16xf32>
        %slice3A_408 = vector.extract_strided_slice %get3A_106 {offsets = [11], sizes = [1], strides = [1]} : vector<16xf32> to vector<1xf32>
        %squeeze3A_409 = vector.extract %slice3A_408[0] : f32 from vector<1xf32>
        %broadcast_in_dim3A_410 = vector.broadcast %squeeze3A_409 : f32 to vector<16xf32>
        %mul3A_411 = arith.constant 16 : i32
        %mul3A_412 = arith.muli %scan3A_102, %mul3A_411 : i32
        %add3A_413 = arith.constant 8 : i32
        %add3A_414 = arith.addi %mul3A_412, %add3A_413 : i32
        %add3A_415 = arith.constant 0 : i32
        %add3A_416 = arith.addi %add3A_414, %add3A_415 : i32
        %mul3A_417 = arith.constant 16 : i32
        %mul3A_418 = arith.muli %scan3A_102, %mul3A_417 : i32
        %add3A_419 = arith.constant 8 : i32
        %add3A_420 = arith.addi %mul3A_418, %add3A_419 : i32
        %add3A_421 = arith.constant 1 : i32
        %add3A_422 = arith.addi %add3A_420, %add3A_421 : i32
        %mul3A_423 = arith.constant 16 : i32
        %mul3A_424 = arith.muli %scan3A_102, %mul3A_423 : i32
        %add3A_425 = arith.constant 8 : i32
        %add3A_426 = arith.addi %mul3A_424, %add3A_425 : i32
        %add3A_427 = arith.constant 2 : i32
        %add3A_428 = arith.addi %add3A_426, %add3A_427 : i32
        %mul3A_429 = arith.constant 16 : i32
        %mul3A_430 = arith.muli %scan3A_102, %mul3A_429 : i32
        %add3A_431 = arith.constant 8 : i32
        %add3A_432 = arith.addi %mul3A_430, %add3A_431 : i32
        %add3A_433 = arith.constant 3 : i32
        %add3A_434 = arith.addi %add3A_432, %add3A_433 : i32
        %get3A_435 = arith.index_cast %add3A_416 : i32 to index
        %get3A_436 = arith.constant 0 : index
        %get3A_437 = tpu.vector_load %arg11[%get3A_435, %get3A_436] {strides = array<i32>} : memref<400x64xf32, #tpu.memory_space<vmem>>, vector<16xf32>,
        %mul3A_438 = arith.mulf %get3A_437, %broadcast_in_dim3A_401 : vector<16xf32>
        %get3A_439 = arith.index_cast %add3A_416 : i32 to index
        %get3A_440 = arith.constant 16 : index
        %get3A_441 = tpu.vector_load %arg11[%get3A_439, %get3A_440] {strides = array<i32>} : memref<400x64xf32, #tpu.memory_space<vmem>>, vector<16xf32>,
        %mul3A_442 = arith.mulf %get3A_441, %broadcast_in_dim3A_401 : vector<16xf32>
        %get3A_443 = arith.index_cast %add3A_416 : i32 to index
        %get3A_444 = arith.constant 32 : index
        %get3A_445 = tpu.vector_load %arg11[%get3A_443, %get3A_444] {strides = array<i32>} : memref<400x64xf32, #tpu.memory_space<vmem>>, vector<16xf32>,
        %mul3A_446 = arith.mulf %get3A_445, %broadcast_in_dim3A_401 : vector<16xf32>
        %get3A_447 = arith.index_cast %add3A_416 : i32 to index
        %get3A_448 = arith.constant 48 : index
        %get3A_449 = tpu.vector_load %arg11[%get3A_447, %get3A_448] {strides = array<i32>} : memref<400x64xf32, #tpu.memory_space<vmem>>, vector<16xf32>,
        %mul3A_450 = arith.mulf %get3A_449, %broadcast_in_dim3A_401 : vector<16xf32>
        %get3A_451 = arith.index_cast %add3A_422 : i32 to index
        %get3A_452 = arith.constant 0 : index
        %get3A_453 = tpu.vector_load %arg11[%get3A_451, %get3A_452] {strides = array<i32>} : memref<400x64xf32, #tpu.memory_space<vmem>>, vector<16xf32>,
        %mul3A_454 = arith.mulf %get3A_453, %broadcast_in_dim3A_404 : vector<16xf32>
        %get3A_455 = arith.index_cast %add3A_422 : i32 to index
        %get3A_456 = arith.constant 16 : index
        %get3A_457 = tpu.vector_load %arg11[%get3A_455, %get3A_456] {strides = array<i32>} : memref<400x64xf32, #tpu.memory_space<vmem>>, vector<16xf32>,
        %mul3A_458 = arith.mulf %get3A_457, %broadcast_in_dim3A_404 : vector<16xf32>
        %get3A_459 = arith.index_cast %add3A_422 : i32 to index
        %get3A_460 = arith.constant 32 : index
        %get3A_461 = tpu.vector_load %arg11[%get3A_459, %get3A_460] {strides = array<i32>} : memref<400x64xf32, #tpu.memory_space<vmem>>, vector<16xf32>,
        %mul3A_462 = arith.mulf %get3A_461, %broadcast_in_dim3A_404 : vector<16xf32>
        %get3A_463 = arith.index_cast %add3A_422 : i32 to index
        %get3A_464 = arith.constant 48 : index
        %get3A_465 = tpu.vector_load %arg11[%get3A_463, %get3A_464] {strides = array<i32>} : memref<400x64xf32, #tpu.memory_space<vmem>>, vector<16xf32>,
        %mul3A_466 = arith.mulf %get3A_465, %broadcast_in_dim3A_404 : vector<16xf32>
        %get3A_467 = arith.index_cast %add3A_428 : i32 to index
        %get3A_468 = arith.constant 0 : index
        %get3A_469 = tpu.vector_load %arg11[%get3A_467, %get3A_468] {strides = array<i32>} : memref<400x64xf32, #tpu.memory_space<vmem>>, vector<16xf32>,
        %mul3A_470 = arith.mulf %get3A_469, %broadcast_in_dim3A_407 : vector<16xf32>
        %get3A_471 = arith.index_cast %add3A_428 : i32 to index
        %get3A_472 = arith.constant 16 : index
        %get3A_473 = tpu.vector_load %arg11[%get3A_471, %get3A_472] {strides = array<i32>} : memref<400x64xf32, #tpu.memory_space<vmem>>, vector<16xf32>,
        %mul3A_474 = arith.mulf %get3A_473, %broadcast_in_dim3A_407 : vector<16xf32>
        %get3A_475 = arith.index_cast %add3A_428 : i32 to index
        %get3A_476 = arith.constant 32 : index
        %get3A_477 = tpu.vector_load %arg11[%get3A_475, %get3A_476] {strides = array<i32>} : memref<400x64xf32, #tpu.memory_space<vmem>>, vector<16xf32>,
        %mul3A_478 = arith.mulf %get3A_477, %broadcast_in_dim3A_407 : vector<16xf32>
        %get3A_479 = arith.index_cast %add3A_428 : i32 to index
        %get3A_480 = arith.constant 48 : index
        %get3A_481 = tpu.vector_load %arg11[%get3A_479, %get3A_480] {strides = array<i32>} : memref<400x64xf32, #tpu.memory_space<vmem>>, vector<16xf32>,
        %mul3A_482 = arith.mulf %get3A_481, %broadcast_in_dim3A_407 : vector<16xf32>
        %get3A_483 = arith.index_cast %add3A_434 : i32 to index
        %get3A_484 = arith.constant 0 : index
        %get3A_485 = tpu.vector_load %arg11[%get3A_483, %get3A_484] {strides = array<i32>} : memref<400x64xf32, #tpu.memory_space<vmem>>, vector<16xf32>,
        %mul3A_486 = arith.mulf %get3A_485, %broadcast_in_dim3A_410 : vector<16xf32>
        %get3A_487 = arith.index_cast %add3A_434 : i32 to index
        %get3A_488 = arith.constant 16 : index
        %get3A_489 = tpu.vector_load %arg11[%get3A_487, %get3A_488] {strides = array<i32>} : memref<400x64xf32, #tpu.memory_space<vmem>>, vector<16xf32>,
        %mul3A_490 = arith.mulf %get3A_489, %broadcast_in_dim3A_410 : vector<16xf32>
        %get3A_491 = arith.index_cast %add3A_434 : i32 to index
        %get3A_492 = arith.constant 32 : index
        %get3A_493 = tpu.vector_load %arg11[%get3A_491, %get3A_492] {strides = array<i32>} : memref<400x64xf32, #tpu.memory_space<vmem>>, vector<16xf32>,
        %mul3A_494 = arith.mulf %get3A_493, %broadcast_in_dim3A_410 : vector<16xf32>
        %get3A_495 = arith.index_cast %add3A_434 : i32 to index
        %get3A_496 = arith.constant 48 : index
        %get3A_497 = tpu.vector_load %arg11[%get3A_495, %get3A_496] {strides = array<i32>} : memref<400x64xf32, #tpu.memory_space<vmem>>, vector<16xf32>,
        %mul3A_498 = arith.mulf %get3A_497, %broadcast_in_dim3A_410 : vector<16xf32>
        %swap3A_499 = arith.index_cast %add3A_416 : i32 to index
        %swap3A_500 = arith.constant 0 : index
        %swap3A_501 = tpu.vector_load %arg11[%swap3A_499, %swap3A_500] {strides = array<i32>} : memref<400x64xf32, #tpu.memory_space<vmem>>, vector<16xf32>,
        tpu.vector_store %arg11[%swap3A_499, %swap3A_500], %mul3A_438 {strides = array<i32>} : memref<400x64xf32, #tpu.memory_space<vmem>>, vector<16xf32>,
        %swap3A_502 = arith.index_cast %add3A_416 : i32 to index
        %swap3A_503 = arith.constant 16 : index
        %swap3A_504 = tpu.vector_load %arg11[%swap3A_502, %swap3A_503] {strides = array<i32>} : memref<400x64xf32, #tpu.memory_space<vmem>>, vector<16xf32>,
        tpu.vector_store %arg11[%swap3A_502, %swap3A_503], %mul3A_442 {strides = array<i32>} : memref<400x64xf32, #tpu.memory_space<vmem>>, vector<16xf32>,
        %swap3A_505 = arith.index_cast %add3A_416 : i32 to index
        %swap3A_506 = arith.constant 32 : index
        %swap3A_507 = tpu.vector_load %arg11[%swap3A_505, %swap3A_506] {strides = array<i32>} : memref<400x64xf32, #tpu.memory_space<vmem>>, vector<16xf32>,
        tpu.vector_store %arg11[%swap3A_505, %swap3A_506], %mul3A_446 {strides = array<i32>} : memref<400x64xf32, #tpu.memory_space<vmem>>, vector<16xf32>,
        %swap3A_508 = arith.index_cast %add3A_416 : i32 to index
        %swap3A_509 = arith.constant 48 : index
        %swap3A_510 = tpu.vector_load %arg11[%swap3A_508, %swap3A_509] {strides = array<i32>} : memref<400x64xf32, #tpu.memory_space<vmem>>, vector<16xf32>,
        tpu.vector_store %arg11[%swap3A_508, %swap3A_509], %mul3A_450 {strides = array<i32>} : memref<400x64xf32, #tpu.memory_space<vmem>>, vector<16xf32>,
        %swap3A_511 = arith.index_cast %add3A_422 : i32 to index
        %swap3A_512 = arith.constant 0 : index
        %swap3A_513 = tpu.vector_load %arg11[%swap3A_511, %swap3A_512] {strides = array<i32>} : memref<400x64xf32, #tpu.memory_space<vmem>>, vector<16xf32>,
        tpu.vector_store %arg11[%swap3A_511, %swap3A_512], %mul3A_454 {strides = array<i32>} : memref<400x64xf32, #tpu.memory_space<vmem>>, vector<16xf32>,
        %swap3A_514 = arith.index_cast %add3A_422 : i32 to index
        %swap3A_515 = arith.constant 16 : index
        %swap3A_516 = tpu.vector_load %arg11[%swap3A_514, %swap3A_515] {strides = array<i32>} : memref<400x64xf32, #tpu.memory_space<vmem>>, vector<16xf32>,
        tpu.vector_store %arg11[%swap3A_514, %swap3A_515], %mul3A_458 {strides = array<i32>} : memref<400x64xf32, #tpu.memory_space<vmem>>, vector<16xf32>,
        %swap3A_517 = arith.index_cast %add3A_422 : i32 to index
        %swap3A_518 = arith.constant 32 : index
        %swap3A_519 = tpu.vector_load %arg11[%swap3A_517, %swap3A_518] {strides = array<i32>} : memref<400x64xf32, #tpu.memory_space<vmem>>, vector<16xf32>,
        tpu.vector_store %arg11[%swap3A_517, %swap3A_518], %mul3A_462 {strides = array<i32>} : memref<400x64xf32, #tpu.memory_space<vmem>>, vector<16xf32>,
        %swap3A_520 = arith.index_cast %add3A_422 : i32 to index
        %swap3A_521 = arith.constant 48 : index
        %swap3A_522 = tpu.vector_load %arg11[%swap3A_520, %swap3A_521] {strides = array<i32>} : memref<400x64xf32, #tpu.memory_space<vmem>>, vector<16xf32>,
        tpu.vector_store %arg11[%swap3A_520, %swap3A_521], %mul3A_466 {strides = array<i32>} : memref<400x64xf32, #tpu.memory_space<vmem>>, vector<16xf32>,
        %swap3A_523 = arith.index_cast %add3A_428 : i32 to index
        %swap3A_524 = arith.constant 0 : index
        %swap3A_525 = tpu.vector_load %arg11[%swap3A_523, %swap3A_524] {strides = array<i32>} : memref<400x64xf32, #tpu.memory_space<vmem>>, vector<16xf32>,
        tpu.vector_store %arg11[%swap3A_523, %swap3A_524], %mul3A_470 {strides = array<i32>} : memref<400x64xf32, #tpu.memory_space<vmem>>, vector<16xf32>,
        %swap3A_526 = arith.index_cast %add3A_428 : i32 to index
        %swap3A_527 = arith.constant 16 : index
        %swap3A_528 = tpu.vector_load %arg11[%swap3A_526, %swap3A_527] {strides = array<i32>} : memref<400x64xf32, #tpu.memory_space<vmem>>, vector<16xf32>,
        tpu.vector_store %arg11[%swap3A_526, %swap3A_527], %mul3A_474 {strides = array<i32>} : memref<400x64xf32, #tpu.memory_space<vmem>>, vector<16xf32>,
        %swap3A_529 = arith.index_cast %add3A_428 : i32 to index
        %swap3A_530 = arith.constant 32 : index
        %swap3A_531 = tpu.vector_load %arg11[%swap3A_529, %swap3A_530] {strides = array<i32>} : memref<400x64xf32, #tpu.memory_space<vmem>>, vector<16xf32>,
        tpu.vector_store %arg11[%swap3A_529, %swap3A_530], %mul3A_478 {strides = array<i32>} : memref<400x64xf32, #tpu.memory_space<vmem>>, vector<16xf32>,
        %swap3A_532 = arith.index_cast %add3A_428 : i32 to index
        %swap3A_533 = arith.constant 48 : index
        %swap3A_534 = tpu.vector_load %arg11[%swap3A_532, %swap3A_533] {strides = array<i32>} : memref<400x64xf32, #tpu.memory_space<vmem>>, vector<16xf32>,
        tpu.vector_store %arg11[%swap3A_532, %swap3A_533], %mul3A_482 {strides = array<i32>} : memref<400x64xf32, #tpu.memory_space<vmem>>, vector<16xf32>,
        %swap3A_535 = arith.index_cast %add3A_434 : i32 to index
        %swap3A_536 = arith.constant 0 : index
        %swap3A_537 = tpu.vector_load %arg11[%swap3A_535, %swap3A_536] {strides = array<i32>} : memref<400x64xf32, #tpu.memory_space<vmem>>, vector<16xf32>,
        tpu.vector_store %arg11[%swap3A_535, %swap3A_536], %mul3A_486 {strides = array<i32>} : memref<400x64xf32, #tpu.memory_space<vmem>>, vector<16xf32>,
        %swap3A_538 = arith.index_cast %add3A_434 : i32 to index
        %swap3A_539 = arith.constant 16 : index
        %swap3A_540 = tpu.vector_load %arg11[%swap3A_538, %swap3A_539] {strides = array<i32>} : memref<400x64xf32, #tpu.memory_space<vmem>>, vector<16xf32>,
        tpu.vector_store %arg11[%swap3A_538, %swap3A_539], %mul3A_490 {strides = array<i32>} : memref<400x64xf32, #tpu.memory_space<vmem>>, vector<16xf32>,
        %swap3A_541 = arith.index_cast %add3A_434 : i32 to index
        %swap3A_542 = arith.constant 32 : index
        %swap3A_543 = tpu.vector_load %arg11[%swap3A_541, %swap3A_542] {strides = array<i32>} : memref<400x64xf32, #tpu.memory_space<vmem>>, vector<16xf32>,
        tpu.vector_store %arg11[%swap3A_541, %swap3A_542], %mul3A_494 {strides = array<i32>} : memref<400x64xf32, #tpu.memory_space<vmem>>, vector<16xf32>,
        %swap3A_544 = arith.index_cast %add3A_434 : i32 to index
        %swap3A_545 = arith.constant 48 : index
        %swap3A_546 = tpu.vector_load %arg11[%swap3A_544, %swap3A_545] {strides = array<i32>} : memref<400x64xf32, #tpu.memory_space<vmem>>, vector<16xf32>,
        tpu.vector_store %arg11[%swap3A_544, %swap3A_545], %mul3A_498 {strides = array<i32>} : memref<400x64xf32, #tpu.memory_space<vmem>>, vector<16xf32>,
        %slice3A_547 = vector.extract_strided_slice %get3A_106 {offsets = [12], sizes = [1], strides = [1]} : vector<16xf32> to vector<1xf32>
        %squeeze3A_548 = vector.extract %slice3A_547[0] : f32 from vector<1xf32>
        %broadcast_in_dim3A_549 = vector.broadcast %squeeze3A_548 : f32 to vector<16xf32>
        %slice3A_550 = vector.extract_strided_slice %get3A_106 {offsets = [13], sizes = [1], strides = [1]} : vector<16xf32> to vector<1xf32>
        %squeeze3A_551 = vector.extract %slice3A_550[0] : f32 from vector<1xf32>
        %broadcast_in_dim3A_552 = vector.broadcast %squeeze3A_551 : f32 to vector<16xf32>
        %slice3A_553 = vector.extract_strided_slice %get3A_106 {offsets = [14], sizes = [1], strides = [1]} : vector<16xf32> to vector<1xf32>
        %squeeze3A_554 = vector.extract %slice3A_553[0] : f32 from vector<1xf32>
        %broadcast_in_dim3A_555 = vector.broadcast %squeeze3A_554 : f32 to vector<16xf32>
        %slice3A_556 = vector.extract_strided_slice %get3A_106 {offsets = [15], sizes = [1], strides = [1]} : vector<16xf32> to vector<1xf32>
        %squeeze3A_557 = vector.extract %slice3A_556[0] : f32 from vector<1xf32>
        %broadcast_in_dim3A_558 = vector.broadcast %squeeze3A_557 : f32 to vector<16xf32>
        %mul3A_559 = arith.constant 16 : i32
        %mul3A_560 = arith.muli %scan3A_102, %mul3A_559 : i32
        %add3A_561 = arith.constant 12 : i32
        %add3A_562 = arith.addi %mul3A_560, %add3A_561 : i32
        %add3A_563 = arith.constant 0 : i32
        %add3A_564 = arith.addi %add3A_562, %add3A_563 : i32
        %mul3A_565 = arith.constant 16 : i32
        %mul3A_566 = arith.muli %scan3A_102, %mul3A_565 : i32
        %add3A_567 = arith.constant 12 : i32
        %add3A_568 = arith.addi %mul3A_566, %add3A_567 : i32
        %add3A_569 = arith.constant 1 : i32
        %add3A_570 = arith.addi %add3A_568, %add3A_569 : i32
        %mul3A_571 = arith.constant 16 : i32
        %mul3A_572 = arith.muli %scan3A_102, %mul3A_571 : i32
        %add3A_573 = arith.constant 12 : i32
        %add3A_574 = arith.addi %mul3A_572, %add3A_573 : i32
        %add3A_575 = arith.constant 2 : i32
        %add3A_576 = arith.addi %add3A_574, %add3A_575 : i32
        %mul3A_577 = arith.constant 16 : i32
        %mul3A_578 = arith.muli %scan3A_102, %mul3A_577 : i32
        %add3A_579 = arith.constant 12 : i32
        %add3A_580 = arith.addi %mul3A_578, %add3A_579 : i32
        %add3A_581 = arith.constant 3 : i32
        %add3A_582 = arith.addi %add3A_580, %add3A_581 : i32
        %get3A_583 = arith.index_cast %add3A_564 : i32 to index
        %get3A_584 = arith.constant 0 : index
        %get3A_585 = tpu.vector_load %arg11[%get3A_583, %get3A_584] {strides = array<i32>} : memref<400x64xf32, #tpu.memory_space<vmem>>, vector<16xf32>,
        %mul3A_586 = arith.mulf %get3A_585, %broadcast_in_dim3A_549 : vector<16xf32>
        %get3A_587 = arith.index_cast %add3A_564 : i32 to index
        %get3A_588 = arith.constant 16 : index
        %get3A_589 = tpu.vector_load %arg11[%get3A_587, %get3A_588] {strides = array<i32>} : memref<400x64xf32, #tpu.memory_space<vmem>>, vector<16xf32>,
        %mul3A_590 = arith.mulf %get3A_589, %broadcast_in_dim3A_549 : vector<16xf32>
        %get3A_591 = arith.index_cast %add3A_564 : i32 to index
        %get3A_592 = arith.constant 32 : index
        %get3A_593 = tpu.vector_load %arg11[%get3A_591, %get3A_592] {strides = array<i32>} : memref<400x64xf32, #tpu.memory_space<vmem>>, vector<16xf32>,
        %mul3A_594 = arith.mulf %get3A_593, %broadcast_in_dim3A_549 : vector<16xf32>
        %get3A_595 = arith.index_cast %add3A_564 : i32 to index
        %get3A_596 = arith.constant 48 : index
        %get3A_597 = tpu.vector_load %arg11[%get3A_595, %get3A_596] {strides = array<i32>} : memref<400x64xf32, #tpu.memory_space<vmem>>, vector<16xf32>,
        %mul3A_598 = arith.mulf %get3A_597, %broadcast_in_dim3A_549 : vector<16xf32>
        %get3A_599 = arith.index_cast %add3A_570 : i32 to index
        %get3A_600 = arith.constant 0 : index
        %get3A_601 = tpu.vector_load %arg11[%get3A_599, %get3A_600] {strides = array<i32>} : memref<400x64xf32, #tpu.memory_space<vmem>>, vector<16xf32>,
        %mul3A_602 = arith.mulf %get3A_601, %broadcast_in_dim3A_552 : vector<16xf32>
        %get3A_603 = arith.index_cast %add3A_570 : i32 to index
        %get3A_604 = arith.constant 16 : index
        %get3A_605 = tpu.vector_load %arg11[%get3A_603, %get3A_604] {strides = array<i32>} : memref<400x64xf32, #tpu.memory_space<vmem>>, vector<16xf32>,
        %mul3A_606 = arith.mulf %get3A_605, %broadcast_in_dim3A_552 : vector<16xf32>
        %get3A_607 = arith.index_cast %add3A_570 : i32 to index
        %get3A_608 = arith.constant 32 : index
        %get3A_609 = tpu.vector_load %arg11[%get3A_607, %get3A_608] {strides = array<i32>} : memref<400x64xf32, #tpu.memory_space<vmem>>, vector<16xf32>,
        %mul3A_610 = arith.mulf %get3A_609, %broadcast_in_dim3A_552 : vector<16xf32>
        %get3A_611 = arith.index_cast %add3A_570 : i32 to index
        %get3A_612 = arith.constant 48 : index
        %get3A_613 = tpu.vector_load %arg11[%get3A_611, %get3A_612] {strides = array<i32>} : memref<400x64xf32, #tpu.memory_space<vmem>>, vector<16xf32>,
        %mul3A_614 = arith.mulf %get3A_613, %broadcast_in_dim3A_552 : vector<16xf32>
        %get3A_615 = arith.index_cast %add3A_576 : i32 to index
        %get3A_616 = arith.constant 0 : index
        %get3A_617 = tpu.vector_load %arg11[%get3A_615, %get3A_616] {strides = array<i32>} : memref<400x64xf32, #tpu.memory_space<vmem>>, vector<16xf32>,
        %mul3A_618 = arith.mulf %get3A_617, %broadcast_in_dim3A_555 : vector<16xf32>
        %get3A_619 = arith.index_cast %add3A_576 : i32 to index
        %get3A_620 = arith.constant 16 : index
        %get3A_621 = tpu.vector_load %arg11[%get3A_619, %get3A_620] {strides = array<i32>} : memref<400x64xf32, #tpu.memory_space<vmem>>, vector<16xf32>,
        %mul3A_622 = arith.mulf %get3A_621, %broadcast_in_dim3A_555 : vector<16xf32>
        %get3A_623 = arith.index_cast %add3A_576 : i32 to index
        %get3A_624 = arith.constant 32 : index
        %get3A_625 = tpu.vector_load %arg11[%get3A_623, %get3A_624] {strides = array<i32>} : memref<400x64xf32, #tpu.memory_space<vmem>>, vector<16xf32>,
        %mul3A_626 = arith.mulf %get3A_625, %broadcast_in_dim3A_555 : vector<16xf32>
        %get3A_627 = arith.index_cast %add3A_576 : i32 to index
        %get3A_628 = arith.constant 48 : index
        %get3A_629 = tpu.vector_load %arg11[%get3A_627, %get3A_628] {strides = array<i32>} : memref<400x64xf32, #tpu.memory_space<vmem>>, vector<16xf32>,
        %mul3A_630 = arith.mulf %get3A_629, %broadcast_in_dim3A_555 : vector<16xf32>
        %get3A_631 = arith.index_cast %add3A_582 : i32 to index
        %get3A_632 = arith.constant 0 : index
        %get3A_633 = tpu.vector_load %arg11[%get3A_631, %get3A_632] {strides = array<i32>} : memref<400x64xf32, #tpu.memory_space<vmem>>, vector<16xf32>,
        %mul3A_634 = arith.mulf %get3A_633, %broadcast_in_dim3A_558 : vector<16xf32>
        %get3A_635 = arith.index_cast %add3A_582 : i32 to index
        %get3A_636 = arith.constant 16 : index
        %get3A_637 = tpu.vector_load %arg11[%get3A_635, %get3A_636] {strides = array<i32>} : memref<400x64xf32, #tpu.memory_space<vmem>>, vector<16xf32>,
        %mul3A_638 = arith.mulf %get3A_637, %broadcast_in_dim3A_558 : vector<16xf32>
        %get3A_639 = arith.index_cast %add3A_582 : i32 to index
        %get3A_640 = arith.constant 32 : index
        %get3A_641 = tpu.vector_load %arg11[%get3A_639, %get3A_640] {strides = array<i32>} : memref<400x64xf32, #tpu.memory_space<vmem>>, vector<16xf32>,
        %mul3A_642 = arith.mulf %get3A_641, %broadcast_in_dim3A_558 : vector<16xf32>
        %get3A_643 = arith.index_cast %add3A_582 : i32 to index
        %get3A_644 = arith.constant 48 : index
        %get3A_645 = tpu.vector_load %arg11[%get3A_643, %get3A_644] {strides = array<i32>} : memref<400x64xf32, #tpu.memory_space<vmem>>, vector<16xf32>,
        %mul3A_646 = arith.mulf %get3A_645, %broadcast_in_dim3A_558 : vector<16xf32>
        %swap3A_647 = arith.index_cast %add3A_564 : i32 to index
        %swap3A_648 = arith.constant 0 : index
        %swap3A_649 = tpu.vector_load %arg11[%swap3A_647, %swap3A_648] {strides = array<i32>} : memref<400x64xf32, #tpu.memory_space<vmem>>, vector<16xf32>,
        tpu.vector_store %arg11[%swap3A_647, %swap3A_648], %mul3A_586 {strides = array<i32>} : memref<400x64xf32, #tpu.memory_space<vmem>>, vector<16xf32>,
        %swap3A_650 = arith.index_cast %add3A_564 : i32 to index
        %swap3A_651 = arith.constant 16 : index
        %swap3A_652 = tpu.vector_load %arg11[%swap3A_650, %swap3A_651] {strides = array<i32>} : memref<400x64xf32, #tpu.memory_space<vmem>>, vector<16xf32>,
        tpu.vector_store %arg11[%swap3A_650, %swap3A_651], %mul3A_590 {strides = array<i32>} : memref<400x64xf32, #tpu.memory_space<vmem>>, vector<16xf32>,
        %swap3A_653 = arith.index_cast %add3A_564 : i32 to index
        %swap3A_654 = arith.constant 32 : index
        %swap3A_655 = tpu.vector_load %arg11[%swap3A_653, %swap3A_654] {strides = array<i32>} : memref<400x64xf32, #tpu.memory_space<vmem>>, vector<16xf32>,
        tpu.vector_store %arg11[%swap3A_653, %swap3A_654], %mul3A_594 {strides = array<i32>} : memref<400x64xf32, #tpu.memory_space<vmem>>, vector<16xf32>,
        %swap3A_656 = arith.index_cast %add3A_564 : i32 to index
        %swap3A_657 = arith.constant 48 : index
        %swap3A_658 = tpu.vector_load %arg11[%swap3A_656, %swap3A_657] {strides = array<i32>} : memref<400x64xf32, #tpu.memory_space<vmem>>, vector<16xf32>,
        tpu.vector_store %arg11[%swap3A_656, %swap3A_657], %mul3A_598 {strides = array<i32>} : memref<400x64xf32, #tpu.memory_space<vmem>>, vector<16xf32>,
        %swap3A_659 = arith.index_cast %add3A_570 : i32 to index
        %swap3A_660 = arith.constant 0 : index
        %swap3A_661 = tpu.vector_load %arg11[%swap3A_659, %swap3A_660] {strides = array<i32>} : memref<400x64xf32, #tpu.memory_space<vmem>>, vector<16xf32>,
        tpu.vector_store %arg11[%swap3A_659, %swap3A_660], %mul3A_602 {strides = array<i32>} : memref<400x64xf32, #tpu.memory_space<vmem>>, vector<16xf32>,
        %swap3A_662 = arith.index_cast %add3A_570 : i32 to index
        %swap3A_663 = arith.constant 16 : index
        %swap3A_664 = tpu.vector_load %arg11[%swap3A_662, %swap3A_663] {strides = array<i32>} : memref<400x64xf32, #tpu.memory_space<vmem>>, vector<16xf32>,
        tpu.vector_store %arg11[%swap3A_662, %swap3A_663], %mul3A_606 {strides = array<i32>} : memref<400x64xf32, #tpu.memory_space<vmem>>, vector<16xf32>,
        %swap3A_665 = arith.index_cast %add3A_570 : i32 to index
        %swap3A_666 = arith.constant 32 : index
        %swap3A_667 = tpu.vector_load %arg11[%swap3A_665, %swap3A_666] {strides = array<i32>} : memref<400x64xf32, #tpu.memory_space<vmem>>, vector<16xf32>,
        tpu.vector_store %arg11[%swap3A_665, %swap3A_666], %mul3A_610 {strides = array<i32>} : memref<400x64xf32, #tpu.memory_space<vmem>>, vector<16xf32>,
        %swap3A_668 = arith.index_cast %add3A_570 : i32 to index
        %swap3A_669 = arith.constant 48 : index
        %swap3A_670 = tpu.vector_load %arg11[%swap3A_668, %swap3A_669] {strides = array<i32>} : memref<400x64xf32, #tpu.memory_space<vmem>>, vector<16xf32>,
        tpu.vector_store %arg11[%swap3A_668, %swap3A_669], %mul3A_614 {strides = array<i32>} : memref<400x64xf32, #tpu.memory_space<vmem>>, vector<16xf32>,
        %swap3A_671 = arith.index_cast %add3A_576 : i32 to index
        %swap3A_672 = arith.constant 0 : index
        %swap3A_673 = tpu.vector_load %arg11[%swap3A_671, %swap3A_672] {strides = array<i32>} : memref<400x64xf32, #tpu.memory_space<vmem>>, vector<16xf32>,
        tpu.vector_store %arg11[%swap3A_671, %swap3A_672], %mul3A_618 {strides = array<i32>} : memref<400x64xf32, #tpu.memory_space<vmem>>, vector<16xf32>,
        %swap3A_674 = arith.index_cast %add3A_576 : i32 to index
        %swap3A_675 = arith.constant 16 : index
        %swap3A_676 = tpu.vector_load %arg11[%swap3A_674, %swap3A_675] {strides = array<i32>} : memref<400x64xf32, #tpu.memory_space<vmem>>, vector<16xf32>,
        tpu.vector_store %arg11[%swap3A_674, %swap3A_675], %mul3A_622 {strides = array<i32>} : memref<400x64xf32, #tpu.memory_space<vmem>>, vector<16xf32>,
        %swap3A_677 = arith.index_cast %add3A_576 : i32 to index
        %swap3A_678 = arith.constant 32 : index
        %swap3A_679 = tpu.vector_load %arg11[%swap3A_677, %swap3A_678] {strides = array<i32>} : memref<400x64xf32, #tpu.memory_space<vmem>>, vector<16xf32>,
        tpu.vector_store %arg11[%swap3A_677, %swap3A_678], %mul3A_626 {strides = array<i32>} : memref<400x64xf32, #tpu.memory_space<vmem>>, vector<16xf32>,
        %swap3A_680 = arith.index_cast %add3A_576 : i32 to index
        %swap3A_681 = arith.constant 48 : index
        %swap3A_682 = tpu.vector_load %arg11[%swap3A_680, %swap3A_681] {strides = array<i32>} : memref<400x64xf32, #tpu.memory_space<vmem>>, vector<16xf32>,
        tpu.vector_store %arg11[%swap3A_680, %swap3A_681], %mul3A_630 {strides = array<i32>} : memref<400x64xf32, #tpu.memory_space<vmem>>, vector<16xf32>,
        %swap3A_683 = arith.index_cast %add3A_582 : i32 to index
        %swap3A_684 = arith.constant 0 : index
        %swap3A_685 = tpu.vector_load %arg11[%swap3A_683, %swap3A_684] {strides = array<i32>} : memref<400x64xf32, #tpu.memory_space<vmem>>, vector<16xf32>,
        tpu.vector_store %arg11[%swap3A_683, %swap3A_684], %mul3A_634 {strides = array<i32>} : memref<400x64xf32, #tpu.memory_space<vmem>>, vector<16xf32>,
        %swap3A_686 = arith.index_cast %add3A_582 : i32 to index
        %swap3A_687 = arith.constant 16 : index
        %swap3A_688 = tpu.vector_load %arg11[%swap3A_686, %swap3A_687] {strides = array<i32>} : memref<400x64xf32, #tpu.memory_space<vmem>>, vector<16xf32>,
        tpu.vector_store %arg11[%swap3A_686, %swap3A_687], %mul3A_638 {strides = array<i32>} : memref<400x64xf32, #tpu.memory_space<vmem>>, vector<16xf32>,
        %swap3A_689 = arith.index_cast %add3A_582 : i32 to index
        %swap3A_690 = arith.constant 32 : index
        %swap3A_691 = tpu.vector_load %arg11[%swap3A_689, %swap3A_690] {strides = array<i32>} : memref<400x64xf32, #tpu.memory_space<vmem>>, vector<16xf32>,
        tpu.vector_store %arg11[%swap3A_689, %swap3A_690], %mul3A_642 {strides = array<i32>} : memref<400x64xf32, #tpu.memory_space<vmem>>, vector<16xf32>,
        %swap3A_692 = arith.index_cast %add3A_582 : i32 to index
        %swap3A_693 = arith.constant 48 : index
        %swap3A_694 = tpu.vector_load %arg11[%swap3A_692, %swap3A_693] {strides = array<i32>} : memref<400x64xf32, #tpu.memory_space<vmem>>, vector<16xf32>,
        tpu.vector_store %arg11[%swap3A_692, %swap3A_693], %mul3A_646 {strides = array<i32>} : memref<400x64xf32, #tpu.memory_space<vmem>>, vector<16xf32>,
      }
      %scan3A_82 = arith.constant 25 : i32
      "tpu.region"() ({
        %run_scoped3A_102 = tpu.sem_alloc : memref<!tpu.dma_semaphore, #tpu.memory_space<semaphore_mem>>
        %dma_start3A_103 = arith.constant 0 : i32
        %dma_start3A_104 = tpu.memref_slice %arg9[%mul3A_61, %dma_start3A_103] : memref<25x400xi32, #tpu.memory_space<vmem>> -> memref<1x400xi32, #tpu.memory_space<vmem>>
        %dma_start3A_105 = tpu.memref_squeeze %dma_start3A_104 : memref<1x400xi32, #tpu.memory_space<vmem>> -> memref<400xi32, #tpu.memory_space<vmem>>
        %dma_start3A_106 = arith.constant 0 : i32
        %dma_start3A_107 = arith.constant 0 : i32
        %dma_start3A_108 = tpu.memref_slice %arg13[%dma_start3A_106, %dma_start3A_107] : memref<10240x64xf32, #tpu.memory_space<vmem_shared>> -> memref<10240x64xf32, #tpu.memory_space<vmem_shared>>
        tpu.enqueue_indirect_dma source(%arg11 : memref<400x64xf32, #tpu.memory_space<vmem>>) target(%dma_start3A_108 : memref<10240x64xf32, #tpu.memory_space<vmem_shared>>) offsets(%dma_start3A_105 : memref<400xi32, #tpu.memory_space<vmem>>) semaphore(%run_scoped3A_102 : memref<!tpu.dma_semaphore, #tpu.memory_space<semaphore_mem>>) {add = true}
        %dma_wait3A_109 = arith.constant 0 : i32
        %dma_wait3A_110 = tpu.memref_slice %arg9[%mul3A_61, %dma_wait3A_109] : memref<25x400xi32, #tpu.memory_space<vmem>> -> memref<1x400xi32, #tpu.memory_space<vmem>>
        %dma_wait3A_111 = tpu.memref_squeeze %dma_wait3A_110 : memref<1x400xi32, #tpu.memory_space<vmem>> -> memref<400xi32, #tpu.memory_space<vmem>>
        %dma_wait3A_112 = arith.constant 0 : i32
        %dma_wait3A_113 = arith.constant 0 : i32
        %dma_wait3A_114 = tpu.memref_slice %arg13[%dma_wait3A_112, %dma_wait3A_113] : memref<10240x64xf32, #tpu.memory_space<vmem_shared>> -> memref<10240x64xf32, #tpu.memory_space<vmem_shared>>
        tpu.wait_indirect_dma semaphore(%run_scoped3A_102 : memref<!tpu.dma_semaphore, #tpu.memory_space<semaphore_mem>>) src(%arg11 : memref<400x64xf32, #tpu.memory_space<vmem>>) dst(%dma_wait3A_114 : memref<10240x64xf32, #tpu.memory_space<vmem_shared>>)
        tpu.yield
      }) : () -> ()
      %add3A_83 = arith.constant 2 : i32
      %add3A_84 = arith.addi %mul3A_61, %add3A_83 : i32
      %lt3A = arith.constant 25 : i32
      %lt3A_85 = arith.cmpi slt, %add3A_84, %lt3A : i32
      %convert_element_type3A = arith.extui %lt3A_85 : i1 to i32
      %cond3A = arith.constant 0 : i32
      %cond3A_86 = arith.cmpi ne, %convert_element_type3A, %cond3A : i32
      scf.if %cond3A_86 {
        %add3A_102 = arith.constant 2 : i32
        %add3A_103 = arith.addi %mul3A_61, %add3A_102 : i32
        %dma_start3A_104 = arith.constant 0 : i32
        %dma_start3A_105 = tpu.memref_slice %arg8[%add3A_103, %dma_start3A_104] : memref<25x400xi32, #tpu.memory_space<vmem>> -> memref<1x400xi32, #tpu.memory_space<vmem>>
        %dma_start3A_106 = tpu.memref_squeeze %dma_start3A_105 : memref<1x400xi32, #tpu.memory_space<vmem>> -> memref<400xi32, #tpu.memory_space<vmem>>
        %dma_start3A_107 = arith.constant 0 : i32
        %dma_start3A_108 = arith.constant 0 : i32
        %dma_start3A_109 = tpu.memref_slice %arg2[%dma_start3A_107, %dma_start3A_108] : memref<10000x64xf32, #tpu.memory_space<hbm>> -> memref<10000x64xf32, #tpu.memory_space<hbm>>
        tpu.enqueue_indirect_dma source(%dma_start3A_109 : memref<10000x64xf32, #tpu.memory_space<hbm>>) target(%arg11 : memref<400x64xf32, #tpu.memory_space<vmem>>) offsets(%dma_start3A_106 : memref<400xi32, #tpu.memory_space<vmem>>) semaphore(%arg15 : memref<!tpu.dma_semaphore, #tpu.memory_space<semaphore_mem>>)
      } else {
      }
      %dma_wait3A_87 = arith.constant 0 : i32
      %dma_wait3A_88 = arith.constant 0 : i32
      %dma_wait3A_89 = tpu.memref_slice %arg8[%dma_wait3A_87, %dma_wait3A_88] : memref<25x400xi32, #tpu.memory_space<vmem>> -> memref<1x400xi32, #tpu.memory_space<vmem>>
      %dma_wait3A_90 = tpu.memref_squeeze %dma_wait3A_89 : memref<1x400xi32, #tpu.memory_space<vmem>> -> memref<400xi32, #tpu.memory_space<vmem>>
      %dma_wait3A_91 = arith.constant 0 : i32
      %dma_wait3A_92 = arith.constant 0 : i32
      %dma_wait3A_93 = tpu.memref_slice %arg2[%dma_wait3A_91, %dma_wait3A_92] : memref<10000x64xf32, #tpu.memory_space<hbm>> -> memref<10000x64xf32, #tpu.memory_space<hbm>>
      tpu.wait_indirect_dma semaphore(%arg16 : memref<!tpu.dma_semaphore, #tpu.memory_space<semaphore_mem>>) src(%dma_wait3A_93 : memref<10000x64xf32, #tpu.memory_space<hbm>>) dst(%arg12 : memref<400x64xf32, #tpu.memory_space<vmem>>)
      %add3A_94 = arith.constant 1 : i32
      %add3A_95 = arith.addi %mul3A_61, %add3A_94 : i32
      %scan3A_96 = arith.constant 0 : i32
      %scan3A_97 = arith.constant 0 : i32
      %scan3A_98 = arith.constant 25 : i32
      %scan3A_99 = arith.addi %scan3A_97, %scan3A_98 : i32
      %scan3A_100 = arith.constant 1 : i32
      scf.for %scan3A_102 = %scan3A_97 to %scan3A_99 step %scan3A_100  : i32 {
        %mul3A_103 = arith.constant 16 : i32
        %mul3A_104 = arith.muli %scan3A_102, %mul3A_103 : i32
        %get3A = arith.index_cast %add3A_95 : i32 to index
        %get3A_105 = arith.index_cast %mul3A_104 : i32 to index
        %get3A_106 = tpu.vector_load %arg10[%get3A, %get3A_105] {strides = array<i32>} : memref<25x400xf32, #tpu.memory_space<vmem>>, vector<16xf32>,
        %slice3A = vector.extract_strided_slice %get3A_106 {offsets = [0], sizes = [1], strides = [1]} : vector<16xf32> to vector<1xf32>
        %squeeze3A = vector.extract %slice3A[0] : f32 from vector<1xf32>
        %broadcast_in_dim3A = vector.broadcast %squeeze3A : f32 to vector<16xf32>
        %slice3A_107 = vector.extract_strided_slice %get3A_106 {offsets = [1], sizes = [1], strides = [1]} : vector<16xf32> to vector<1xf32>
        %squeeze3A_108 = vector.extract %slice3A_107[0] : f32 from vector<1xf32>
        %broadcast_in_dim3A_109 = vector.broadcast %squeeze3A_108 : f32 to vector<16xf32>
        %slice3A_110 = vector.extract_strided_slice %get3A_106 {offsets = [2], sizes = [1], strides = [1]} : vector<16xf32> to vector<1xf32>
        %squeeze3A_111 = vector.extract %slice3A_110[0] : f32 from vector<1xf32>
        %broadcast_in_dim3A_112 = vector.broadcast %squeeze3A_111 : f32 to vector<16xf32>
        %slice3A_113 = vector.extract_strided_slice %get3A_106 {offsets = [3], sizes = [1], strides = [1]} : vector<16xf32> to vector<1xf32>
        %squeeze3A_114 = vector.extract %slice3A_113[0] : f32 from vector<1xf32>
        %broadcast_in_dim3A_115 = vector.broadcast %squeeze3A_114 : f32 to vector<16xf32>
        %mul3A_116 = arith.constant 16 : i32
        %mul3A_117 = arith.muli %scan3A_102, %mul3A_116 : i32
        %add3A_118 = arith.constant 0 : i32
        %add3A_119 = arith.addi %mul3A_117, %add3A_118 : i32
        %add3A_120 = arith.constant 0 : i32
        %add3A_121 = arith.addi %add3A_119, %add3A_120 : i32
        %mul3A_122 = arith.constant 16 : i32
        %mul3A_123 = arith.muli %scan3A_102, %mul3A_122 : i32
        %add3A_124 = arith.constant 0 : i32
        %add3A_125 = arith.addi %mul3A_123, %add3A_124 : i32
        %add3A_126 = arith.constant 1 : i32
        %add3A_127 = arith.addi %add3A_125, %add3A_126 : i32
        %mul3A_128 = arith.constant 16 : i32
        %mul3A_129 = arith.muli %scan3A_102, %mul3A_128 : i32
        %add3A_130 = arith.constant 0 : i32
        %add3A_131 = arith.addi %mul3A_129, %add3A_130 : i32
        %add3A_132 = arith.constant 2 : i32
        %add3A_133 = arith.addi %add3A_131, %add3A_132 : i32
        %mul3A_134 = arith.constant 16 : i32
        %mul3A_135 = arith.muli %scan3A_102, %mul3A_134 : i32
        %add3A_136 = arith.constant 0 : i32
        %add3A_137 = arith.addi %mul3A_135, %add3A_136 : i32
        %add3A_138 = arith.constant 3 : i32
        %add3A_139 = arith.addi %add3A_137, %add3A_138 : i32
        %get3A_140 = arith.index_cast %add3A_121 : i32 to index
        %get3A_141 = arith.constant 0 : index
        %get3A_142 = tpu.vector_load %arg12[%get3A_140, %get3A_141] {strides = array<i32>} : memref<400x64xf32, #tpu.memory_space<vmem>>, vector<16xf32>,
        %mul3A_143 = arith.mulf %get3A_142, %broadcast_in_dim3A : vector<16xf32>
        %get3A_144 = arith.index_cast %add3A_121 : i32 to index
        %get3A_145 = arith.constant 16 : index
        %get3A_146 = tpu.vector_load %arg12[%get3A_144, %get3A_145] {strides = array<i32>} : memref<400x64xf32, #tpu.memory_space<vmem>>, vector<16xf32>,
        %mul3A_147 = arith.mulf %get3A_146, %broadcast_in_dim3A : vector<16xf32>
        %get3A_148 = arith.index_cast %add3A_121 : i32 to index
        %get3A_149 = arith.constant 32 : index
        %get3A_150 = tpu.vector_load %arg12[%get3A_148, %get3A_149] {strides = array<i32>} : memref<400x64xf32, #tpu.memory_space<vmem>>, vector<16xf32>,
        %mul3A_151 = arith.mulf %get3A_150, %broadcast_in_dim3A : vector<16xf32>
        %get3A_152 = arith.index_cast %add3A_121 : i32 to index
        %get3A_153 = arith.constant 48 : index
        %get3A_154 = tpu.vector_load %arg12[%get3A_152, %get3A_153] {strides = array<i32>} : memref<400x64xf32, #tpu.memory_space<vmem>>, vector<16xf32>,
        %mul3A_155 = arith.mulf %get3A_154, %broadcast_in_dim3A : vector<16xf32>
        %get3A_156 = arith.index_cast %add3A_127 : i32 to index
        %get3A_157 = arith.constant 0 : index
        %get3A_158 = tpu.vector_load %arg12[%get3A_156, %get3A_157] {strides = array<i32>} : memref<400x64xf32, #tpu.memory_space<vmem>>, vector<16xf32>,
        %mul3A_159 = arith.mulf %get3A_158, %broadcast_in_dim3A_109 : vector<16xf32>
        %get3A_160 = arith.index_cast %add3A_127 : i32 to index
        %get3A_161 = arith.constant 16 : index
        %get3A_162 = tpu.vector_load %arg12[%get3A_160, %get3A_161] {strides = array<i32>} : memref<400x64xf32, #tpu.memory_space<vmem>>, vector<16xf32>,
        %mul3A_163 = arith.mulf %get3A_162, %broadcast_in_dim3A_109 : vector<16xf32>
        %get3A_164 = arith.index_cast %add3A_127 : i32 to index
        %get3A_165 = arith.constant 32 : index
        %get3A_166 = tpu.vector_load %arg12[%get3A_164, %get3A_165] {strides = array<i32>} : memref<400x64xf32, #tpu.memory_space<vmem>>, vector<16xf32>,
        %mul3A_167 = arith.mulf %get3A_166, %broadcast_in_dim3A_109 : vector<16xf32>
        %get3A_168 = arith.index_cast %add3A_127 : i32 to index
        %get3A_169 = arith.constant 48 : index
        %get3A_170 = tpu.vector_load %arg12[%get3A_168, %get3A_169] {strides = array<i32>} : memref<400x64xf32, #tpu.memory_space<vmem>>, vector<16xf32>,
        %mul3A_171 = arith.mulf %get3A_170, %broadcast_in_dim3A_109 : vector<16xf32>
        %get3A_172 = arith.index_cast %add3A_133 : i32 to index
        %get3A_173 = arith.constant 0 : index
        %get3A_174 = tpu.vector_load %arg12[%get3A_172, %get3A_173] {strides = array<i32>} : memref<400x64xf32, #tpu.memory_space<vmem>>, vector<16xf32>,
        %mul3A_175 = arith.mulf %get3A_174, %broadcast_in_dim3A_112 : vector<16xf32>
        %get3A_176 = arith.index_cast %add3A_133 : i32 to index
        %get3A_177 = arith.constant 16 : index
        %get3A_178 = tpu.vector_load %arg12[%get3A_176, %get3A_177] {strides = array<i32>} : memref<400x64xf32, #tpu.memory_space<vmem>>, vector<16xf32>,
        %mul3A_179 = arith.mulf %get3A_178, %broadcast_in_dim3A_112 : vector<16xf32>
        %get3A_180 = arith.index_cast %add3A_133 : i32 to index
        %get3A_181 = arith.constant 32 : index
        %get3A_182 = tpu.vector_load %arg12[%get3A_180, %get3A_181] {strides = array<i32>} : memref<400x64xf32, #tpu.memory_space<vmem>>, vector<16xf32>,
        %mul3A_183 = arith.mulf %get3A_182, %broadcast_in_dim3A_112 : vector<16xf32>
        %get3A_184 = arith.index_cast %add3A_133 : i32 to index
        %get3A_185 = arith.constant 48 : index
        %get3A_186 = tpu.vector_load %arg12[%get3A_184, %get3A_185] {strides = array<i32>} : memref<400x64xf32, #tpu.memory_space<vmem>>, vector<16xf32>,
        %mul3A_187 = arith.mulf %get3A_186, %broadcast_in_dim3A_112 : vector<16xf32>
        %get3A_188 = arith.index_cast %add3A_139 : i32 to index
        %get3A_189 = arith.constant 0 : index
        %get3A_190 = tpu.vector_load %arg12[%get3A_188, %get3A_189] {strides = array<i32>} : memref<400x64xf32, #tpu.memory_space<vmem>>, vector<16xf32>,
        %mul3A_191 = arith.mulf %get3A_190, %broadcast_in_dim3A_115 : vector<16xf32>
        %get3A_192 = arith.index_cast %add3A_139 : i32 to index
        %get3A_193 = arith.constant 16 : index
        %get3A_194 = tpu.vector_load %arg12[%get3A_192, %get3A_193] {strides = array<i32>} : memref<400x64xf32, #tpu.memory_space<vmem>>, vector<16xf32>,
        %mul3A_195 = arith.mulf %get3A_194, %broadcast_in_dim3A_115 : vector<16xf32>
        %get3A_196 = arith.index_cast %add3A_139 : i32 to index
        %get3A_197 = arith.constant 32 : index
        %get3A_198 = tpu.vector_load %arg12[%get3A_196, %get3A_197] {strides = array<i32>} : memref<400x64xf32, #tpu.memory_space<vmem>>, vector<16xf32>,
        %mul3A_199 = arith.mulf %get3A_198, %broadcast_in_dim3A_115 : vector<16xf32>
        %get3A_200 = arith.index_cast %add3A_139 : i32 to index
        %get3A_201 = arith.constant 48 : index
        %get3A_202 = tpu.vector_load %arg12[%get3A_200, %get3A_201] {strides = array<i32>} : memref<400x64xf32, #tpu.memory_space<vmem>>, vector<16xf32>,
        %mul3A_203 = arith.mulf %get3A_202, %broadcast_in_dim3A_115 : vector<16xf32>
        %swap3A = arith.index_cast %add3A_121 : i32 to index
        %swap3A_204 = arith.constant 0 : index
        %swap3A_205 = tpu.vector_load %arg12[%swap3A, %swap3A_204] {strides = array<i32>} : memref<400x64xf32, #tpu.memory_space<vmem>>, vector<16xf32>,
        tpu.vector_store %arg12[%swap3A, %swap3A_204], %mul3A_143 {strides = array<i32>} : memref<400x64xf32, #tpu.memory_space<vmem>>, vector<16xf32>,
        %swap3A_206 = arith.index_cast %add3A_121 : i32 to index
        %swap3A_207 = arith.constant 16 : index
        %swap3A_208 = tpu.vector_load %arg12[%swap3A_206, %swap3A_207] {strides = array<i32>} : memref<400x64xf32, #tpu.memory_space<vmem>>, vector<16xf32>,
        tpu.vector_store %arg12[%swap3A_206, %swap3A_207], %mul3A_147 {strides = array<i32>} : memref<400x64xf32, #tpu.memory_space<vmem>>, vector<16xf32>,
        %swap3A_209 = arith.index_cast %add3A_121 : i32 to index
        %swap3A_210 = arith.constant 32 : index
        %swap3A_211 = tpu.vector_load %arg12[%swap3A_209, %swap3A_210] {strides = array<i32>} : memref<400x64xf32, #tpu.memory_space<vmem>>, vector<16xf32>,
        tpu.vector_store %arg12[%swap3A_209, %swap3A_210], %mul3A_151 {strides = array<i32>} : memref<400x64xf32, #tpu.memory_space<vmem>>, vector<16xf32>,
        %swap3A_212 = arith.index_cast %add3A_121 : i32 to index
        %swap3A_213 = arith.constant 48 : index
        %swap3A_214 = tpu.vector_load %arg12[%swap3A_212, %swap3A_213] {strides = array<i32>} : memref<400x64xf32, #tpu.memory_space<vmem>>, vector<16xf32>,
        tpu.vector_store %arg12[%swap3A_212, %swap3A_213], %mul3A_155 {strides = array<i32>} : memref<400x64xf32, #tpu.memory_space<vmem>>, vector<16xf32>,
        %swap3A_215 = arith.index_cast %add3A_127 : i32 to index
        %swap3A_216 = arith.constant 0 : index
        %swap3A_217 = tpu.vector_load %arg12[%swap3A_215, %swap3A_216] {strides = array<i32>} : memref<400x64xf32, #tpu.memory_space<vmem>>, vector<16xf32>,
        tpu.vector_store %arg12[%swap3A_215, %swap3A_216], %mul3A_159 {strides = array<i32>} : memref<400x64xf32, #tpu.memory_space<vmem>>, vector<16xf32>,
        %swap3A_218 = arith.index_cast %add3A_127 : i32 to index
        %swap3A_219 = arith.constant 16 : index
        %swap3A_220 = tpu.vector_load %arg12[%swap3A_218, %swap3A_219] {strides = array<i32>} : memref<400x64xf32, #tpu.memory_space<vmem>>, vector<16xf32>,
        tpu.vector_store %arg12[%swap3A_218, %swap3A_219], %mul3A_163 {strides = array<i32>} : memref<400x64xf32, #tpu.memory_space<vmem>>, vector<16xf32>,
        %swap3A_221 = arith.index_cast %add3A_127 : i32 to index
        %swap3A_222 = arith.constant 32 : index
        %swap3A_223 = tpu.vector_load %arg12[%swap3A_221, %swap3A_222] {strides = array<i32>} : memref<400x64xf32, #tpu.memory_space<vmem>>, vector<16xf32>,
        tpu.vector_store %arg12[%swap3A_221, %swap3A_222], %mul3A_167 {strides = array<i32>} : memref<400x64xf32, #tpu.memory_space<vmem>>, vector<16xf32>,
        %swap3A_224 = arith.index_cast %add3A_127 : i32 to index
        %swap3A_225 = arith.constant 48 : index
        %swap3A_226 = tpu.vector_load %arg12[%swap3A_224, %swap3A_225] {strides = array<i32>} : memref<400x64xf32, #tpu.memory_space<vmem>>, vector<16xf32>,
        tpu.vector_store %arg12[%swap3A_224, %swap3A_225], %mul3A_171 {strides = array<i32>} : memref<400x64xf32, #tpu.memory_space<vmem>>, vector<16xf32>,
        %swap3A_227 = arith.index_cast %add3A_133 : i32 to index
        %swap3A_228 = arith.constant 0 : index
        %swap3A_229 = tpu.vector_load %arg12[%swap3A_227, %swap3A_228] {strides = array<i32>} : memref<400x64xf32, #tpu.memory_space<vmem>>, vector<16xf32>,
        tpu.vector_store %arg12[%swap3A_227, %swap3A_228], %mul3A_175 {strides = array<i32>} : memref<400x64xf32, #tpu.memory_space<vmem>>, vector<16xf32>,
        %swap3A_230 = arith.index_cast %add3A_133 : i32 to index
        %swap3A_231 = arith.constant 16 : index
        %swap3A_232 = tpu.vector_load %arg12[%swap3A_230, %swap3A_231] {strides = array<i32>} : memref<400x64xf32, #tpu.memory_space<vmem>>, vector<16xf32>,
        tpu.vector_store %arg12[%swap3A_230, %swap3A_231], %mul3A_179 {strides = array<i32>} : memref<400x64xf32, #tpu.memory_space<vmem>>, vector<16xf32>,
        %swap3A_233 = arith.index_cast %add3A_133 : i32 to index
        %swap3A_234 = arith.constant 32 : index
        %swap3A_235 = tpu.vector_load %arg12[%swap3A_233, %swap3A_234] {strides = array<i32>} : memref<400x64xf32, #tpu.memory_space<vmem>>, vector<16xf32>,
        tpu.vector_store %arg12[%swap3A_233, %swap3A_234], %mul3A_183 {strides = array<i32>} : memref<400x64xf32, #tpu.memory_space<vmem>>, vector<16xf32>,
        %swap3A_236 = arith.index_cast %add3A_133 : i32 to index
        %swap3A_237 = arith.constant 48 : index
        %swap3A_238 = tpu.vector_load %arg12[%swap3A_236, %swap3A_237] {strides = array<i32>} : memref<400x64xf32, #tpu.memory_space<vmem>>, vector<16xf32>,
        tpu.vector_store %arg12[%swap3A_236, %swap3A_237], %mul3A_187 {strides = array<i32>} : memref<400x64xf32, #tpu.memory_space<vmem>>, vector<16xf32>,
        %swap3A_239 = arith.index_cast %add3A_139 : i32 to index
        %swap3A_240 = arith.constant 0 : index
        %swap3A_241 = tpu.vector_load %arg12[%swap3A_239, %swap3A_240] {strides = array<i32>} : memref<400x64xf32, #tpu.memory_space<vmem>>, vector<16xf32>,
        tpu.vector_store %arg12[%swap3A_239, %swap3A_240], %mul3A_191 {strides = array<i32>} : memref<400x64xf32, #tpu.memory_space<vmem>>, vector<16xf32>,
        %swap3A_242 = arith.index_cast %add3A_139 : i32 to index
        %swap3A_243 = arith.constant 16 : index
        %swap3A_244 = tpu.vector_load %arg12[%swap3A_242, %swap3A_243] {strides = array<i32>} : memref<400x64xf32, #tpu.memory_space<vmem>>, vector<16xf32>,
        tpu.vector_store %arg12[%swap3A_242, %swap3A_243], %mul3A_195 {strides = array<i32>} : memref<400x64xf32, #tpu.memory_space<vmem>>, vector<16xf32>,
        %swap3A_245 = arith.index_cast %add3A_139 : i32 to index
        %swap3A_246 = arith.constant 32 : index
        %swap3A_247 = tpu.vector_load %arg12[%swap3A_245, %swap3A_246] {strides = array<i32>} : memref<400x64xf32, #tpu.memory_space<vmem>>, vector<16xf32>,
        tpu.vector_store %arg12[%swap3A_245, %swap3A_246], %mul3A_199 {strides = array<i32>} : memref<400x64xf32, #tpu.memory_space<vmem>>, vector<16xf32>,
        %swap3A_248 = arith.index_cast %add3A_139 : i32 to index
        %swap3A_249 = arith.constant 48 : index
        %swap3A_250 = tpu.vector_load %arg12[%swap3A_248, %swap3A_249] {strides = array<i32>} : memref<400x64xf32, #tpu.memory_space<vmem>>, vector<16xf32>,
        tpu.vector_store %arg12[%swap3A_248, %swap3A_249], %mul3A_203 {strides = array<i32>} : memref<400x64xf32, #tpu.memory_space<vmem>>, vector<16xf32>,
        %slice3A_251 = vector.extract_strided_slice %get3A_106 {offsets = [4], sizes = [1], strides = [1]} : vector<16xf32> to vector<1xf32>
        %squeeze3A_252 = vector.extract %slice3A_251[0] : f32 from vector<1xf32>
        %broadcast_in_dim3A_253 = vector.broadcast %squeeze3A_252 : f32 to vector<16xf32>
        %slice3A_254 = vector.extract_strided_slice %get3A_106 {offsets = [5], sizes = [1], strides = [1]} : vector<16xf32> to vector<1xf32>
        %squeeze3A_255 = vector.extract %slice3A_254[0] : f32 from vector<1xf32>
        %broadcast_in_dim3A_256 = vector.broadcast %squeeze3A_255 : f32 to vector<16xf32>
        %slice3A_257 = vector.extract_strided_slice %get3A_106 {offsets = [6], sizes = [1], strides = [1]} : vector<16xf32> to vector<1xf32>
        %squeeze3A_258 = vector.extract %slice3A_257[0] : f32 from vector<1xf32>
        %broadcast_in_dim3A_259 = vector.broadcast %squeeze3A_258 : f32 to vector<16xf32>
        %slice3A_260 = vector.extract_strided_slice %get3A_106 {offsets = [7], sizes = [1], strides = [1]} : vector<16xf32> to vector<1xf32>
        %squeeze3A_261 = vector.extract %slice3A_260[0] : f32 from vector<1xf32>
        %broadcast_in_dim3A_262 = vector.broadcast %squeeze3A_261 : f32 to vector<16xf32>
        %mul3A_263 = arith.constant 16 : i32
        %mul3A_264 = arith.muli %scan3A_102, %mul3A_263 : i32
        %add3A_265 = arith.constant 4 : i32
        %add3A_266 = arith.addi %mul3A_264, %add3A_265 : i32
        %add3A_267 = arith.constant 0 : i32
        %add3A_268 = arith.addi %add3A_266, %add3A_267 : i32
        %mul3A_269 = arith.constant 16 : i32
        %mul3A_270 = arith.muli %scan3A_102, %mul3A_269 : i32
        %add3A_271 = arith.constant 4 : i32
        %add3A_272 = arith.addi %mul3A_270, %add3A_271 : i32
        %add3A_273 = arith.constant 1 : i32
        %add3A_274 = arith.addi %add3A_272, %add3A_273 : i32
        %mul3A_275 = arith.constant 16 : i32
        %mul3A_276 = arith.muli %scan3A_102, %mul3A_275 : i32
        %add3A_277 = arith.constant 4 : i32
        %add3A_278 = arith.addi %mul3A_276, %add3A_277 : i32
        %add3A_279 = arith.constant 2 : i32
        %add3A_280 = arith.addi %add3A_278, %add3A_279 : i32
        %mul3A_281 = arith.constant 16 : i32
        %mul3A_282 = arith.muli %scan3A_102, %mul3A_281 : i32
        %add3A_283 = arith.constant 4 : i32
        %add3A_284 = arith.addi %mul3A_282, %add3A_283 : i32
        %add3A_285 = arith.constant 3 : i32
        %add3A_286 = arith.addi %add3A_284, %add3A_285 : i32
        %get3A_287 = arith.index_cast %add3A_268 : i32 to index
        %get3A_288 = arith.constant 0 : index
        %get3A_289 = tpu.vector_load %arg12[%get3A_287, %get3A_288] {strides = array<i32>} : memref<400x64xf32, #tpu.memory_space<vmem>>, vector<16xf32>,
        %mul3A_290 = arith.mulf %get3A_289, %broadcast_in_dim3A_253 : vector<16xf32>
        %get3A_291 = arith.index_cast %add3A_268 : i32 to index
        %get3A_292 = arith.constant 16 : index
        %get3A_293 = tpu.vector_load %arg12[%get3A_291, %get3A_292] {strides = array<i32>} : memref<400x64xf32, #tpu.memory_space<vmem>>, vector<16xf32>,
        %mul3A_294 = arith.mulf %get3A_293, %broadcast_in_dim3A_253 : vector<16xf32>
        %get3A_295 = arith.index_cast %add3A_268 : i32 to index
        %get3A_296 = arith.constant 32 : index
        %get3A_297 = tpu.vector_load %arg12[%get3A_295, %get3A_296] {strides = array<i32>} : memref<400x64xf32, #tpu.memory_space<vmem>>, vector<16xf32>,
        %mul3A_298 = arith.mulf %get3A_297, %broadcast_in_dim3A_253 : vector<16xf32>
        %get3A_299 = arith.index_cast %add3A_268 : i32 to index
        %get3A_300 = arith.constant 48 : index
        %get3A_301 = tpu.vector_load %arg12[%get3A_299, %get3A_300] {strides = array<i32>} : memref<400x64xf32, #tpu.memory_space<vmem>>, vector<16xf32>,
        %mul3A_302 = arith.mulf %get3A_301, %broadcast_in_dim3A_253 : vector<16xf32>
        %get3A_303 = arith.index_cast %add3A_274 : i32 to index
        %get3A_304 = arith.constant 0 : index
        %get3A_305 = tpu.vector_load %arg12[%get3A_303, %get3A_304] {strides = array<i32>} : memref<400x64xf32, #tpu.memory_space<vmem>>, vector<16xf32>,
        %mul3A_306 = arith.mulf %get3A_305, %broadcast_in_dim3A_256 : vector<16xf32>
        %get3A_307 = arith.index_cast %add3A_274 : i32 to index
        %get3A_308 = arith.constant 16 : index
        %get3A_309 = tpu.vector_load %arg12[%get3A_307, %get3A_308] {strides = array<i32>} : memref<400x64xf32, #tpu.memory_space<vmem>>, vector<16xf32>,
        %mul3A_310 = arith.mulf %get3A_309, %broadcast_in_dim3A_256 : vector<16xf32>
        %get3A_311 = arith.index_cast %add3A_274 : i32 to index
        %get3A_312 = arith.constant 32 : index
        %get3A_313 = tpu.vector_load %arg12[%get3A_311, %get3A_312] {strides = array<i32>} : memref<400x64xf32, #tpu.memory_space<vmem>>, vector<16xf32>,
        %mul3A_314 = arith.mulf %get3A_313, %broadcast_in_dim3A_256 : vector<16xf32>
        %get3A_315 = arith.index_cast %add3A_274 : i32 to index
        %get3A_316 = arith.constant 48 : index
        %get3A_317 = tpu.vector_load %arg12[%get3A_315, %get3A_316] {strides = array<i32>} : memref<400x64xf32, #tpu.memory_space<vmem>>, vector<16xf32>,
        %mul3A_318 = arith.mulf %get3A_317, %broadcast_in_dim3A_256 : vector<16xf32>
        %get3A_319 = arith.index_cast %add3A_280 : i32 to index
        %get3A_320 = arith.constant 0 : index
        %get3A_321 = tpu.vector_load %arg12[%get3A_319, %get3A_320] {strides = array<i32>} : memref<400x64xf32, #tpu.memory_space<vmem>>, vector<16xf32>,
        %mul3A_322 = arith.mulf %get3A_321, %broadcast_in_dim3A_259 : vector<16xf32>
        %get3A_323 = arith.index_cast %add3A_280 : i32 to index
        %get3A_324 = arith.constant 16 : index
        %get3A_325 = tpu.vector_load %arg12[%get3A_323, %get3A_324] {strides = array<i32>} : memref<400x64xf32, #tpu.memory_space<vmem>>, vector<16xf32>,
        %mul3A_326 = arith.mulf %get3A_325, %broadcast_in_dim3A_259 : vector<16xf32>
        %get3A_327 = arith.index_cast %add3A_280 : i32 to index
        %get3A_328 = arith.constant 32 : index
        %get3A_329 = tpu.vector_load %arg12[%get3A_327, %get3A_328] {strides = array<i32>} : memref<400x64xf32, #tpu.memory_space<vmem>>, vector<16xf32>,
        %mul3A_330 = arith.mulf %get3A_329, %broadcast_in_dim3A_259 : vector<16xf32>
        %get3A_331 = arith.index_cast %add3A_280 : i32 to index
        %get3A_332 = arith.constant 48 : index
        %get3A_333 = tpu.vector_load %arg12[%get3A_331, %get3A_332] {strides = array<i32>} : memref<400x64xf32, #tpu.memory_space<vmem>>, vector<16xf32>,
        %mul3A_334 = arith.mulf %get3A_333, %broadcast_in_dim3A_259 : vector<16xf32>
        %get3A_335 = arith.index_cast %add3A_286 : i32 to index
        %get3A_336 = arith.constant 0 : index
        %get3A_337 = tpu.vector_load %arg12[%get3A_335, %get3A_336] {strides = array<i32>} : memref<400x64xf32, #tpu.memory_space<vmem>>, vector<16xf32>,
        %mul3A_338 = arith.mulf %get3A_337, %broadcast_in_dim3A_262 : vector<16xf32>
        %get3A_339 = arith.index_cast %add3A_286 : i32 to index
        %get3A_340 = arith.constant 16 : index
        %get3A_341 = tpu.vector_load %arg12[%get3A_339, %get3A_340] {strides = array<i32>} : memref<400x64xf32, #tpu.memory_space<vmem>>, vector<16xf32>,
        %mul3A_342 = arith.mulf %get3A_341, %broadcast_in_dim3A_262 : vector<16xf32>
        %get3A_343 = arith.index_cast %add3A_286 : i32 to index
        %get3A_344 = arith.constant 32 : index
        %get3A_345 = tpu.vector_load %arg12[%get3A_343, %get3A_344] {strides = array<i32>} : memref<400x64xf32, #tpu.memory_space<vmem>>, vector<16xf32>,
        %mul3A_346 = arith.mulf %get3A_345, %broadcast_in_dim3A_262 : vector<16xf32>
        %get3A_347 = arith.index_cast %add3A_286 : i32 to index
        %get3A_348 = arith.constant 48 : index
        %get3A_349 = tpu.vector_load %arg12[%get3A_347, %get3A_348] {strides = array<i32>} : memref<400x64xf32, #tpu.memory_space<vmem>>, vector<16xf32>,
        %mul3A_350 = arith.mulf %get3A_349, %broadcast_in_dim3A_262 : vector<16xf32>
        %swap3A_351 = arith.index_cast %add3A_268 : i32 to index
        %swap3A_352 = arith.constant 0 : index
        %swap3A_353 = tpu.vector_load %arg12[%swap3A_351, %swap3A_352] {strides = array<i32>} : memref<400x64xf32, #tpu.memory_space<vmem>>, vector<16xf32>,
        tpu.vector_store %arg12[%swap3A_351, %swap3A_352], %mul3A_290 {strides = array<i32>} : memref<400x64xf32, #tpu.memory_space<vmem>>, vector<16xf32>,
        %swap3A_354 = arith.index_cast %add3A_268 : i32 to index
        %swap3A_355 = arith.constant 16 : index
        %swap3A_356 = tpu.vector_load %arg12[%swap3A_354, %swap3A_355] {strides = array<i32>} : memref<400x64xf32, #tpu.memory_space<vmem>>, vector<16xf32>,
        tpu.vector_store %arg12[%swap3A_354, %swap3A_355], %mul3A_294 {strides = array<i32>} : memref<400x64xf32, #tpu.memory_space<vmem>>, vector<16xf32>,
        %swap3A_357 = arith.index_cast %add3A_268 : i32 to index
        %swap3A_358 = arith.constant 32 : index
        %swap3A_359 = tpu.vector_load %arg12[%swap3A_357, %swap3A_358] {strides = array<i32>} : memref<400x64xf32, #tpu.memory_space<vmem>>, vector<16xf32>,
        tpu.vector_store %arg12[%swap3A_357, %swap3A_358], %mul3A_298 {strides = array<i32>} : memref<400x64xf32, #tpu.memory_space<vmem>>, vector<16xf32>,
        %swap3A_360 = arith.index_cast %add3A_268 : i32 to index
        %swap3A_361 = arith.constant 48 : index
        %swap3A_362 = tpu.vector_load %arg12[%swap3A_360, %swap3A_361] {strides = array<i32>} : memref<400x64xf32, #tpu.memory_space<vmem>>, vector<16xf32>,
        tpu.vector_store %arg12[%swap3A_360, %swap3A_361], %mul3A_302 {strides = array<i32>} : memref<400x64xf32, #tpu.memory_space<vmem>>, vector<16xf32>,
        %swap3A_363 = arith.index_cast %add3A_274 : i32 to index
        %swap3A_364 = arith.constant 0 : index
        %swap3A_365 = tpu.vector_load %arg12[%swap3A_363, %swap3A_364] {strides = array<i32>} : memref<400x64xf32, #tpu.memory_space<vmem>>, vector<16xf32>,
        tpu.vector_store %arg12[%swap3A_363, %swap3A_364], %mul3A_306 {strides = array<i32>} : memref<400x64xf32, #tpu.memory_space<vmem>>, vector<16xf32>,
        %swap3A_366 = arith.index_cast %add3A_274 : i32 to index
        %swap3A_367 = arith.constant 16 : index
        %swap3A_368 = tpu.vector_load %arg12[%swap3A_366, %swap3A_367] {strides = array<i32>} : memref<400x64xf32, #tpu.memory_space<vmem>>, vector<16xf32>,
        tpu.vector_store %arg12[%swap3A_366, %swap3A_367], %mul3A_310 {strides = array<i32>} : memref<400x64xf32, #tpu.memory_space<vmem>>, vector<16xf32>,
        %swap3A_369 = arith.index_cast %add3A_274 : i32 to index
        %swap3A_370 = arith.constant 32 : index
        %swap3A_371 = tpu.vector_load %arg12[%swap3A_369, %swap3A_370] {strides = array<i32>} : memref<400x64xf32, #tpu.memory_space<vmem>>, vector<16xf32>,
        tpu.vector_store %arg12[%swap3A_369, %swap3A_370], %mul3A_314 {strides = array<i32>} : memref<400x64xf32, #tpu.memory_space<vmem>>, vector<16xf32>,
        %swap3A_372 = arith.index_cast %add3A_274 : i32 to index
        %swap3A_373 = arith.constant 48 : index
        %swap3A_374 = tpu.vector_load %arg12[%swap3A_372, %swap3A_373] {strides = array<i32>} : memref<400x64xf32, #tpu.memory_space<vmem>>, vector<16xf32>,
        tpu.vector_store %arg12[%swap3A_372, %swap3A_373], %mul3A_318 {strides = array<i32>} : memref<400x64xf32, #tpu.memory_space<vmem>>, vector<16xf32>,
        %swap3A_375 = arith.index_cast %add3A_280 : i32 to index
        %swap3A_376 = arith.constant 0 : index
        %swap3A_377 = tpu.vector_load %arg12[%swap3A_375, %swap3A_376] {strides = array<i32>} : memref<400x64xf32, #tpu.memory_space<vmem>>, vector<16xf32>,
        tpu.vector_store %arg12[%swap3A_375, %swap3A_376], %mul3A_322 {strides = array<i32>} : memref<400x64xf32, #tpu.memory_space<vmem>>, vector<16xf32>,
        %swap3A_378 = arith.index_cast %add3A_280 : i32 to index
        %swap3A_379 = arith.constant 16 : index
        %swap3A_380 = tpu.vector_load %arg12[%swap3A_378, %swap3A_379] {strides = array<i32>} : memref<400x64xf32, #tpu.memory_space<vmem>>, vector<16xf32>,
        tpu.vector_store %arg12[%swap3A_378, %swap3A_379], %mul3A_326 {strides = array<i32>} : memref<400x64xf32, #tpu.memory_space<vmem>>, vector<16xf32>,
        %swap3A_381 = arith.index_cast %add3A_280 : i32 to index
        %swap3A_382 = arith.constant 32 : index
        %swap3A_383 = tpu.vector_load %arg12[%swap3A_381, %swap3A_382] {strides = array<i32>} : memref<400x64xf32, #tpu.memory_space<vmem>>, vector<16xf32>,
        tpu.vector_store %arg12[%swap3A_381, %swap3A_382], %mul3A_330 {strides = array<i32>} : memref<400x64xf32, #tpu.memory_space<vmem>>, vector<16xf32>,
        %swap3A_384 = arith.index_cast %add3A_280 : i32 to index
        %swap3A_385 = arith.constant 48 : index
        %swap3A_386 = tpu.vector_load %arg12[%swap3A_384, %swap3A_385] {strides = array<i32>} : memref<400x64xf32, #tpu.memory_space<vmem>>, vector<16xf32>,
        tpu.vector_store %arg12[%swap3A_384, %swap3A_385], %mul3A_334 {strides = array<i32>} : memref<400x64xf32, #tpu.memory_space<vmem>>, vector<16xf32>,
        %swap3A_387 = arith.index_cast %add3A_286 : i32 to index
        %swap3A_388 = arith.constant 0 : index
        %swap3A_389 = tpu.vector_load %arg12[%swap3A_387, %swap3A_388] {strides = array<i32>} : memref<400x64xf32, #tpu.memory_space<vmem>>, vector<16xf32>,
        tpu.vector_store %arg12[%swap3A_387, %swap3A_388], %mul3A_338 {strides = array<i32>} : memref<400x64xf32, #tpu.memory_space<vmem>>, vector<16xf32>,
        %swap3A_390 = arith.index_cast %add3A_286 : i32 to index
        %swap3A_391 = arith.constant 16 : index
        %swap3A_392 = tpu.vector_load %arg12[%swap3A_390, %swap3A_391] {strides = array<i32>} : memref<400x64xf32, #tpu.memory_space<vmem>>, vector<16xf32>,
        tpu.vector_store %arg12[%swap3A_390, %swap3A_391], %mul3A_342 {strides = array<i32>} : memref<400x64xf32, #tpu.memory_space<vmem>>, vector<16xf32>,
        %swap3A_393 = arith.index_cast %add3A_286 : i32 to index
        %swap3A_394 = arith.constant 32 : index
        %swap3A_395 = tpu.vector_load %arg12[%swap3A_393, %swap3A_394] {strides = array<i32>} : memref<400x64xf32, #tpu.memory_space<vmem>>, vector<16xf32>,
        tpu.vector_store %arg12[%swap3A_393, %swap3A_394], %mul3A_346 {strides = array<i32>} : memref<400x64xf32, #tpu.memory_space<vmem>>, vector<16xf32>,
        %swap3A_396 = arith.index_cast %add3A_286 : i32 to index
        %swap3A_397 = arith.constant 48 : index
        %swap3A_398 = tpu.vector_load %arg12[%swap3A_396, %swap3A_397] {strides = array<i32>} : memref<400x64xf32, #tpu.memory_space<vmem>>, vector<16xf32>,
        tpu.vector_store %arg12[%swap3A_396, %swap3A_397], %mul3A_350 {strides = array<i32>} : memref<400x64xf32, #tpu.memory_space<vmem>>, vector<16xf32>,
        %slice3A_399 = vector.extract_strided_slice %get3A_106 {offsets = [8], sizes = [1], strides = [1]} : vector<16xf32> to vector<1xf32>
        %squeeze3A_400 = vector.extract %slice3A_399[0] : f32 from vector<1xf32>
        %broadcast_in_dim3A_401 = vector.broadcast %squeeze3A_400 : f32 to vector<16xf32>
        %slice3A_402 = vector.extract_strided_slice %get3A_106 {offsets = [9], sizes = [1], strides = [1]} : vector<16xf32> to vector<1xf32>
        %squeeze3A_403 = vector.extract %slice3A_402[0] : f32 from vector<1xf32>
        %broadcast_in_dim3A_404 = vector.broadcast %squeeze3A_403 : f32 to vector<16xf32>
        %slice3A_405 = vector.extract_strided_slice %get3A_106 {offsets = [10], sizes = [1], strides = [1]} : vector<16xf32> to vector<1xf32>
        %squeeze3A_406 = vector.extract %slice3A_405[0] : f32 from vector<1xf32>
        %broadcast_in_dim3A_407 = vector.broadcast %squeeze3A_406 : f32 to vector<16xf32>
        %slice3A_408 = vector.extract_strided_slice %get3A_106 {offsets = [11], sizes = [1], strides = [1]} : vector<16xf32> to vector<1xf32>
        %squeeze3A_409 = vector.extract %slice3A_408[0] : f32 from vector<1xf32>
        %broadcast_in_dim3A_410 = vector.broadcast %squeeze3A_409 : f32 to vector<16xf32>
        %mul3A_411 = arith.constant 16 : i32
        %mul3A_412 = arith.muli %scan3A_102, %mul3A_411 : i32
        %add3A_413 = arith.constant 8 : i32
        %add3A_414 = arith.addi %mul3A_412, %add3A_413 : i32
        %add3A_415 = arith.constant 0 : i32
        %add3A_416 = arith.addi %add3A_414, %add3A_415 : i32
        %mul3A_417 = arith.constant 16 : i32
        %mul3A_418 = arith.muli %scan3A_102, %mul3A_417 : i32
        %add3A_419 = arith.constant 8 : i32
        %add3A_420 = arith.addi %mul3A_418, %add3A_419 : i32
        %add3A_421 = arith.constant 1 : i32
        %add3A_422 = arith.addi %add3A_420, %add3A_421 : i32
        %mul3A_423 = arith.constant 16 : i32
        %mul3A_424 = arith.muli %scan3A_102, %mul3A_423 : i32
        %add3A_425 = arith.constant 8 : i32
        %add3A_426 = arith.addi %mul3A_424, %add3A_425 : i32
        %add3A_427 = arith.constant 2 : i32
        %add3A_428 = arith.addi %add3A_426, %add3A_427 : i32
        %mul3A_429 = arith.constant 16 : i32
        %mul3A_430 = arith.muli %scan3A_102, %mul3A_429 : i32
        %add3A_431 = arith.constant 8 : i32
        %add3A_432 = arith.addi %mul3A_430, %add3A_431 : i32
        %add3A_433 = arith.constant 3 : i32
        %add3A_434 = arith.addi %add3A_432, %add3A_433 : i32
        %get3A_435 = arith.index_cast %add3A_416 : i32 to index
        %get3A_436 = arith.constant 0 : index
        %get3A_437 = tpu.vector_load %arg12[%get3A_435, %get3A_436] {strides = array<i32>} : memref<400x64xf32, #tpu.memory_space<vmem>>, vector<16xf32>,
        %mul3A_438 = arith.mulf %get3A_437, %broadcast_in_dim3A_401 : vector<16xf32>
        %get3A_439 = arith.index_cast %add3A_416 : i32 to index
        %get3A_440 = arith.constant 16 : index
        %get3A_441 = tpu.vector_load %arg12[%get3A_439, %get3A_440] {strides = array<i32>} : memref<400x64xf32, #tpu.memory_space<vmem>>, vector<16xf32>,
        %mul3A_442 = arith.mulf %get3A_441, %broadcast_in_dim3A_401 : vector<16xf32>
        %get3A_443 = arith.index_cast %add3A_416 : i32 to index
        %get3A_444 = arith.constant 32 : index
        %get3A_445 = tpu.vector_load %arg12[%get3A_443, %get3A_444] {strides = array<i32>} : memref<400x64xf32, #tpu.memory_space<vmem>>, vector<16xf32>,
        %mul3A_446 = arith.mulf %get3A_445, %broadcast_in_dim3A_401 : vector<16xf32>
        %get3A_447 = arith.index_cast %add3A_416 : i32 to index
        %get3A_448 = arith.constant 48 : index
        %get3A_449 = tpu.vector_load %arg12[%get3A_447, %get3A_448] {strides = array<i32>} : memref<400x64xf32, #tpu.memory_space<vmem>>, vector<16xf32>,
        %mul3A_450 = arith.mulf %get3A_449, %broadcast_in_dim3A_401 : vector<16xf32>
        %get3A_451 = arith.index_cast %add3A_422 : i32 to index
        %get3A_452 = arith.constant 0 : index
        %get3A_453 = tpu.vector_load %arg12[%get3A_451, %get3A_452] {strides = array<i32>} : memref<400x64xf32, #tpu.memory_space<vmem>>, vector<16xf32>,
        %mul3A_454 = arith.mulf %get3A_453, %broadcast_in_dim3A_404 : vector<16xf32>
        %get3A_455 = arith.index_cast %add3A_422 : i32 to index
        %get3A_456 = arith.constant 16 : index
        %get3A_457 = tpu.vector_load %arg12[%get3A_455, %get3A_456] {strides = array<i32>} : memref<400x64xf32, #tpu.memory_space<vmem>>, vector<16xf32>,
        %mul3A_458 = arith.mulf %get3A_457, %broadcast_in_dim3A_404 : vector<16xf32>
        %get3A_459 = arith.index_cast %add3A_422 : i32 to index
        %get3A_460 = arith.constant 32 : index
        %get3A_461 = tpu.vector_load %arg12[%get3A_459, %get3A_460] {strides = array<i32>} : memref<400x64xf32, #tpu.memory_space<vmem>>, vector<16xf32>,
        %mul3A_462 = arith.mulf %get3A_461, %broadcast_in_dim3A_404 : vector<16xf32>
        %get3A_463 = arith.index_cast %add3A_422 : i32 to index
        %get3A_464 = arith.constant 48 : index
        %get3A_465 = tpu.vector_load %arg12[%get3A_463, %get3A_464] {strides = array<i32>} : memref<400x64xf32, #tpu.memory_space<vmem>>, vector<16xf32>,
        %mul3A_466 = arith.mulf %get3A_465, %broadcast_in_dim3A_404 : vector<16xf32>
        %get3A_467 = arith.index_cast %add3A_428 : i32 to index
        %get3A_468 = arith.constant 0 : index
        %get3A_469 = tpu.vector_load %arg12[%get3A_467, %get3A_468] {strides = array<i32>} : memref<400x64xf32, #tpu.memory_space<vmem>>, vector<16xf32>,
        %mul3A_470 = arith.mulf %get3A_469, %broadcast_in_dim3A_407 : vector<16xf32>
        %get3A_471 = arith.index_cast %add3A_428 : i32 to index
        %get3A_472 = arith.constant 16 : index
        %get3A_473 = tpu.vector_load %arg12[%get3A_471, %get3A_472] {strides = array<i32>} : memref<400x64xf32, #tpu.memory_space<vmem>>, vector<16xf32>,
        %mul3A_474 = arith.mulf %get3A_473, %broadcast_in_dim3A_407 : vector<16xf32>
        %get3A_475 = arith.index_cast %add3A_428 : i32 to index
        %get3A_476 = arith.constant 32 : index
        %get3A_477 = tpu.vector_load %arg12[%get3A_475, %get3A_476] {strides = array<i32>} : memref<400x64xf32, #tpu.memory_space<vmem>>, vector<16xf32>,
        %mul3A_478 = arith.mulf %get3A_477, %broadcast_in_dim3A_407 : vector<16xf32>
        %get3A_479 = arith.index_cast %add3A_428 : i32 to index
        %get3A_480 = arith.constant 48 : index
        %get3A_481 = tpu.vector_load %arg12[%get3A_479, %get3A_480] {strides = array<i32>} : memref<400x64xf32, #tpu.memory_space<vmem>>, vector<16xf32>,
        %mul3A_482 = arith.mulf %get3A_481, %broadcast_in_dim3A_407 : vector<16xf32>
        %get3A_483 = arith.index_cast %add3A_434 : i32 to index
        %get3A_484 = arith.constant 0 : index
        %get3A_485 = tpu.vector_load %arg12[%get3A_483, %get3A_484] {strides = array<i32>} : memref<400x64xf32, #tpu.memory_space<vmem>>, vector<16xf32>,
        %mul3A_486 = arith.mulf %get3A_485, %broadcast_in_dim3A_410 : vector<16xf32>
        %get3A_487 = arith.index_cast %add3A_434 : i32 to index
        %get3A_488 = arith.constant 16 : index
        %get3A_489 = tpu.vector_load %arg12[%get3A_487, %get3A_488] {strides = array<i32>} : memref<400x64xf32, #tpu.memory_space<vmem>>, vector<16xf32>,
        %mul3A_490 = arith.mulf %get3A_489, %broadcast_in_dim3A_410 : vector<16xf32>
        %get3A_491 = arith.index_cast %add3A_434 : i32 to index
        %get3A_492 = arith.constant 32 : index
        %get3A_493 = tpu.vector_load %arg12[%get3A_491, %get3A_492] {strides = array<i32>} : memref<400x64xf32, #tpu.memory_space<vmem>>, vector<16xf32>,
        %mul3A_494 = arith.mulf %get3A_493, %broadcast_in_dim3A_410 : vector<16xf32>
        %get3A_495 = arith.index_cast %add3A_434 : i32 to index
        %get3A_496 = arith.constant 48 : index
        %get3A_497 = tpu.vector_load %arg12[%get3A_495, %get3A_496] {strides = array<i32>} : memref<400x64xf32, #tpu.memory_space<vmem>>, vector<16xf32>,
        %mul3A_498 = arith.mulf %get3A_497, %broadcast_in_dim3A_410 : vector<16xf32>
        %swap3A_499 = arith.index_cast %add3A_416 : i32 to index
        %swap3A_500 = arith.constant 0 : index
        %swap3A_501 = tpu.vector_load %arg12[%swap3A_499, %swap3A_500] {strides = array<i32>} : memref<400x64xf32, #tpu.memory_space<vmem>>, vector<16xf32>,
        tpu.vector_store %arg12[%swap3A_499, %swap3A_500], %mul3A_438 {strides = array<i32>} : memref<400x64xf32, #tpu.memory_space<vmem>>, vector<16xf32>,
        %swap3A_502 = arith.index_cast %add3A_416 : i32 to index
        %swap3A_503 = arith.constant 16 : index
        %swap3A_504 = tpu.vector_load %arg12[%swap3A_502, %swap3A_503] {strides = array<i32>} : memref<400x64xf32, #tpu.memory_space<vmem>>, vector<16xf32>,
        tpu.vector_store %arg12[%swap3A_502, %swap3A_503], %mul3A_442 {strides = array<i32>} : memref<400x64xf32, #tpu.memory_space<vmem>>, vector<16xf32>,
        %swap3A_505 = arith.index_cast %add3A_416 : i32 to index
        %swap3A_506 = arith.constant 32 : index
        %swap3A_507 = tpu.vector_load %arg12[%swap3A_505, %swap3A_506] {strides = array<i32>} : memref<400x64xf32, #tpu.memory_space<vmem>>, vector<16xf32>,
        tpu.vector_store %arg12[%swap3A_505, %swap3A_506], %mul3A_446 {strides = array<i32>} : memref<400x64xf32, #tpu.memory_space<vmem>>, vector<16xf32>,
        %swap3A_508 = arith.index_cast %add3A_416 : i32 to index
        %swap3A_509 = arith.constant 48 : index
        %swap3A_510 = tpu.vector_load %arg12[%swap3A_508, %swap3A_509] {strides = array<i32>} : memref<400x64xf32, #tpu.memory_space<vmem>>, vector<16xf32>,
        tpu.vector_store %arg12[%swap3A_508, %swap3A_509], %mul3A_450 {strides = array<i32>} : memref<400x64xf32, #tpu.memory_space<vmem>>, vector<16xf32>,
        %swap3A_511 = arith.index_cast %add3A_422 : i32 to index
        %swap3A_512 = arith.constant 0 : index
        %swap3A_513 = tpu.vector_load %arg12[%swap3A_511, %swap3A_512] {strides = array<i32>} : memref<400x64xf32, #tpu.memory_space<vmem>>, vector<16xf32>,
        tpu.vector_store %arg12[%swap3A_511, %swap3A_512], %mul3A_454 {strides = array<i32>} : memref<400x64xf32, #tpu.memory_space<vmem>>, vector<16xf32>,
        %swap3A_514 = arith.index_cast %add3A_422 : i32 to index
        %swap3A_515 = arith.constant 16 : index
        %swap3A_516 = tpu.vector_load %arg12[%swap3A_514, %swap3A_515] {strides = array<i32>} : memref<400x64xf32, #tpu.memory_space<vmem>>, vector<16xf32>,
        tpu.vector_store %arg12[%swap3A_514, %swap3A_515], %mul3A_458 {strides = array<i32>} : memref<400x64xf32, #tpu.memory_space<vmem>>, vector<16xf32>,
        %swap3A_517 = arith.index_cast %add3A_422 : i32 to index
        %swap3A_518 = arith.constant 32 : index
        %swap3A_519 = tpu.vector_load %arg12[%swap3A_517, %swap3A_518] {strides = array<i32>} : memref<400x64xf32, #tpu.memory_space<vmem>>, vector<16xf32>,
        tpu.vector_store %arg12[%swap3A_517, %swap3A_518], %mul3A_462 {strides = array<i32>} : memref<400x64xf32, #tpu.memory_space<vmem>>, vector<16xf32>,
        %swap3A_520 = arith.index_cast %add3A_422 : i32 to index
        %swap3A_521 = arith.constant 48 : index
        %swap3A_522 = tpu.vector_load %arg12[%swap3A_520, %swap3A_521] {strides = array<i32>} : memref<400x64xf32, #tpu.memory_space<vmem>>, vector<16xf32>,
        tpu.vector_store %arg12[%swap3A_520, %swap3A_521], %mul3A_466 {strides = array<i32>} : memref<400x64xf32, #tpu.memory_space<vmem>>, vector<16xf32>,
        %swap3A_523 = arith.index_cast %add3A_428 : i32 to index
        %swap3A_524 = arith.constant 0 : index
        %swap3A_525 = tpu.vector_load %arg12[%swap3A_523, %swap3A_524] {strides = array<i32>} : memref<400x64xf32, #tpu.memory_space<vmem>>, vector<16xf32>,
        tpu.vector_store %arg12[%swap3A_523, %swap3A_524], %mul3A_470 {strides = array<i32>} : memref<400x64xf32, #tpu.memory_space<vmem>>, vector<16xf32>,
        %swap3A_526 = arith.index_cast %add3A_428 : i32 to index
        %swap3A_527 = arith.constant 16 : index
        %swap3A_528 = tpu.vector_load %arg12[%swap3A_526, %swap3A_527] {strides = array<i32>} : memref<400x64xf32, #tpu.memory_space<vmem>>, vector<16xf32>,
        tpu.vector_store %arg12[%swap3A_526, %swap3A_527], %mul3A_474 {strides = array<i32>} : memref<400x64xf32, #tpu.memory_space<vmem>>, vector<16xf32>,
        %swap3A_529 = arith.index_cast %add3A_428 : i32 to index
        %swap3A_530 = arith.constant 32 : index
        %swap3A_531 = tpu.vector_load %arg12[%swap3A_529, %swap3A_530] {strides = array<i32>} : memref<400x64xf32, #tpu.memory_space<vmem>>, vector<16xf32>,
        tpu.vector_store %arg12[%swap3A_529, %swap3A_530], %mul3A_478 {strides = array<i32>} : memref<400x64xf32, #tpu.memory_space<vmem>>, vector<16xf32>,
        %swap3A_532 = arith.index_cast %add3A_428 : i32 to index
        %swap3A_533 = arith.constant 48 : index
        %swap3A_534 = tpu.vector_load %arg12[%swap3A_532, %swap3A_533] {strides = array<i32>} : memref<400x64xf32, #tpu.memory_space<vmem>>, vector<16xf32>,
        tpu.vector_store %arg12[%swap3A_532, %swap3A_533], %mul3A_482 {strides = array<i32>} : memref<400x64xf32, #tpu.memory_space<vmem>>, vector<16xf32>,
        %swap3A_535 = arith.index_cast %add3A_434 : i32 to index
        %swap3A_536 = arith.constant 0 : index
        %swap3A_537 = tpu.vector_load %arg12[%swap3A_535, %swap3A_536] {strides = array<i32>} : memref<400x64xf32, #tpu.memory_space<vmem>>, vector<16xf32>,
        tpu.vector_store %arg12[%swap3A_535, %swap3A_536], %mul3A_486 {strides = array<i32>} : memref<400x64xf32, #tpu.memory_space<vmem>>, vector<16xf32>,
        %swap3A_538 = arith.index_cast %add3A_434 : i32 to index
        %swap3A_539 = arith.constant 16 : index
        %swap3A_540 = tpu.vector_load %arg12[%swap3A_538, %swap3A_539] {strides = array<i32>} : memref<400x64xf32, #tpu.memory_space<vmem>>, vector<16xf32>,
        tpu.vector_store %arg12[%swap3A_538, %swap3A_539], %mul3A_490 {strides = array<i32>} : memref<400x64xf32, #tpu.memory_space<vmem>>, vector<16xf32>,
        %swap3A_541 = arith.index_cast %add3A_434 : i32 to index
        %swap3A_542 = arith.constant 32 : index
        %swap3A_543 = tpu.vector_load %arg12[%swap3A_541, %swap3A_542] {strides = array<i32>} : memref<400x64xf32, #tpu.memory_space<vmem>>, vector<16xf32>,
        tpu.vector_store %arg12[%swap3A_541, %swap3A_542], %mul3A_494 {strides = array<i32>} : memref<400x64xf32, #tpu.memory_space<vmem>>, vector<16xf32>,
        %swap3A_544 = arith.index_cast %add3A_434 : i32 to index
        %swap3A_545 = arith.constant 48 : index
        %swap3A_546 = tpu.vector_load %arg12[%swap3A_544, %swap3A_545] {strides = array<i32>} : memref<400x64xf32, #tpu.memory_space<vmem>>, vector<16xf32>,
        tpu.vector_store %arg12[%swap3A_544, %swap3A_545], %mul3A_498 {strides = array<i32>} : memref<400x64xf32, #tpu.memory_space<vmem>>, vector<16xf32>,
        %slice3A_547 = vector.extract_strided_slice %get3A_106 {offsets = [12], sizes = [1], strides = [1]} : vector<16xf32> to vector<1xf32>
        %squeeze3A_548 = vector.extract %slice3A_547[0] : f32 from vector<1xf32>
        %broadcast_in_dim3A_549 = vector.broadcast %squeeze3A_548 : f32 to vector<16xf32>
        %slice3A_550 = vector.extract_strided_slice %get3A_106 {offsets = [13], sizes = [1], strides = [1]} : vector<16xf32> to vector<1xf32>
        %squeeze3A_551 = vector.extract %slice3A_550[0] : f32 from vector<1xf32>
        %broadcast_in_dim3A_552 = vector.broadcast %squeeze3A_551 : f32 to vector<16xf32>
        %slice3A_553 = vector.extract_strided_slice %get3A_106 {offsets = [14], sizes = [1], strides = [1]} : vector<16xf32> to vector<1xf32>
        %squeeze3A_554 = vector.extract %slice3A_553[0] : f32 from vector<1xf32>
        %broadcast_in_dim3A_555 = vector.broadcast %squeeze3A_554 : f32 to vector<16xf32>
        %slice3A_556 = vector.extract_strided_slice %get3A_106 {offsets = [15], sizes = [1], strides = [1]} : vector<16xf32> to vector<1xf32>
        %squeeze3A_557 = vector.extract %slice3A_556[0] : f32 from vector<1xf32>
        %broadcast_in_dim3A_558 = vector.broadcast %squeeze3A_557 : f32 to vector<16xf32>
        %mul3A_559 = arith.constant 16 : i32
        %mul3A_560 = arith.muli %scan3A_102, %mul3A_559 : i32
        %add3A_561 = arith.constant 12 : i32
        %add3A_562 = arith.addi %mul3A_560, %add3A_561 : i32
        %add3A_563 = arith.constant 0 : i32
        %add3A_564 = arith.addi %add3A_562, %add3A_563 : i32
        %mul3A_565 = arith.constant 16 : i32
        %mul3A_566 = arith.muli %scan3A_102, %mul3A_565 : i32
        %add3A_567 = arith.constant 12 : i32
        %add3A_568 = arith.addi %mul3A_566, %add3A_567 : i32
        %add3A_569 = arith.constant 1 : i32
        %add3A_570 = arith.addi %add3A_568, %add3A_569 : i32
        %mul3A_571 = arith.constant 16 : i32
        %mul3A_572 = arith.muli %scan3A_102, %mul3A_571 : i32
        %add3A_573 = arith.constant 12 : i32
        %add3A_574 = arith.addi %mul3A_572, %add3A_573 : i32
        %add3A_575 = arith.constant 2 : i32
        %add3A_576 = arith.addi %add3A_574, %add3A_575 : i32
        %mul3A_577 = arith.constant 16 : i32
        %mul3A_578 = arith.muli %scan3A_102, %mul3A_577 : i32
        %add3A_579 = arith.constant 12 : i32
        %add3A_580 = arith.addi %mul3A_578, %add3A_579 : i32
        %add3A_581 = arith.constant 3 : i32
        %add3A_582 = arith.addi %add3A_580, %add3A_581 : i32
        %get3A_583 = arith.index_cast %add3A_564 : i32 to index
        %get3A_584 = arith.constant 0 : index
        %get3A_585 = tpu.vector_load %arg12[%get3A_583, %get3A_584] {strides = array<i32>} : memref<400x64xf32, #tpu.memory_space<vmem>>, vector<16xf32>,
        %mul3A_586 = arith.mulf %get3A_585, %broadcast_in_dim3A_549 : vector<16xf32>
        %get3A_587 = arith.index_cast %add3A_564 : i32 to index
        %get3A_588 = arith.constant 16 : index
        %get3A_589 = tpu.vector_load %arg12[%get3A_587, %get3A_588] {strides = array<i32>} : memref<400x64xf32, #tpu.memory_space<vmem>>, vector<16xf32>,
        %mul3A_590 = arith.mulf %get3A_589, %broadcast_in_dim3A_549 : vector<16xf32>
        %get3A_591 = arith.index_cast %add3A_564 : i32 to index
        %get3A_592 = arith.constant 32 : index
        %get3A_593 = tpu.vector_load %arg12[%get3A_591, %get3A_592] {strides = array<i32>} : memref<400x64xf32, #tpu.memory_space<vmem>>, vector<16xf32>,
        %mul3A_594 = arith.mulf %get3A_593, %broadcast_in_dim3A_549 : vector<16xf32>
        %get3A_595 = arith.index_cast %add3A_564 : i32 to index
        %get3A_596 = arith.constant 48 : index
        %get3A_597 = tpu.vector_load %arg12[%get3A_595, %get3A_596] {strides = array<i32>} : memref<400x64xf32, #tpu.memory_space<vmem>>, vector<16xf32>,
        %mul3A_598 = arith.mulf %get3A_597, %broadcast_in_dim3A_549 : vector<16xf32>
        %get3A_599 = arith.index_cast %add3A_570 : i32 to index
        %get3A_600 = arith.constant 0 : index
        %get3A_601 = tpu.vector_load %arg12[%get3A_599, %get3A_600] {strides = array<i32>} : memref<400x64xf32, #tpu.memory_space<vmem>>, vector<16xf32>,
        %mul3A_602 = arith.mulf %get3A_601, %broadcast_in_dim3A_552 : vector<16xf32>
        %get3A_603 = arith.index_cast %add3A_570 : i32 to index
        %get3A_604 = arith.constant 16 : index
        %get3A_605 = tpu.vector_load %arg12[%get3A_603, %get3A_604] {strides = array<i32>} : memref<400x64xf32, #tpu.memory_space<vmem>>, vector<16xf32>,
        %mul3A_606 = arith.mulf %get3A_605, %broadcast_in_dim3A_552 : vector<16xf32>
        %get3A_607 = arith.index_cast %add3A_570 : i32 to index
        %get3A_608 = arith.constant 32 : index
        %get3A_609 = tpu.vector_load %arg12[%get3A_607, %get3A_608] {strides = array<i32>} : memref<400x64xf32, #tpu.memory_space<vmem>>, vector<16xf32>,
        %mul3A_610 = arith.mulf %get3A_609, %broadcast_in_dim3A_552 : vector<16xf32>
        %get3A_611 = arith.index_cast %add3A_570 : i32 to index
        %get3A_612 = arith.constant 48 : index
        %get3A_613 = tpu.vector_load %arg12[%get3A_611, %get3A_612] {strides = array<i32>} : memref<400x64xf32, #tpu.memory_space<vmem>>, vector<16xf32>,
        %mul3A_614 = arith.mulf %get3A_613, %broadcast_in_dim3A_552 : vector<16xf32>
        %get3A_615 = arith.index_cast %add3A_576 : i32 to index
        %get3A_616 = arith.constant 0 : index
        %get3A_617 = tpu.vector_load %arg12[%get3A_615, %get3A_616] {strides = array<i32>} : memref<400x64xf32, #tpu.memory_space<vmem>>, vector<16xf32>,
        %mul3A_618 = arith.mulf %get3A_617, %broadcast_in_dim3A_555 : vector<16xf32>
        %get3A_619 = arith.index_cast %add3A_576 : i32 to index
        %get3A_620 = arith.constant 16 : index
        %get3A_621 = tpu.vector_load %arg12[%get3A_619, %get3A_620] {strides = array<i32>} : memref<400x64xf32, #tpu.memory_space<vmem>>, vector<16xf32>,
        %mul3A_622 = arith.mulf %get3A_621, %broadcast_in_dim3A_555 : vector<16xf32>
        %get3A_623 = arith.index_cast %add3A_576 : i32 to index
        %get3A_624 = arith.constant 32 : index
        %get3A_625 = tpu.vector_load %arg12[%get3A_623, %get3A_624] {strides = array<i32>} : memref<400x64xf32, #tpu.memory_space<vmem>>, vector<16xf32>,
        %mul3A_626 = arith.mulf %get3A_625, %broadcast_in_dim3A_555 : vector<16xf32>
        %get3A_627 = arith.index_cast %add3A_576 : i32 to index
        %get3A_628 = arith.constant 48 : index
        %get3A_629 = tpu.vector_load %arg12[%get3A_627, %get3A_628] {strides = array<i32>} : memref<400x64xf32, #tpu.memory_space<vmem>>, vector<16xf32>,
        %mul3A_630 = arith.mulf %get3A_629, %broadcast_in_dim3A_555 : vector<16xf32>
        %get3A_631 = arith.index_cast %add3A_582 : i32 to index
        %get3A_632 = arith.constant 0 : index
        %get3A_633 = tpu.vector_load %arg12[%get3A_631, %get3A_632] {strides = array<i32>} : memref<400x64xf32, #tpu.memory_space<vmem>>, vector<16xf32>,
        %mul3A_634 = arith.mulf %get3A_633, %broadcast_in_dim3A_558 : vector<16xf32>
        %get3A_635 = arith.index_cast %add3A_582 : i32 to index
        %get3A_636 = arith.constant 16 : index
        %get3A_637 = tpu.vector_load %arg12[%get3A_635, %get3A_636] {strides = array<i32>} : memref<400x64xf32, #tpu.memory_space<vmem>>, vector<16xf32>,
        %mul3A_638 = arith.mulf %get3A_637, %broadcast_in_dim3A_558 : vector<16xf32>
        %get3A_639 = arith.index_cast %add3A_582 : i32 to index
        %get3A_640 = arith.constant 32 : index
        %get3A_641 = tpu.vector_load %arg12[%get3A_639, %get3A_640] {strides = array<i32>} : memref<400x64xf32, #tpu.memory_space<vmem>>, vector<16xf32>,
        %mul3A_642 = arith.mulf %get3A_641, %broadcast_in_dim3A_558 : vector<16xf32>
        %get3A_643 = arith.index_cast %add3A_582 : i32 to index
        %get3A_644 = arith.constant 48 : index
        %get3A_645 = tpu.vector_load %arg12[%get3A_643, %get3A_644] {strides = array<i32>} : memref<400x64xf32, #tpu.memory_space<vmem>>, vector<16xf32>,
        %mul3A_646 = arith.mulf %get3A_645, %broadcast_in_dim3A_558 : vector<16xf32>
        %swap3A_647 = arith.index_cast %add3A_564 : i32 to index
        %swap3A_648 = arith.constant 0 : index
        %swap3A_649 = tpu.vector_load %arg12[%swap3A_647, %swap3A_648] {strides = array<i32>} : memref<400x64xf32, #tpu.memory_space<vmem>>, vector<16xf32>,
        tpu.vector_store %arg12[%swap3A_647, %swap3A_648], %mul3A_586 {strides = array<i32>} : memref<400x64xf32, #tpu.memory_space<vmem>>, vector<16xf32>,
        %swap3A_650 = arith.index_cast %add3A_564 : i32 to index
        %swap3A_651 = arith.constant 16 : index
        %swap3A_652 = tpu.vector_load %arg12[%swap3A_650, %swap3A_651] {strides = array<i32>} : memref<400x64xf32, #tpu.memory_space<vmem>>, vector<16xf32>,
        tpu.vector_store %arg12[%swap3A_650, %swap3A_651], %mul3A_590 {strides = array<i32>} : memref<400x64xf32, #tpu.memory_space<vmem>>, vector<16xf32>,
        %swap3A_653 = arith.index_cast %add3A_564 : i32 to index
        %swap3A_654 = arith.constant 32 : index
        %swap3A_655 = tpu.vector_load %arg12[%swap3A_653, %swap3A_654] {strides = array<i32>} : memref<400x64xf32, #tpu.memory_space<vmem>>, vector<16xf32>,
        tpu.vector_store %arg12[%swap3A_653, %swap3A_654], %mul3A_594 {strides = array<i32>} : memref<400x64xf32, #tpu.memory_space<vmem>>, vector<16xf32>,
        %swap3A_656 = arith.index_cast %add3A_564 : i32 to index
        %swap3A_657 = arith.constant 48 : index
        %swap3A_658 = tpu.vector_load %arg12[%swap3A_656, %swap3A_657] {strides = array<i32>} : memref<400x64xf32, #tpu.memory_space<vmem>>, vector<16xf32>,
        tpu.vector_store %arg12[%swap3A_656, %swap3A_657], %mul3A_598 {strides = array<i32>} : memref<400x64xf32, #tpu.memory_space<vmem>>, vector<16xf32>,
        %swap3A_659 = arith.index_cast %add3A_570 : i32 to index
        %swap3A_660 = arith.constant 0 : index
        %swap3A_661 = tpu.vector_load %arg12[%swap3A_659, %swap3A_660] {strides = array<i32>} : memref<400x64xf32, #tpu.memory_space<vmem>>, vector<16xf32>,
        tpu.vector_store %arg12[%swap3A_659, %swap3A_660], %mul3A_602 {strides = array<i32>} : memref<400x64xf32, #tpu.memory_space<vmem>>, vector<16xf32>,
        %swap3A_662 = arith.index_cast %add3A_570 : i32 to index
        %swap3A_663 = arith.constant 16 : index
        %swap3A_664 = tpu.vector_load %arg12[%swap3A_662, %swap3A_663] {strides = array<i32>} : memref<400x64xf32, #tpu.memory_space<vmem>>, vector<16xf32>,
        tpu.vector_store %arg12[%swap3A_662, %swap3A_663], %mul3A_606 {strides = array<i32>} : memref<400x64xf32, #tpu.memory_space<vmem>>, vector<16xf32>,
        %swap3A_665 = arith.index_cast %add3A_570 : i32 to index
        %swap3A_666 = arith.constant 32 : index
        %swap3A_667 = tpu.vector_load %arg12[%swap3A_665, %swap3A_666] {strides = array<i32>} : memref<400x64xf32, #tpu.memory_space<vmem>>, vector<16xf32>,
        tpu.vector_store %arg12[%swap3A_665, %swap3A_666], %mul3A_610 {strides = array<i32>} : memref<400x64xf32, #tpu.memory_space<vmem>>, vector<16xf32>,
        %swap3A_668 = arith.index_cast %add3A_570 : i32 to index
        %swap3A_669 = arith.constant 48 : index
        %swap3A_670 = tpu.vector_load %arg12[%swap3A_668, %swap3A_669] {strides = array<i32>} : memref<400x64xf32, #tpu.memory_space<vmem>>, vector<16xf32>,
        tpu.vector_store %arg12[%swap3A_668, %swap3A_669], %mul3A_614 {strides = array<i32>} : memref<400x64xf32, #tpu.memory_space<vmem>>, vector<16xf32>,
        %swap3A_671 = arith.index_cast %add3A_576 : i32 to index
        %swap3A_672 = arith.constant 0 : index
        %swap3A_673 = tpu.vector_load %arg12[%swap3A_671, %swap3A_672] {strides = array<i32>} : memref<400x64xf32, #tpu.memory_space<vmem>>, vector<16xf32>,
        tpu.vector_store %arg12[%swap3A_671, %swap3A_672], %mul3A_618 {strides = array<i32>} : memref<400x64xf32, #tpu.memory_space<vmem>>, vector<16xf32>,
        %swap3A_674 = arith.index_cast %add3A_576 : i32 to index
        %swap3A_675 = arith.constant 16 : index
        %swap3A_676 = tpu.vector_load %arg12[%swap3A_674, %swap3A_675] {strides = array<i32>} : memref<400x64xf32, #tpu.memory_space<vmem>>, vector<16xf32>,
        tpu.vector_store %arg12[%swap3A_674, %swap3A_675], %mul3A_622 {strides = array<i32>} : memref<400x64xf32, #tpu.memory_space<vmem>>, vector<16xf32>,
        %swap3A_677 = arith.index_cast %add3A_576 : i32 to index
        %swap3A_678 = arith.constant 32 : index
        %swap3A_679 = tpu.vector_load %arg12[%swap3A_677, %swap3A_678] {strides = array<i32>} : memref<400x64xf32, #tpu.memory_space<vmem>>, vector<16xf32>,
        tpu.vector_store %arg12[%swap3A_677, %swap3A_678], %mul3A_626 {strides = array<i32>} : memref<400x64xf32, #tpu.memory_space<vmem>>, vector<16xf32>,
        %swap3A_680 = arith.index_cast %add3A_576 : i32 to index
        %swap3A_681 = arith.constant 48 : index
        %swap3A_682 = tpu.vector_load %arg12[%swap3A_680, %swap3A_681] {strides = array<i32>} : memref<400x64xf32, #tpu.memory_space<vmem>>, vector<16xf32>,
        tpu.vector_store %arg12[%swap3A_680, %swap3A_681], %mul3A_630 {strides = array<i32>} : memref<400x64xf32, #tpu.memory_space<vmem>>, vector<16xf32>,
        %swap3A_683 = arith.index_cast %add3A_582 : i32 to index
        %swap3A_684 = arith.constant 0 : index
        %swap3A_685 = tpu.vector_load %arg12[%swap3A_683, %swap3A_684] {strides = array<i32>} : memref<400x64xf32, #tpu.memory_space<vmem>>, vector<16xf32>,
        tpu.vector_store %arg12[%swap3A_683, %swap3A_684], %mul3A_634 {strides = array<i32>} : memref<400x64xf32, #tpu.memory_space<vmem>>, vector<16xf32>,
        %swap3A_686 = arith.index_cast %add3A_582 : i32 to index
        %swap3A_687 = arith.constant 16 : index
        %swap3A_688 = tpu.vector_load %arg12[%swap3A_686, %swap3A_687] {strides = array<i32>} : memref<400x64xf32, #tpu.memory_space<vmem>>, vector<16xf32>,
        tpu.vector_store %arg12[%swap3A_686, %swap3A_687], %mul3A_638 {strides = array<i32>} : memref<400x64xf32, #tpu.memory_space<vmem>>, vector<16xf32>,
        %swap3A_689 = arith.index_cast %add3A_582 : i32 to index
        %swap3A_690 = arith.constant 32 : index
        %swap3A_691 = tpu.vector_load %arg12[%swap3A_689, %swap3A_690] {strides = array<i32>} : memref<400x64xf32, #tpu.memory_space<vmem>>, vector<16xf32>,
        tpu.vector_store %arg12[%swap3A_689, %swap3A_690], %mul3A_642 {strides = array<i32>} : memref<400x64xf32, #tpu.memory_space<vmem>>, vector<16xf32>,
        %swap3A_692 = arith.index_cast %add3A_582 : i32 to index
        %swap3A_693 = arith.constant 48 : index
        %swap3A_694 = tpu.vector_load %arg12[%swap3A_692, %swap3A_693] {strides = array<i32>} : memref<400x64xf32, #tpu.memory_space<vmem>>, vector<16xf32>,
        tpu.vector_store %arg12[%swap3A_692, %swap3A_693], %mul3A_646 {strides = array<i32>} : memref<400x64xf32, #tpu.memory_space<vmem>>, vector<16xf32>,
      }
      %scan3A_101 = arith.constant 25 : i32
      "tpu.region"() ({
        %run_scoped3A_102 = tpu.sem_alloc : memref<!tpu.dma_semaphore, #tpu.memory_space<semaphore_mem>>
        %dma_start3A_103 = arith.constant 0 : i32
        %dma_start3A_104 = tpu.memref_slice %arg9[%add3A_95, %dma_start3A_103] : memref<25x400xi32, #tpu.memory_space<vmem>> -> memref<1x400xi32, #tpu.memory_space<vmem>>
        %dma_start3A_105 = tpu.memref_squeeze %dma_start3A_104 : memref<1x400xi32, #tpu.memory_space<vmem>> -> memref<400xi32, #tpu.memory_space<vmem>>
        %dma_start3A_106 = arith.constant 0 : i32
        %dma_start3A_107 = arith.constant 0 : i32
        %dma_start3A_108 = tpu.memref_slice %arg13[%dma_start3A_106, %dma_start3A_107] : memref<10240x64xf32, #tpu.memory_space<vmem_shared>> -> memref<10240x64xf32, #tpu.memory_space<vmem_shared>>
        tpu.enqueue_indirect_dma source(%arg12 : memref<400x64xf32, #tpu.memory_space<vmem>>) target(%dma_start3A_108 : memref<10240x64xf32, #tpu.memory_space<vmem_shared>>) offsets(%dma_start3A_105 : memref<400xi32, #tpu.memory_space<vmem>>) semaphore(%run_scoped3A_102 : memref<!tpu.dma_semaphore, #tpu.memory_space<semaphore_mem>>) {add = true}
        %dma_wait3A_109 = arith.constant 0 : i32
        %dma_wait3A_110 = tpu.memref_slice %arg9[%add3A_95, %dma_wait3A_109] : memref<25x400xi32, #tpu.memory_space<vmem>> -> memref<1x400xi32, #tpu.memory_space<vmem>>
        %dma_wait3A_111 = tpu.memref_squeeze %dma_wait3A_110 : memref<1x400xi32, #tpu.memory_space<vmem>> -> memref<400xi32, #tpu.memory_space<vmem>>
        %dma_wait3A_112 = arith.constant 0 : i32
        %dma_wait3A_113 = arith.constant 0 : i32
        %dma_wait3A_114 = tpu.memref_slice %arg13[%dma_wait3A_112, %dma_wait3A_113] : memref<10240x64xf32, #tpu.memory_space<vmem_shared>> -> memref<10240x64xf32, #tpu.memory_space<vmem_shared>>
        tpu.wait_indirect_dma semaphore(%run_scoped3A_102 : memref<!tpu.dma_semaphore, #tpu.memory_space<semaphore_mem>>) src(%arg12 : memref<400x64xf32, #tpu.memory_space<vmem>>) dst(%dma_wait3A_114 : memref<10240x64xf32, #tpu.memory_space<vmem_shared>>)
        tpu.yield
      }) : () -> ()
    }
    %scan3A_40 = arith.constant 12 : i32
    %dma_wait3A_41 = arith.constant 0 : i32
    %dma_wait3A_42 = arith.constant 0 : i32
    %dma_wait3A_43 = tpu.memref_slice %arg8[%dma_wait3A_41, %dma_wait3A_42] : memref<25x400xi32, #tpu.memory_space<vmem>> -> memref<1x400xi32, #tpu.memory_space<vmem>>
    %dma_wait3A_44 = tpu.memref_squeeze %dma_wait3A_43 : memref<1x400xi32, #tpu.memory_space<vmem>> -> memref<400xi32, #tpu.memory_space<vmem>>
    %dma_wait3A_45 = arith.constant 0 : i32
    %dma_wait3A_46 = arith.constant 0 : i32
    %dma_wait3A_47 = tpu.memref_slice %arg2[%dma_wait3A_45, %dma_wait3A_46] : memref<10000x64xf32, #tpu.memory_space<hbm>> -> memref<10000x64xf32, #tpu.memory_space<hbm>>
    tpu.wait_indirect_dma semaphore(%arg15 : memref<!tpu.dma_semaphore, #tpu.memory_space<semaphore_mem>>) src(%dma_wait3A_47 : memref<10000x64xf32, #tpu.memory_space<hbm>>) dst(%arg11 : memref<400x64xf32, #tpu.memory_space<vmem>>)
    %scan3A_48 = arith.constant 0 : i32
    %scan3A_49 = arith.constant 0 : i32
    %scan3A_50 = arith.constant 25 : i32
    %scan3A_51 = arith.addi %scan3A_49, %scan3A_50 : i32
    %scan3A_52 = arith.constant 1 : i32
    scf.for %scan3A_59 = %scan3A_49 to %scan3A_51 step %scan3A_52  : i32 {
      %mul3A_60 = arith.constant 16 : i32
      %mul3A_61 = arith.muli %scan3A_59, %mul3A_60 : i32
      %get3A = arith.constant 24 : i32
      %get3A_62 = arith.index_cast %get3A : i32 to index
      %get3A_63 = arith.index_cast %mul3A_61 : i32 to index
      %get3A_64 = tpu.vector_load %arg10[%get3A_62, %get3A_63] {strides = array<i32>} : memref<25x400xf32, #tpu.memory_space<vmem>>, vector<16xf32>,
      %slice3A = vector.extract_strided_slice %get3A_64 {offsets = [0], sizes = [1], strides = [1]} : vector<16xf32> to vector<1xf32>
      %squeeze3A = vector.extract %slice3A[0] : f32 from vector<1xf32>
      %broadcast_in_dim3A = vector.broadcast %squeeze3A : f32 to vector<16xf32>
      %slice3A_65 = vector.extract_strided_slice %get3A_64 {offsets = [1], sizes = [1], strides = [1]} : vector<16xf32> to vector<1xf32>
      %squeeze3A_66 = vector.extract %slice3A_65[0] : f32 from vector<1xf32>
      %broadcast_in_dim3A_67 = vector.broadcast %squeeze3A_66 : f32 to vector<16xf32>
      %slice3A_68 = vector.extract_strided_slice %get3A_64 {offsets = [2], sizes = [1], strides = [1]} : vector<16xf32> to vector<1xf32>
      %squeeze3A_69 = vector.extract %slice3A_68[0] : f32 from vector<1xf32>
      %broadcast_in_dim3A_70 = vector.broadcast %squeeze3A_69 : f32 to vector<16xf32>
      %slice3A_71 = vector.extract_strided_slice %get3A_64 {offsets = [3], sizes = [1], strides = [1]} : vector<16xf32> to vector<1xf32>
      %squeeze3A_72 = vector.extract %slice3A_71[0] : f32 from vector<1xf32>
      %broadcast_in_dim3A_73 = vector.broadcast %squeeze3A_72 : f32 to vector<16xf32>
      %mul3A_74 = arith.constant 16 : i32
      %mul3A_75 = arith.muli %scan3A_59, %mul3A_74 : i32
      %add3A_76 = arith.constant 0 : i32
      %add3A_77 = arith.addi %mul3A_75, %add3A_76 : i32
      %add3A_78 = arith.constant 0 : i32
      %add3A_79 = arith.addi %add3A_77, %add3A_78 : i32
      %mul3A_80 = arith.constant 16 : i32
      %mul3A_81 = arith.muli %scan3A_59, %mul3A_80 : i32
      %add3A_82 = arith.constant 0 : i32
      %add3A_83 = arith.addi %mul3A_81, %add3A_82 : i32
      %add3A_84 = arith.constant 1 : i32
      %add3A_85 = arith.addi %add3A_83, %add3A_84 : i32
      %mul3A_86 = arith.constant 16 : i32
      %mul3A_87 = arith.muli %scan3A_59, %mul3A_86 : i32
      %add3A_88 = arith.constant 0 : i32
      %add3A_89 = arith.addi %mul3A_87, %add3A_88 : i32
      %add3A_90 = arith.constant 2 : i32
      %add3A_91 = arith.addi %add3A_89, %add3A_90 : i32
      %mul3A_92 = arith.constant 16 : i32
      %mul3A_93 = arith.muli %scan3A_59, %mul3A_92 : i32
      %add3A_94 = arith.constant 0 : i32
      %add3A_95 = arith.addi %mul3A_93, %add3A_94 : i32
      %add3A_96 = arith.constant 3 : i32
      %add3A_97 = arith.addi %add3A_95, %add3A_96 : i32
      %get3A_98 = arith.index_cast %add3A_79 : i32 to index
      %get3A_99 = arith.constant 0 : index
      %get3A_100 = tpu.vector_load %arg11[%get3A_98, %get3A_99] {strides = array<i32>} : memref<400x64xf32, #tpu.memory_space<vmem>>, vector<16xf32>,
      %mul3A_101 = arith.mulf %get3A_100, %broadcast_in_dim3A : vector<16xf32>
      %get3A_102 = arith.index_cast %add3A_79 : i32 to index
      %get3A_103 = arith.constant 16 : index
      %get3A_104 = tpu.vector_load %arg11[%get3A_102, %get3A_103] {strides = array<i32>} : memref<400x64xf32, #tpu.memory_space<vmem>>, vector<16xf32>,
      %mul3A_105 = arith.mulf %get3A_104, %broadcast_in_dim3A : vector<16xf32>
      %get3A_106 = arith.index_cast %add3A_79 : i32 to index
      %get3A_107 = arith.constant 32 : index
      %get3A_108 = tpu.vector_load %arg11[%get3A_106, %get3A_107] {strides = array<i32>} : memref<400x64xf32, #tpu.memory_space<vmem>>, vector<16xf32>,
      %mul3A_109 = arith.mulf %get3A_108, %broadcast_in_dim3A : vector<16xf32>
      %get3A_110 = arith.index_cast %add3A_79 : i32 to index
      %get3A_111 = arith.constant 48 : index
      %get3A_112 = tpu.vector_load %arg11[%get3A_110, %get3A_111] {strides = array<i32>} : memref<400x64xf32, #tpu.memory_space<vmem>>, vector<16xf32>,
      %mul3A_113 = arith.mulf %get3A_112, %broadcast_in_dim3A : vector<16xf32>
      %get3A_114 = arith.index_cast %add3A_85 : i32 to index
      %get3A_115 = arith.constant 0 : index
      %get3A_116 = tpu.vector_load %arg11[%get3A_114, %get3A_115] {strides = array<i32>} : memref<400x64xf32, #tpu.memory_space<vmem>>, vector<16xf32>,
      %mul3A_117 = arith.mulf %get3A_116, %broadcast_in_dim3A_67 : vector<16xf32>
      %get3A_118 = arith.index_cast %add3A_85 : i32 to index
      %get3A_119 = arith.constant 16 : index
      %get3A_120 = tpu.vector_load %arg11[%get3A_118, %get3A_119] {strides = array<i32>} : memref<400x64xf32, #tpu.memory_space<vmem>>, vector<16xf32>,
      %mul3A_121 = arith.mulf %get3A_120, %broadcast_in_dim3A_67 : vector<16xf32>
      %get3A_122 = arith.index_cast %add3A_85 : i32 to index
      %get3A_123 = arith.constant 32 : index
      %get3A_124 = tpu.vector_load %arg11[%get3A_122, %get3A_123] {strides = array<i32>} : memref<400x64xf32, #tpu.memory_space<vmem>>, vector<16xf32>,
      %mul3A_125 = arith.mulf %get3A_124, %broadcast_in_dim3A_67 : vector<16xf32>
      %get3A_126 = arith.index_cast %add3A_85 : i32 to index
      %get3A_127 = arith.constant 48 : index
      %get3A_128 = tpu.vector_load %arg11[%get3A_126, %get3A_127] {strides = array<i32>} : memref<400x64xf32, #tpu.memory_space<vmem>>, vector<16xf32>,
      %mul3A_129 = arith.mulf %get3A_128, %broadcast_in_dim3A_67 : vector<16xf32>
      %get3A_130 = arith.index_cast %add3A_91 : i32 to index
      %get3A_131 = arith.constant 0 : index
      %get3A_132 = tpu.vector_load %arg11[%get3A_130, %get3A_131] {strides = array<i32>} : memref<400x64xf32, #tpu.memory_space<vmem>>, vector<16xf32>,
      %mul3A_133 = arith.mulf %get3A_132, %broadcast_in_dim3A_70 : vector<16xf32>
      %get3A_134 = arith.index_cast %add3A_91 : i32 to index
      %get3A_135 = arith.constant 16 : index
      %get3A_136 = tpu.vector_load %arg11[%get3A_134, %get3A_135] {strides = array<i32>} : memref<400x64xf32, #tpu.memory_space<vmem>>, vector<16xf32>,
      %mul3A_137 = arith.mulf %get3A_136, %broadcast_in_dim3A_70 : vector<16xf32>
      %get3A_138 = arith.index_cast %add3A_91 : i32 to index
      %get3A_139 = arith.constant 32 : index
      %get3A_140 = tpu.vector_load %arg11[%get3A_138, %get3A_139] {strides = array<i32>} : memref<400x64xf32, #tpu.memory_space<vmem>>, vector<16xf32>,
      %mul3A_141 = arith.mulf %get3A_140, %broadcast_in_dim3A_70 : vector<16xf32>
      %get3A_142 = arith.index_cast %add3A_91 : i32 to index
      %get3A_143 = arith.constant 48 : index
      %get3A_144 = tpu.vector_load %arg11[%get3A_142, %get3A_143] {strides = array<i32>} : memref<400x64xf32, #tpu.memory_space<vmem>>, vector<16xf32>,
      %mul3A_145 = arith.mulf %get3A_144, %broadcast_in_dim3A_70 : vector<16xf32>
      %get3A_146 = arith.index_cast %add3A_97 : i32 to index
      %get3A_147 = arith.constant 0 : index
      %get3A_148 = tpu.vector_load %arg11[%get3A_146, %get3A_147] {strides = array<i32>} : memref<400x64xf32, #tpu.memory_space<vmem>>, vector<16xf32>,
      %mul3A_149 = arith.mulf %get3A_148, %broadcast_in_dim3A_73 : vector<16xf32>
      %get3A_150 = arith.index_cast %add3A_97 : i32 to index
      %get3A_151 = arith.constant 16 : index
      %get3A_152 = tpu.vector_load %arg11[%get3A_150, %get3A_151] {strides = array<i32>} : memref<400x64xf32, #tpu.memory_space<vmem>>, vector<16xf32>,
      %mul3A_153 = arith.mulf %get3A_152, %broadcast_in_dim3A_73 : vector<16xf32>
      %get3A_154 = arith.index_cast %add3A_97 : i32 to index
      %get3A_155 = arith.constant 32 : index
      %get3A_156 = tpu.vector_load %arg11[%get3A_154, %get3A_155] {strides = array<i32>} : memref<400x64xf32, #tpu.memory_space<vmem>>, vector<16xf32>,
      %mul3A_157 = arith.mulf %get3A_156, %broadcast_in_dim3A_73 : vector<16xf32>
      %get3A_158 = arith.index_cast %add3A_97 : i32 to index
      %get3A_159 = arith.constant 48 : index
      %get3A_160 = tpu.vector_load %arg11[%get3A_158, %get3A_159] {strides = array<i32>} : memref<400x64xf32, #tpu.memory_space<vmem>>, vector<16xf32>,
      %mul3A_161 = arith.mulf %get3A_160, %broadcast_in_dim3A_73 : vector<16xf32>
      %swap3A = arith.index_cast %add3A_79 : i32 to index
      %swap3A_162 = arith.constant 0 : index
      %swap3A_163 = tpu.vector_load %arg11[%swap3A, %swap3A_162] {strides = array<i32>} : memref<400x64xf32, #tpu.memory_space<vmem>>, vector<16xf32>,
      tpu.vector_store %arg11[%swap3A, %swap3A_162], %mul3A_101 {strides = array<i32>} : memref<400x64xf32, #tpu.memory_space<vmem>>, vector<16xf32>,
      %swap3A_164 = arith.index_cast %add3A_79 : i32 to index
      %swap3A_165 = arith.constant 16 : index
      %swap3A_166 = tpu.vector_load %arg11[%swap3A_164, %swap3A_165] {strides = array<i32>} : memref<400x64xf32, #tpu.memory_space<vmem>>, vector<16xf32>,
      tpu.vector_store %arg11[%swap3A_164, %swap3A_165], %mul3A_105 {strides = array<i32>} : memref<400x64xf32, #tpu.memory_space<vmem>>, vector<16xf32>,
      %swap3A_167 = arith.index_cast %add3A_79 : i32 to index
      %swap3A_168 = arith.constant 32 : index
      %swap3A_169 = tpu.vector_load %arg11[%swap3A_167, %swap3A_168] {strides = array<i32>} : memref<400x64xf32, #tpu.memory_space<vmem>>, vector<16xf32>,
      tpu.vector_store %arg11[%swap3A_167, %swap3A_168], %mul3A_109 {strides = array<i32>} : memref<400x64xf32, #tpu.memory_space<vmem>>, vector<16xf32>,
      %swap3A_170 = arith.index_cast %add3A_79 : i32 to index
      %swap3A_171 = arith.constant 48 : index
      %swap3A_172 = tpu.vector_load %arg11[%swap3A_170, %swap3A_171] {strides = array<i32>} : memref<400x64xf32, #tpu.memory_space<vmem>>, vector<16xf32>,
      tpu.vector_store %arg11[%swap3A_170, %swap3A_171], %mul3A_113 {strides = array<i32>} : memref<400x64xf32, #tpu.memory_space<vmem>>, vector<16xf32>,
      %swap3A_173 = arith.index_cast %add3A_85 : i32 to index
      %swap3A_174 = arith.constant 0 : index
      %swap3A_175 = tpu.vector_load %arg11[%swap3A_173, %swap3A_174] {strides = array<i32>} : memref<400x64xf32, #tpu.memory_space<vmem>>, vector<16xf32>,
      tpu.vector_store %arg11[%swap3A_173, %swap3A_174], %mul3A_117 {strides = array<i32>} : memref<400x64xf32, #tpu.memory_space<vmem>>, vector<16xf32>,
      %swap3A_176 = arith.index_cast %add3A_85 : i32 to index
      %swap3A_177 = arith.constant 16 : index
      %swap3A_178 = tpu.vector_load %arg11[%swap3A_176, %swap3A_177] {strides = array<i32>} : memref<400x64xf32, #tpu.memory_space<vmem>>, vector<16xf32>,
      tpu.vector_store %arg11[%swap3A_176, %swap3A_177], %mul3A_121 {strides = array<i32>} : memref<400x64xf32, #tpu.memory_space<vmem>>, vector<16xf32>,
      %swap3A_179 = arith.index_cast %add3A_85 : i32 to index
      %swap3A_180 = arith.constant 32 : index
      %swap3A_181 = tpu.vector_load %arg11[%swap3A_179, %swap3A_180] {strides = array<i32>} : memref<400x64xf32, #tpu.memory_space<vmem>>, vector<16xf32>,
      tpu.vector_store %arg11[%swap3A_179, %swap3A_180], %mul3A_125 {strides = array<i32>} : memref<400x64xf32, #tpu.memory_space<vmem>>, vector<16xf32>,
      %swap3A_182 = arith.index_cast %add3A_85 : i32 to index
      %swap3A_183 = arith.constant 48 : index
      %swap3A_184 = tpu.vector_load %arg11[%swap3A_182, %swap3A_183] {strides = array<i32>} : memref<400x64xf32, #tpu.memory_space<vmem>>, vector<16xf32>,
      tpu.vector_store %arg11[%swap3A_182, %swap3A_183], %mul3A_129 {strides = array<i32>} : memref<400x64xf32, #tpu.memory_space<vmem>>, vector<16xf32>,
      %swap3A_185 = arith.index_cast %add3A_91 : i32 to index
      %swap3A_186 = arith.constant 0 : index
      %swap3A_187 = tpu.vector_load %arg11[%swap3A_185, %swap3A_186] {strides = array<i32>} : memref<400x64xf32, #tpu.memory_space<vmem>>, vector<16xf32>,
      tpu.vector_store %arg11[%swap3A_185, %swap3A_186], %mul3A_133 {strides = array<i32>} : memref<400x64xf32, #tpu.memory_space<vmem>>, vector<16xf32>,
      %swap3A_188 = arith.index_cast %add3A_91 : i32 to index
      %swap3A_189 = arith.constant 16 : index
      %swap3A_190 = tpu.vector_load %arg11[%swap3A_188, %swap3A_189] {strides = array<i32>} : memref<400x64xf32, #tpu.memory_space<vmem>>, vector<16xf32>,
      tpu.vector_store %arg11[%swap3A_188, %swap3A_189], %mul3A_137 {strides = array<i32>} : memref<400x64xf32, #tpu.memory_space<vmem>>, vector<16xf32>,
      %swap3A_191 = arith.index_cast %add3A_91 : i32 to index
      %swap3A_192 = arith.constant 32 : index
      %swap3A_193 = tpu.vector_load %arg11[%swap3A_191, %swap3A_192] {strides = array<i32>} : memref<400x64xf32, #tpu.memory_space<vmem>>, vector<16xf32>,
      tpu.vector_store %arg11[%swap3A_191, %swap3A_192], %mul3A_141 {strides = array<i32>} : memref<400x64xf32, #tpu.memory_space<vmem>>, vector<16xf32>,
      %swap3A_194 = arith.index_cast %add3A_91 : i32 to index
      %swap3A_195 = arith.constant 48 : index
      %swap3A_196 = tpu.vector_load %arg11[%swap3A_194, %swap3A_195] {strides = array<i32>} : memref<400x64xf32, #tpu.memory_space<vmem>>, vector<16xf32>,
      tpu.vector_store %arg11[%swap3A_194, %swap3A_195], %mul3A_145 {strides = array<i32>} : memref<400x64xf32, #tpu.memory_space<vmem>>, vector<16xf32>,
      %swap3A_197 = arith.index_cast %add3A_97 : i32 to index
      %swap3A_198 = arith.constant 0 : index
      %swap3A_199 = tpu.vector_load %arg11[%swap3A_197, %swap3A_198] {strides = array<i32>} : memref<400x64xf32, #tpu.memory_space<vmem>>, vector<16xf32>,
      tpu.vector_store %arg11[%swap3A_197, %swap3A_198], %mul3A_149 {strides = array<i32>} : memref<400x64xf32, #tpu.memory_space<vmem>>, vector<16xf32>,
      %swap3A_200 = arith.index_cast %add3A_97 : i32 to index
      %swap3A_201 = arith.constant 16 : index
      %swap3A_202 = tpu.vector_load %arg11[%swap3A_200, %swap3A_201] {strides = array<i32>} : memref<400x64xf32, #tpu.memory_space<vmem>>, vector<16xf32>,
      tpu.vector_store %arg11[%swap3A_200, %swap3A_201], %mul3A_153 {strides = array<i32>} : memref<400x64xf32, #tpu.memory_space<vmem>>, vector<16xf32>,
      %swap3A_203 = arith.index_cast %add3A_97 : i32 to index
      %swap3A_204 = arith.constant 32 : index
      %swap3A_205 = tpu.vector_load %arg11[%swap3A_203, %swap3A_204] {strides = array<i32>} : memref<400x64xf32, #tpu.memory_space<vmem>>, vector<16xf32>,
      tpu.vector_store %arg11[%swap3A_203, %swap3A_204], %mul3A_157 {strides = array<i32>} : memref<400x64xf32, #tpu.memory_space<vmem>>, vector<16xf32>,
      %swap3A_206 = arith.index_cast %add3A_97 : i32 to index
      %swap3A_207 = arith.constant 48 : index
      %swap3A_208 = tpu.vector_load %arg11[%swap3A_206, %swap3A_207] {strides = array<i32>} : memref<400x64xf32, #tpu.memory_space<vmem>>, vector<16xf32>,
      tpu.vector_store %arg11[%swap3A_206, %swap3A_207], %mul3A_161 {strides = array<i32>} : memref<400x64xf32, #tpu.memory_space<vmem>>, vector<16xf32>,
      %slice3A_209 = vector.extract_strided_slice %get3A_64 {offsets = [4], sizes = [1], strides = [1]} : vector<16xf32> to vector<1xf32>
      %squeeze3A_210 = vector.extract %slice3A_209[0] : f32 from vector<1xf32>
      %broadcast_in_dim3A_211 = vector.broadcast %squeeze3A_210 : f32 to vector<16xf32>
      %slice3A_212 = vector.extract_strided_slice %get3A_64 {offsets = [5], sizes = [1], strides = [1]} : vector<16xf32> to vector<1xf32>
      %squeeze3A_213 = vector.extract %slice3A_212[0] : f32 from vector<1xf32>
      %broadcast_in_dim3A_214 = vector.broadcast %squeeze3A_213 : f32 to vector<16xf32>
      %slice3A_215 = vector.extract_strided_slice %get3A_64 {offsets = [6], sizes = [1], strides = [1]} : vector<16xf32> to vector<1xf32>
      %squeeze3A_216 = vector.extract %slice3A_215[0] : f32 from vector<1xf32>
      %broadcast_in_dim3A_217 = vector.broadcast %squeeze3A_216 : f32 to vector<16xf32>
      %slice3A_218 = vector.extract_strided_slice %get3A_64 {offsets = [7], sizes = [1], strides = [1]} : vector<16xf32> to vector<1xf32>
      %squeeze3A_219 = vector.extract %slice3A_218[0] : f32 from vector<1xf32>
      %broadcast_in_dim3A_220 = vector.broadcast %squeeze3A_219 : f32 to vector<16xf32>
      %mul3A_221 = arith.constant 16 : i32
      %mul3A_222 = arith.muli %scan3A_59, %mul3A_221 : i32
      %add3A_223 = arith.constant 4 : i32
      %add3A_224 = arith.addi %mul3A_222, %add3A_223 : i32
      %add3A_225 = arith.constant 0 : i32
      %add3A_226 = arith.addi %add3A_224, %add3A_225 : i32
      %mul3A_227 = arith.constant 16 : i32
      %mul3A_228 = arith.muli %scan3A_59, %mul3A_227 : i32
      %add3A_229 = arith.constant 4 : i32
      %add3A_230 = arith.addi %mul3A_228, %add3A_229 : i32
      %add3A_231 = arith.constant 1 : i32
      %add3A_232 = arith.addi %add3A_230, %add3A_231 : i32
      %mul3A_233 = arith.constant 16 : i32
      %mul3A_234 = arith.muli %scan3A_59, %mul3A_233 : i32
      %add3A_235 = arith.constant 4 : i32
      %add3A_236 = arith.addi %mul3A_234, %add3A_235 : i32
      %add3A_237 = arith.constant 2 : i32
      %add3A_238 = arith.addi %add3A_236, %add3A_237 : i32
      %mul3A_239 = arith.constant 16 : i32
      %mul3A_240 = arith.muli %scan3A_59, %mul3A_239 : i32
      %add3A_241 = arith.constant 4 : i32
      %add3A_242 = arith.addi %mul3A_240, %add3A_241 : i32
      %add3A_243 = arith.constant 3 : i32
      %add3A_244 = arith.addi %add3A_242, %add3A_243 : i32
      %get3A_245 = arith.index_cast %add3A_226 : i32 to index
      %get3A_246 = arith.constant 0 : index
      %get3A_247 = tpu.vector_load %arg11[%get3A_245, %get3A_246] {strides = array<i32>} : memref<400x64xf32, #tpu.memory_space<vmem>>, vector<16xf32>,
      %mul3A_248 = arith.mulf %get3A_247, %broadcast_in_dim3A_211 : vector<16xf32>
      %get3A_249 = arith.index_cast %add3A_226 : i32 to index
      %get3A_250 = arith.constant 16 : index
      %get3A_251 = tpu.vector_load %arg11[%get3A_249, %get3A_250] {strides = array<i32>} : memref<400x64xf32, #tpu.memory_space<vmem>>, vector<16xf32>,
      %mul3A_252 = arith.mulf %get3A_251, %broadcast_in_dim3A_211 : vector<16xf32>
      %get3A_253 = arith.index_cast %add3A_226 : i32 to index
      %get3A_254 = arith.constant 32 : index
      %get3A_255 = tpu.vector_load %arg11[%get3A_253, %get3A_254] {strides = array<i32>} : memref<400x64xf32, #tpu.memory_space<vmem>>, vector<16xf32>,
      %mul3A_256 = arith.mulf %get3A_255, %broadcast_in_dim3A_211 : vector<16xf32>
      %get3A_257 = arith.index_cast %add3A_226 : i32 to index
      %get3A_258 = arith.constant 48 : index
      %get3A_259 = tpu.vector_load %arg11[%get3A_257, %get3A_258] {strides = array<i32>} : memref<400x64xf32, #tpu.memory_space<vmem>>, vector<16xf32>,
      %mul3A_260 = arith.mulf %get3A_259, %broadcast_in_dim3A_211 : vector<16xf32>
      %get3A_261 = arith.index_cast %add3A_232 : i32 to index
      %get3A_262 = arith.constant 0 : index
      %get3A_263 = tpu.vector_load %arg11[%get3A_261, %get3A_262] {strides = array<i32>} : memref<400x64xf32, #tpu.memory_space<vmem>>, vector<16xf32>,
      %mul3A_264 = arith.mulf %get3A_263, %broadcast_in_dim3A_214 : vector<16xf32>
      %get3A_265 = arith.index_cast %add3A_232 : i32 to index
      %get3A_266 = arith.constant 16 : index
      %get3A_267 = tpu.vector_load %arg11[%get3A_265, %get3A_266] {strides = array<i32>} : memref<400x64xf32, #tpu.memory_space<vmem>>, vector<16xf32>,
      %mul3A_268 = arith.mulf %get3A_267, %broadcast_in_dim3A_214 : vector<16xf32>
      %get3A_269 = arith.index_cast %add3A_232 : i32 to index
      %get3A_270 = arith.constant 32 : index
      %get3A_271 = tpu.vector_load %arg11[%get3A_269, %get3A_270] {strides = array<i32>} : memref<400x64xf32, #tpu.memory_space<vmem>>, vector<16xf32>,
      %mul3A_272 = arith.mulf %get3A_271, %broadcast_in_dim3A_214 : vector<16xf32>
      %get3A_273 = arith.index_cast %add3A_232 : i32 to index
      %get3A_274 = arith.constant 48 : index
      %get3A_275 = tpu.vector_load %arg11[%get3A_273, %get3A_274] {strides = array<i32>} : memref<400x64xf32, #tpu.memory_space<vmem>>, vector<16xf32>,
      %mul3A_276 = arith.mulf %get3A_275, %broadcast_in_dim3A_214 : vector<16xf32>
      %get3A_277 = arith.index_cast %add3A_238 : i32 to index
      %get3A_278 = arith.constant 0 : index
      %get3A_279 = tpu.vector_load %arg11[%get3A_277, %get3A_278] {strides = array<i32>} : memref<400x64xf32, #tpu.memory_space<vmem>>, vector<16xf32>,
      %mul3A_280 = arith.mulf %get3A_279, %broadcast_in_dim3A_217 : vector<16xf32>
      %get3A_281 = arith.index_cast %add3A_238 : i32 to index
      %get3A_282 = arith.constant 16 : index
      %get3A_283 = tpu.vector_load %arg11[%get3A_281, %get3A_282] {strides = array<i32>} : memref<400x64xf32, #tpu.memory_space<vmem>>, vector<16xf32>,
      %mul3A_284 = arith.mulf %get3A_283, %broadcast_in_dim3A_217 : vector<16xf32>
      %get3A_285 = arith.index_cast %add3A_238 : i32 to index
      %get3A_286 = arith.constant 32 : index
      %get3A_287 = tpu.vector_load %arg11[%get3A_285, %get3A_286] {strides = array<i32>} : memref<400x64xf32, #tpu.memory_space<vmem>>, vector<16xf32>,
      %mul3A_288 = arith.mulf %get3A_287, %broadcast_in_dim3A_217 : vector<16xf32>
      %get3A_289 = arith.index_cast %add3A_238 : i32 to index
      %get3A_290 = arith.constant 48 : index
      %get3A_291 = tpu.vector_load %arg11[%get3A_289, %get3A_290] {strides = array<i32>} : memref<400x64xf32, #tpu.memory_space<vmem>>, vector<16xf32>,
      %mul3A_292 = arith.mulf %get3A_291, %broadcast_in_dim3A_217 : vector<16xf32>
      %get3A_293 = arith.index_cast %add3A_244 : i32 to index
      %get3A_294 = arith.constant 0 : index
      %get3A_295 = tpu.vector_load %arg11[%get3A_293, %get3A_294] {strides = array<i32>} : memref<400x64xf32, #tpu.memory_space<vmem>>, vector<16xf32>,
      %mul3A_296 = arith.mulf %get3A_295, %broadcast_in_dim3A_220 : vector<16xf32>
      %get3A_297 = arith.index_cast %add3A_244 : i32 to index
      %get3A_298 = arith.constant 16 : index
      %get3A_299 = tpu.vector_load %arg11[%get3A_297, %get3A_298] {strides = array<i32>} : memref<400x64xf32, #tpu.memory_space<vmem>>, vector<16xf32>,
      %mul3A_300 = arith.mulf %get3A_299, %broadcast_in_dim3A_220 : vector<16xf32>
      %get3A_301 = arith.index_cast %add3A_244 : i32 to index
      %get3A_302 = arith.constant 32 : index
      %get3A_303 = tpu.vector_load %arg11[%get3A_301, %get3A_302] {strides = array<i32>} : memref<400x64xf32, #tpu.memory_space<vmem>>, vector<16xf32>,
      %mul3A_304 = arith.mulf %get3A_303, %broadcast_in_dim3A_220 : vector<16xf32>
      %get3A_305 = arith.index_cast %add3A_244 : i32 to index
      %get3A_306 = arith.constant 48 : index
      %get3A_307 = tpu.vector_load %arg11[%get3A_305, %get3A_306] {strides = array<i32>} : memref<400x64xf32, #tpu.memory_space<vmem>>, vector<16xf32>,
      %mul3A_308 = arith.mulf %get3A_307, %broadcast_in_dim3A_220 : vector<16xf32>
      %swap3A_309 = arith.index_cast %add3A_226 : i32 to index
      %swap3A_310 = arith.constant 0 : index
      %swap3A_311 = tpu.vector_load %arg11[%swap3A_309, %swap3A_310] {strides = array<i32>} : memref<400x64xf32, #tpu.memory_space<vmem>>, vector<16xf32>,
      tpu.vector_store %arg11[%swap3A_309, %swap3A_310], %mul3A_248 {strides = array<i32>} : memref<400x64xf32, #tpu.memory_space<vmem>>, vector<16xf32>,
      %swap3A_312 = arith.index_cast %add3A_226 : i32 to index
      %swap3A_313 = arith.constant 16 : index
      %swap3A_314 = tpu.vector_load %arg11[%swap3A_312, %swap3A_313] {strides = array<i32>} : memref<400x64xf32, #tpu.memory_space<vmem>>, vector<16xf32>,
      tpu.vector_store %arg11[%swap3A_312, %swap3A_313], %mul3A_252 {strides = array<i32>} : memref<400x64xf32, #tpu.memory_space<vmem>>, vector<16xf32>,
      %swap3A_315 = arith.index_cast %add3A_226 : i32 to index
      %swap3A_316 = arith.constant 32 : index
      %swap3A_317 = tpu.vector_load %arg11[%swap3A_315, %swap3A_316] {strides = array<i32>} : memref<400x64xf32, #tpu.memory_space<vmem>>, vector<16xf32>,
      tpu.vector_store %arg11[%swap3A_315, %swap3A_316], %mul3A_256 {strides = array<i32>} : memref<400x64xf32, #tpu.memory_space<vmem>>, vector<16xf32>,
      %swap3A_318 = arith.index_cast %add3A_226 : i32 to index
      %swap3A_319 = arith.constant 48 : index
      %swap3A_320 = tpu.vector_load %arg11[%swap3A_318, %swap3A_319] {strides = array<i32>} : memref<400x64xf32, #tpu.memory_space<vmem>>, vector<16xf32>,
      tpu.vector_store %arg11[%swap3A_318, %swap3A_319], %mul3A_260 {strides = array<i32>} : memref<400x64xf32, #tpu.memory_space<vmem>>, vector<16xf32>,
      %swap3A_321 = arith.index_cast %add3A_232 : i32 to index
      %swap3A_322 = arith.constant 0 : index
      %swap3A_323 = tpu.vector_load %arg11[%swap3A_321, %swap3A_322] {strides = array<i32>} : memref<400x64xf32, #tpu.memory_space<vmem>>, vector<16xf32>,
      tpu.vector_store %arg11[%swap3A_321, %swap3A_322], %mul3A_264 {strides = array<i32>} : memref<400x64xf32, #tpu.memory_space<vmem>>, vector<16xf32>,
      %swap3A_324 = arith.index_cast %add3A_232 : i32 to index
      %swap3A_325 = arith.constant 16 : index
      %swap3A_326 = tpu.vector_load %arg11[%swap3A_324, %swap3A_325] {strides = array<i32>} : memref<400x64xf32, #tpu.memory_space<vmem>>, vector<16xf32>,
      tpu.vector_store %arg11[%swap3A_324, %swap3A_325], %mul3A_268 {strides = array<i32>} : memref<400x64xf32, #tpu.memory_space<vmem>>, vector<16xf32>,
      %swap3A_327 = arith.index_cast %add3A_232 : i32 to index
      %swap3A_328 = arith.constant 32 : index
      %swap3A_329 = tpu.vector_load %arg11[%swap3A_327, %swap3A_328] {strides = array<i32>} : memref<400x64xf32, #tpu.memory_space<vmem>>, vector<16xf32>,
      tpu.vector_store %arg11[%swap3A_327, %swap3A_328], %mul3A_272 {strides = array<i32>} : memref<400x64xf32, #tpu.memory_space<vmem>>, vector<16xf32>,
      %swap3A_330 = arith.index_cast %add3A_232 : i32 to index
      %swap3A_331 = arith.constant 48 : index
      %swap3A_332 = tpu.vector_load %arg11[%swap3A_330, %swap3A_331] {strides = array<i32>} : memref<400x64xf32, #tpu.memory_space<vmem>>, vector<16xf32>,
      tpu.vector_store %arg11[%swap3A_330, %swap3A_331], %mul3A_276 {strides = array<i32>} : memref<400x64xf32, #tpu.memory_space<vmem>>, vector<16xf32>,
      %swap3A_333 = arith.index_cast %add3A_238 : i32 to index
      %swap3A_334 = arith.constant 0 : index
      %swap3A_335 = tpu.vector_load %arg11[%swap3A_333, %swap3A_334] {strides = array<i32>} : memref<400x64xf32, #tpu.memory_space<vmem>>, vector<16xf32>,
      tpu.vector_store %arg11[%swap3A_333, %swap3A_334], %mul3A_280 {strides = array<i32>} : memref<400x64xf32, #tpu.memory_space<vmem>>, vector<16xf32>,
      %swap3A_336 = arith.index_cast %add3A_238 : i32 to index
      %swap3A_337 = arith.constant 16 : index
      %swap3A_338 = tpu.vector_load %arg11[%swap3A_336, %swap3A_337] {strides = array<i32>} : memref<400x64xf32, #tpu.memory_space<vmem>>, vector<16xf32>,
      tpu.vector_store %arg11[%swap3A_336, %swap3A_337], %mul3A_284 {strides = array<i32>} : memref<400x64xf32, #tpu.memory_space<vmem>>, vector<16xf32>,
      %swap3A_339 = arith.index_cast %add3A_238 : i32 to index
      %swap3A_340 = arith.constant 32 : index
      %swap3A_341 = tpu.vector_load %arg11[%swap3A_339, %swap3A_340] {strides = array<i32>} : memref<400x64xf32, #tpu.memory_space<vmem>>, vector<16xf32>,
      tpu.vector_store %arg11[%swap3A_339, %swap3A_340], %mul3A_288 {strides = array<i32>} : memref<400x64xf32, #tpu.memory_space<vmem>>, vector<16xf32>,
      %swap3A_342 = arith.index_cast %add3A_238 : i32 to index
      %swap3A_343 = arith.constant 48 : index
      %swap3A_344 = tpu.vector_load %arg11[%swap3A_342, %swap3A_343] {strides = array<i32>} : memref<400x64xf32, #tpu.memory_space<vmem>>, vector<16xf32>,
      tpu.vector_store %arg11[%swap3A_342, %swap3A_343], %mul3A_292 {strides = array<i32>} : memref<400x64xf32, #tpu.memory_space<vmem>>, vector<16xf32>,
      %swap3A_345 = arith.index_cast %add3A_244 : i32 to index
      %swap3A_346 = arith.constant 0 : index
      %swap3A_347 = tpu.vector_load %arg11[%swap3A_345, %swap3A_346] {strides = array<i32>} : memref<400x64xf32, #tpu.memory_space<vmem>>, vector<16xf32>,
      tpu.vector_store %arg11[%swap3A_345, %swap3A_346], %mul3A_296 {strides = array<i32>} : memref<400x64xf32, #tpu.memory_space<vmem>>, vector<16xf32>,
      %swap3A_348 = arith.index_cast %add3A_244 : i32 to index
      %swap3A_349 = arith.constant 16 : index
      %swap3A_350 = tpu.vector_load %arg11[%swap3A_348, %swap3A_349] {strides = array<i32>} : memref<400x64xf32, #tpu.memory_space<vmem>>, vector<16xf32>,
      tpu.vector_store %arg11[%swap3A_348, %swap3A_349], %mul3A_300 {strides = array<i32>} : memref<400x64xf32, #tpu.memory_space<vmem>>, vector<16xf32>,
      %swap3A_351 = arith.index_cast %add3A_244 : i32 to index
      %swap3A_352 = arith.constant 32 : index
      %swap3A_353 = tpu.vector_load %arg11[%swap3A_351, %swap3A_352] {strides = array<i32>} : memref<400x64xf32, #tpu.memory_space<vmem>>, vector<16xf32>,
      tpu.vector_store %arg11[%swap3A_351, %swap3A_352], %mul3A_304 {strides = array<i32>} : memref<400x64xf32, #tpu.memory_space<vmem>>, vector<16xf32>,
      %swap3A_354 = arith.index_cast %add3A_244 : i32 to index
      %swap3A_355 = arith.constant 48 : index
      %swap3A_356 = tpu.vector_load %arg11[%swap3A_354, %swap3A_355] {strides = array<i32>} : memref<400x64xf32, #tpu.memory_space<vmem>>, vector<16xf32>,
      tpu.vector_store %arg11[%swap3A_354, %swap3A_355], %mul3A_308 {strides = array<i32>} : memref<400x64xf32, #tpu.memory_space<vmem>>, vector<16xf32>,
      %slice3A_357 = vector.extract_strided_slice %get3A_64 {offsets = [8], sizes = [1], strides = [1]} : vector<16xf32> to vector<1xf32>
      %squeeze3A_358 = vector.extract %slice3A_357[0] : f32 from vector<1xf32>
      %broadcast_in_dim3A_359 = vector.broadcast %squeeze3A_358 : f32 to vector<16xf32>
      %slice3A_360 = vector.extract_strided_slice %get3A_64 {offsets = [9], sizes = [1], strides = [1]} : vector<16xf32> to vector<1xf32>
      %squeeze3A_361 = vector.extract %slice3A_360[0] : f32 from vector<1xf32>
      %broadcast_in_dim3A_362 = vector.broadcast %squeeze3A_361 : f32 to vector<16xf32>
      %slice3A_363 = vector.extract_strided_slice %get3A_64 {offsets = [10], sizes = [1], strides = [1]} : vector<16xf32> to vector<1xf32>
      %squeeze3A_364 = vector.extract %slice3A_363[0] : f32 from vector<1xf32>
      %broadcast_in_dim3A_365 = vector.broadcast %squeeze3A_364 : f32 to vector<16xf32>
      %slice3A_366 = vector.extract_strided_slice %get3A_64 {offsets = [11], sizes = [1], strides = [1]} : vector<16xf32> to vector<1xf32>
      %squeeze3A_367 = vector.extract %slice3A_366[0] : f32 from vector<1xf32>
      %broadcast_in_dim3A_368 = vector.broadcast %squeeze3A_367 : f32 to vector<16xf32>
      %mul3A_369 = arith.constant 16 : i32
      %mul3A_370 = arith.muli %scan3A_59, %mul3A_369 : i32
      %add3A_371 = arith.constant 8 : i32
      %add3A_372 = arith.addi %mul3A_370, %add3A_371 : i32
      %add3A_373 = arith.constant 0 : i32
      %add3A_374 = arith.addi %add3A_372, %add3A_373 : i32
      %mul3A_375 = arith.constant 16 : i32
      %mul3A_376 = arith.muli %scan3A_59, %mul3A_375 : i32
      %add3A_377 = arith.constant 8 : i32
      %add3A_378 = arith.addi %mul3A_376, %add3A_377 : i32
      %add3A_379 = arith.constant 1 : i32
      %add3A_380 = arith.addi %add3A_378, %add3A_379 : i32
      %mul3A_381 = arith.constant 16 : i32
      %mul3A_382 = arith.muli %scan3A_59, %mul3A_381 : i32
      %add3A_383 = arith.constant 8 : i32
      %add3A_384 = arith.addi %mul3A_382, %add3A_383 : i32
      %add3A_385 = arith.constant 2 : i32
      %add3A_386 = arith.addi %add3A_384, %add3A_385 : i32
      %mul3A_387 = arith.constant 16 : i32
      %mul3A_388 = arith.muli %scan3A_59, %mul3A_387 : i32
      %add3A_389 = arith.constant 8 : i32
      %add3A_390 = arith.addi %mul3A_388, %add3A_389 : i32
      %add3A_391 = arith.constant 3 : i32
      %add3A_392 = arith.addi %add3A_390, %add3A_391 : i32
      %get3A_393 = arith.index_cast %add3A_374 : i32 to index
      %get3A_394 = arith.constant 0 : index
      %get3A_395 = tpu.vector_load %arg11[%get3A_393, %get3A_394] {strides = array<i32>} : memref<400x64xf32, #tpu.memory_space<vmem>>, vector<16xf32>,
      %mul3A_396 = arith.mulf %get3A_395, %broadcast_in_dim3A_359 : vector<16xf32>
      %get3A_397 = arith.index_cast %add3A_374 : i32 to index
      %get3A_398 = arith.constant 16 : index
      %get3A_399 = tpu.vector_load %arg11[%get3A_397, %get3A_398] {strides = array<i32>} : memref<400x64xf32, #tpu.memory_space<vmem>>, vector<16xf32>,
      %mul3A_400 = arith.mulf %get3A_399, %broadcast_in_dim3A_359 : vector<16xf32>
      %get3A_401 = arith.index_cast %add3A_374 : i32 to index
      %get3A_402 = arith.constant 32 : index
      %get3A_403 = tpu.vector_load %arg11[%get3A_401, %get3A_402] {strides = array<i32>} : memref<400x64xf32, #tpu.memory_space<vmem>>, vector<16xf32>,
      %mul3A_404 = arith.mulf %get3A_403, %broadcast_in_dim3A_359 : vector<16xf32>
      %get3A_405 = arith.index_cast %add3A_374 : i32 to index
      %get3A_406 = arith.constant 48 : index
      %get3A_407 = tpu.vector_load %arg11[%get3A_405, %get3A_406] {strides = array<i32>} : memref<400x64xf32, #tpu.memory_space<vmem>>, vector<16xf32>,
      %mul3A_408 = arith.mulf %get3A_407, %broadcast_in_dim3A_359 : vector<16xf32>
      %get3A_409 = arith.index_cast %add3A_380 : i32 to index
      %get3A_410 = arith.constant 0 : index
      %get3A_411 = tpu.vector_load %arg11[%get3A_409, %get3A_410] {strides = array<i32>} : memref<400x64xf32, #tpu.memory_space<vmem>>, vector<16xf32>,
      %mul3A_412 = arith.mulf %get3A_411, %broadcast_in_dim3A_362 : vector<16xf32>
      %get3A_413 = arith.index_cast %add3A_380 : i32 to index
      %get3A_414 = arith.constant 16 : index
      %get3A_415 = tpu.vector_load %arg11[%get3A_413, %get3A_414] {strides = array<i32>} : memref<400x64xf32, #tpu.memory_space<vmem>>, vector<16xf32>,
      %mul3A_416 = arith.mulf %get3A_415, %broadcast_in_dim3A_362 : vector<16xf32>
      %get3A_417 = arith.index_cast %add3A_380 : i32 to index
      %get3A_418 = arith.constant 32 : index
      %get3A_419 = tpu.vector_load %arg11[%get3A_417, %get3A_418] {strides = array<i32>} : memref<400x64xf32, #tpu.memory_space<vmem>>, vector<16xf32>,
      %mul3A_420 = arith.mulf %get3A_419, %broadcast_in_dim3A_362 : vector<16xf32>
      %get3A_421 = arith.index_cast %add3A_380 : i32 to index
      %get3A_422 = arith.constant 48 : index
      %get3A_423 = tpu.vector_load %arg11[%get3A_421, %get3A_422] {strides = array<i32>} : memref<400x64xf32, #tpu.memory_space<vmem>>, vector<16xf32>,
      %mul3A_424 = arith.mulf %get3A_423, %broadcast_in_dim3A_362 : vector<16xf32>
      %get3A_425 = arith.index_cast %add3A_386 : i32 to index
      %get3A_426 = arith.constant 0 : index
      %get3A_427 = tpu.vector_load %arg11[%get3A_425, %get3A_426] {strides = array<i32>} : memref<400x64xf32, #tpu.memory_space<vmem>>, vector<16xf32>,
      %mul3A_428 = arith.mulf %get3A_427, %broadcast_in_dim3A_365 : vector<16xf32>
      %get3A_429 = arith.index_cast %add3A_386 : i32 to index
      %get3A_430 = arith.constant 16 : index
      %get3A_431 = tpu.vector_load %arg11[%get3A_429, %get3A_430] {strides = array<i32>} : memref<400x64xf32, #tpu.memory_space<vmem>>, vector<16xf32>,
      %mul3A_432 = arith.mulf %get3A_431, %broadcast_in_dim3A_365 : vector<16xf32>
      %get3A_433 = arith.index_cast %add3A_386 : i32 to index
      %get3A_434 = arith.constant 32 : index
      %get3A_435 = tpu.vector_load %arg11[%get3A_433, %get3A_434] {strides = array<i32>} : memref<400x64xf32, #tpu.memory_space<vmem>>, vector<16xf32>,
      %mul3A_436 = arith.mulf %get3A_435, %broadcast_in_dim3A_365 : vector<16xf32>
      %get3A_437 = arith.index_cast %add3A_386 : i32 to index
      %get3A_438 = arith.constant 48 : index
      %get3A_439 = tpu.vector_load %arg11[%get3A_437, %get3A_438] {strides = array<i32>} : memref<400x64xf32, #tpu.memory_space<vmem>>, vector<16xf32>,
      %mul3A_440 = arith.mulf %get3A_439, %broadcast_in_dim3A_365 : vector<16xf32>
      %get3A_441 = arith.index_cast %add3A_392 : i32 to index
      %get3A_442 = arith.constant 0 : index
      %get3A_443 = tpu.vector_load %arg11[%get3A_441, %get3A_442] {strides = array<i32>} : memref<400x64xf32, #tpu.memory_space<vmem>>, vector<16xf32>,
      %mul3A_444 = arith.mulf %get3A_443, %broadcast_in_dim3A_368 : vector<16xf32>
      %get3A_445 = arith.index_cast %add3A_392 : i32 to index
      %get3A_446 = arith.constant 16 : index
      %get3A_447 = tpu.vector_load %arg11[%get3A_445, %get3A_446] {strides = array<i32>} : memref<400x64xf32, #tpu.memory_space<vmem>>, vector<16xf32>,
      %mul3A_448 = arith.mulf %get3A_447, %broadcast_in_dim3A_368 : vector<16xf32>
      %get3A_449 = arith.index_cast %add3A_392 : i32 to index
      %get3A_450 = arith.constant 32 : index
      %get3A_451 = tpu.vector_load %arg11[%get3A_449, %get3A_450] {strides = array<i32>} : memref<400x64xf32, #tpu.memory_space<vmem>>, vector<16xf32>,
      %mul3A_452 = arith.mulf %get3A_451, %broadcast_in_dim3A_368 : vector<16xf32>
      %get3A_453 = arith.index_cast %add3A_392 : i32 to index
      %get3A_454 = arith.constant 48 : index
      %get3A_455 = tpu.vector_load %arg11[%get3A_453, %get3A_454] {strides = array<i32>} : memref<400x64xf32, #tpu.memory_space<vmem>>, vector<16xf32>,
      %mul3A_456 = arith.mulf %get3A_455, %broadcast_in_dim3A_368 : vector<16xf32>
      %swap3A_457 = arith.index_cast %add3A_374 : i32 to index
      %swap3A_458 = arith.constant 0 : index
      %swap3A_459 = tpu.vector_load %arg11[%swap3A_457, %swap3A_458] {strides = array<i32>} : memref<400x64xf32, #tpu.memory_space<vmem>>, vector<16xf32>,
      tpu.vector_store %arg11[%swap3A_457, %swap3A_458], %mul3A_396 {strides = array<i32>} : memref<400x64xf32, #tpu.memory_space<vmem>>, vector<16xf32>,
      %swap3A_460 = arith.index_cast %add3A_374 : i32 to index
      %swap3A_461 = arith.constant 16 : index
      %swap3A_462 = tpu.vector_load %arg11[%swap3A_460, %swap3A_461] {strides = array<i32>} : memref<400x64xf32, #tpu.memory_space<vmem>>, vector<16xf32>,
      tpu.vector_store %arg11[%swap3A_460, %swap3A_461], %mul3A_400 {strides = array<i32>} : memref<400x64xf32, #tpu.memory_space<vmem>>, vector<16xf32>,
      %swap3A_463 = arith.index_cast %add3A_374 : i32 to index
      %swap3A_464 = arith.constant 32 : index
      %swap3A_465 = tpu.vector_load %arg11[%swap3A_463, %swap3A_464] {strides = array<i32>} : memref<400x64xf32, #tpu.memory_space<vmem>>, vector<16xf32>,
      tpu.vector_store %arg11[%swap3A_463, %swap3A_464], %mul3A_404 {strides = array<i32>} : memref<400x64xf32, #tpu.memory_space<vmem>>, vector<16xf32>,
      %swap3A_466 = arith.index_cast %add3A_374 : i32 to index
      %swap3A_467 = arith.constant 48 : index
      %swap3A_468 = tpu.vector_load %arg11[%swap3A_466, %swap3A_467] {strides = array<i32>} : memref<400x64xf32, #tpu.memory_space<vmem>>, vector<16xf32>,
      tpu.vector_store %arg11[%swap3A_466, %swap3A_467], %mul3A_408 {strides = array<i32>} : memref<400x64xf32, #tpu.memory_space<vmem>>, vector<16xf32>,
      %swap3A_469 = arith.index_cast %add3A_380 : i32 to index
      %swap3A_470 = arith.constant 0 : index
      %swap3A_471 = tpu.vector_load %arg11[%swap3A_469, %swap3A_470] {strides = array<i32>} : memref<400x64xf32, #tpu.memory_space<vmem>>, vector<16xf32>,
      tpu.vector_store %arg11[%swap3A_469, %swap3A_470], %mul3A_412 {strides = array<i32>} : memref<400x64xf32, #tpu.memory_space<vmem>>, vector<16xf32>,
      %swap3A_472 = arith.index_cast %add3A_380 : i32 to index
      %swap3A_473 = arith.constant 16 : index
      %swap3A_474 = tpu.vector_load %arg11[%swap3A_472, %swap3A_473] {strides = array<i32>} : memref<400x64xf32, #tpu.memory_space<vmem>>, vector<16xf32>,
      tpu.vector_store %arg11[%swap3A_472, %swap3A_473], %mul3A_416 {strides = array<i32>} : memref<400x64xf32, #tpu.memory_space<vmem>>, vector<16xf32>,
      %swap3A_475 = arith.index_cast %add3A_380 : i32 to index
      %swap3A_476 = arith.constant 32 : index
      %swap3A_477 = tpu.vector_load %arg11[%swap3A_475, %swap3A_476] {strides = array<i32>} : memref<400x64xf32, #tpu.memory_space<vmem>>, vector<16xf32>,
      tpu.vector_store %arg11[%swap3A_475, %swap3A_476], %mul3A_420 {strides = array<i32>} : memref<400x64xf32, #tpu.memory_space<vmem>>, vector<16xf32>,
      %swap3A_478 = arith.index_cast %add3A_380 : i32 to index
      %swap3A_479 = arith.constant 48 : index
      %swap3A_480 = tpu.vector_load %arg11[%swap3A_478, %swap3A_479] {strides = array<i32>} : memref<400x64xf32, #tpu.memory_space<vmem>>, vector<16xf32>,
      tpu.vector_store %arg11[%swap3A_478, %swap3A_479], %mul3A_424 {strides = array<i32>} : memref<400x64xf32, #tpu.memory_space<vmem>>, vector<16xf32>,
      %swap3A_481 = arith.index_cast %add3A_386 : i32 to index
      %swap3A_482 = arith.constant 0 : index
      %swap3A_483 = tpu.vector_load %arg11[%swap3A_481, %swap3A_482] {strides = array<i32>} : memref<400x64xf32, #tpu.memory_space<vmem>>, vector<16xf32>,
      tpu.vector_store %arg11[%swap3A_481, %swap3A_482], %mul3A_428 {strides = array<i32>} : memref<400x64xf32, #tpu.memory_space<vmem>>, vector<16xf32>,
      %swap3A_484 = arith.index_cast %add3A_386 : i32 to index
      %swap3A_485 = arith.constant 16 : index
      %swap3A_486 = tpu.vector_load %arg11[%swap3A_484, %swap3A_485] {strides = array<i32>} : memref<400x64xf32, #tpu.memory_space<vmem>>, vector<16xf32>,
      tpu.vector_store %arg11[%swap3A_484, %swap3A_485], %mul3A_432 {strides = array<i32>} : memref<400x64xf32, #tpu.memory_space<vmem>>, vector<16xf32>,
      %swap3A_487 = arith.index_cast %add3A_386 : i32 to index
      %swap3A_488 = arith.constant 32 : index
      %swap3A_489 = tpu.vector_load %arg11[%swap3A_487, %swap3A_488] {strides = array<i32>} : memref<400x64xf32, #tpu.memory_space<vmem>>, vector<16xf32>,
      tpu.vector_store %arg11[%swap3A_487, %swap3A_488], %mul3A_436 {strides = array<i32>} : memref<400x64xf32, #tpu.memory_space<vmem>>, vector<16xf32>,
      %swap3A_490 = arith.index_cast %add3A_386 : i32 to index
      %swap3A_491 = arith.constant 48 : index
      %swap3A_492 = tpu.vector_load %arg11[%swap3A_490, %swap3A_491] {strides = array<i32>} : memref<400x64xf32, #tpu.memory_space<vmem>>, vector<16xf32>,
      tpu.vector_store %arg11[%swap3A_490, %swap3A_491], %mul3A_440 {strides = array<i32>} : memref<400x64xf32, #tpu.memory_space<vmem>>, vector<16xf32>,
      %swap3A_493 = arith.index_cast %add3A_392 : i32 to index
      %swap3A_494 = arith.constant 0 : index
      %swap3A_495 = tpu.vector_load %arg11[%swap3A_493, %swap3A_494] {strides = array<i32>} : memref<400x64xf32, #tpu.memory_space<vmem>>, vector<16xf32>,
      tpu.vector_store %arg11[%swap3A_493, %swap3A_494], %mul3A_444 {strides = array<i32>} : memref<400x64xf32, #tpu.memory_space<vmem>>, vector<16xf32>,
      %swap3A_496 = arith.index_cast %add3A_392 : i32 to index
      %swap3A_497 = arith.constant 16 : index
      %swap3A_498 = tpu.vector_load %arg11[%swap3A_496, %swap3A_497] {strides = array<i32>} : memref<400x64xf32, #tpu.memory_space<vmem>>, vector<16xf32>,
      tpu.vector_store %arg11[%swap3A_496, %swap3A_497], %mul3A_448 {strides = array<i32>} : memref<400x64xf32, #tpu.memory_space<vmem>>, vector<16xf32>,
      %swap3A_499 = arith.index_cast %add3A_392 : i32 to index
      %swap3A_500 = arith.constant 32 : index
      %swap3A_501 = tpu.vector_load %arg11[%swap3A_499, %swap3A_500] {strides = array<i32>} : memref<400x64xf32, #tpu.memory_space<vmem>>, vector<16xf32>,
      tpu.vector_store %arg11[%swap3A_499, %swap3A_500], %mul3A_452 {strides = array<i32>} : memref<400x64xf32, #tpu.memory_space<vmem>>, vector<16xf32>,
      %swap3A_502 = arith.index_cast %add3A_392 : i32 to index
      %swap3A_503 = arith.constant 48 : index
      %swap3A_504 = tpu.vector_load %arg11[%swap3A_502, %swap3A_503] {strides = array<i32>} : memref<400x64xf32, #tpu.memory_space<vmem>>, vector<16xf32>,
      tpu.vector_store %arg11[%swap3A_502, %swap3A_503], %mul3A_456 {strides = array<i32>} : memref<400x64xf32, #tpu.memory_space<vmem>>, vector<16xf32>,
      %slice3A_505 = vector.extract_strided_slice %get3A_64 {offsets = [12], sizes = [1], strides = [1]} : vector<16xf32> to vector<1xf32>
      %squeeze3A_506 = vector.extract %slice3A_505[0] : f32 from vector<1xf32>
      %broadcast_in_dim3A_507 = vector.broadcast %squeeze3A_506 : f32 to vector<16xf32>
      %slice3A_508 = vector.extract_strided_slice %get3A_64 {offsets = [13], sizes = [1], strides = [1]} : vector<16xf32> to vector<1xf32>
      %squeeze3A_509 = vector.extract %slice3A_508[0] : f32 from vector<1xf32>
      %broadcast_in_dim3A_510 = vector.broadcast %squeeze3A_509 : f32 to vector<16xf32>
      %slice3A_511 = vector.extract_strided_slice %get3A_64 {offsets = [14], sizes = [1], strides = [1]} : vector<16xf32> to vector<1xf32>
      %squeeze3A_512 = vector.extract %slice3A_511[0] : f32 from vector<1xf32>
      %broadcast_in_dim3A_513 = vector.broadcast %squeeze3A_512 : f32 to vector<16xf32>
      %slice3A_514 = vector.extract_strided_slice %get3A_64 {offsets = [15], sizes = [1], strides = [1]} : vector<16xf32> to vector<1xf32>
      %squeeze3A_515 = vector.extract %slice3A_514[0] : f32 from vector<1xf32>
      %broadcast_in_dim3A_516 = vector.broadcast %squeeze3A_515 : f32 to vector<16xf32>
      %mul3A_517 = arith.constant 16 : i32
      %mul3A_518 = arith.muli %scan3A_59, %mul3A_517 : i32
      %add3A_519 = arith.constant 12 : i32
      %add3A_520 = arith.addi %mul3A_518, %add3A_519 : i32
      %add3A_521 = arith.constant 0 : i32
      %add3A_522 = arith.addi %add3A_520, %add3A_521 : i32
      %mul3A_523 = arith.constant 16 : i32
      %mul3A_524 = arith.muli %scan3A_59, %mul3A_523 : i32
      %add3A_525 = arith.constant 12 : i32
      %add3A_526 = arith.addi %mul3A_524, %add3A_525 : i32
      %add3A_527 = arith.constant 1 : i32
      %add3A_528 = arith.addi %add3A_526, %add3A_527 : i32
      %mul3A_529 = arith.constant 16 : i32
      %mul3A_530 = arith.muli %scan3A_59, %mul3A_529 : i32
      %add3A_531 = arith.constant 12 : i32
      %add3A_532 = arith.addi %mul3A_530, %add3A_531 : i32
      %add3A_533 = arith.constant 2 : i32
      %add3A_534 = arith.addi %add3A_532, %add3A_533 : i32
      %mul3A_535 = arith.constant 16 : i32
      %mul3A_536 = arith.muli %scan3A_59, %mul3A_535 : i32
      %add3A_537 = arith.constant 12 : i32
      %add3A_538 = arith.addi %mul3A_536, %add3A_537 : i32
      %add3A_539 = arith.constant 3 : i32
      %add3A_540 = arith.addi %add3A_538, %add3A_539 : i32
      %get3A_541 = arith.index_cast %add3A_522 : i32 to index
      %get3A_542 = arith.constant 0 : index
      %get3A_543 = tpu.vector_load %arg11[%get3A_541, %get3A_542] {strides = array<i32>} : memref<400x64xf32, #tpu.memory_space<vmem>>, vector<16xf32>,
      %mul3A_544 = arith.mulf %get3A_543, %broadcast_in_dim3A_507 : vector<16xf32>
      %get3A_545 = arith.index_cast %add3A_522 : i32 to index
      %get3A_546 = arith.constant 16 : index
      %get3A_547 = tpu.vector_load %arg11[%get3A_545, %get3A_546] {strides = array<i32>} : memref<400x64xf32, #tpu.memory_space<vmem>>, vector<16xf32>,
      %mul3A_548 = arith.mulf %get3A_547, %broadcast_in_dim3A_507 : vector<16xf32>
      %get3A_549 = arith.index_cast %add3A_522 : i32 to index
      %get3A_550 = arith.constant 32 : index
      %get3A_551 = tpu.vector_load %arg11[%get3A_549, %get3A_550] {strides = array<i32>} : memref<400x64xf32, #tpu.memory_space<vmem>>, vector<16xf32>,
      %mul3A_552 = arith.mulf %get3A_551, %broadcast_in_dim3A_507 : vector<16xf32>
      %get3A_553 = arith.index_cast %add3A_522 : i32 to index
      %get3A_554 = arith.constant 48 : index
      %get3A_555 = tpu.vector_load %arg11[%get3A_553, %get3A_554] {strides = array<i32>} : memref<400x64xf32, #tpu.memory_space<vmem>>, vector<16xf32>,
      %mul3A_556 = arith.mulf %get3A_555, %broadcast_in_dim3A_507 : vector<16xf32>
      %get3A_557 = arith.index_cast %add3A_528 : i32 to index
      %get3A_558 = arith.constant 0 : index
      %get3A_559 = tpu.vector_load %arg11[%get3A_557, %get3A_558] {strides = array<i32>} : memref<400x64xf32, #tpu.memory_space<vmem>>, vector<16xf32>,
      %mul3A_560 = arith.mulf %get3A_559, %broadcast_in_dim3A_510 : vector<16xf32>
      %get3A_561 = arith.index_cast %add3A_528 : i32 to index
      %get3A_562 = arith.constant 16 : index
      %get3A_563 = tpu.vector_load %arg11[%get3A_561, %get3A_562] {strides = array<i32>} : memref<400x64xf32, #tpu.memory_space<vmem>>, vector<16xf32>,
      %mul3A_564 = arith.mulf %get3A_563, %broadcast_in_dim3A_510 : vector<16xf32>
      %get3A_565 = arith.index_cast %add3A_528 : i32 to index
      %get3A_566 = arith.constant 32 : index
      %get3A_567 = tpu.vector_load %arg11[%get3A_565, %get3A_566] {strides = array<i32>} : memref<400x64xf32, #tpu.memory_space<vmem>>, vector<16xf32>,
      %mul3A_568 = arith.mulf %get3A_567, %broadcast_in_dim3A_510 : vector<16xf32>
      %get3A_569 = arith.index_cast %add3A_528 : i32 to index
      %get3A_570 = arith.constant 48 : index
      %get3A_571 = tpu.vector_load %arg11[%get3A_569, %get3A_570] {strides = array<i32>} : memref<400x64xf32, #tpu.memory_space<vmem>>, vector<16xf32>,
      %mul3A_572 = arith.mulf %get3A_571, %broadcast_in_dim3A_510 : vector<16xf32>
      %get3A_573 = arith.index_cast %add3A_534 : i32 to index
      %get3A_574 = arith.constant 0 : index
      %get3A_575 = tpu.vector_load %arg11[%get3A_573, %get3A_574] {strides = array<i32>} : memref<400x64xf32, #tpu.memory_space<vmem>>, vector<16xf32>,
      %mul3A_576 = arith.mulf %get3A_575, %broadcast_in_dim3A_513 : vector<16xf32>
      %get3A_577 = arith.index_cast %add3A_534 : i32 to index
      %get3A_578 = arith.constant 16 : index
      %get3A_579 = tpu.vector_load %arg11[%get3A_577, %get3A_578] {strides = array<i32>} : memref<400x64xf32, #tpu.memory_space<vmem>>, vector<16xf32>,
      %mul3A_580 = arith.mulf %get3A_579, %broadcast_in_dim3A_513 : vector<16xf32>
      %get3A_581 = arith.index_cast %add3A_534 : i32 to index
      %get3A_582 = arith.constant 32 : index
      %get3A_583 = tpu.vector_load %arg11[%get3A_581, %get3A_582] {strides = array<i32>} : memref<400x64xf32, #tpu.memory_space<vmem>>, vector<16xf32>,
      %mul3A_584 = arith.mulf %get3A_583, %broadcast_in_dim3A_513 : vector<16xf32>
      %get3A_585 = arith.index_cast %add3A_534 : i32 to index
      %get3A_586 = arith.constant 48 : index
      %get3A_587 = tpu.vector_load %arg11[%get3A_585, %get3A_586] {strides = array<i32>} : memref<400x64xf32, #tpu.memory_space<vmem>>, vector<16xf32>,
      %mul3A_588 = arith.mulf %get3A_587, %broadcast_in_dim3A_513 : vector<16xf32>
      %get3A_589 = arith.index_cast %add3A_540 : i32 to index
      %get3A_590 = arith.constant 0 : index
      %get3A_591 = tpu.vector_load %arg11[%get3A_589, %get3A_590] {strides = array<i32>} : memref<400x64xf32, #tpu.memory_space<vmem>>, vector<16xf32>,
      %mul3A_592 = arith.mulf %get3A_591, %broadcast_in_dim3A_516 : vector<16xf32>
      %get3A_593 = arith.index_cast %add3A_540 : i32 to index
      %get3A_594 = arith.constant 16 : index
      %get3A_595 = tpu.vector_load %arg11[%get3A_593, %get3A_594] {strides = array<i32>} : memref<400x64xf32, #tpu.memory_space<vmem>>, vector<16xf32>,
      %mul3A_596 = arith.mulf %get3A_595, %broadcast_in_dim3A_516 : vector<16xf32>
      %get3A_597 = arith.index_cast %add3A_540 : i32 to index
      %get3A_598 = arith.constant 32 : index
      %get3A_599 = tpu.vector_load %arg11[%get3A_597, %get3A_598] {strides = array<i32>} : memref<400x64xf32, #tpu.memory_space<vmem>>, vector<16xf32>,
      %mul3A_600 = arith.mulf %get3A_599, %broadcast_in_dim3A_516 : vector<16xf32>
      %get3A_601 = arith.index_cast %add3A_540 : i32 to index
      %get3A_602 = arith.constant 48 : index
      %get3A_603 = tpu.vector_load %arg11[%get3A_601, %get3A_602] {strides = array<i32>} : memref<400x64xf32, #tpu.memory_space<vmem>>, vector<16xf32>,
      %mul3A_604 = arith.mulf %get3A_603, %broadcast_in_dim3A_516 : vector<16xf32>
      %swap3A_605 = arith.index_cast %add3A_522 : i32 to index
      %swap3A_606 = arith.constant 0 : index
      %swap3A_607 = tpu.vector_load %arg11[%swap3A_605, %swap3A_606] {strides = array<i32>} : memref<400x64xf32, #tpu.memory_space<vmem>>, vector<16xf32>,
      tpu.vector_store %arg11[%swap3A_605, %swap3A_606], %mul3A_544 {strides = array<i32>} : memref<400x64xf32, #tpu.memory_space<vmem>>, vector<16xf32>,
      %swap3A_608 = arith.index_cast %add3A_522 : i32 to index
      %swap3A_609 = arith.constant 16 : index
      %swap3A_610 = tpu.vector_load %arg11[%swap3A_608, %swap3A_609] {strides = array<i32>} : memref<400x64xf32, #tpu.memory_space<vmem>>, vector<16xf32>,
      tpu.vector_store %arg11[%swap3A_608, %swap3A_609], %mul3A_548 {strides = array<i32>} : memref<400x64xf32, #tpu.memory_space<vmem>>, vector<16xf32>,
      %swap3A_611 = arith.index_cast %add3A_522 : i32 to index
      %swap3A_612 = arith.constant 32 : index
      %swap3A_613 = tpu.vector_load %arg11[%swap3A_611, %swap3A_612] {strides = array<i32>} : memref<400x64xf32, #tpu.memory_space<vmem>>, vector<16xf32>,
      tpu.vector_store %arg11[%swap3A_611, %swap3A_612], %mul3A_552 {strides = array<i32>} : memref<400x64xf32, #tpu.memory_space<vmem>>, vector<16xf32>,
      %swap3A_614 = arith.index_cast %add3A_522 : i32 to index
      %swap3A_615 = arith.constant 48 : index
      %swap3A_616 = tpu.vector_load %arg11[%swap3A_614, %swap3A_615] {strides = array<i32>} : memref<400x64xf32, #tpu.memory_space<vmem>>, vector<16xf32>,
      tpu.vector_store %arg11[%swap3A_614, %swap3A_615], %mul3A_556 {strides = array<i32>} : memref<400x64xf32, #tpu.memory_space<vmem>>, vector<16xf32>,
      %swap3A_617 = arith.index_cast %add3A_528 : i32 to index
      %swap3A_618 = arith.constant 0 : index
      %swap3A_619 = tpu.vector_load %arg11[%swap3A_617, %swap3A_618] {strides = array<i32>} : memref<400x64xf32, #tpu.memory_space<vmem>>, vector<16xf32>,
      tpu.vector_store %arg11[%swap3A_617, %swap3A_618], %mul3A_560 {strides = array<i32>} : memref<400x64xf32, #tpu.memory_space<vmem>>, vector<16xf32>,
      %swap3A_620 = arith.index_cast %add3A_528 : i32 to index
      %swap3A_621 = arith.constant 16 : index
      %swap3A_622 = tpu.vector_load %arg11[%swap3A_620, %swap3A_621] {strides = array<i32>} : memref<400x64xf32, #tpu.memory_space<vmem>>, vector<16xf32>,
      tpu.vector_store %arg11[%swap3A_620, %swap3A_621], %mul3A_564 {strides = array<i32>} : memref<400x64xf32, #tpu.memory_space<vmem>>, vector<16xf32>,
      %swap3A_623 = arith.index_cast %add3A_528 : i32 to index
      %swap3A_624 = arith.constant 32 : index
      %swap3A_625 = tpu.vector_load %arg11[%swap3A_623, %swap3A_624] {strides = array<i32>} : memref<400x64xf32, #tpu.memory_space<vmem>>, vector<16xf32>,
      tpu.vector_store %arg11[%swap3A_623, %swap3A_624], %mul3A_568 {strides = array<i32>} : memref<400x64xf32, #tpu.memory_space<vmem>>, vector<16xf32>,
      %swap3A_626 = arith.index_cast %add3A_528 : i32 to index
      %swap3A_627 = arith.constant 48 : index
      %swap3A_628 = tpu.vector_load %arg11[%swap3A_626, %swap3A_627] {strides = array<i32>} : memref<400x64xf32, #tpu.memory_space<vmem>>, vector<16xf32>,
      tpu.vector_store %arg11[%swap3A_626, %swap3A_627], %mul3A_572 {strides = array<i32>} : memref<400x64xf32, #tpu.memory_space<vmem>>, vector<16xf32>,
      %swap3A_629 = arith.index_cast %add3A_534 : i32 to index
      %swap3A_630 = arith.constant 0 : index
      %swap3A_631 = tpu.vector_load %arg11[%swap3A_629, %swap3A_630] {strides = array<i32>} : memref<400x64xf32, #tpu.memory_space<vmem>>, vector<16xf32>,
      tpu.vector_store %arg11[%swap3A_629, %swap3A_630], %mul3A_576 {strides = array<i32>} : memref<400x64xf32, #tpu.memory_space<vmem>>, vector<16xf32>,
      %swap3A_632 = arith.index_cast %add3A_534 : i32 to index
      %swap3A_633 = arith.constant 16 : index
      %swap3A_634 = tpu.vector_load %arg11[%swap3A_632, %swap3A_633] {strides = array<i32>} : memref<400x64xf32, #tpu.memory_space<vmem>>, vector<16xf32>,
      tpu.vector_store %arg11[%swap3A_632, %swap3A_633], %mul3A_580 {strides = array<i32>} : memref<400x64xf32, #tpu.memory_space<vmem>>, vector<16xf32>,
      %swap3A_635 = arith.index_cast %add3A_534 : i32 to index
      %swap3A_636 = arith.constant 32 : index
      %swap3A_637 = tpu.vector_load %arg11[%swap3A_635, %swap3A_636] {strides = array<i32>} : memref<400x64xf32, #tpu.memory_space<vmem>>, vector<16xf32>,
      tpu.vector_store %arg11[%swap3A_635, %swap3A_636], %mul3A_584 {strides = array<i32>} : memref<400x64xf32, #tpu.memory_space<vmem>>, vector<16xf32>,
      %swap3A_638 = arith.index_cast %add3A_534 : i32 to index
      %swap3A_639 = arith.constant 48 : index
      %swap3A_640 = tpu.vector_load %arg11[%swap3A_638, %swap3A_639] {strides = array<i32>} : memref<400x64xf32, #tpu.memory_space<vmem>>, vector<16xf32>,
      tpu.vector_store %arg11[%swap3A_638, %swap3A_639], %mul3A_588 {strides = array<i32>} : memref<400x64xf32, #tpu.memory_space<vmem>>, vector<16xf32>,
      %swap3A_641 = arith.index_cast %add3A_540 : i32 to index
      %swap3A_642 = arith.constant 0 : index
      %swap3A_643 = tpu.vector_load %arg11[%swap3A_641, %swap3A_642] {strides = array<i32>} : memref<400x64xf32, #tpu.memory_space<vmem>>, vector<16xf32>,
      tpu.vector_store %arg11[%swap3A_641, %swap3A_642], %mul3A_592 {strides = array<i32>} : memref<400x64xf32, #tpu.memory_space<vmem>>, vector<16xf32>,
      %swap3A_644 = arith.index_cast %add3A_540 : i32 to index
      %swap3A_645 = arith.constant 16 : index
      %swap3A_646 = tpu.vector_load %arg11[%swap3A_644, %swap3A_645] {strides = array<i32>} : memref<400x64xf32, #tpu.memory_space<vmem>>, vector<16xf32>,
      tpu.vector_store %arg11[%swap3A_644, %swap3A_645], %mul3A_596 {strides = array<i32>} : memref<400x64xf32, #tpu.memory_space<vmem>>, vector<16xf32>,
      %swap3A_647 = arith.index_cast %add3A_540 : i32 to index
      %swap3A_648 = arith.constant 32 : index
      %swap3A_649 = tpu.vector_load %arg11[%swap3A_647, %swap3A_648] {strides = array<i32>} : memref<400x64xf32, #tpu.memory_space<vmem>>, vector<16xf32>,
      tpu.vector_store %arg11[%swap3A_647, %swap3A_648], %mul3A_600 {strides = array<i32>} : memref<400x64xf32, #tpu.memory_space<vmem>>, vector<16xf32>,
      %swap3A_650 = arith.index_cast %add3A_540 : i32 to index
      %swap3A_651 = arith.constant 48 : index
      %swap3A_652 = tpu.vector_load %arg11[%swap3A_650, %swap3A_651] {strides = array<i32>} : memref<400x64xf32, #tpu.memory_space<vmem>>, vector<16xf32>,
      tpu.vector_store %arg11[%swap3A_650, %swap3A_651], %mul3A_604 {strides = array<i32>} : memref<400x64xf32, #tpu.memory_space<vmem>>, vector<16xf32>,
    }
    %scan3A_53 = arith.constant 25 : i32
    %run_scoped3A = arith.constant 24 : i32
    "tpu.region"() ({
      %run_scoped3A_59 = tpu.sem_alloc : memref<!tpu.dma_semaphore, #tpu.memory_space<semaphore_mem>>
      %dma_start3A_60 = arith.constant 0 : i32
      %dma_start3A_61 = tpu.memref_slice %arg9[%run_scoped3A, %dma_start3A_60] : memref<25x400xi32, #tpu.memory_space<vmem>> -> memref<1x400xi32, #tpu.memory_space<vmem>>
      %dma_start3A_62 = tpu.memref_squeeze %dma_start3A_61 : memref<1x400xi32, #tpu.memory_space<vmem>> -> memref<400xi32, #tpu.memory_space<vmem>>
      %dma_start3A_63 = arith.constant 0 : i32
      %dma_start3A_64 = arith.constant 0 : i32
      %dma_start3A_65 = tpu.memref_slice %arg13[%dma_start3A_63, %dma_start3A_64] : memref<10240x64xf32, #tpu.memory_space<vmem_shared>> -> memref<10240x64xf32, #tpu.memory_space<vmem_shared>>
      tpu.enqueue_indirect_dma source(%arg11 : memref<400x64xf32, #tpu.memory_space<vmem>>) target(%dma_start3A_65 : memref<10240x64xf32, #tpu.memory_space<vmem_shared>>) offsets(%dma_start3A_62 : memref<400xi32, #tpu.memory_space<vmem>>) semaphore(%run_scoped3A_59 : memref<!tpu.dma_semaphore, #tpu.memory_space<semaphore_mem>>) {add = true}
      %dma_wait3A_66 = arith.constant 0 : i32
      %dma_wait3A_67 = tpu.memref_slice %arg9[%run_scoped3A, %dma_wait3A_66] : memref<25x400xi32, #tpu.memory_space<vmem>> -> memref<1x400xi32, #tpu.memory_space<vmem>>
      %dma_wait3A_68 = tpu.memref_squeeze %dma_wait3A_67 : memref<1x400xi32, #tpu.memory_space<vmem>> -> memref<400xi32, #tpu.memory_space<vmem>>
      %dma_wait3A_69 = arith.constant 0 : i32
      %dma_wait3A_70 = arith.constant 0 : i32
      %dma_wait3A_71 = tpu.memref_slice %arg13[%dma_wait3A_69, %dma_wait3A_70] : memref<10240x64xf32, #tpu.memory_space<vmem_shared>> -> memref<10240x64xf32, #tpu.memory_space<vmem_shared>>
      tpu.wait_indirect_dma semaphore(%run_scoped3A_59 : memref<!tpu.dma_semaphore, #tpu.memory_space<semaphore_mem>>) src(%arg11 : memref<400x64xf32, #tpu.memory_space<vmem>>) dst(%dma_wait3A_71 : memref<10240x64xf32, #tpu.memory_space<vmem_shared>>)
      tpu.yield
    }) : () -> ()
    %barrier3A_54 = arith.constant 0 : index
    tpu.barrier barrier_id(%barrier3A_54)
    %mul3A_55 = arith.constant 640 : i32
    %mul3A_56 = arith.muli %arg1, %mul3A_55 : i32
    %mul3A_57 = arith.constant 640 : i32
    %mul3A_58 = arith.muli %arg1, %mul3A_57 : i32
    "tpu.region"() ({
      %run_scoped3A_59 = tpu.sem_alloc : memref<!tpu.dma_semaphore, #tpu.memory_space<semaphore_mem>>
      %dma_start3A_60 = arith.constant 0 : i32
      %dma_start3A_61 = tpu.memref_slice %arg7[%arg0, %mul3A_58, %dma_start3A_60] : memref<2x10240x64xf32, #tpu.memory_space<hbm>> -> memref<1x640x64xf32, #tpu.memory_space<hbm>>
      %dma_start3A_62 = tpu.memref_squeeze %dma_start3A_61 : memref<1x640x64xf32, #tpu.memory_space<hbm>> -> memref<640x64xf32, #tpu.memory_space<hbm>>
      %dma_start3A_63 = arith.constant 0 : i32
      %dma_start3A_64 = tpu.memref_slice %arg13[%mul3A_56, %dma_start3A_63] : memref<10240x64xf32, #tpu.memory_space<vmem_shared>> -> memref<640x64xf32, #tpu.memory_space<vmem_shared>>
      tpu.enqueue_dma source(%dma_start3A_64 : memref<640x64xf32, #tpu.memory_space<vmem_shared>>) target(%dma_start3A_62 : memref<640x64xf32, #tpu.memory_space<hbm>>) target_semaphore(%run_scoped3A_59 : memref<!tpu.dma_semaphore, #tpu.memory_space<semaphore_mem>>)
      %dma_wait3A_65 = arith.constant 0 : i32
      %dma_wait3A_66 = tpu.memref_slice %arg7[%arg0, %mul3A_58, %dma_wait3A_65] : memref<2x10240x64xf32, #tpu.memory_space<hbm>> -> memref<1x640x64xf32, #tpu.memory_space<hbm>>
      %dma_wait3A_67 = tpu.memref_squeeze %dma_wait3A_66 : memref<1x640x64xf32, #tpu.memory_space<hbm>> -> memref<640x64xf32, #tpu.memory_space<hbm>>
      %dma_wait3A_68 = arith.constant 0 : i32
      %dma_wait3A_69 = tpu.memref_slice %arg13[%mul3A_56, %dma_wait3A_68] : memref<10240x64xf32, #tpu.memory_space<vmem_shared>> -> memref<640x64xf32, #tpu.memory_space<vmem_shared>>
      tpu.wait_dma2 semaphore(%run_scoped3A_59 : memref<!tpu.dma_semaphore, #tpu.memory_space<semaphore_mem>>) src(%dma_wait3A_69 : memref<640x64xf32, #tpu.memory_space<vmem_shared>>) dst(%dma_wait3A_67 : memref<640x64xf32, #tpu.memory_space<hbm>>)
      tpu.yield
    }) : () -> ()
    return
  }
}

#map = affine_map<(d0, d1) -> (0, 0)>
#map1 = affine_map<(d0, d1) -> (0, 0, 0)>
module attributes {stable_mosaic.version = 14 : i64} {
  func.func @_spmm_body(%arg0: i32, %arg1: i32, %arg2: memref<10000x64xf32, #tpu.memory_space<hbm>>, %arg3: memref<800x400xi32, #tpu.memory_space<hbm>>, %arg4: memref<800x400xi32, #tpu.memory_space<hbm>>, %arg5: memref<800x400xf32, #tpu.memory_space<hbm>>, %arg6: memref<10240x64xf32, #tpu.memory_space<hbm>>, %arg7: memref<2x10240x64xf32, #tpu.memory_space<hbm>>, %arg8: memref<25x400xi32, #tpu.memory_space<vmem>>, %arg9: memref<25x400xi32, #tpu.memory_space<vmem>>, %arg10: memref<25x400xf32, #tpu.memory_space<vmem>>, %arg11: memref<400x64xf32, #tpu.memory_space<vmem>>, %arg12: memref<400x64xf32, #tpu.memory_space<vmem>>, %arg13: memref<10240x64xf32, #tpu.memory_space<vmem_shared>>, %arg14: memref<!tpu.dma_semaphore, #tpu.memory_space<semaphore_mem>>, %arg15: memref<!tpu.dma_semaphore, #tpu.memory_space<semaphore_mem>>, %arg16: memref<!tpu.dma_semaphore, #tpu.memory_space<semaphore_mem>>) attributes {dimension_semantics = [#tpu.dimension_semantics<core_parallel>, #tpu.dimension_semantics<subcore_parallel>], iteration_bounds = array<i64: 2, 16>, scalar_prefetch = 0 : i64, scratch_operands = 9 : i64, tpu.core_type = #tpu.core_type<sc_vector_subcore>, window_params = [{transform_indices = #map}, {transform_indices = #map}, {transform_indices = #map}, {transform_indices = #map}, {transform_indices = #map}, {transform_indices = #map1}]} {
    %mul3A = arith.constant 16 : i32
    %mul3A_0 = arith.muli %arg0, %mul3A : i32
    %add3A = arith.addi %mul3A_0, %arg1 : i32
    %mul3A_1 = arith.constant 25 : i32
    %mul3A_2 = arith.muli %add3A, %mul3A_1 : i32
    %dma_start3A = arith.constant 0 : i32
    %dma_start3A_3 = tpu.memref_slice %arg3[%mul3A_2, %dma_start3A] : memref<800x400xi32, #tpu.memory_space<hbm>> -> memref<25x400xi32, #tpu.memory_space<hbm>>
    %dma_start3A_4 = arith.constant 0 : i32
    %dma_start3A_5 = tpu.memref_slice %arg3[%mul3A_2, %dma_start3A_4] : memref<800x400xi32, #tpu.memory_space<hbm>> -> memref<25x400xi32, #tpu.memory_space<hbm>>
    tpu.enqueue_dma source(%dma_start3A_5 : memref<25x400xi32, #tpu.memory_space<hbm>>) target(%arg8 : memref<25x400xi32, #tpu.memory_space<vmem>>) target_semaphore(%arg14 : memref<!tpu.dma_semaphore, #tpu.memory_space<semaphore_mem>>)
    %dma_start3A_6 = arith.constant 0 : i32
    %dma_start3A_7 = tpu.memref_slice %arg4[%mul3A_2, %dma_start3A_6] : memref<800x400xi32, #tpu.memory_space<hbm>> -> memref<25x400xi32, #tpu.memory_space<hbm>>
    %dma_start3A_8 = arith.constant 0 : i32
    %dma_start3A_9 = tpu.memref_slice %arg4[%mul3A_2, %dma_start3A_8] : memref<800x400xi32, #tpu.memory_space<hbm>> -> memref<25x400xi32, #tpu.memory_space<hbm>>
    tpu.enqueue_dma source(%dma_start3A_9 : memref<25x400xi32, #tpu.memory_space<hbm>>) target(%arg9 : memref<25x400xi32, #tpu.memory_space<vmem>>) target_semaphore(%arg14 : memref<!tpu.dma_semaphore, #tpu.memory_space<semaphore_mem>>)
    %dma_start3A_10 = arith.constant 0 : i32
    %dma_start3A_11 = tpu.memref_slice %arg5[%mul3A_2, %dma_start3A_10] : memref<800x400xf32, #tpu.memory_space<hbm>> -> memref<25x400xf32, #tpu.memory_space<hbm>>
    %dma_start3A_12 = arith.constant 0 : i32
    %dma_start3A_13 = tpu.memref_slice %arg5[%mul3A_2, %dma_start3A_12] : memref<800x400xf32, #tpu.memory_space<hbm>> -> memref<25x400xf32, #tpu.memory_space<hbm>>
    tpu.enqueue_dma source(%dma_start3A_13 : memref<25x400xf32, #tpu.memory_space<hbm>>) target(%arg10 : memref<25x400xf32, #tpu.memory_space<vmem>>) target_semaphore(%arg14 : memref<!tpu.dma_semaphore, #tpu.memory_space<semaphore_mem>>)
    %mul3A_14 = arith.constant 640 : i32
    %mul3A_15 = arith.muli %arg1, %mul3A_14 : i32
    %mul3A_16 = arith.constant 640 : i32
    %mul3A_17 = arith.muli %arg1, %mul3A_16 : i32
    "tpu.region"() ({
      %run_scoped3A_59 = tpu.sem_alloc : memref<!tpu.dma_semaphore, #tpu.memory_space<semaphore_mem>>
      %dma_start3A_60 = arith.constant 0 : i32
      %dma_start3A_61 = tpu.memref_slice %arg13[%mul3A_17, %dma_start3A_60] : memref<10240x64xf32, #tpu.memory_space<vmem_shared>> -> memref<640x64xf32, #tpu.memory_space<vmem_shared>>
      %dma_start3A_62 = arith.constant 0 : i32
      %dma_start3A_63 = tpu.memref_slice %arg6[%mul3A_15, %dma_start3A_62] : memref<10240x64xf32, #tpu.memory_space<hbm>> -> memref<640x64xf32, #tpu.memory_space<hbm>>
      tpu.enqueue_dma source(%dma_start3A_63 : memref<640x64xf32, #tpu.memory_space<hbm>>) target(%dma_start3A_61 : memref<640x64xf32, #tpu.memory_space<vmem_shared>>) target_semaphore(%run_scoped3A_59 : memref<!tpu.dma_semaphore, #tpu.memory_space<semaphore_mem>>)
      %dma_wait3A_64 = arith.constant 0 : i32
      %dma_wait3A_65 = tpu.memref_slice %arg13[%mul3A_17, %dma_wait3A_64] : memref<10240x64xf32, #tpu.memory_space<vmem_shared>> -> memref<640x64xf32, #tpu.memory_space<vmem_shared>>
      %dma_wait3A_66 = arith.constant 0 : i32
      %dma_wait3A_67 = tpu.memref_slice %arg6[%mul3A_15, %dma_wait3A_66] : memref<10240x64xf32, #tpu.memory_space<hbm>> -> memref<640x64xf32, #tpu.memory_space<hbm>>
      tpu.wait_dma2 semaphore(%run_scoped3A_59 : memref<!tpu.dma_semaphore, #tpu.memory_space<semaphore_mem>>) src(%dma_wait3A_67 : memref<640x64xf32, #tpu.memory_space<hbm>>) dst(%dma_wait3A_65 : memref<640x64xf32, #tpu.memory_space<vmem_shared>>)
      tpu.yield
    }) : () -> ()
    %dma_wait3A = arith.constant 0 : i32
    %dma_wait3A_18 = tpu.memref_slice %arg3[%mul3A_2, %dma_wait3A] : memref<800x400xi32, #tpu.memory_space<hbm>> -> memref<25x400xi32, #tpu.memory_space<hbm>>
    %dma_wait3A_19 = arith.constant 0 : i32
    %dma_wait3A_20 = tpu.memref_slice %arg3[%mul3A_2, %dma_wait3A_19] : memref<800x400xi32, #tpu.memory_space<hbm>> -> memref<25x400xi32, #tpu.memory_space<hbm>>
    tpu.wait_dma2 semaphore(%arg14 : memref<!tpu.dma_semaphore, #tpu.memory_space<semaphore_mem>>) src(%dma_wait3A_20 : memref<25x400xi32, #tpu.memory_space<hbm>>) dst(%arg8 : memref<25x400xi32, #tpu.memory_space<vmem>>)
    %dma_wait3A_21 = arith.constant 0 : i32
    %dma_wait3A_22 = tpu.memref_slice %arg4[%mul3A_2, %dma_wait3A_21] : memref<800x400xi32, #tpu.memory_space<hbm>> -> memref<25x400xi32, #tpu.memory_space<hbm>>
    %dma_wait3A_23 = arith.constant 0 : i32
    %dma_wait3A_24 = tpu.memref_slice %arg4[%mul3A_2, %dma_wait3A_23] : memref<800x400xi32, #tpu.memory_space<hbm>> -> memref<25x400xi32, #tpu.memory_space<hbm>>
    tpu.wait_dma2 semaphore(%arg14 : memref<!tpu.dma_semaphore, #tpu.memory_space<semaphore_mem>>) src(%dma_wait3A_24 : memref<25x400xi32, #tpu.memory_space<hbm>>) dst(%arg9 : memref<25x400xi32, #tpu.memory_space<vmem>>)
    %dma_wait3A_25 = arith.constant 0 : i32
    %dma_wait3A_26 = tpu.memref_slice %arg5[%mul3A_2, %dma_wait3A_25] : memref<800x400xf32, #tpu.memory_space<hbm>> -> memref<25x400xf32, #tpu.memory_space<hbm>>
    %dma_wait3A_27 = arith.constant 0 : i32
    %dma_wait3A_28 = tpu.memref_slice %arg5[%mul3A_2, %dma_wait3A_27] : memref<800x400xf32, #tpu.memory_space<hbm>> -> memref<25x400xf32, #tpu.memory_space<hbm>>
    tpu.wait_dma2 semaphore(%arg14 : memref<!tpu.dma_semaphore, #tpu.memory_space<semaphore_mem>>) src(%dma_wait3A_28 : memref<25x400xf32, #tpu.memory_space<hbm>>) dst(%arg10 : memref<25x400xf32, #tpu.memory_space<vmem>>)
    %barrier3A = arith.constant 0 : index
    tpu.barrier barrier_id(%barrier3A)
    %dma_start3A_29 = arith.constant 0 : i32
    %dma_start3A_30 = arith.constant 0 : i32
    %dma_start3A_31 = tpu.memref_slice %arg8[%dma_start3A_29, %dma_start3A_30] : memref<25x400xi32, #tpu.memory_space<vmem>> -> memref<1x400xi32, #tpu.memory_space<vmem>>
    %dma_start3A_32 = tpu.memref_squeeze %dma_start3A_31 : memref<1x400xi32, #tpu.memory_space<vmem>> -> memref<400xi32, #tpu.memory_space<vmem>>
    %dma_start3A_33 = arith.constant 0 : i32
    %dma_start3A_34 = arith.constant 0 : i32
    %dma_start3A_35 = tpu.memref_slice %arg2[%dma_start3A_33, %dma_start3A_34] : memref<10000x64xf32, #tpu.memory_space<hbm>> -> memref<10000x64xf32, #tpu.memory_space<hbm>>
    tpu.enqueue_indirect_dma source(%dma_start3A_35 : memref<10000x64xf32, #tpu.memory_space<hbm>>) target(%arg11 : memref<400x64xf32, #tpu.memory_space<vmem>>) offsets(%dma_start3A_32 : memref<400xi32, #tpu.memory_space<vmem>>) semaphore(%arg15 : memref<!tpu.dma_semaphore, #tpu.memory_space<semaphore_mem>>)
    %scan3A = arith.constant 0 : i32
    %scan3A_36 = arith.constant 0 : i32
    %scan3A_37 = arith.constant 12 : i32
    %scan3A_38 = arith.addi %scan3A_36, %scan3A_37 : i32
    %scan3A_39 = arith.constant 1 : i32
    scf.for %scan3A_59 = %scan3A_36 to %scan3A_38 step %scan3A_39  : i32 {
      %mul3A_60 = arith.constant 2 : i32
      %mul3A_61 = arith.muli %mul3A_60, %scan3A_59 : i32
      %add3A_62 = arith.constant 1 : i32
      %add3A_63 = arith.addi %mul3A_61, %add3A_62 : i32
      %dma_start3A_64 = arith.constant 0 : i32
      %dma_start3A_65 = tpu.memref_slice %arg8[%add3A_63, %dma_start3A_64] : memref<25x400xi32, #tpu.memory_space<vmem>> -> memref<1x400xi32, #tpu.memory_space<vmem>>
      %dma_start3A_66 = tpu.memref_squeeze %dma_start3A_65 : memref<1x400xi32, #tpu.memory_space<vmem>> -> memref<400xi32, #tpu.memory_space<vmem>>
      %dma_start3A_67 = arith.constant 0 : i32
      %dma_start3A_68 = arith.constant 0 : i32
      %dma_start3A_69 = tpu.memref_slice %arg2[%dma_start3A_67, %dma_start3A_68] : memref<10000x64xf32, #tpu.memory_space<hbm>> -> memref<10000x64xf32, #tpu.memory_space<hbm>>
      tpu.enqueue_indirect_dma source(%dma_start3A_69 : memref<10000x64xf32, #tpu.memory_space<hbm>>) target(%arg12 : memref<400x64xf32, #tpu.memory_space<vmem>>) offsets(%dma_start3A_66 : memref<400xi32, #tpu.memory_space<vmem>>) semaphore(%arg16 : memref<!tpu.dma_semaphore, #tpu.memory_space<semaphore_mem>>)
      %dma_wait3A_70 = arith.constant 0 : i32
      %dma_wait3A_71 = arith.constant 0 : i32
      %dma_wait3A_72 = tpu.memref_slice %arg8[%dma_wait3A_70, %dma_wait3A_71] : memref<25x400xi32, #tpu.memory_space<vmem>> -> memref<1x400xi32, #tpu.memory_space<vmem>>
      %dma_wait3A_73 = tpu.memref_squeeze %dma_wait3A_72 : memref<1x400xi32, #tpu.memory_space<vmem>> -> memref<400xi32, #tpu.memory_space<vmem>>
      %dma_wait3A_74 = arith.constant 0 : i32
      %dma_wait3A_75 = arith.constant 0 : i32
      %dma_wait3A_76 = tpu.memref_slice %arg2[%dma_wait3A_74, %dma_wait3A_75] : memref<10000x64xf32, #tpu.memory_space<hbm>> -> memref<10000x64xf32, #tpu.memory_space<hbm>>
      tpu.wait_indirect_dma semaphore(%arg15 : memref<!tpu.dma_semaphore, #tpu.memory_space<semaphore_mem>>) src(%dma_wait3A_76 : memref<10000x64xf32, #tpu.memory_space<hbm>>) dst(%arg11 : memref<400x64xf32, #tpu.memory_space<vmem>>)
      %scan3A_77 = arith.constant 0 : i32
      %scan3A_78 = arith.constant 0 : i32
      %scan3A_79 = arith.constant 25 : i32
      %scan3A_80 = arith.addi %scan3A_78, %scan3A_79 : i32
      %scan3A_81 = arith.constant 1 : i32
      scf.for %scan3A_102 = %scan3A_78 to %scan3A_80 step %scan3A_81  : i32 {
        %mul3A_103 = arith.constant 16 : i32
        %mul3A_104 = arith.muli %scan3A_102, %mul3A_103 : i32
        %get3A = arith.index_cast %mul3A_61 : i32 to index
        %get3A_105 = arith.index_cast %mul3A_104 : i32 to index
        %get3A_106 = tpu.vector_load %arg10[%get3A, %get3A_105] {strides = array<i32>} : memref<25x400xf32, #tpu.memory_space<vmem>>, vector<16xf32>,
        %slice3A = vector.extract_strided_slice %get3A_106 {offsets = [0], sizes = [1], strides = [1]} : vector<16xf32> to vector<1xf32>
        %squeeze3A = vector.extract %slice3A[0] : f32 from vector<1xf32>
        %broadcast_in_dim3A = vector.broadcast %squeeze3A : f32 to vector<16xf32>
        %slice3A_107 = vector.extract_strided_slice %get3A_106 {offsets = [1], sizes = [1], strides = [1]} : vector<16xf32> to vector<1xf32>
        %squeeze3A_108 = vector.extract %slice3A_107[0] : f32 from vector<1xf32>
        %broadcast_in_dim3A_109 = vector.broadcast %squeeze3A_108 : f32 to vector<16xf32>
        %slice3A_110 = vector.extract_strided_slice %get3A_106 {offsets = [2], sizes = [1], strides = [1]} : vector<16xf32> to vector<1xf32>
        %squeeze3A_111 = vector.extract %slice3A_110[0] : f32 from vector<1xf32>
        %broadcast_in_dim3A_112 = vector.broadcast %squeeze3A_111 : f32 to vector<16xf32>
        %slice3A_113 = vector.extract_strided_slice %get3A_106 {offsets = [3], sizes = [1], strides = [1]} : vector<16xf32> to vector<1xf32>
        %squeeze3A_114 = vector.extract %slice3A_113[0] : f32 from vector<1xf32>
        %broadcast_in_dim3A_115 = vector.broadcast %squeeze3A_114 : f32 to vector<16xf32>
        %mul3A_116 = arith.constant 16 : i32
        %mul3A_117 = arith.muli %scan3A_102, %mul3A_116 : i32
        %add3A_118 = arith.constant 0 : i32
        %add3A_119 = arith.addi %mul3A_117, %add3A_118 : i32
        %add3A_120 = arith.constant 0 : i32
        %add3A_121 = arith.addi %add3A_119, %add3A_120 : i32
        %mul3A_122 = arith.constant 16 : i32
        %mul3A_123 = arith.muli %scan3A_102, %mul3A_122 : i32
        %add3A_124 = arith.constant 0 : i32
        %add3A_125 = arith.addi %mul3A_123, %add3A_124 : i32
        %add3A_126 = arith.constant 1 : i32
        %add3A_127 = arith.addi %add3A_125, %add3A_126 : i32
        %mul3A_128 = arith.constant 16 : i32
        %mul3A_129 = arith.muli %scan3A_102, %mul3A_128 : i32
        %add3A_130 = arith.constant 0 : i32
        %add3A_131 = arith.addi %mul3A_129, %add3A_130 : i32
        %add3A_132 = arith.constant 2 : i32
        %add3A_133 = arith.addi %add3A_131, %add3A_132 : i32
        %mul3A_134 = arith.constant 16 : i32
        %mul3A_135 = arith.muli %scan3A_102, %mul3A_134 : i32
        %add3A_136 = arith.constant 0 : i32
        %add3A_137 = arith.addi %mul3A_135, %add3A_136 : i32
        %add3A_138 = arith.constant 3 : i32
        %add3A_139 = arith.addi %add3A_137, %add3A_138 : i32
        %get3A_140 = arith.index_cast %add3A_121 : i32 to index
        %get3A_141 = arith.constant 0 : index
        %get3A_142 = tpu.vector_load %arg11[%get3A_140, %get3A_141] {strides = array<i32>} : memref<400x64xf32, #tpu.memory_space<vmem>>, vector<16xf32>,
        %mul3A_143 = arith.mulf %get3A_142, %broadcast_in_dim3A : vector<16xf32>
        %get3A_144 = arith.index_cast %add3A_121 : i32 to index
        %get3A_145 = arith.constant 16 : index
        %get3A_146 = tpu.vector_load %arg11[%get3A_144, %get3A_145] {strides = array<i32>} : memref<400x64xf32, #tpu.memory_space<vmem>>, vector<16xf32>,
        %mul3A_147 = arith.mulf %get3A_146, %broadcast_in_dim3A : vector<16xf32>
        %get3A_148 = arith.index_cast %add3A_121 : i32 to index
        %get3A_149 = arith.constant 32 : index
        %get3A_150 = tpu.vector_load %arg11[%get3A_148, %get3A_149] {strides = array<i32>} : memref<400x64xf32, #tpu.memory_space<vmem>>, vector<16xf32>,
        %mul3A_151 = arith.mulf %get3A_150, %broadcast_in_dim3A : vector<16xf32>
        %get3A_152 = arith.index_cast %add3A_121 : i32 to index
        %get3A_153 = arith.constant 48 : index
        %get3A_154 = tpu.vector_load %arg11[%get3A_152, %get3A_153] {strides = array<i32>} : memref<400x64xf32, #tpu.memory_space<vmem>>, vector<16xf32>,
        %mul3A_155 = arith.mulf %get3A_154, %broadcast_in_dim3A : vector<16xf32>
        %get3A_156 = arith.index_cast %add3A_127 : i32 to index
        %get3A_157 = arith.constant 0 : index
        %get3A_158 = tpu.vector_load %arg11[%get3A_156, %get3A_157] {strides = array<i32>} : memref<400x64xf32, #tpu.memory_space<vmem>>, vector<16xf32>,
        %mul3A_159 = arith.mulf %get3A_158, %broadcast_in_dim3A_109 : vector<16xf32>
        %get3A_160 = arith.index_cast %add3A_127 : i32 to index
        %get3A_161 = arith.constant 16 : index
        %get3A_162 = tpu.vector_load %arg11[%get3A_160, %get3A_161] {strides = array<i32>} : memref<400x64xf32, #tpu.memory_space<vmem>>, vector<16xf32>,
        %mul3A_163 = arith.mulf %get3A_162, %broadcast_in_dim3A_109 : vector<16xf32>
        %get3A_164 = arith.index_cast %add3A_127 : i32 to index
        %get3A_165 = arith.constant 32 : index
        %get3A_166 = tpu.vector_load %arg11[%get3A_164, %get3A_165] {strides = array<i32>} : memref<400x64xf32, #tpu.memory_space<vmem>>, vector<16xf32>,
        %mul3A_167 = arith.mulf %get3A_166, %broadcast_in_dim3A_109 : vector<16xf32>
        %get3A_168 = arith.index_cast %add3A_127 : i32 to index
        %get3A_169 = arith.constant 48 : index
        %get3A_170 = tpu.vector_load %arg11[%get3A_168, %get3A_169] {strides = array<i32>} : memref<400x64xf32, #tpu.memory_space<vmem>>, vector<16xf32>,
        %mul3A_171 = arith.mulf %get3A_170, %broadcast_in_dim3A_109 : vector<16xf32>
        %get3A_172 = arith.index_cast %add3A_133 : i32 to index
        %get3A_173 = arith.constant 0 : index
        %get3A_174 = tpu.vector_load %arg11[%get3A_172, %get3A_173] {strides = array<i32>} : memref<400x64xf32, #tpu.memory_space<vmem>>, vector<16xf32>,
        %mul3A_175 = arith.mulf %get3A_174, %broadcast_in_dim3A_112 : vector<16xf32>
        %get3A_176 = arith.index_cast %add3A_133 : i32 to index
        %get3A_177 = arith.constant 16 : index
        %get3A_178 = tpu.vector_load %arg11[%get3A_176, %get3A_177] {strides = array<i32>} : memref<400x64xf32, #tpu.memory_space<vmem>>, vector<16xf32>,
        %mul3A_179 = arith.mulf %get3A_178, %broadcast_in_dim3A_112 : vector<16xf32>
        %get3A_180 = arith.index_cast %add3A_133 : i32 to index
        %get3A_181 = arith.constant 32 : index
        %get3A_182 = tpu.vector_load %arg11[%get3A_180, %get3A_181] {strides = array<i32>} : memref<400x64xf32, #tpu.memory_space<vmem>>, vector<16xf32>,
        %mul3A_183 = arith.mulf %get3A_182, %broadcast_in_dim3A_112 : vector<16xf32>
        %get3A_184 = arith.index_cast %add3A_133 : i32 to index
        %get3A_185 = arith.constant 48 : index
        %get3A_186 = tpu.vector_load %arg11[%get3A_184, %get3A_185] {strides = array<i32>} : memref<400x64xf32, #tpu.memory_space<vmem>>, vector<16xf32>,
        %mul3A_187 = arith.mulf %get3A_186, %broadcast_in_dim3A_112 : vector<16xf32>
        %get3A_188 = arith.index_cast %add3A_139 : i32 to index
        %get3A_189 = arith.constant 0 : index
        %get3A_190 = tpu.vector_load %arg11[%get3A_188, %get3A_189] {strides = array<i32>} : memref<400x64xf32, #tpu.memory_space<vmem>>, vector<16xf32>,
        %mul3A_191 = arith.mulf %get3A_190, %broadcast_in_dim3A_115 : vector<16xf32>
        %get3A_192 = arith.index_cast %add3A_139 : i32 to index
        %get3A_193 = arith.constant 16 : index
        %get3A_194 = tpu.vector_load %arg11[%get3A_192, %get3A_193] {strides = array<i32>} : memref<400x64xf32, #tpu.memory_space<vmem>>, vector<16xf32>,
        %mul3A_195 = arith.mulf %get3A_194, %broadcast_in_dim3A_115 : vector<16xf32>
        %get3A_196 = arith.index_cast %add3A_139 : i32 to index
        %get3A_197 = arith.constant 32 : index
        %get3A_198 = tpu.vector_load %arg11[%get3A_196, %get3A_197] {strides = array<i32>} : memref<400x64xf32, #tpu.memory_space<vmem>>, vector<16xf32>,
        %mul3A_199 = arith.mulf %get3A_198, %broadcast_in_dim3A_115 : vector<16xf32>
        %get3A_200 = arith.index_cast %add3A_139 : i32 to index
        %get3A_201 = arith.constant 48 : index
        %get3A_202 = tpu.vector_load %arg11[%get3A_200, %get3A_201] {strides = array<i32>} : memref<400x64xf32, #tpu.memory_space<vmem>>, vector<16xf32>,
        %mul3A_203 = arith.mulf %get3A_202, %broadcast_in_dim3A_115 : vector<16xf32>
        %swap3A = arith.index_cast %add3A_121 : i32 to index
        %swap3A_204 = arith.constant 0 : index
        %swap3A_205 = tpu.vector_load %arg11[%swap3A, %swap3A_204] {strides = array<i32>} : memref<400x64xf32, #tpu.memory_space<vmem>>, vector<16xf32>,
        tpu.vector_store %arg11[%swap3A, %swap3A_204], %mul3A_143 {strides = array<i32>} : memref<400x64xf32, #tpu.memory_space<vmem>>, vector<16xf32>,
        %swap3A_206 = arith.index_cast %add3A_121 : i32 to index
        %swap3A_207 = arith.constant 16 : index
        %swap3A_208 = tpu.vector_load %arg11[%swap3A_206, %swap3A_207] {strides = array<i32>} : memref<400x64xf32, #tpu.memory_space<vmem>>, vector<16xf32>,
        tpu.vector_store %arg11[%swap3A_206, %swap3A_207], %mul3A_147 {strides = array<i32>} : memref<400x64xf32, #tpu.memory_space<vmem>>, vector<16xf32>,
        %swap3A_209 = arith.index_cast %add3A_121 : i32 to index
        %swap3A_210 = arith.constant 32 : index
        %swap3A_211 = tpu.vector_load %arg11[%swap3A_209, %swap3A_210] {strides = array<i32>} : memref<400x64xf32, #tpu.memory_space<vmem>>, vector<16xf32>,
        tpu.vector_store %arg11[%swap3A_209, %swap3A_210], %mul3A_151 {strides = array<i32>} : memref<400x64xf32, #tpu.memory_space<vmem>>, vector<16xf32>,
        %swap3A_212 = arith.index_cast %add3A_121 : i32 to index
        %swap3A_213 = arith.constant 48 : index
        %swap3A_214 = tpu.vector_load %arg11[%swap3A_212, %swap3A_213] {strides = array<i32>} : memref<400x64xf32, #tpu.memory_space<vmem>>, vector<16xf32>,
        tpu.vector_store %arg11[%swap3A_212, %swap3A_213], %mul3A_155 {strides = array<i32>} : memref<400x64xf32, #tpu.memory_space<vmem>>, vector<16xf32>,
        %swap3A_215 = arith.index_cast %add3A_127 : i32 to index
        %swap3A_216 = arith.constant 0 : index
        %swap3A_217 = tpu.vector_load %arg11[%swap3A_215, %swap3A_216] {strides = array<i32>} : memref<400x64xf32, #tpu.memory_space<vmem>>, vector<16xf32>,
        tpu.vector_store %arg11[%swap3A_215, %swap3A_216], %mul3A_159 {strides = array<i32>} : memref<400x64xf32, #tpu.memory_space<vmem>>, vector<16xf32>,
        %swap3A_218 = arith.index_cast %add3A_127 : i32 to index
        %swap3A_219 = arith.constant 16 : index
        %swap3A_220 = tpu.vector_load %arg11[%swap3A_218, %swap3A_219] {strides = array<i32>} : memref<400x64xf32, #tpu.memory_space<vmem>>, vector<16xf32>,
        tpu.vector_store %arg11[%swap3A_218, %swap3A_219], %mul3A_163 {strides = array<i32>} : memref<400x64xf32, #tpu.memory_space<vmem>>, vector<16xf32>,
        %swap3A_221 = arith.index_cast %add3A_127 : i32 to index
        %swap3A_222 = arith.constant 32 : index
        %swap3A_223 = tpu.vector_load %arg11[%swap3A_221, %swap3A_222] {strides = array<i32>} : memref<400x64xf32, #tpu.memory_space<vmem>>, vector<16xf32>,
        tpu.vector_store %arg11[%swap3A_221, %swap3A_222], %mul3A_167 {strides = array<i32>} : memref<400x64xf32, #tpu.memory_space<vmem>>, vector<16xf32>,
        %swap3A_224 = arith.index_cast %add3A_127 : i32 to index
        %swap3A_225 = arith.constant 48 : index
        %swap3A_226 = tpu.vector_load %arg11[%swap3A_224, %swap3A_225] {strides = array<i32>} : memref<400x64xf32, #tpu.memory_space<vmem>>, vector<16xf32>,
        tpu.vector_store %arg11[%swap3A_224, %swap3A_225], %mul3A_171 {strides = array<i32>} : memref<400x64xf32, #tpu.memory_space<vmem>>, vector<16xf32>,
        %swap3A_227 = arith.index_cast %add3A_133 : i32 to index
        %swap3A_228 = arith.constant 0 : index
        %swap3A_229 = tpu.vector_load %arg11[%swap3A_227, %swap3A_228] {strides = array<i32>} : memref<400x64xf32, #tpu.memory_space<vmem>>, vector<16xf32>,
        tpu.vector_store %arg11[%swap3A_227, %swap3A_228], %mul3A_175 {strides = array<i32>} : memref<400x64xf32, #tpu.memory_space<vmem>>, vector<16xf32>,
        %swap3A_230 = arith.index_cast %add3A_133 : i32 to index
        %swap3A_231 = arith.constant 16 : index
        %swap3A_232 = tpu.vector_load %arg11[%swap3A_230, %swap3A_231] {strides = array<i32>} : memref<400x64xf32, #tpu.memory_space<vmem>>, vector<16xf32>,
        tpu.vector_store %arg11[%swap3A_230, %swap3A_231], %mul3A_179 {strides = array<i32>} : memref<400x64xf32, #tpu.memory_space<vmem>>, vector<16xf32>,
        %swap3A_233 = arith.index_cast %add3A_133 : i32 to index
        %swap3A_234 = arith.constant 32 : index
        %swap3A_235 = tpu.vector_load %arg11[%swap3A_233, %swap3A_234] {strides = array<i32>} : memref<400x64xf32, #tpu.memory_space<vmem>>, vector<16xf32>,
        tpu.vector_store %arg11[%swap3A_233, %swap3A_234], %mul3A_183 {strides = array<i32>} : memref<400x64xf32, #tpu.memory_space<vmem>>, vector<16xf32>,
        %swap3A_236 = arith.index_cast %add3A_133 : i32 to index
        %swap3A_237 = arith.constant 48 : index
        %swap3A_238 = tpu.vector_load %arg11[%swap3A_236, %swap3A_237] {strides = array<i32>} : memref<400x64xf32, #tpu.memory_space<vmem>>, vector<16xf32>,
        tpu.vector_store %arg11[%swap3A_236, %swap3A_237], %mul3A_187 {strides = array<i32>} : memref<400x64xf32, #tpu.memory_space<vmem>>, vector<16xf32>,
        %swap3A_239 = arith.index_cast %add3A_139 : i32 to index
        %swap3A_240 = arith.constant 0 : index
        %swap3A_241 = tpu.vector_load %arg11[%swap3A_239, %swap3A_240] {strides = array<i32>} : memref<400x64xf32, #tpu.memory_space<vmem>>, vector<16xf32>,
        tpu.vector_store %arg11[%swap3A_239, %swap3A_240], %mul3A_191 {strides = array<i32>} : memref<400x64xf32, #tpu.memory_space<vmem>>, vector<16xf32>,
        %swap3A_242 = arith.index_cast %add3A_139 : i32 to index
        %swap3A_243 = arith.constant 16 : index
        %swap3A_244 = tpu.vector_load %arg11[%swap3A_242, %swap3A_243] {strides = array<i32>} : memref<400x64xf32, #tpu.memory_space<vmem>>, vector<16xf32>,
        tpu.vector_store %arg11[%swap3A_242, %swap3A_243], %mul3A_195 {strides = array<i32>} : memref<400x64xf32, #tpu.memory_space<vmem>>, vector<16xf32>,
        %swap3A_245 = arith.index_cast %add3A_139 : i32 to index
        %swap3A_246 = arith.constant 32 : index
        %swap3A_247 = tpu.vector_load %arg11[%swap3A_245, %swap3A_246] {strides = array<i32>} : memref<400x64xf32, #tpu.memory_space<vmem>>, vector<16xf32>,
        tpu.vector_store %arg11[%swap3A_245, %swap3A_246], %mul3A_199 {strides = array<i32>} : memref<400x64xf32, #tpu.memory_space<vmem>>, vector<16xf32>,
        %swap3A_248 = arith.index_cast %add3A_139 : i32 to index
        %swap3A_249 = arith.constant 48 : index
        %swap3A_250 = tpu.vector_load %arg11[%swap3A_248, %swap3A_249] {strides = array<i32>} : memref<400x64xf32, #tpu.memory_space<vmem>>, vector<16xf32>,
        tpu.vector_store %arg11[%swap3A_248, %swap3A_249], %mul3A_203 {strides = array<i32>} : memref<400x64xf32, #tpu.memory_space<vmem>>, vector<16xf32>,
        %slice3A_251 = vector.extract_strided_slice %get3A_106 {offsets = [4], sizes = [1], strides = [1]} : vector<16xf32> to vector<1xf32>
        %squeeze3A_252 = vector.extract %slice3A_251[0] : f32 from vector<1xf32>
        %broadcast_in_dim3A_253 = vector.broadcast %squeeze3A_252 : f32 to vector<16xf32>
        %slice3A_254 = vector.extract_strided_slice %get3A_106 {offsets = [5], sizes = [1], strides = [1]} : vector<16xf32> to vector<1xf32>
        %squeeze3A_255 = vector.extract %slice3A_254[0] : f32 from vector<1xf32>
        %broadcast_in_dim3A_256 = vector.broadcast %squeeze3A_255 : f32 to vector<16xf32>
        %slice3A_257 = vector.extract_strided_slice %get3A_106 {offsets = [6], sizes = [1], strides = [1]} : vector<16xf32> to vector<1xf32>
        %squeeze3A_258 = vector.extract %slice3A_257[0] : f32 from vector<1xf32>
        %broadcast_in_dim3A_259 = vector.broadcast %squeeze3A_258 : f32 to vector<16xf32>
        %slice3A_260 = vector.extract_strided_slice %get3A_106 {offsets = [7], sizes = [1], strides = [1]} : vector<16xf32> to vector<1xf32>
        %squeeze3A_261 = vector.extract %slice3A_260[0] : f32 from vector<1xf32>
        %broadcast_in_dim3A_262 = vector.broadcast %squeeze3A_261 : f32 to vector<16xf32>
        %mul3A_263 = arith.constant 16 : i32
        %mul3A_264 = arith.muli %scan3A_102, %mul3A_263 : i32
        %add3A_265 = arith.constant 4 : i32
        %add3A_266 = arith.addi %mul3A_264, %add3A_265 : i32
        %add3A_267 = arith.constant 0 : i32
        %add3A_268 = arith.addi %add3A_266, %add3A_267 : i32
        %mul3A_269 = arith.constant 16 : i32
        %mul3A_270 = arith.muli %scan3A_102, %mul3A_269 : i32
        %add3A_271 = arith.constant 4 : i32
        %add3A_272 = arith.addi %mul3A_270, %add3A_271 : i32
        %add3A_273 = arith.constant 1 : i32
        %add3A_274 = arith.addi %add3A_272, %add3A_273 : i32
        %mul3A_275 = arith.constant 16 : i32
        %mul3A_276 = arith.muli %scan3A_102, %mul3A_275 : i32
        %add3A_277 = arith.constant 4 : i32
        %add3A_278 = arith.addi %mul3A_276, %add3A_277 : i32
        %add3A_279 = arith.constant 2 : i32
        %add3A_280 = arith.addi %add3A_278, %add3A_279 : i32
        %mul3A_281 = arith.constant 16 : i32
        %mul3A_282 = arith.muli %scan3A_102, %mul3A_281 : i32
        %add3A_283 = arith.constant 4 : i32
        %add3A_284 = arith.addi %mul3A_282, %add3A_283 : i32
        %add3A_285 = arith.constant 3 : i32
        %add3A_286 = arith.addi %add3A_284, %add3A_285 : i32
        %get3A_287 = arith.index_cast %add3A_268 : i32 to index
        %get3A_288 = arith.constant 0 : index
        %get3A_289 = tpu.vector_load %arg11[%get3A_287, %get3A_288] {strides = array<i32>} : memref<400x64xf32, #tpu.memory_space<vmem>>, vector<16xf32>,
        %mul3A_290 = arith.mulf %get3A_289, %broadcast_in_dim3A_253 : vector<16xf32>
        %get3A_291 = arith.index_cast %add3A_268 : i32 to index
        %get3A_292 = arith.constant 16 : index
        %get3A_293 = tpu.vector_load %arg11[%get3A_291, %get3A_292] {strides = array<i32>} : memref<400x64xf32, #tpu.memory_space<vmem>>, vector<16xf32>,
        %mul3A_294 = arith.mulf %get3A_293, %broadcast_in_dim3A_253 : vector<16xf32>
        %get3A_295 = arith.index_cast %add3A_268 : i32 to index
        %get3A_296 = arith.constant 32 : index
        %get3A_297 = tpu.vector_load %arg11[%get3A_295, %get3A_296] {strides = array<i32>} : memref<400x64xf32, #tpu.memory_space<vmem>>, vector<16xf32>,
        %mul3A_298 = arith.mulf %get3A_297, %broadcast_in_dim3A_253 : vector<16xf32>
        %get3A_299 = arith.index_cast %add3A_268 : i32 to index
        %get3A_300 = arith.constant 48 : index
        %get3A_301 = tpu.vector_load %arg11[%get3A_299, %get3A_300] {strides = array<i32>} : memref<400x64xf32, #tpu.memory_space<vmem>>, vector<16xf32>,
        %mul3A_302 = arith.mulf %get3A_301, %broadcast_in_dim3A_253 : vector<16xf32>
        %get3A_303 = arith.index_cast %add3A_274 : i32 to index
        %get3A_304 = arith.constant 0 : index
        %get3A_305 = tpu.vector_load %arg11[%get3A_303, %get3A_304] {strides = array<i32>} : memref<400x64xf32, #tpu.memory_space<vmem>>, vector<16xf32>,
        %mul3A_306 = arith.mulf %get3A_305, %broadcast_in_dim3A_256 : vector<16xf32>
        %get3A_307 = arith.index_cast %add3A_274 : i32 to index
        %get3A_308 = arith.constant 16 : index
        %get3A_309 = tpu.vector_load %arg11[%get3A_307, %get3A_308] {strides = array<i32>} : memref<400x64xf32, #tpu.memory_space<vmem>>, vector<16xf32>,
        %mul3A_310 = arith.mulf %get3A_309, %broadcast_in_dim3A_256 : vector<16xf32>
        %get3A_311 = arith.index_cast %add3A_274 : i32 to index
        %get3A_312 = arith.constant 32 : index
        %get3A_313 = tpu.vector_load %arg11[%get3A_311, %get3A_312] {strides = array<i32>} : memref<400x64xf32, #tpu.memory_space<vmem>>, vector<16xf32>,
        %mul3A_314 = arith.mulf %get3A_313, %broadcast_in_dim3A_256 : vector<16xf32>
        %get3A_315 = arith.index_cast %add3A_274 : i32 to index
        %get3A_316 = arith.constant 48 : index
        %get3A_317 = tpu.vector_load %arg11[%get3A_315, %get3A_316] {strides = array<i32>} : memref<400x64xf32, #tpu.memory_space<vmem>>, vector<16xf32>,
        %mul3A_318 = arith.mulf %get3A_317, %broadcast_in_dim3A_256 : vector<16xf32>
        %get3A_319 = arith.index_cast %add3A_280 : i32 to index
        %get3A_320 = arith.constant 0 : index
        %get3A_321 = tpu.vector_load %arg11[%get3A_319, %get3A_320] {strides = array<i32>} : memref<400x64xf32, #tpu.memory_space<vmem>>, vector<16xf32>,
        %mul3A_322 = arith.mulf %get3A_321, %broadcast_in_dim3A_259 : vector<16xf32>
        %get3A_323 = arith.index_cast %add3A_280 : i32 to index
        %get3A_324 = arith.constant 16 : index
        %get3A_325 = tpu.vector_load %arg11[%get3A_323, %get3A_324] {strides = array<i32>} : memref<400x64xf32, #tpu.memory_space<vmem>>, vector<16xf32>,
        %mul3A_326 = arith.mulf %get3A_325, %broadcast_in_dim3A_259 : vector<16xf32>
        %get3A_327 = arith.index_cast %add3A_280 : i32 to index
        %get3A_328 = arith.constant 32 : index
        %get3A_329 = tpu.vector_load %arg11[%get3A_327, %get3A_328] {strides = array<i32>} : memref<400x64xf32, #tpu.memory_space<vmem>>, vector<16xf32>,
        %mul3A_330 = arith.mulf %get3A_329, %broadcast_in_dim3A_259 : vector<16xf32>
        %get3A_331 = arith.index_cast %add3A_280 : i32 to index
        %get3A_332 = arith.constant 48 : index
        %get3A_333 = tpu.vector_load %arg11[%get3A_331, %get3A_332] {strides = array<i32>} : memref<400x64xf32, #tpu.memory_space<vmem>>, vector<16xf32>,
        %mul3A_334 = arith.mulf %get3A_333, %broadcast_in_dim3A_259 : vector<16xf32>
        %get3A_335 = arith.index_cast %add3A_286 : i32 to index
        %get3A_336 = arith.constant 0 : index
        %get3A_337 = tpu.vector_load %arg11[%get3A_335, %get3A_336] {strides = array<i32>} : memref<400x64xf32, #tpu.memory_space<vmem>>, vector<16xf32>,
        %mul3A_338 = arith.mulf %get3A_337, %broadcast_in_dim3A_262 : vector<16xf32>
        %get3A_339 = arith.index_cast %add3A_286 : i32 to index
        %get3A_340 = arith.constant 16 : index
        %get3A_341 = tpu.vector_load %arg11[%get3A_339, %get3A_340] {strides = array<i32>} : memref<400x64xf32, #tpu.memory_space<vmem>>, vector<16xf32>,
        %mul3A_342 = arith.mulf %get3A_341, %broadcast_in_dim3A_262 : vector<16xf32>
        %get3A_343 = arith.index_cast %add3A_286 : i32 to index
        %get3A_344 = arith.constant 32 : index
        %get3A_345 = tpu.vector_load %arg11[%get3A_343, %get3A_344] {strides = array<i32>} : memref<400x64xf32, #tpu.memory_space<vmem>>, vector<16xf32>,
        %mul3A_346 = arith.mulf %get3A_345, %broadcast_in_dim3A_262 : vector<16xf32>
        %get3A_347 = arith.index_cast %add3A_286 : i32 to index
        %get3A_348 = arith.constant 48 : index
        %get3A_349 = tpu.vector_load %arg11[%get3A_347, %get3A_348] {strides = array<i32>} : memref<400x64xf32, #tpu.memory_space<vmem>>, vector<16xf32>,
        %mul3A_350 = arith.mulf %get3A_349, %broadcast_in_dim3A_262 : vector<16xf32>
        %swap3A_351 = arith.index_cast %add3A_268 : i32 to index
        %swap3A_352 = arith.constant 0 : index
        %swap3A_353 = tpu.vector_load %arg11[%swap3A_351, %swap3A_352] {strides = array<i32>} : memref<400x64xf32, #tpu.memory_space<vmem>>, vector<16xf32>,
        tpu.vector_store %arg11[%swap3A_351, %swap3A_352], %mul3A_290 {strides = array<i32>} : memref<400x64xf32, #tpu.memory_space<vmem>>, vector<16xf32>,
        %swap3A_354 = arith.index_cast %add3A_268 : i32 to index
        %swap3A_355 = arith.constant 16 : index
        %swap3A_356 = tpu.vector_load %arg11[%swap3A_354, %swap3A_355] {strides = array<i32>} : memref<400x64xf32, #tpu.memory_space<vmem>>, vector<16xf32>,
        tpu.vector_store %arg11[%swap3A_354, %swap3A_355], %mul3A_294 {strides = array<i32>} : memref<400x64xf32, #tpu.memory_space<vmem>>, vector<16xf32>,
        %swap3A_357 = arith.index_cast %add3A_268 : i32 to index
        %swap3A_358 = arith.constant 32 : index
        %swap3A_359 = tpu.vector_load %arg11[%swap3A_357, %swap3A_358] {strides = array<i32>} : memref<400x64xf32, #tpu.memory_space<vmem>>, vector<16xf32>,
        tpu.vector_store %arg11[%swap3A_357, %swap3A_358], %mul3A_298 {strides = array<i32>} : memref<400x64xf32, #tpu.memory_space<vmem>>, vector<16xf32>,
        %swap3A_360 = arith.index_cast %add3A_268 : i32 to index
        %swap3A_361 = arith.constant 48 : index
        %swap3A_362 = tpu.vector_load %arg11[%swap3A_360, %swap3A_361] {strides = array<i32>} : memref<400x64xf32, #tpu.memory_space<vmem>>, vector<16xf32>,
        tpu.vector_store %arg11[%swap3A_360, %swap3A_361], %mul3A_302 {strides = array<i32>} : memref<400x64xf32, #tpu.memory_space<vmem>>, vector<16xf32>,
        %swap3A_363 = arith.index_cast %add3A_274 : i32 to index
        %swap3A_364 = arith.constant 0 : index
        %swap3A_365 = tpu.vector_load %arg11[%swap3A_363, %swap3A_364] {strides = array<i32>} : memref<400x64xf32, #tpu.memory_space<vmem>>, vector<16xf32>,
        tpu.vector_store %arg11[%swap3A_363, %swap3A_364], %mul3A_306 {strides = array<i32>} : memref<400x64xf32, #tpu.memory_space<vmem>>, vector<16xf32>,
        %swap3A_366 = arith.index_cast %add3A_274 : i32 to index
        %swap3A_367 = arith.constant 16 : index
        %swap3A_368 = tpu.vector_load %arg11[%swap3A_366, %swap3A_367] {strides = array<i32>} : memref<400x64xf32, #tpu.memory_space<vmem>>, vector<16xf32>,
        tpu.vector_store %arg11[%swap3A_366, %swap3A_367], %mul3A_310 {strides = array<i32>} : memref<400x64xf32, #tpu.memory_space<vmem>>, vector<16xf32>,
        %swap3A_369 = arith.index_cast %add3A_274 : i32 to index
        %swap3A_370 = arith.constant 32 : index
        %swap3A_371 = tpu.vector_load %arg11[%swap3A_369, %swap3A_370] {strides = array<i32>} : memref<400x64xf32, #tpu.memory_space<vmem>>, vector<16xf32>,
        tpu.vector_store %arg11[%swap3A_369, %swap3A_370], %mul3A_314 {strides = array<i32>} : memref<400x64xf32, #tpu.memory_space<vmem>>, vector<16xf32>,
        %swap3A_372 = arith.index_cast %add3A_274 : i32 to index
        %swap3A_373 = arith.constant 48 : index
        %swap3A_374 = tpu.vector_load %arg11[%swap3A_372, %swap3A_373] {strides = array<i32>} : memref<400x64xf32, #tpu.memory_space<vmem>>, vector<16xf32>,
        tpu.vector_store %arg11[%swap3A_372, %swap3A_373], %mul3A_318 {strides = array<i32>} : memref<400x64xf32, #tpu.memory_space<vmem>>, vector<16xf32>,
        %swap3A_375 = arith.index_cast %add3A_280 : i32 to index
        %swap3A_376 = arith.constant 0 : index
        %swap3A_377 = tpu.vector_load %arg11[%swap3A_375, %swap3A_376] {strides = array<i32>} : memref<400x64xf32, #tpu.memory_space<vmem>>, vector<16xf32>,
        tpu.vector_store %arg11[%swap3A_375, %swap3A_376], %mul3A_322 {strides = array<i32>} : memref<400x64xf32, #tpu.memory_space<vmem>>, vector<16xf32>,
        %swap3A_378 = arith.index_cast %add3A_280 : i32 to index
        %swap3A_379 = arith.constant 16 : index
        %swap3A_380 = tpu.vector_load %arg11[%swap3A_378, %swap3A_379] {strides = array<i32>} : memref<400x64xf32, #tpu.memory_space<vmem>>, vector<16xf32>,
        tpu.vector_store %arg11[%swap3A_378, %swap3A_379], %mul3A_326 {strides = array<i32>} : memref<400x64xf32, #tpu.memory_space<vmem>>, vector<16xf32>,
        %swap3A_381 = arith.index_cast %add3A_280 : i32 to index
        %swap3A_382 = arith.constant 32 : index
        %swap3A_383 = tpu.vector_load %arg11[%swap3A_381, %swap3A_382] {strides = array<i32>} : memref<400x64xf32, #tpu.memory_space<vmem>>, vector<16xf32>,
        tpu.vector_store %arg11[%swap3A_381, %swap3A_382], %mul3A_330 {strides = array<i32>} : memref<400x64xf32, #tpu.memory_space<vmem>>, vector<16xf32>,
        %swap3A_384 = arith.index_cast %add3A_280 : i32 to index
        %swap3A_385 = arith.constant 48 : index
        %swap3A_386 = tpu.vector_load %arg11[%swap3A_384, %swap3A_385] {strides = array<i32>} : memref<400x64xf32, #tpu.memory_space<vmem>>, vector<16xf32>,
        tpu.vector_store %arg11[%swap3A_384, %swap3A_385], %mul3A_334 {strides = array<i32>} : memref<400x64xf32, #tpu.memory_space<vmem>>, vector<16xf32>,
        %swap3A_387 = arith.index_cast %add3A_286 : i32 to index
        %swap3A_388 = arith.constant 0 : index
        %swap3A_389 = tpu.vector_load %arg11[%swap3A_387, %swap3A_388] {strides = array<i32>} : memref<400x64xf32, #tpu.memory_space<vmem>>, vector<16xf32>,
        tpu.vector_store %arg11[%swap3A_387, %swap3A_388], %mul3A_338 {strides = array<i32>} : memref<400x64xf32, #tpu.memory_space<vmem>>, vector<16xf32>,
        %swap3A_390 = arith.index_cast %add3A_286 : i32 to index
        %swap3A_391 = arith.constant 16 : index
        %swap3A_392 = tpu.vector_load %arg11[%swap3A_390, %swap3A_391] {strides = array<i32>} : memref<400x64xf32, #tpu.memory_space<vmem>>, vector<16xf32>,
        tpu.vector_store %arg11[%swap3A_390, %swap3A_391], %mul3A_342 {strides = array<i32>} : memref<400x64xf32, #tpu.memory_space<vmem>>, vector<16xf32>,
        %swap3A_393 = arith.index_cast %add3A_286 : i32 to index
        %swap3A_394 = arith.constant 32 : index
        %swap3A_395 = tpu.vector_load %arg11[%swap3A_393, %swap3A_394] {strides = array<i32>} : memref<400x64xf32, #tpu.memory_space<vmem>>, vector<16xf32>,
        tpu.vector_store %arg11[%swap3A_393, %swap3A_394], %mul3A_346 {strides = array<i32>} : memref<400x64xf32, #tpu.memory_space<vmem>>, vector<16xf32>,
        %swap3A_396 = arith.index_cast %add3A_286 : i32 to index
        %swap3A_397 = arith.constant 48 : index
        %swap3A_398 = tpu.vector_load %arg11[%swap3A_396, %swap3A_397] {strides = array<i32>} : memref<400x64xf32, #tpu.memory_space<vmem>>, vector<16xf32>,
        tpu.vector_store %arg11[%swap3A_396, %swap3A_397], %mul3A_350 {strides = array<i32>} : memref<400x64xf32, #tpu.memory_space<vmem>>, vector<16xf32>,
        %slice3A_399 = vector.extract_strided_slice %get3A_106 {offsets = [8], sizes = [1], strides = [1]} : vector<16xf32> to vector<1xf32>
        %squeeze3A_400 = vector.extract %slice3A_399[0] : f32 from vector<1xf32>
        %broadcast_in_dim3A_401 = vector.broadcast %squeeze3A_400 : f32 to vector<16xf32>
        %slice3A_402 = vector.extract_strided_slice %get3A_106 {offsets = [9], sizes = [1], strides = [1]} : vector<16xf32> to vector<1xf32>
        %squeeze3A_403 = vector.extract %slice3A_402[0] : f32 from vector<1xf32>
        %broadcast_in_dim3A_404 = vector.broadcast %squeeze3A_403 : f32 to vector<16xf32>
        %slice3A_405 = vector.extract_strided_slice %get3A_106 {offsets = [10], sizes = [1], strides = [1]} : vector<16xf32> to vector<1xf32>
        %squeeze3A_406 = vector.extract %slice3A_405[0] : f32 from vector<1xf32>
        %broadcast_in_dim3A_407 = vector.broadcast %squeeze3A_406 : f32 to vector<16xf32>
        %slice3A_408 = vector.extract_strided_slice %get3A_106 {offsets = [11], sizes = [1], strides = [1]} : vector<16xf32> to vector<1xf32>
        %squeeze3A_409 = vector.extract %slice3A_408[0] : f32 from vector<1xf32>
        %broadcast_in_dim3A_410 = vector.broadcast %squeeze3A_409 : f32 to vector<16xf32>
        %mul3A_411 = arith.constant 16 : i32
        %mul3A_412 = arith.muli %scan3A_102, %mul3A_411 : i32
        %add3A_413 = arith.constant 8 : i32
        %add3A_414 = arith.addi %mul3A_412, %add3A_413 : i32
        %add3A_415 = arith.constant 0 : i32
        %add3A_416 = arith.addi %add3A_414, %add3A_415 : i32
        %mul3A_417 = arith.constant 16 : i32
        %mul3A_418 = arith.muli %scan3A_102, %mul3A_417 : i32
        %add3A_419 = arith.constant 8 : i32
        %add3A_420 = arith.addi %mul3A_418, %add3A_419 : i32
        %add3A_421 = arith.constant 1 : i32
        %add3A_422 = arith.addi %add3A_420, %add3A_421 : i32
        %mul3A_423 = arith.constant 16 : i32
        %mul3A_424 = arith.muli %scan3A_102, %mul3A_423 : i32
        %add3A_425 = arith.constant 8 : i32
        %add3A_426 = arith.addi %mul3A_424, %add3A_425 : i32
        %add3A_427 = arith.constant 2 : i32
        %add3A_428 = arith.addi %add3A_426, %add3A_427 : i32
        %mul3A_429 = arith.constant 16 : i32
        %mul3A_430 = arith.muli %scan3A_102, %mul3A_429 : i32
        %add3A_431 = arith.constant 8 : i32
        %add3A_432 = arith.addi %mul3A_430, %add3A_431 : i32
        %add3A_433 = arith.constant 3 : i32
        %add3A_434 = arith.addi %add3A_432, %add3A_433 : i32
        %get3A_435 = arith.index_cast %add3A_416 : i32 to index
        %get3A_436 = arith.constant 0 : index
        %get3A_437 = tpu.vector_load %arg11[%get3A_435, %get3A_436] {strides = array<i32>} : memref<400x64xf32, #tpu.memory_space<vmem>>, vector<16xf32>,
        %mul3A_438 = arith.mulf %get3A_437, %broadcast_in_dim3A_401 : vector<16xf32>
        %get3A_439 = arith.index_cast %add3A_416 : i32 to index
        %get3A_440 = arith.constant 16 : index
        %get3A_441 = tpu.vector_load %arg11[%get3A_439, %get3A_440] {strides = array<i32>} : memref<400x64xf32, #tpu.memory_space<vmem>>, vector<16xf32>,
        %mul3A_442 = arith.mulf %get3A_441, %broadcast_in_dim3A_401 : vector<16xf32>
        %get3A_443 = arith.index_cast %add3A_416 : i32 to index
        %get3A_444 = arith.constant 32 : index
        %get3A_445 = tpu.vector_load %arg11[%get3A_443, %get3A_444] {strides = array<i32>} : memref<400x64xf32, #tpu.memory_space<vmem>>, vector<16xf32>,
        %mul3A_446 = arith.mulf %get3A_445, %broadcast_in_dim3A_401 : vector<16xf32>
        %get3A_447 = arith.index_cast %add3A_416 : i32 to index
        %get3A_448 = arith.constant 48 : index
        %get3A_449 = tpu.vector_load %arg11[%get3A_447, %get3A_448] {strides = array<i32>} : memref<400x64xf32, #tpu.memory_space<vmem>>, vector<16xf32>,
        %mul3A_450 = arith.mulf %get3A_449, %broadcast_in_dim3A_401 : vector<16xf32>
        %get3A_451 = arith.index_cast %add3A_422 : i32 to index
        %get3A_452 = arith.constant 0 : index
        %get3A_453 = tpu.vector_load %arg11[%get3A_451, %get3A_452] {strides = array<i32>} : memref<400x64xf32, #tpu.memory_space<vmem>>, vector<16xf32>,
        %mul3A_454 = arith.mulf %get3A_453, %broadcast_in_dim3A_404 : vector<16xf32>
        %get3A_455 = arith.index_cast %add3A_422 : i32 to index
        %get3A_456 = arith.constant 16 : index
        %get3A_457 = tpu.vector_load %arg11[%get3A_455, %get3A_456] {strides = array<i32>} : memref<400x64xf32, #tpu.memory_space<vmem>>, vector<16xf32>,
        %mul3A_458 = arith.mulf %get3A_457, %broadcast_in_dim3A_404 : vector<16xf32>
        %get3A_459 = arith.index_cast %add3A_422 : i32 to index
        %get3A_460 = arith.constant 32 : index
        %get3A_461 = tpu.vector_load %arg11[%get3A_459, %get3A_460] {strides = array<i32>} : memref<400x64xf32, #tpu.memory_space<vmem>>, vector<16xf32>,
        %mul3A_462 = arith.mulf %get3A_461, %broadcast_in_dim3A_404 : vector<16xf32>
        %get3A_463 = arith.index_cast %add3A_422 : i32 to index
        %get3A_464 = arith.constant 48 : index
        %get3A_465 = tpu.vector_load %arg11[%get3A_463, %get3A_464] {strides = array<i32>} : memref<400x64xf32, #tpu.memory_space<vmem>>, vector<16xf32>,
        %mul3A_466 = arith.mulf %get3A_465, %broadcast_in_dim3A_404 : vector<16xf32>
        %get3A_467 = arith.index_cast %add3A_428 : i32 to index
        %get3A_468 = arith.constant 0 : index
        %get3A_469 = tpu.vector_load %arg11[%get3A_467, %get3A_468] {strides = array<i32>} : memref<400x64xf32, #tpu.memory_space<vmem>>, vector<16xf32>,
        %mul3A_470 = arith.mulf %get3A_469, %broadcast_in_dim3A_407 : vector<16xf32>
        %get3A_471 = arith.index_cast %add3A_428 : i32 to index
        %get3A_472 = arith.constant 16 : index
        %get3A_473 = tpu.vector_load %arg11[%get3A_471, %get3A_472] {strides = array<i32>} : memref<400x64xf32, #tpu.memory_space<vmem>>, vector<16xf32>,
        %mul3A_474 = arith.mulf %get3A_473, %broadcast_in_dim3A_407 : vector<16xf32>
        %get3A_475 = arith.index_cast %add3A_428 : i32 to index
        %get3A_476 = arith.constant 32 : index
        %get3A_477 = tpu.vector_load %arg11[%get3A_475, %get3A_476] {strides = array<i32>} : memref<400x64xf32, #tpu.memory_space<vmem>>, vector<16xf32>,
        %mul3A_478 = arith.mulf %get3A_477, %broadcast_in_dim3A_407 : vector<16xf32>
        %get3A_479 = arith.index_cast %add3A_428 : i32 to index
        %get3A_480 = arith.constant 48 : index
        %get3A_481 = tpu.vector_load %arg11[%get3A_479, %get3A_480] {strides = array<i32>} : memref<400x64xf32, #tpu.memory_space<vmem>>, vector<16xf32>,
        %mul3A_482 = arith.mulf %get3A_481, %broadcast_in_dim3A_407 : vector<16xf32>
        %get3A_483 = arith.index_cast %add3A_434 : i32 to index
        %get3A_484 = arith.constant 0 : index
        %get3A_485 = tpu.vector_load %arg11[%get3A_483, %get3A_484] {strides = array<i32>} : memref<400x64xf32, #tpu.memory_space<vmem>>, vector<16xf32>,
        %mul3A_486 = arith.mulf %get3A_485, %broadcast_in_dim3A_410 : vector<16xf32>
        %get3A_487 = arith.index_cast %add3A_434 : i32 to index
        %get3A_488 = arith.constant 16 : index
        %get3A_489 = tpu.vector_load %arg11[%get3A_487, %get3A_488] {strides = array<i32>} : memref<400x64xf32, #tpu.memory_space<vmem>>, vector<16xf32>,
        %mul3A_490 = arith.mulf %get3A_489, %broadcast_in_dim3A_410 : vector<16xf32>
        %get3A_491 = arith.index_cast %add3A_434 : i32 to index
        %get3A_492 = arith.constant 32 : index
        %get3A_493 = tpu.vector_load %arg11[%get3A_491, %get3A_492] {strides = array<i32>} : memref<400x64xf32, #tpu.memory_space<vmem>>, vector<16xf32>,
        %mul3A_494 = arith.mulf %get3A_493, %broadcast_in_dim3A_410 : vector<16xf32>
        %get3A_495 = arith.index_cast %add3A_434 : i32 to index
        %get3A_496 = arith.constant 48 : index
        %get3A_497 = tpu.vector_load %arg11[%get3A_495, %get3A_496] {strides = array<i32>} : memref<400x64xf32, #tpu.memory_space<vmem>>, vector<16xf32>,
        %mul3A_498 = arith.mulf %get3A_497, %broadcast_in_dim3A_410 : vector<16xf32>
        %swap3A_499 = arith.index_cast %add3A_416 : i32 to index
        %swap3A_500 = arith.constant 0 : index
        %swap3A_501 = tpu.vector_load %arg11[%swap3A_499, %swap3A_500] {strides = array<i32>} : memref<400x64xf32, #tpu.memory_space<vmem>>, vector<16xf32>,
        tpu.vector_store %arg11[%swap3A_499, %swap3A_500], %mul3A_438 {strides = array<i32>} : memref<400x64xf32, #tpu.memory_space<vmem>>, vector<16xf32>,
        %swap3A_502 = arith.index_cast %add3A_416 : i32 to index
        %swap3A_503 = arith.constant 16 : index
        %swap3A_504 = tpu.vector_load %arg11[%swap3A_502, %swap3A_503] {strides = array<i32>} : memref<400x64xf32, #tpu.memory_space<vmem>>, vector<16xf32>,
        tpu.vector_store %arg11[%swap3A_502, %swap3A_503], %mul3A_442 {strides = array<i32>} : memref<400x64xf32, #tpu.memory_space<vmem>>, vector<16xf32>,
        %swap3A_505 = arith.index_cast %add3A_416 : i32 to index
        %swap3A_506 = arith.constant 32 : index
        %swap3A_507 = tpu.vector_load %arg11[%swap3A_505, %swap3A_506] {strides = array<i32>} : memref<400x64xf32, #tpu.memory_space<vmem>>, vector<16xf32>,
        tpu.vector_store %arg11[%swap3A_505, %swap3A_506], %mul3A_446 {strides = array<i32>} : memref<400x64xf32, #tpu.memory_space<vmem>>, vector<16xf32>,
        %swap3A_508 = arith.index_cast %add3A_416 : i32 to index
        %swap3A_509 = arith.constant 48 : index
        %swap3A_510 = tpu.vector_load %arg11[%swap3A_508, %swap3A_509] {strides = array<i32>} : memref<400x64xf32, #tpu.memory_space<vmem>>, vector<16xf32>,
        tpu.vector_store %arg11[%swap3A_508, %swap3A_509], %mul3A_450 {strides = array<i32>} : memref<400x64xf32, #tpu.memory_space<vmem>>, vector<16xf32>,
        %swap3A_511 = arith.index_cast %add3A_422 : i32 to index
        %swap3A_512 = arith.constant 0 : index
        %swap3A_513 = tpu.vector_load %arg11[%swap3A_511, %swap3A_512] {strides = array<i32>} : memref<400x64xf32, #tpu.memory_space<vmem>>, vector<16xf32>,
        tpu.vector_store %arg11[%swap3A_511, %swap3A_512], %mul3A_454 {strides = array<i32>} : memref<400x64xf32, #tpu.memory_space<vmem>>, vector<16xf32>,
        %swap3A_514 = arith.index_cast %add3A_422 : i32 to index
        %swap3A_515 = arith.constant 16 : index
        %swap3A_516 = tpu.vector_load %arg11[%swap3A_514, %swap3A_515] {strides = array<i32>} : memref<400x64xf32, #tpu.memory_space<vmem>>, vector<16xf32>,
        tpu.vector_store %arg11[%swap3A_514, %swap3A_515], %mul3A_458 {strides = array<i32>} : memref<400x64xf32, #tpu.memory_space<vmem>>, vector<16xf32>,
        %swap3A_517 = arith.index_cast %add3A_422 : i32 to index
        %swap3A_518 = arith.constant 32 : index
        %swap3A_519 = tpu.vector_load %arg11[%swap3A_517, %swap3A_518] {strides = array<i32>} : memref<400x64xf32, #tpu.memory_space<vmem>>, vector<16xf32>,
        tpu.vector_store %arg11[%swap3A_517, %swap3A_518], %mul3A_462 {strides = array<i32>} : memref<400x64xf32, #tpu.memory_space<vmem>>, vector<16xf32>,
        %swap3A_520 = arith.index_cast %add3A_422 : i32 to index
        %swap3A_521 = arith.constant 48 : index
        %swap3A_522 = tpu.vector_load %arg11[%swap3A_520, %swap3A_521] {strides = array<i32>} : memref<400x64xf32, #tpu.memory_space<vmem>>, vector<16xf32>,
        tpu.vector_store %arg11[%swap3A_520, %swap3A_521], %mul3A_466 {strides = array<i32>} : memref<400x64xf32, #tpu.memory_space<vmem>>, vector<16xf32>,
        %swap3A_523 = arith.index_cast %add3A_428 : i32 to index
        %swap3A_524 = arith.constant 0 : index
        %swap3A_525 = tpu.vector_load %arg11[%swap3A_523, %swap3A_524] {strides = array<i32>} : memref<400x64xf32, #tpu.memory_space<vmem>>, vector<16xf32>,
        tpu.vector_store %arg11[%swap3A_523, %swap3A_524], %mul3A_470 {strides = array<i32>} : memref<400x64xf32, #tpu.memory_space<vmem>>, vector<16xf32>,
        %swap3A_526 = arith.index_cast %add3A_428 : i32 to index
        %swap3A_527 = arith.constant 16 : index
        %swap3A_528 = tpu.vector_load %arg11[%swap3A_526, %swap3A_527] {strides = array<i32>} : memref<400x64xf32, #tpu.memory_space<vmem>>, vector<16xf32>,
        tpu.vector_store %arg11[%swap3A_526, %swap3A_527], %mul3A_474 {strides = array<i32>} : memref<400x64xf32, #tpu.memory_space<vmem>>, vector<16xf32>,
        %swap3A_529 = arith.index_cast %add3A_428 : i32 to index
        %swap3A_530 = arith.constant 32 : index
        %swap3A_531 = tpu.vector_load %arg11[%swap3A_529, %swap3A_530] {strides = array<i32>} : memref<400x64xf32, #tpu.memory_space<vmem>>, vector<16xf32>,
        tpu.vector_store %arg11[%swap3A_529, %swap3A_530], %mul3A_478 {strides = array<i32>} : memref<400x64xf32, #tpu.memory_space<vmem>>, vector<16xf32>,
        %swap3A_532 = arith.index_cast %add3A_428 : i32 to index
        %swap3A_533 = arith.constant 48 : index
        %swap3A_534 = tpu.vector_load %arg11[%swap3A_532, %swap3A_533] {strides = array<i32>} : memref<400x64xf32, #tpu.memory_space<vmem>>, vector<16xf32>,
        tpu.vector_store %arg11[%swap3A_532, %swap3A_533], %mul3A_482 {strides = array<i32>} : memref<400x64xf32, #tpu.memory_space<vmem>>, vector<16xf32>,
        %swap3A_535 = arith.index_cast %add3A_434 : i32 to index
        %swap3A_536 = arith.constant 0 : index
        %swap3A_537 = tpu.vector_load %arg11[%swap3A_535, %swap3A_536] {strides = array<i32>} : memref<400x64xf32, #tpu.memory_space<vmem>>, vector<16xf32>,
        tpu.vector_store %arg11[%swap3A_535, %swap3A_536], %mul3A_486 {strides = array<i32>} : memref<400x64xf32, #tpu.memory_space<vmem>>, vector<16xf32>,
        %swap3A_538 = arith.index_cast %add3A_434 : i32 to index
        %swap3A_539 = arith.constant 16 : index
        %swap3A_540 = tpu.vector_load %arg11[%swap3A_538, %swap3A_539] {strides = array<i32>} : memref<400x64xf32, #tpu.memory_space<vmem>>, vector<16xf32>,
        tpu.vector_store %arg11[%swap3A_538, %swap3A_539], %mul3A_490 {strides = array<i32>} : memref<400x64xf32, #tpu.memory_space<vmem>>, vector<16xf32>,
        %swap3A_541 = arith.index_cast %add3A_434 : i32 to index
        %swap3A_542 = arith.constant 32 : index
        %swap3A_543 = tpu.vector_load %arg11[%swap3A_541, %swap3A_542] {strides = array<i32>} : memref<400x64xf32, #tpu.memory_space<vmem>>, vector<16xf32>,
        tpu.vector_store %arg11[%swap3A_541, %swap3A_542], %mul3A_494 {strides = array<i32>} : memref<400x64xf32, #tpu.memory_space<vmem>>, vector<16xf32>,
        %swap3A_544 = arith.index_cast %add3A_434 : i32 to index
        %swap3A_545 = arith.constant 48 : index
        %swap3A_546 = tpu.vector_load %arg11[%swap3A_544, %swap3A_545] {strides = array<i32>} : memref<400x64xf32, #tpu.memory_space<vmem>>, vector<16xf32>,
        tpu.vector_store %arg11[%swap3A_544, %swap3A_545], %mul3A_498 {strides = array<i32>} : memref<400x64xf32, #tpu.memory_space<vmem>>, vector<16xf32>,
        %slice3A_547 = vector.extract_strided_slice %get3A_106 {offsets = [12], sizes = [1], strides = [1]} : vector<16xf32> to vector<1xf32>
        %squeeze3A_548 = vector.extract %slice3A_547[0] : f32 from vector<1xf32>
        %broadcast_in_dim3A_549 = vector.broadcast %squeeze3A_548 : f32 to vector<16xf32>
        %slice3A_550 = vector.extract_strided_slice %get3A_106 {offsets = [13], sizes = [1], strides = [1]} : vector<16xf32> to vector<1xf32>
        %squeeze3A_551 = vector.extract %slice3A_550[0] : f32 from vector<1xf32>
        %broadcast_in_dim3A_552 = vector.broadcast %squeeze3A_551 : f32 to vector<16xf32>
        %slice3A_553 = vector.extract_strided_slice %get3A_106 {offsets = [14], sizes = [1], strides = [1]} : vector<16xf32> to vector<1xf32>
        %squeeze3A_554 = vector.extract %slice3A_553[0] : f32 from vector<1xf32>
        %broadcast_in_dim3A_555 = vector.broadcast %squeeze3A_554 : f32 to vector<16xf32>
        %slice3A_556 = vector.extract_strided_slice %get3A_106 {offsets = [15], sizes = [1], strides = [1]} : vector<16xf32> to vector<1xf32>
        %squeeze3A_557 = vector.extract %slice3A_556[0] : f32 from vector<1xf32>
        %broadcast_in_dim3A_558 = vector.broadcast %squeeze3A_557 : f32 to vector<16xf32>
        %mul3A_559 = arith.constant 16 : i32
        %mul3A_560 = arith.muli %scan3A_102, %mul3A_559 : i32
        %add3A_561 = arith.constant 12 : i32
        %add3A_562 = arith.addi %mul3A_560, %add3A_561 : i32
        %add3A_563 = arith.constant 0 : i32
        %add3A_564 = arith.addi %add3A_562, %add3A_563 : i32
        %mul3A_565 = arith.constant 16 : i32
        %mul3A_566 = arith.muli %scan3A_102, %mul3A_565 : i32
        %add3A_567 = arith.constant 12 : i32
        %add3A_568 = arith.addi %mul3A_566, %add3A_567 : i32
        %add3A_569 = arith.constant 1 : i32
        %add3A_570 = arith.addi %add3A_568, %add3A_569 : i32
        %mul3A_571 = arith.constant 16 : i32
        %mul3A_572 = arith.muli %scan3A_102, %mul3A_571 : i32
        %add3A_573 = arith.constant 12 : i32
        %add3A_574 = arith.addi %mul3A_572, %add3A_573 : i32
        %add3A_575 = arith.constant 2 : i32
        %add3A_576 = arith.addi %add3A_574, %add3A_575 : i32
        %mul3A_577 = arith.constant 16 : i32
        %mul3A_578 = arith.muli %scan3A_102, %mul3A_577 : i32
        %add3A_579 = arith.constant 12 : i32
        %add3A_580 = arith.addi %mul3A_578, %add3A_579 : i32
        %add3A_581 = arith.constant 3 : i32
        %add3A_582 = arith.addi %add3A_580, %add3A_581 : i32
        %get3A_583 = arith.index_cast %add3A_564 : i32 to index
        %get3A_584 = arith.constant 0 : index
        %get3A_585 = tpu.vector_load %arg11[%get3A_583, %get3A_584] {strides = array<i32>} : memref<400x64xf32, #tpu.memory_space<vmem>>, vector<16xf32>,
        %mul3A_586 = arith.mulf %get3A_585, %broadcast_in_dim3A_549 : vector<16xf32>
        %get3A_587 = arith.index_cast %add3A_564 : i32 to index
        %get3A_588 = arith.constant 16 : index
        %get3A_589 = tpu.vector_load %arg11[%get3A_587, %get3A_588] {strides = array<i32>} : memref<400x64xf32, #tpu.memory_space<vmem>>, vector<16xf32>,
        %mul3A_590 = arith.mulf %get3A_589, %broadcast_in_dim3A_549 : vector<16xf32>
        %get3A_591 = arith.index_cast %add3A_564 : i32 to index
        %get3A_592 = arith.constant 32 : index
        %get3A_593 = tpu.vector_load %arg11[%get3A_591, %get3A_592] {strides = array<i32>} : memref<400x64xf32, #tpu.memory_space<vmem>>, vector<16xf32>,
        %mul3A_594 = arith.mulf %get3A_593, %broadcast_in_dim3A_549 : vector<16xf32>
        %get3A_595 = arith.index_cast %add3A_564 : i32 to index
        %get3A_596 = arith.constant 48 : index
        %get3A_597 = tpu.vector_load %arg11[%get3A_595, %get3A_596] {strides = array<i32>} : memref<400x64xf32, #tpu.memory_space<vmem>>, vector<16xf32>,
        %mul3A_598 = arith.mulf %get3A_597, %broadcast_in_dim3A_549 : vector<16xf32>
        %get3A_599 = arith.index_cast %add3A_570 : i32 to index
        %get3A_600 = arith.constant 0 : index
        %get3A_601 = tpu.vector_load %arg11[%get3A_599, %get3A_600] {strides = array<i32>} : memref<400x64xf32, #tpu.memory_space<vmem>>, vector<16xf32>,
        %mul3A_602 = arith.mulf %get3A_601, %broadcast_in_dim3A_552 : vector<16xf32>
        %get3A_603 = arith.index_cast %add3A_570 : i32 to index
        %get3A_604 = arith.constant 16 : index
        %get3A_605 = tpu.vector_load %arg11[%get3A_603, %get3A_604] {strides = array<i32>} : memref<400x64xf32, #tpu.memory_space<vmem>>, vector<16xf32>,
        %mul3A_606 = arith.mulf %get3A_605, %broadcast_in_dim3A_552 : vector<16xf32>
        %get3A_607 = arith.index_cast %add3A_570 : i32 to index
        %get3A_608 = arith.constant 32 : index
        %get3A_609 = tpu.vector_load %arg11[%get3A_607, %get3A_608] {strides = array<i32>} : memref<400x64xf32, #tpu.memory_space<vmem>>, vector<16xf32>,
        %mul3A_610 = arith.mulf %get3A_609, %broadcast_in_dim3A_552 : vector<16xf32>
        %get3A_611 = arith.index_cast %add3A_570 : i32 to index
        %get3A_612 = arith.constant 48 : index
        %get3A_613 = tpu.vector_load %arg11[%get3A_611, %get3A_612] {strides = array<i32>} : memref<400x64xf32, #tpu.memory_space<vmem>>, vector<16xf32>,
        %mul3A_614 = arith.mulf %get3A_613, %broadcast_in_dim3A_552 : vector<16xf32>
        %get3A_615 = arith.index_cast %add3A_576 : i32 to index
        %get3A_616 = arith.constant 0 : index
        %get3A_617 = tpu.vector_load %arg11[%get3A_615, %get3A_616] {strides = array<i32>} : memref<400x64xf32, #tpu.memory_space<vmem>>, vector<16xf32>,
        %mul3A_618 = arith.mulf %get3A_617, %broadcast_in_dim3A_555 : vector<16xf32>
        %get3A_619 = arith.index_cast %add3A_576 : i32 to index
        %get3A_620 = arith.constant 16 : index
        %get3A_621 = tpu.vector_load %arg11[%get3A_619, %get3A_620] {strides = array<i32>} : memref<400x64xf32, #tpu.memory_space<vmem>>, vector<16xf32>,
        %mul3A_622 = arith.mulf %get3A_621, %broadcast_in_dim3A_555 : vector<16xf32>
        %get3A_623 = arith.index_cast %add3A_576 : i32 to index
        %get3A_624 = arith.constant 32 : index
        %get3A_625 = tpu.vector_load %arg11[%get3A_623, %get3A_624] {strides = array<i32>} : memref<400x64xf32, #tpu.memory_space<vmem>>, vector<16xf32>,
        %mul3A_626 = arith.mulf %get3A_625, %broadcast_in_dim3A_555 : vector<16xf32>
        %get3A_627 = arith.index_cast %add3A_576 : i32 to index
        %get3A_628 = arith.constant 48 : index
        %get3A_629 = tpu.vector_load %arg11[%get3A_627, %get3A_628] {strides = array<i32>} : memref<400x64xf32, #tpu.memory_space<vmem>>, vector<16xf32>,
        %mul3A_630 = arith.mulf %get3A_629, %broadcast_in_dim3A_555 : vector<16xf32>
        %get3A_631 = arith.index_cast %add3A_582 : i32 to index
        %get3A_632 = arith.constant 0 : index
        %get3A_633 = tpu.vector_load %arg11[%get3A_631, %get3A_632] {strides = array<i32>} : memref<400x64xf32, #tpu.memory_space<vmem>>, vector<16xf32>,
        %mul3A_634 = arith.mulf %get3A_633, %broadcast_in_dim3A_558 : vector<16xf32>
        %get3A_635 = arith.index_cast %add3A_582 : i32 to index
        %get3A_636 = arith.constant 16 : index
        %get3A_637 = tpu.vector_load %arg11[%get3A_635, %get3A_636] {strides = array<i32>} : memref<400x64xf32, #tpu.memory_space<vmem>>, vector<16xf32>,
        %mul3A_638 = arith.mulf %get3A_637, %broadcast_in_dim3A_558 : vector<16xf32>
        %get3A_639 = arith.index_cast %add3A_582 : i32 to index
        %get3A_640 = arith.constant 32 : index
        %get3A_641 = tpu.vector_load %arg11[%get3A_639, %get3A_640] {strides = array<i32>} : memref<400x64xf32, #tpu.memory_space<vmem>>, vector<16xf32>,
        %mul3A_642 = arith.mulf %get3A_641, %broadcast_in_dim3A_558 : vector<16xf32>
        %get3A_643 = arith.index_cast %add3A_582 : i32 to index
        %get3A_644 = arith.constant 48 : index
        %get3A_645 = tpu.vector_load %arg11[%get3A_643, %get3A_644] {strides = array<i32>} : memref<400x64xf32, #tpu.memory_space<vmem>>, vector<16xf32>,
        %mul3A_646 = arith.mulf %get3A_645, %broadcast_in_dim3A_558 : vector<16xf32>
        %swap3A_647 = arith.index_cast %add3A_564 : i32 to index
        %swap3A_648 = arith.constant 0 : index
        %swap3A_649 = tpu.vector_load %arg11[%swap3A_647, %swap3A_648] {strides = array<i32>} : memref<400x64xf32, #tpu.memory_space<vmem>>, vector<16xf32>,
        tpu.vector_store %arg11[%swap3A_647, %swap3A_648], %mul3A_586 {strides = array<i32>} : memref<400x64xf32, #tpu.memory_space<vmem>>, vector<16xf32>,
        %swap3A_650 = arith.index_cast %add3A_564 : i32 to index
        %swap3A_651 = arith.constant 16 : index
        %swap3A_652 = tpu.vector_load %arg11[%swap3A_650, %swap3A_651] {strides = array<i32>} : memref<400x64xf32, #tpu.memory_space<vmem>>, vector<16xf32>,
        tpu.vector_store %arg11[%swap3A_650, %swap3A_651], %mul3A_590 {strides = array<i32>} : memref<400x64xf32, #tpu.memory_space<vmem>>, vector<16xf32>,
        %swap3A_653 = arith.index_cast %add3A_564 : i32 to index
        %swap3A_654 = arith.constant 32 : index
        %swap3A_655 = tpu.vector_load %arg11[%swap3A_653, %swap3A_654] {strides = array<i32>} : memref<400x64xf32, #tpu.memory_space<vmem>>, vector<16xf32>,
        tpu.vector_store %arg11[%swap3A_653, %swap3A_654], %mul3A_594 {strides = array<i32>} : memref<400x64xf32, #tpu.memory_space<vmem>>, vector<16xf32>,
        %swap3A_656 = arith.index_cast %add3A_564 : i32 to index
        %swap3A_657 = arith.constant 48 : index
        %swap3A_658 = tpu.vector_load %arg11[%swap3A_656, %swap3A_657] {strides = array<i32>} : memref<400x64xf32, #tpu.memory_space<vmem>>, vector<16xf32>,
        tpu.vector_store %arg11[%swap3A_656, %swap3A_657], %mul3A_598 {strides = array<i32>} : memref<400x64xf32, #tpu.memory_space<vmem>>, vector<16xf32>,
        %swap3A_659 = arith.index_cast %add3A_570 : i32 to index
        %swap3A_660 = arith.constant 0 : index
        %swap3A_661 = tpu.vector_load %arg11[%swap3A_659, %swap3A_660] {strides = array<i32>} : memref<400x64xf32, #tpu.memory_space<vmem>>, vector<16xf32>,
        tpu.vector_store %arg11[%swap3A_659, %swap3A_660], %mul3A_602 {strides = array<i32>} : memref<400x64xf32, #tpu.memory_space<vmem>>, vector<16xf32>,
        %swap3A_662 = arith.index_cast %add3A_570 : i32 to index
        %swap3A_663 = arith.constant 16 : index
        %swap3A_664 = tpu.vector_load %arg11[%swap3A_662, %swap3A_663] {strides = array<i32>} : memref<400x64xf32, #tpu.memory_space<vmem>>, vector<16xf32>,
        tpu.vector_store %arg11[%swap3A_662, %swap3A_663], %mul3A_606 {strides = array<i32>} : memref<400x64xf32, #tpu.memory_space<vmem>>, vector<16xf32>,
        %swap3A_665 = arith.index_cast %add3A_570 : i32 to index
        %swap3A_666 = arith.constant 32 : index
        %swap3A_667 = tpu.vector_load %arg11[%swap3A_665, %swap3A_666] {strides = array<i32>} : memref<400x64xf32, #tpu.memory_space<vmem>>, vector<16xf32>,
        tpu.vector_store %arg11[%swap3A_665, %swap3A_666], %mul3A_610 {strides = array<i32>} : memref<400x64xf32, #tpu.memory_space<vmem>>, vector<16xf32>,
        %swap3A_668 = arith.index_cast %add3A_570 : i32 to index
        %swap3A_669 = arith.constant 48 : index
        %swap3A_670 = tpu.vector_load %arg11[%swap3A_668, %swap3A_669] {strides = array<i32>} : memref<400x64xf32, #tpu.memory_space<vmem>>, vector<16xf32>,
        tpu.vector_store %arg11[%swap3A_668, %swap3A_669], %mul3A_614 {strides = array<i32>} : memref<400x64xf32, #tpu.memory_space<vmem>>, vector<16xf32>,
        %swap3A_671 = arith.index_cast %add3A_576 : i32 to index
        %swap3A_672 = arith.constant 0 : index
        %swap3A_673 = tpu.vector_load %arg11[%swap3A_671, %swap3A_672] {strides = array<i32>} : memref<400x64xf32, #tpu.memory_space<vmem>>, vector<16xf32>,
        tpu.vector_store %arg11[%swap3A_671, %swap3A_672], %mul3A_618 {strides = array<i32>} : memref<400x64xf32, #tpu.memory_space<vmem>>, vector<16xf32>,
        %swap3A_674 = arith.index_cast %add3A_576 : i32 to index
        %swap3A_675 = arith.constant 16 : index
        %swap3A_676 = tpu.vector_load %arg11[%swap3A_674, %swap3A_675] {strides = array<i32>} : memref<400x64xf32, #tpu.memory_space<vmem>>, vector<16xf32>,
        tpu.vector_store %arg11[%swap3A_674, %swap3A_675], %mul3A_622 {strides = array<i32>} : memref<400x64xf32, #tpu.memory_space<vmem>>, vector<16xf32>,
        %swap3A_677 = arith.index_cast %add3A_576 : i32 to index
        %swap3A_678 = arith.constant 32 : index
        %swap3A_679 = tpu.vector_load %arg11[%swap3A_677, %swap3A_678] {strides = array<i32>} : memref<400x64xf32, #tpu.memory_space<vmem>>, vector<16xf32>,
        tpu.vector_store %arg11[%swap3A_677, %swap3A_678], %mul3A_626 {strides = array<i32>} : memref<400x64xf32, #tpu.memory_space<vmem>>, vector<16xf32>,
        %swap3A_680 = arith.index_cast %add3A_576 : i32 to index
        %swap3A_681 = arith.constant 48 : index
        %swap3A_682 = tpu.vector_load %arg11[%swap3A_680, %swap3A_681] {strides = array<i32>} : memref<400x64xf32, #tpu.memory_space<vmem>>, vector<16xf32>,
        tpu.vector_store %arg11[%swap3A_680, %swap3A_681], %mul3A_630 {strides = array<i32>} : memref<400x64xf32, #tpu.memory_space<vmem>>, vector<16xf32>,
        %swap3A_683 = arith.index_cast %add3A_582 : i32 to index
        %swap3A_684 = arith.constant 0 : index
        %swap3A_685 = tpu.vector_load %arg11[%swap3A_683, %swap3A_684] {strides = array<i32>} : memref<400x64xf32, #tpu.memory_space<vmem>>, vector<16xf32>,
        tpu.vector_store %arg11[%swap3A_683, %swap3A_684], %mul3A_634 {strides = array<i32>} : memref<400x64xf32, #tpu.memory_space<vmem>>, vector<16xf32>,
        %swap3A_686 = arith.index_cast %add3A_582 : i32 to index
        %swap3A_687 = arith.constant 16 : index
        %swap3A_688 = tpu.vector_load %arg11[%swap3A_686, %swap3A_687] {strides = array<i32>} : memref<400x64xf32, #tpu.memory_space<vmem>>, vector<16xf32>,
        tpu.vector_store %arg11[%swap3A_686, %swap3A_687], %mul3A_638 {strides = array<i32>} : memref<400x64xf32, #tpu.memory_space<vmem>>, vector<16xf32>,
        %swap3A_689 = arith.index_cast %add3A_582 : i32 to index
        %swap3A_690 = arith.constant 32 : index
        %swap3A_691 = tpu.vector_load %arg11[%swap3A_689, %swap3A_690] {strides = array<i32>} : memref<400x64xf32, #tpu.memory_space<vmem>>, vector<16xf32>,
        tpu.vector_store %arg11[%swap3A_689, %swap3A_690], %mul3A_642 {strides = array<i32>} : memref<400x64xf32, #tpu.memory_space<vmem>>, vector<16xf32>,
        %swap3A_692 = arith.index_cast %add3A_582 : i32 to index
        %swap3A_693 = arith.constant 48 : index
        %swap3A_694 = tpu.vector_load %arg11[%swap3A_692, %swap3A_693] {strides = array<i32>} : memref<400x64xf32, #tpu.memory_space<vmem>>, vector<16xf32>,
        tpu.vector_store %arg11[%swap3A_692, %swap3A_693], %mul3A_646 {strides = array<i32>} : memref<400x64xf32, #tpu.memory_space<vmem>>, vector<16xf32>,
      }
      %scan3A_82 = arith.constant 25 : i32
      "tpu.region"() ({
        %run_scoped3A_102 = tpu.sem_alloc : memref<!tpu.dma_semaphore, #tpu.memory_space<semaphore_mem>>
        %dma_start3A_103 = arith.constant 0 : i32
        %dma_start3A_104 = tpu.memref_slice %arg9[%mul3A_61, %dma_start3A_103] : memref<25x400xi32, #tpu.memory_space<vmem>> -> memref<1x400xi32, #tpu.memory_space<vmem>>
        %dma_start3A_105 = tpu.memref_squeeze %dma_start3A_104 : memref<1x400xi32, #tpu.memory_space<vmem>> -> memref<400xi32, #tpu.memory_space<vmem>>
        %dma_start3A_106 = arith.constant 0 : i32
        %dma_start3A_107 = arith.constant 0 : i32
        %dma_start3A_108 = tpu.memref_slice %arg13[%dma_start3A_106, %dma_start3A_107] : memref<10240x64xf32, #tpu.memory_space<vmem_shared>> -> memref<10240x64xf32, #tpu.memory_space<vmem_shared>>
        tpu.enqueue_indirect_dma source(%arg11 : memref<400x64xf32, #tpu.memory_space<vmem>>) target(%dma_start3A_108 : memref<10240x64xf32, #tpu.memory_space<vmem_shared>>) offsets(%dma_start3A_105 : memref<400xi32, #tpu.memory_space<vmem>>) semaphore(%run_scoped3A_102 : memref<!tpu.dma_semaphore, #tpu.memory_space<semaphore_mem>>) {add = true}
        %dma_wait3A_109 = arith.constant 0 : i32
        %dma_wait3A_110 = tpu.memref_slice %arg9[%mul3A_61, %dma_wait3A_109] : memref<25x400xi32, #tpu.memory_space<vmem>> -> memref<1x400xi32, #tpu.memory_space<vmem>>
        %dma_wait3A_111 = tpu.memref_squeeze %dma_wait3A_110 : memref<1x400xi32, #tpu.memory_space<vmem>> -> memref<400xi32, #tpu.memory_space<vmem>>
        %dma_wait3A_112 = arith.constant 0 : i32
        %dma_wait3A_113 = arith.constant 0 : i32
        %dma_wait3A_114 = tpu.memref_slice %arg13[%dma_wait3A_112, %dma_wait3A_113] : memref<10240x64xf32, #tpu.memory_space<vmem_shared>> -> memref<10240x64xf32, #tpu.memory_space<vmem_shared>>
        tpu.wait_indirect_dma semaphore(%run_scoped3A_102 : memref<!tpu.dma_semaphore, #tpu.memory_space<semaphore_mem>>) src(%arg11 : memref<400x64xf32, #tpu.memory_space<vmem>>) dst(%dma_wait3A_114 : memref<10240x64xf32, #tpu.memory_space<vmem_shared>>)
        tpu.yield
      }) : () -> ()
      %add3A_83 = arith.constant 2 : i32
      %add3A_84 = arith.addi %mul3A_61, %add3A_83 : i32
      %lt3A = arith.constant 25 : i32
      %lt3A_85 = arith.cmpi slt, %add3A_84, %lt3A : i32
      %convert_element_type3A = arith.extui %lt3A_85 : i1 to i32
      %cond3A = arith.constant 0 : i32
      %cond3A_86 = arith.cmpi ne, %convert_element_type3A, %cond3A : i32
      scf.if %cond3A_86 {
        %add3A_102 = arith.constant 2 : i32
        %add3A_103 = arith.addi %mul3A_61, %add3A_102 : i32
        %dma_start3A_104 = arith.constant 0 : i32
        %dma_start3A_105 = tpu.memref_slice %arg8[%add3A_103, %dma_start3A_104] : memref<25x400xi32, #tpu.memory_space<vmem>> -> memref<1x400xi32, #tpu.memory_space<vmem>>
        %dma_start3A_106 = tpu.memref_squeeze %dma_start3A_105 : memref<1x400xi32, #tpu.memory_space<vmem>> -> memref<400xi32, #tpu.memory_space<vmem>>
        %dma_start3A_107 = arith.constant 0 : i32
        %dma_start3A_108 = arith.constant 0 : i32
        %dma_start3A_109 = tpu.memref_slice %arg2[%dma_start3A_107, %dma_start3A_108] : memref<10000x64xf32, #tpu.memory_space<hbm>> -> memref<10000x64xf32, #tpu.memory_space<hbm>>
        tpu.enqueue_indirect_dma source(%dma_start3A_109 : memref<10000x64xf32, #tpu.memory_space<hbm>>) target(%arg11 : memref<400x64xf32, #tpu.memory_space<vmem>>) offsets(%dma_start3A_106 : memref<400xi32, #tpu.memory_space<vmem>>) semaphore(%arg15 : memref<!tpu.dma_semaphore, #tpu.memory_space<semaphore_mem>>)
      } else {
      }
      %dma_wait3A_87 = arith.constant 0 : i32
      %dma_wait3A_88 = arith.constant 0 : i32
      %dma_wait3A_89 = tpu.memref_slice %arg8[%dma_wait3A_87, %dma_wait3A_88] : memref<25x400xi32, #tpu.memory_space<vmem>> -> memref<1x400xi32, #tpu.memory_space<vmem>>
      %dma_wait3A_90 = tpu.memref_squeeze %dma_wait3A_89 : memref<1x400xi32, #tpu.memory_space<vmem>> -> memref<400xi32, #tpu.memory_space<vmem>>
      %dma_wait3A_91 = arith.constant 0 : i32
      %dma_wait3A_92 = arith.constant 0 : i32
      %dma_wait3A_93 = tpu.memref_slice %arg2[%dma_wait3A_91, %dma_wait3A_92] : memref<10000x64xf32, #tpu.memory_space<hbm>> -> memref<10000x64xf32, #tpu.memory_space<hbm>>
      tpu.wait_indirect_dma semaphore(%arg16 : memref<!tpu.dma_semaphore, #tpu.memory_space<semaphore_mem>>) src(%dma_wait3A_93 : memref<10000x64xf32, #tpu.memory_space<hbm>>) dst(%arg12 : memref<400x64xf32, #tpu.memory_space<vmem>>)
      %add3A_94 = arith.constant 1 : i32
      %add3A_95 = arith.addi %mul3A_61, %add3A_94 : i32
      %scan3A_96 = arith.constant 0 : i32
      %scan3A_97 = arith.constant 0 : i32
      %scan3A_98 = arith.constant 25 : i32
      %scan3A_99 = arith.addi %scan3A_97, %scan3A_98 : i32
      %scan3A_100 = arith.constant 1 : i32
      scf.for %scan3A_102 = %scan3A_97 to %scan3A_99 step %scan3A_100  : i32 {
        %mul3A_103 = arith.constant 16 : i32
        %mul3A_104 = arith.muli %scan3A_102, %mul3A_103 : i32
        %get3A = arith.index_cast %add3A_95 : i32 to index
        %get3A_105 = arith.index_cast %mul3A_104 : i32 to index
        %get3A_106 = tpu.vector_load %arg10[%get3A, %get3A_105] {strides = array<i32>} : memref<25x400xf32, #tpu.memory_space<vmem>>, vector<16xf32>,
        %slice3A = vector.extract_strided_slice %get3A_106 {offsets = [0], sizes = [1], strides = [1]} : vector<16xf32> to vector<1xf32>
        %squeeze3A = vector.extract %slice3A[0] : f32 from vector<1xf32>
        %broadcast_in_dim3A = vector.broadcast %squeeze3A : f32 to vector<16xf32>
        %slice3A_107 = vector.extract_strided_slice %get3A_106 {offsets = [1], sizes = [1], strides = [1]} : vector<16xf32> to vector<1xf32>
        %squeeze3A_108 = vector.extract %slice3A_107[0] : f32 from vector<1xf32>
        %broadcast_in_dim3A_109 = vector.broadcast %squeeze3A_108 : f32 to vector<16xf32>
        %slice3A_110 = vector.extract_strided_slice %get3A_106 {offsets = [2], sizes = [1], strides = [1]} : vector<16xf32> to vector<1xf32>
        %squeeze3A_111 = vector.extract %slice3A_110[0] : f32 from vector<1xf32>
        %broadcast_in_dim3A_112 = vector.broadcast %squeeze3A_111 : f32 to vector<16xf32>
        %slice3A_113 = vector.extract_strided_slice %get3A_106 {offsets = [3], sizes = [1], strides = [1]} : vector<16xf32> to vector<1xf32>
        %squeeze3A_114 = vector.extract %slice3A_113[0] : f32 from vector<1xf32>
        %broadcast_in_dim3A_115 = vector.broadcast %squeeze3A_114 : f32 to vector<16xf32>
        %mul3A_116 = arith.constant 16 : i32
        %mul3A_117 = arith.muli %scan3A_102, %mul3A_116 : i32
        %add3A_118 = arith.constant 0 : i32
        %add3A_119 = arith.addi %mul3A_117, %add3A_118 : i32
        %add3A_120 = arith.constant 0 : i32
        %add3A_121 = arith.addi %add3A_119, %add3A_120 : i32
        %mul3A_122 = arith.constant 16 : i32
        %mul3A_123 = arith.muli %scan3A_102, %mul3A_122 : i32
        %add3A_124 = arith.constant 0 : i32
        %add3A_125 = arith.addi %mul3A_123, %add3A_124 : i32
        %add3A_126 = arith.constant 1 : i32
        %add3A_127 = arith.addi %add3A_125, %add3A_126 : i32
        %mul3A_128 = arith.constant 16 : i32
        %mul3A_129 = arith.muli %scan3A_102, %mul3A_128 : i32
        %add3A_130 = arith.constant 0 : i32
        %add3A_131 = arith.addi %mul3A_129, %add3A_130 : i32
        %add3A_132 = arith.constant 2 : i32
        %add3A_133 = arith.addi %add3A_131, %add3A_132 : i32
        %mul3A_134 = arith.constant 16 : i32
        %mul3A_135 = arith.muli %scan3A_102, %mul3A_134 : i32
        %add3A_136 = arith.constant 0 : i32
        %add3A_137 = arith.addi %mul3A_135, %add3A_136 : i32
        %add3A_138 = arith.constant 3 : i32
        %add3A_139 = arith.addi %add3A_137, %add3A_138 : i32
        %get3A_140 = arith.index_cast %add3A_121 : i32 to index
        %get3A_141 = arith.constant 0 : index
        %get3A_142 = tpu.vector_load %arg12[%get3A_140, %get3A_141] {strides = array<i32>} : memref<400x64xf32, #tpu.memory_space<vmem>>, vector<16xf32>,
        %mul3A_143 = arith.mulf %get3A_142, %broadcast_in_dim3A : vector<16xf32>
        %get3A_144 = arith.index_cast %add3A_121 : i32 to index
        %get3A_145 = arith.constant 16 : index
        %get3A_146 = tpu.vector_load %arg12[%get3A_144, %get3A_145] {strides = array<i32>} : memref<400x64xf32, #tpu.memory_space<vmem>>, vector<16xf32>,
        %mul3A_147 = arith.mulf %get3A_146, %broadcast_in_dim3A : vector<16xf32>
        %get3A_148 = arith.index_cast %add3A_121 : i32 to index
        %get3A_149 = arith.constant 32 : index
        %get3A_150 = tpu.vector_load %arg12[%get3A_148, %get3A_149] {strides = array<i32>} : memref<400x64xf32, #tpu.memory_space<vmem>>, vector<16xf32>,
        %mul3A_151 = arith.mulf %get3A_150, %broadcast_in_dim3A : vector<16xf32>
        %get3A_152 = arith.index_cast %add3A_121 : i32 to index
        %get3A_153 = arith.constant 48 : index
        %get3A_154 = tpu.vector_load %arg12[%get3A_152, %get3A_153] {strides = array<i32>} : memref<400x64xf32, #tpu.memory_space<vmem>>, vector<16xf32>,
        %mul3A_155 = arith.mulf %get3A_154, %broadcast_in_dim3A : vector<16xf32>
        %get3A_156 = arith.index_cast %add3A_127 : i32 to index
        %get3A_157 = arith.constant 0 : index
        %get3A_158 = tpu.vector_load %arg12[%get3A_156, %get3A_157] {strides = array<i32>} : memref<400x64xf32, #tpu.memory_space<vmem>>, vector<16xf32>,
        %mul3A_159 = arith.mulf %get3A_158, %broadcast_in_dim3A_109 : vector<16xf32>
        %get3A_160 = arith.index_cast %add3A_127 : i32 to index
        %get3A_161 = arith.constant 16 : index
        %get3A_162 = tpu.vector_load %arg12[%get3A_160, %get3A_161] {strides = array<i32>} : memref<400x64xf32, #tpu.memory_space<vmem>>, vector<16xf32>,
        %mul3A_163 = arith.mulf %get3A_162, %broadcast_in_dim3A_109 : vector<16xf32>
        %get3A_164 = arith.index_cast %add3A_127 : i32 to index
        %get3A_165 = arith.constant 32 : index
        %get3A_166 = tpu.vector_load %arg12[%get3A_164, %get3A_165] {strides = array<i32>} : memref<400x64xf32, #tpu.memory_space<vmem>>, vector<16xf32>,
        %mul3A_167 = arith.mulf %get3A_166, %broadcast_in_dim3A_109 : vector<16xf32>
        %get3A_168 = arith.index_cast %add3A_127 : i32 to index
        %get3A_169 = arith.constant 48 : index
        %get3A_170 = tpu.vector_load %arg12[%get3A_168, %get3A_169] {strides = array<i32>} : memref<400x64xf32, #tpu.memory_space<vmem>>, vector<16xf32>,
        %mul3A_171 = arith.mulf %get3A_170, %broadcast_in_dim3A_109 : vector<16xf32>
        %get3A_172 = arith.index_cast %add3A_133 : i32 to index
        %get3A_173 = arith.constant 0 : index
        %get3A_174 = tpu.vector_load %arg12[%get3A_172, %get3A_173] {strides = array<i32>} : memref<400x64xf32, #tpu.memory_space<vmem>>, vector<16xf32>,
        %mul3A_175 = arith.mulf %get3A_174, %broadcast_in_dim3A_112 : vector<16xf32>
        %get3A_176 = arith.index_cast %add3A_133 : i32 to index
        %get3A_177 = arith.constant 16 : index
        %get3A_178 = tpu.vector_load %arg12[%get3A_176, %get3A_177] {strides = array<i32>} : memref<400x64xf32, #tpu.memory_space<vmem>>, vector<16xf32>,
        %mul3A_179 = arith.mulf %get3A_178, %broadcast_in_dim3A_112 : vector<16xf32>
        %get3A_180 = arith.index_cast %add3A_133 : i32 to index
        %get3A_181 = arith.constant 32 : index
        %get3A_182 = tpu.vector_load %arg12[%get3A_180, %get3A_181] {strides = array<i32>} : memref<400x64xf32, #tpu.memory_space<vmem>>, vector<16xf32>,
        %mul3A_183 = arith.mulf %get3A_182, %broadcast_in_dim3A_112 : vector<16xf32>
        %get3A_184 = arith.index_cast %add3A_133 : i32 to index
        %get3A_185 = arith.constant 48 : index
        %get3A_186 = tpu.vector_load %arg12[%get3A_184, %get3A_185] {strides = array<i32>} : memref<400x64xf32, #tpu.memory_space<vmem>>, vector<16xf32>,
        %mul3A_187 = arith.mulf %get3A_186, %broadcast_in_dim3A_112 : vector<16xf32>
        %get3A_188 = arith.index_cast %add3A_139 : i32 to index
        %get3A_189 = arith.constant 0 : index
        %get3A_190 = tpu.vector_load %arg12[%get3A_188, %get3A_189] {strides = array<i32>} : memref<400x64xf32, #tpu.memory_space<vmem>>, vector<16xf32>,
        %mul3A_191 = arith.mulf %get3A_190, %broadcast_in_dim3A_115 : vector<16xf32>
        %get3A_192 = arith.index_cast %add3A_139 : i32 to index
        %get3A_193 = arith.constant 16 : index
        %get3A_194 = tpu.vector_load %arg12[%get3A_192, %get3A_193] {strides = array<i32>} : memref<400x64xf32, #tpu.memory_space<vmem>>, vector<16xf32>,
        %mul3A_195 = arith.mulf %get3A_194, %broadcast_in_dim3A_115 : vector<16xf32>
        %get3A_196 = arith.index_cast %add3A_139 : i32 to index
        %get3A_197 = arith.constant 32 : index
        %get3A_198 = tpu.vector_load %arg12[%get3A_196, %get3A_197] {strides = array<i32>} : memref<400x64xf32, #tpu.memory_space<vmem>>, vector<16xf32>,
        %mul3A_199 = arith.mulf %get3A_198, %broadcast_in_dim3A_115 : vector<16xf32>
        %get3A_200 = arith.index_cast %add3A_139 : i32 to index
        %get3A_201 = arith.constant 48 : index
        %get3A_202 = tpu.vector_load %arg12[%get3A_200, %get3A_201] {strides = array<i32>} : memref<400x64xf32, #tpu.memory_space<vmem>>, vector<16xf32>,
        %mul3A_203 = arith.mulf %get3A_202, %broadcast_in_dim3A_115 : vector<16xf32>
        %swap3A = arith.index_cast %add3A_121 : i32 to index
        %swap3A_204 = arith.constant 0 : index
        %swap3A_205 = tpu.vector_load %arg12[%swap3A, %swap3A_204] {strides = array<i32>} : memref<400x64xf32, #tpu.memory_space<vmem>>, vector<16xf32>,
        tpu.vector_store %arg12[%swap3A, %swap3A_204], %mul3A_143 {strides = array<i32>} : memref<400x64xf32, #tpu.memory_space<vmem>>, vector<16xf32>,
        %swap3A_206 = arith.index_cast %add3A_121 : i32 to index
        %swap3A_207 = arith.constant 16 : index
        %swap3A_208 = tpu.vector_load %arg12[%swap3A_206, %swap3A_207] {strides = array<i32>} : memref<400x64xf32, #tpu.memory_space<vmem>>, vector<16xf32>,
        tpu.vector_store %arg12[%swap3A_206, %swap3A_207], %mul3A_147 {strides = array<i32>} : memref<400x64xf32, #tpu.memory_space<vmem>>, vector<16xf32>,
        %swap3A_209 = arith.index_cast %add3A_121 : i32 to index
        %swap3A_210 = arith.constant 32 : index
        %swap3A_211 = tpu.vector_load %arg12[%swap3A_209, %swap3A_210] {strides = array<i32>} : memref<400x64xf32, #tpu.memory_space<vmem>>, vector<16xf32>,
        tpu.vector_store %arg12[%swap3A_209, %swap3A_210], %mul3A_151 {strides = array<i32>} : memref<400x64xf32, #tpu.memory_space<vmem>>, vector<16xf32>,
        %swap3A_212 = arith.index_cast %add3A_121 : i32 to index
        %swap3A_213 = arith.constant 48 : index
        %swap3A_214 = tpu.vector_load %arg12[%swap3A_212, %swap3A_213] {strides = array<i32>} : memref<400x64xf32, #tpu.memory_space<vmem>>, vector<16xf32>,
        tpu.vector_store %arg12[%swap3A_212, %swap3A_213], %mul3A_155 {strides = array<i32>} : memref<400x64xf32, #tpu.memory_space<vmem>>, vector<16xf32>,
        %swap3A_215 = arith.index_cast %add3A_127 : i32 to index
        %swap3A_216 = arith.constant 0 : index
        %swap3A_217 = tpu.vector_load %arg12[%swap3A_215, %swap3A_216] {strides = array<i32>} : memref<400x64xf32, #tpu.memory_space<vmem>>, vector<16xf32>,
        tpu.vector_store %arg12[%swap3A_215, %swap3A_216], %mul3A_159 {strides = array<i32>} : memref<400x64xf32, #tpu.memory_space<vmem>>, vector<16xf32>,
        %swap3A_218 = arith.index_cast %add3A_127 : i32 to index
        %swap3A_219 = arith.constant 16 : index
        %swap3A_220 = tpu.vector_load %arg12[%swap3A_218, %swap3A_219] {strides = array<i32>} : memref<400x64xf32, #tpu.memory_space<vmem>>, vector<16xf32>,
        tpu.vector_store %arg12[%swap3A_218, %swap3A_219], %mul3A_163 {strides = array<i32>} : memref<400x64xf32, #tpu.memory_space<vmem>>, vector<16xf32>,
        %swap3A_221 = arith.index_cast %add3A_127 : i32 to index
        %swap3A_222 = arith.constant 32 : index
        %swap3A_223 = tpu.vector_load %arg12[%swap3A_221, %swap3A_222] {strides = array<i32>} : memref<400x64xf32, #tpu.memory_space<vmem>>, vector<16xf32>,
        tpu.vector_store %arg12[%swap3A_221, %swap3A_222], %mul3A_167 {strides = array<i32>} : memref<400x64xf32, #tpu.memory_space<vmem>>, vector<16xf32>,
        %swap3A_224 = arith.index_cast %add3A_127 : i32 to index
        %swap3A_225 = arith.constant 48 : index
        %swap3A_226 = tpu.vector_load %arg12[%swap3A_224, %swap3A_225] {strides = array<i32>} : memref<400x64xf32, #tpu.memory_space<vmem>>, vector<16xf32>,
        tpu.vector_store %arg12[%swap3A_224, %swap3A_225], %mul3A_171 {strides = array<i32>} : memref<400x64xf32, #tpu.memory_space<vmem>>, vector<16xf32>,
        %swap3A_227 = arith.index_cast %add3A_133 : i32 to index
        %swap3A_228 = arith.constant 0 : index
        %swap3A_229 = tpu.vector_load %arg12[%swap3A_227, %swap3A_228] {strides = array<i32>} : memref<400x64xf32, #tpu.memory_space<vmem>>, vector<16xf32>,
        tpu.vector_store %arg12[%swap3A_227, %swap3A_228], %mul3A_175 {strides = array<i32>} : memref<400x64xf32, #tpu.memory_space<vmem>>, vector<16xf32>,
        %swap3A_230 = arith.index_cast %add3A_133 : i32 to index
        %swap3A_231 = arith.constant 16 : index
        %swap3A_232 = tpu.vector_load %arg12[%swap3A_230, %swap3A_231] {strides = array<i32>} : memref<400x64xf32, #tpu.memory_space<vmem>>, vector<16xf32>,
        tpu.vector_store %arg12[%swap3A_230, %swap3A_231], %mul3A_179 {strides = array<i32>} : memref<400x64xf32, #tpu.memory_space<vmem>>, vector<16xf32>,
        %swap3A_233 = arith.index_cast %add3A_133 : i32 to index
        %swap3A_234 = arith.constant 32 : index
        %swap3A_235 = tpu.vector_load %arg12[%swap3A_233, %swap3A_234] {strides = array<i32>} : memref<400x64xf32, #tpu.memory_space<vmem>>, vector<16xf32>,
        tpu.vector_store %arg12[%swap3A_233, %swap3A_234], %mul3A_183 {strides = array<i32>} : memref<400x64xf32, #tpu.memory_space<vmem>>, vector<16xf32>,
        %swap3A_236 = arith.index_cast %add3A_133 : i32 to index
        %swap3A_237 = arith.constant 48 : index
        %swap3A_238 = tpu.vector_load %arg12[%swap3A_236, %swap3A_237] {strides = array<i32>} : memref<400x64xf32, #tpu.memory_space<vmem>>, vector<16xf32>,
        tpu.vector_store %arg12[%swap3A_236, %swap3A_237], %mul3A_187 {strides = array<i32>} : memref<400x64xf32, #tpu.memory_space<vmem>>, vector<16xf32>,
        %swap3A_239 = arith.index_cast %add3A_139 : i32 to index
        %swap3A_240 = arith.constant 0 : index
        %swap3A_241 = tpu.vector_load %arg12[%swap3A_239, %swap3A_240] {strides = array<i32>} : memref<400x64xf32, #tpu.memory_space<vmem>>, vector<16xf32>,
        tpu.vector_store %arg12[%swap3A_239, %swap3A_240], %mul3A_191 {strides = array<i32>} : memref<400x64xf32, #tpu.memory_space<vmem>>, vector<16xf32>,
        %swap3A_242 = arith.index_cast %add3A_139 : i32 to index
        %swap3A_243 = arith.constant 16 : index
        %swap3A_244 = tpu.vector_load %arg12[%swap3A_242, %swap3A_243] {strides = array<i32>} : memref<400x64xf32, #tpu.memory_space<vmem>>, vector<16xf32>,
        tpu.vector_store %arg12[%swap3A_242, %swap3A_243], %mul3A_195 {strides = array<i32>} : memref<400x64xf32, #tpu.memory_space<vmem>>, vector<16xf32>,
        %swap3A_245 = arith.index_cast %add3A_139 : i32 to index
        %swap3A_246 = arith.constant 32 : index
        %swap3A_247 = tpu.vector_load %arg12[%swap3A_245, %swap3A_246] {strides = array<i32>} : memref<400x64xf32, #tpu.memory_space<vmem>>, vector<16xf32>,
        tpu.vector_store %arg12[%swap3A_245, %swap3A_246], %mul3A_199 {strides = array<i32>} : memref<400x64xf32, #tpu.memory_space<vmem>>, vector<16xf32>,
        %swap3A_248 = arith.index_cast %add3A_139 : i32 to index
        %swap3A_249 = arith.constant 48 : index
        %swap3A_250 = tpu.vector_load %arg12[%swap3A_248, %swap3A_249] {strides = array<i32>} : memref<400x64xf32, #tpu.memory_space<vmem>>, vector<16xf32>,
        tpu.vector_store %arg12[%swap3A_248, %swap3A_249], %mul3A_203 {strides = array<i32>} : memref<400x64xf32, #tpu.memory_space<vmem>>, vector<16xf32>,
        %slice3A_251 = vector.extract_strided_slice %get3A_106 {offsets = [4], sizes = [1], strides = [1]} : vector<16xf32> to vector<1xf32>
        %squeeze3A_252 = vector.extract %slice3A_251[0] : f32 from vector<1xf32>
        %broadcast_in_dim3A_253 = vector.broadcast %squeeze3A_252 : f32 to vector<16xf32>
        %slice3A_254 = vector.extract_strided_slice %get3A_106 {offsets = [5], sizes = [1], strides = [1]} : vector<16xf32> to vector<1xf32>
        %squeeze3A_255 = vector.extract %slice3A_254[0] : f32 from vector<1xf32>
        %broadcast_in_dim3A_256 = vector.broadcast %squeeze3A_255 : f32 to vector<16xf32>
        %slice3A_257 = vector.extract_strided_slice %get3A_106 {offsets = [6], sizes = [1], strides = [1]} : vector<16xf32> to vector<1xf32>
        %squeeze3A_258 = vector.extract %slice3A_257[0] : f32 from vector<1xf32>
        %broadcast_in_dim3A_259 = vector.broadcast %squeeze3A_258 : f32 to vector<16xf32>
        %slice3A_260 = vector.extract_strided_slice %get3A_106 {offsets = [7], sizes = [1], strides = [1]} : vector<16xf32> to vector<1xf32>
        %squeeze3A_261 = vector.extract %slice3A_260[0] : f32 from vector<1xf32>
        %broadcast_in_dim3A_262 = vector.broadcast %squeeze3A_261 : f32 to vector<16xf32>
        %mul3A_263 = arith.constant 16 : i32
        %mul3A_264 = arith.muli %scan3A_102, %mul3A_263 : i32
        %add3A_265 = arith.constant 4 : i32
        %add3A_266 = arith.addi %mul3A_264, %add3A_265 : i32
        %add3A_267 = arith.constant 0 : i32
        %add3A_268 = arith.addi %add3A_266, %add3A_267 : i32
        %mul3A_269 = arith.constant 16 : i32
        %mul3A_270 = arith.muli %scan3A_102, %mul3A_269 : i32
        %add3A_271 = arith.constant 4 : i32
        %add3A_272 = arith.addi %mul3A_270, %add3A_271 : i32
        %add3A_273 = arith.constant 1 : i32
        %add3A_274 = arith.addi %add3A_272, %add3A_273 : i32
        %mul3A_275 = arith.constant 16 : i32
        %mul3A_276 = arith.muli %scan3A_102, %mul3A_275 : i32
        %add3A_277 = arith.constant 4 : i32
        %add3A_278 = arith.addi %mul3A_276, %add3A_277 : i32
        %add3A_279 = arith.constant 2 : i32
        %add3A_280 = arith.addi %add3A_278, %add3A_279 : i32
        %mul3A_281 = arith.constant 16 : i32
        %mul3A_282 = arith.muli %scan3A_102, %mul3A_281 : i32
        %add3A_283 = arith.constant 4 : i32
        %add3A_284 = arith.addi %mul3A_282, %add3A_283 : i32
        %add3A_285 = arith.constant 3 : i32
        %add3A_286 = arith.addi %add3A_284, %add3A_285 : i32
        %get3A_287 = arith.index_cast %add3A_268 : i32 to index
        %get3A_288 = arith.constant 0 : index
        %get3A_289 = tpu.vector_load %arg12[%get3A_287, %get3A_288] {strides = array<i32>} : memref<400x64xf32, #tpu.memory_space<vmem>>, vector<16xf32>,
        %mul3A_290 = arith.mulf %get3A_289, %broadcast_in_dim3A_253 : vector<16xf32>
        %get3A_291 = arith.index_cast %add3A_268 : i32 to index
        %get3A_292 = arith.constant 16 : index
        %get3A_293 = tpu.vector_load %arg12[%get3A_291, %get3A_292] {strides = array<i32>} : memref<400x64xf32, #tpu.memory_space<vmem>>, vector<16xf32>,
        %mul3A_294 = arith.mulf %get3A_293, %broadcast_in_dim3A_253 : vector<16xf32>
        %get3A_295 = arith.index_cast %add3A_268 : i32 to index
        %get3A_296 = arith.constant 32 : index
        %get3A_297 = tpu.vector_load %arg12[%get3A_295, %get3A_296] {strides = array<i32>} : memref<400x64xf32, #tpu.memory_space<vmem>>, vector<16xf32>,
        %mul3A_298 = arith.mulf %get3A_297, %broadcast_in_dim3A_253 : vector<16xf32>
        %get3A_299 = arith.index_cast %add3A_268 : i32 to index
        %get3A_300 = arith.constant 48 : index
        %get3A_301 = tpu.vector_load %arg12[%get3A_299, %get3A_300] {strides = array<i32>} : memref<400x64xf32, #tpu.memory_space<vmem>>, vector<16xf32>,
        %mul3A_302 = arith.mulf %get3A_301, %broadcast_in_dim3A_253 : vector<16xf32>
        %get3A_303 = arith.index_cast %add3A_274 : i32 to index
        %get3A_304 = arith.constant 0 : index
        %get3A_305 = tpu.vector_load %arg12[%get3A_303, %get3A_304] {strides = array<i32>} : memref<400x64xf32, #tpu.memory_space<vmem>>, vector<16xf32>,
        %mul3A_306 = arith.mulf %get3A_305, %broadcast_in_dim3A_256 : vector<16xf32>
        %get3A_307 = arith.index_cast %add3A_274 : i32 to index
        %get3A_308 = arith.constant 16 : index
        %get3A_309 = tpu.vector_load %arg12[%get3A_307, %get3A_308] {strides = array<i32>} : memref<400x64xf32, #tpu.memory_space<vmem>>, vector<16xf32>,
        %mul3A_310 = arith.mulf %get3A_309, %broadcast_in_dim3A_256 : vector<16xf32>
        %get3A_311 = arith.index_cast %add3A_274 : i32 to index
        %get3A_312 = arith.constant 32 : index
        %get3A_313 = tpu.vector_load %arg12[%get3A_311, %get3A_312] {strides = array<i32>} : memref<400x64xf32, #tpu.memory_space<vmem>>, vector<16xf32>,
        %mul3A_314 = arith.mulf %get3A_313, %broadcast_in_dim3A_256 : vector<16xf32>
        %get3A_315 = arith.index_cast %add3A_274 : i32 to index
        %get3A_316 = arith.constant 48 : index
        %get3A_317 = tpu.vector_load %arg12[%get3A_315, %get3A_316] {strides = array<i32>} : memref<400x64xf32, #tpu.memory_space<vmem>>, vector<16xf32>,
        %mul3A_318 = arith.mulf %get3A_317, %broadcast_in_dim3A_256 : vector<16xf32>
        %get3A_319 = arith.index_cast %add3A_280 : i32 to index
        %get3A_320 = arith.constant 0 : index
        %get3A_321 = tpu.vector_load %arg12[%get3A_319, %get3A_320] {strides = array<i32>} : memref<400x64xf32, #tpu.memory_space<vmem>>, vector<16xf32>,
        %mul3A_322 = arith.mulf %get3A_321, %broadcast_in_dim3A_259 : vector<16xf32>
        %get3A_323 = arith.index_cast %add3A_280 : i32 to index
        %get3A_324 = arith.constant 16 : index
        %get3A_325 = tpu.vector_load %arg12[%get3A_323, %get3A_324] {strides = array<i32>} : memref<400x64xf32, #tpu.memory_space<vmem>>, vector<16xf32>,
        %mul3A_326 = arith.mulf %get3A_325, %broadcast_in_dim3A_259 : vector<16xf32>
        %get3A_327 = arith.index_cast %add3A_280 : i32 to index
        %get3A_328 = arith.constant 32 : index
        %get3A_329 = tpu.vector_load %arg12[%get3A_327, %get3A_328] {strides = array<i32>} : memref<400x64xf32, #tpu.memory_space<vmem>>, vector<16xf32>,
        %mul3A_330 = arith.mulf %get3A_329, %broadcast_in_dim3A_259 : vector<16xf32>
        %get3A_331 = arith.index_cast %add3A_280 : i32 to index
        %get3A_332 = arith.constant 48 : index
        %get3A_333 = tpu.vector_load %arg12[%get3A_331, %get3A_332] {strides = array<i32>} : memref<400x64xf32, #tpu.memory_space<vmem>>, vector<16xf32>,
        %mul3A_334 = arith.mulf %get3A_333, %broadcast_in_dim3A_259 : vector<16xf32>
        %get3A_335 = arith.index_cast %add3A_286 : i32 to index
        %get3A_336 = arith.constant 0 : index
        %get3A_337 = tpu.vector_load %arg12[%get3A_335, %get3A_336] {strides = array<i32>} : memref<400x64xf32, #tpu.memory_space<vmem>>, vector<16xf32>,
        %mul3A_338 = arith.mulf %get3A_337, %broadcast_in_dim3A_262 : vector<16xf32>
        %get3A_339 = arith.index_cast %add3A_286 : i32 to index
        %get3A_340 = arith.constant 16 : index
        %get3A_341 = tpu.vector_load %arg12[%get3A_339, %get3A_340] {strides = array<i32>} : memref<400x64xf32, #tpu.memory_space<vmem>>, vector<16xf32>,
        %mul3A_342 = arith.mulf %get3A_341, %broadcast_in_dim3A_262 : vector<16xf32>
        %get3A_343 = arith.index_cast %add3A_286 : i32 to index
        %get3A_344 = arith.constant 32 : index
        %get3A_345 = tpu.vector_load %arg12[%get3A_343, %get3A_344] {strides = array<i32>} : memref<400x64xf32, #tpu.memory_space<vmem>>, vector<16xf32>,
        %mul3A_346 = arith.mulf %get3A_345, %broadcast_in_dim3A_262 : vector<16xf32>
        %get3A_347 = arith.index_cast %add3A_286 : i32 to index
        %get3A_348 = arith.constant 48 : index
        %get3A_349 = tpu.vector_load %arg12[%get3A_347, %get3A_348] {strides = array<i32>} : memref<400x64xf32, #tpu.memory_space<vmem>>, vector<16xf32>,
        %mul3A_350 = arith.mulf %get3A_349, %broadcast_in_dim3A_262 : vector<16xf32>
        %swap3A_351 = arith.index_cast %add3A_268 : i32 to index
        %swap3A_352 = arith.constant 0 : index
        %swap3A_353 = tpu.vector_load %arg12[%swap3A_351, %swap3A_352] {strides = array<i32>} : memref<400x64xf32, #tpu.memory_space<vmem>>, vector<16xf32>,
        tpu.vector_store %arg12[%swap3A_351, %swap3A_352], %mul3A_290 {strides = array<i32>} : memref<400x64xf32, #tpu.memory_space<vmem>>, vector<16xf32>,
        %swap3A_354 = arith.index_cast %add3A_268 : i32 to index
        %swap3A_355 = arith.constant 16 : index
        %swap3A_356 = tpu.vector_load %arg12[%swap3A_354, %swap3A_355] {strides = array<i32>} : memref<400x64xf32, #tpu.memory_space<vmem>>, vector<16xf32>,
        tpu.vector_store %arg12[%swap3A_354, %swap3A_355], %mul3A_294 {strides = array<i32>} : memref<400x64xf32, #tpu.memory_space<vmem>>, vector<16xf32>,
        %swap3A_357 = arith.index_cast %add3A_268 : i32 to index
        %swap3A_358 = arith.constant 32 : index
        %swap3A_359 = tpu.vector_load %arg12[%swap3A_357, %swap3A_358] {strides = array<i32>} : memref<400x64xf32, #tpu.memory_space<vmem>>, vector<16xf32>,
        tpu.vector_store %arg12[%swap3A_357, %swap3A_358], %mul3A_298 {strides = array<i32>} : memref<400x64xf32, #tpu.memory_space<vmem>>, vector<16xf32>,
        %swap3A_360 = arith.index_cast %add3A_268 : i32 to index
        %swap3A_361 = arith.constant 48 : index
        %swap3A_362 = tpu.vector_load %arg12[%swap3A_360, %swap3A_361] {strides = array<i32>} : memref<400x64xf32, #tpu.memory_space<vmem>>, vector<16xf32>,
        tpu.vector_store %arg12[%swap3A_360, %swap3A_361], %mul3A_302 {strides = array<i32>} : memref<400x64xf32, #tpu.memory_space<vmem>>, vector<16xf32>,
        %swap3A_363 = arith.index_cast %add3A_274 : i32 to index
        %swap3A_364 = arith.constant 0 : index
        %swap3A_365 = tpu.vector_load %arg12[%swap3A_363, %swap3A_364] {strides = array<i32>} : memref<400x64xf32, #tpu.memory_space<vmem>>, vector<16xf32>,
        tpu.vector_store %arg12[%swap3A_363, %swap3A_364], %mul3A_306 {strides = array<i32>} : memref<400x64xf32, #tpu.memory_space<vmem>>, vector<16xf32>,
        %swap3A_366 = arith.index_cast %add3A_274 : i32 to index
        %swap3A_367 = arith.constant 16 : index
        %swap3A_368 = tpu.vector_load %arg12[%swap3A_366, %swap3A_367] {strides = array<i32>} : memref<400x64xf32, #tpu.memory_space<vmem>>, vector<16xf32>,
        tpu.vector_store %arg12[%swap3A_366, %swap3A_367], %mul3A_310 {strides = array<i32>} : memref<400x64xf32, #tpu.memory_space<vmem>>, vector<16xf32>,
        %swap3A_369 = arith.index_cast %add3A_274 : i32 to index
        %swap3A_370 = arith.constant 32 : index
        %swap3A_371 = tpu.vector_load %arg12[%swap3A_369, %swap3A_370] {strides = array<i32>} : memref<400x64xf32, #tpu.memory_space<vmem>>, vector<16xf32>,
        tpu.vector_store %arg12[%swap3A_369, %swap3A_370], %mul3A_314 {strides = array<i32>} : memref<400x64xf32, #tpu.memory_space<vmem>>, vector<16xf32>,
        %swap3A_372 = arith.index_cast %add3A_274 : i32 to index
        %swap3A_373 = arith.constant 48 : index
        %swap3A_374 = tpu.vector_load %arg12[%swap3A_372, %swap3A_373] {strides = array<i32>} : memref<400x64xf32, #tpu.memory_space<vmem>>, vector<16xf32>,
        tpu.vector_store %arg12[%swap3A_372, %swap3A_373], %mul3A_318 {strides = array<i32>} : memref<400x64xf32, #tpu.memory_space<vmem>>, vector<16xf32>,
        %swap3A_375 = arith.index_cast %add3A_280 : i32 to index
        %swap3A_376 = arith.constant 0 : index
        %swap3A_377 = tpu.vector_load %arg12[%swap3A_375, %swap3A_376] {strides = array<i32>} : memref<400x64xf32, #tpu.memory_space<vmem>>, vector<16xf32>,
        tpu.vector_store %arg12[%swap3A_375, %swap3A_376], %mul3A_322 {strides = array<i32>} : memref<400x64xf32, #tpu.memory_space<vmem>>, vector<16xf32>,
        %swap3A_378 = arith.index_cast %add3A_280 : i32 to index
        %swap3A_379 = arith.constant 16 : index
        %swap3A_380 = tpu.vector_load %arg12[%swap3A_378, %swap3A_379] {strides = array<i32>} : memref<400x64xf32, #tpu.memory_space<vmem>>, vector<16xf32>,
        tpu.vector_store %arg12[%swap3A_378, %swap3A_379], %mul3A_326 {strides = array<i32>} : memref<400x64xf32, #tpu.memory_space<vmem>>, vector<16xf32>,
        %swap3A_381 = arith.index_cast %add3A_280 : i32 to index
        %swap3A_382 = arith.constant 32 : index
        %swap3A_383 = tpu.vector_load %arg12[%swap3A_381, %swap3A_382] {strides = array<i32>} : memref<400x64xf32, #tpu.memory_space<vmem>>, vector<16xf32>,
        tpu.vector_store %arg12[%swap3A_381, %swap3A_382], %mul3A_330 {strides = array<i32>} : memref<400x64xf32, #tpu.memory_space<vmem>>, vector<16xf32>,
        %swap3A_384 = arith.index_cast %add3A_280 : i32 to index
        %swap3A_385 = arith.constant 48 : index
        %swap3A_386 = tpu.vector_load %arg12[%swap3A_384, %swap3A_385] {strides = array<i32>} : memref<400x64xf32, #tpu.memory_space<vmem>>, vector<16xf32>,
        tpu.vector_store %arg12[%swap3A_384, %swap3A_385], %mul3A_334 {strides = array<i32>} : memref<400x64xf32, #tpu.memory_space<vmem>>, vector<16xf32>,
        %swap3A_387 = arith.index_cast %add3A_286 : i32 to index
        %swap3A_388 = arith.constant 0 : index
        %swap3A_389 = tpu.vector_load %arg12[%swap3A_387, %swap3A_388] {strides = array<i32>} : memref<400x64xf32, #tpu.memory_space<vmem>>, vector<16xf32>,
        tpu.vector_store %arg12[%swap3A_387, %swap3A_388], %mul3A_338 {strides = array<i32>} : memref<400x64xf32, #tpu.memory_space<vmem>>, vector<16xf32>,
        %swap3A_390 = arith.index_cast %add3A_286 : i32 to index
        %swap3A_391 = arith.constant 16 : index
        %swap3A_392 = tpu.vector_load %arg12[%swap3A_390, %swap3A_391] {strides = array<i32>} : memref<400x64xf32, #tpu.memory_space<vmem>>, vector<16xf32>,
        tpu.vector_store %arg12[%swap3A_390, %swap3A_391], %mul3A_342 {strides = array<i32>} : memref<400x64xf32, #tpu.memory_space<vmem>>, vector<16xf32>,
        %swap3A_393 = arith.index_cast %add3A_286 : i32 to index
        %swap3A_394 = arith.constant 32 : index
        %swap3A_395 = tpu.vector_load %arg12[%swap3A_393, %swap3A_394] {strides = array<i32>} : memref<400x64xf32, #tpu.memory_space<vmem>>, vector<16xf32>,
        tpu.vector_store %arg12[%swap3A_393, %swap3A_394], %mul3A_346 {strides = array<i32>} : memref<400x64xf32, #tpu.memory_space<vmem>>, vector<16xf32>,
        %swap3A_396 = arith.index_cast %add3A_286 : i32 to index
        %swap3A_397 = arith.constant 48 : index
        %swap3A_398 = tpu.vector_load %arg12[%swap3A_396, %swap3A_397] {strides = array<i32>} : memref<400x64xf32, #tpu.memory_space<vmem>>, vector<16xf32>,
        tpu.vector_store %arg12[%swap3A_396, %swap3A_397], %mul3A_350 {strides = array<i32>} : memref<400x64xf32, #tpu.memory_space<vmem>>, vector<16xf32>,
        %slice3A_399 = vector.extract_strided_slice %get3A_106 {offsets = [8], sizes = [1], strides = [1]} : vector<16xf32> to vector<1xf32>
        %squeeze3A_400 = vector.extract %slice3A_399[0] : f32 from vector<1xf32>
        %broadcast_in_dim3A_401 = vector.broadcast %squeeze3A_400 : f32 to vector<16xf32>
        %slice3A_402 = vector.extract_strided_slice %get3A_106 {offsets = [9], sizes = [1], strides = [1]} : vector<16xf32> to vector<1xf32>
        %squeeze3A_403 = vector.extract %slice3A_402[0] : f32 from vector<1xf32>
        %broadcast_in_dim3A_404 = vector.broadcast %squeeze3A_403 : f32 to vector<16xf32>
        %slice3A_405 = vector.extract_strided_slice %get3A_106 {offsets = [10], sizes = [1], strides = [1]} : vector<16xf32> to vector<1xf32>
        %squeeze3A_406 = vector.extract %slice3A_405[0] : f32 from vector<1xf32>
        %broadcast_in_dim3A_407 = vector.broadcast %squeeze3A_406 : f32 to vector<16xf32>
        %slice3A_408 = vector.extract_strided_slice %get3A_106 {offsets = [11], sizes = [1], strides = [1]} : vector<16xf32> to vector<1xf32>
        %squeeze3A_409 = vector.extract %slice3A_408[0] : f32 from vector<1xf32>
        %broadcast_in_dim3A_410 = vector.broadcast %squeeze3A_409 : f32 to vector<16xf32>
        %mul3A_411 = arith.constant 16 : i32
        %mul3A_412 = arith.muli %scan3A_102, %mul3A_411 : i32
        %add3A_413 = arith.constant 8 : i32
        %add3A_414 = arith.addi %mul3A_412, %add3A_413 : i32
        %add3A_415 = arith.constant 0 : i32
        %add3A_416 = arith.addi %add3A_414, %add3A_415 : i32
        %mul3A_417 = arith.constant 16 : i32
        %mul3A_418 = arith.muli %scan3A_102, %mul3A_417 : i32
        %add3A_419 = arith.constant 8 : i32
        %add3A_420 = arith.addi %mul3A_418, %add3A_419 : i32
        %add3A_421 = arith.constant 1 : i32
        %add3A_422 = arith.addi %add3A_420, %add3A_421 : i32
        %mul3A_423 = arith.constant 16 : i32
        %mul3A_424 = arith.muli %scan3A_102, %mul3A_423 : i32
        %add3A_425 = arith.constant 8 : i32
        %add3A_426 = arith.addi %mul3A_424, %add3A_425 : i32
        %add3A_427 = arith.constant 2 : i32
        %add3A_428 = arith.addi %add3A_426, %add3A_427 : i32
        %mul3A_429 = arith.constant 16 : i32
        %mul3A_430 = arith.muli %scan3A_102, %mul3A_429 : i32
        %add3A_431 = arith.constant 8 : i32
        %add3A_432 = arith.addi %mul3A_430, %add3A_431 : i32
        %add3A_433 = arith.constant 3 : i32
        %add3A_434 = arith.addi %add3A_432, %add3A_433 : i32
        %get3A_435 = arith.index_cast %add3A_416 : i32 to index
        %get3A_436 = arith.constant 0 : index
        %get3A_437 = tpu.vector_load %arg12[%get3A_435, %get3A_436] {strides = array<i32>} : memref<400x64xf32, #tpu.memory_space<vmem>>, vector<16xf32>,
        %mul3A_438 = arith.mulf %get3A_437, %broadcast_in_dim3A_401 : vector<16xf32>
        %get3A_439 = arith.index_cast %add3A_416 : i32 to index
        %get3A_440 = arith.constant 16 : index
        %get3A_441 = tpu.vector_load %arg12[%get3A_439, %get3A_440] {strides = array<i32>} : memref<400x64xf32, #tpu.memory_space<vmem>>, vector<16xf32>,
        %mul3A_442 = arith.mulf %get3A_441, %broadcast_in_dim3A_401 : vector<16xf32>
        %get3A_443 = arith.index_cast %add3A_416 : i32 to index
        %get3A_444 = arith.constant 32 : index
        %get3A_445 = tpu.vector_load %arg12[%get3A_443, %get3A_444] {strides = array<i32>} : memref<400x64xf32, #tpu.memory_space<vmem>>, vector<16xf32>,
        %mul3A_446 = arith.mulf %get3A_445, %broadcast_in_dim3A_401 : vector<16xf32>
        %get3A_447 = arith.index_cast %add3A_416 : i32 to index
        %get3A_448 = arith.constant 48 : index
        %get3A_449 = tpu.vector_load %arg12[%get3A_447, %get3A_448] {strides = array<i32>} : memref<400x64xf32, #tpu.memory_space<vmem>>, vector<16xf32>,
        %mul3A_450 = arith.mulf %get3A_449, %broadcast_in_dim3A_401 : vector<16xf32>
        %get3A_451 = arith.index_cast %add3A_422 : i32 to index
        %get3A_452 = arith.constant 0 : index
        %get3A_453 = tpu.vector_load %arg12[%get3A_451, %get3A_452] {strides = array<i32>} : memref<400x64xf32, #tpu.memory_space<vmem>>, vector<16xf32>,
        %mul3A_454 = arith.mulf %get3A_453, %broadcast_in_dim3A_404 : vector<16xf32>
        %get3A_455 = arith.index_cast %add3A_422 : i32 to index
        %get3A_456 = arith.constant 16 : index
        %get3A_457 = tpu.vector_load %arg12[%get3A_455, %get3A_456] {strides = array<i32>} : memref<400x64xf32, #tpu.memory_space<vmem>>, vector<16xf32>,
        %mul3A_458 = arith.mulf %get3A_457, %broadcast_in_dim3A_404 : vector<16xf32>
        %get3A_459 = arith.index_cast %add3A_422 : i32 to index
        %get3A_460 = arith.constant 32 : index
        %get3A_461 = tpu.vector_load %arg12[%get3A_459, %get3A_460] {strides = array<i32>} : memref<400x64xf32, #tpu.memory_space<vmem>>, vector<16xf32>,
        %mul3A_462 = arith.mulf %get3A_461, %broadcast_in_dim3A_404 : vector<16xf32>
        %get3A_463 = arith.index_cast %add3A_422 : i32 to index
        %get3A_464 = arith.constant 48 : index
        %get3A_465 = tpu.vector_load %arg12[%get3A_463, %get3A_464] {strides = array<i32>} : memref<400x64xf32, #tpu.memory_space<vmem>>, vector<16xf32>,
        %mul3A_466 = arith.mulf %get3A_465, %broadcast_in_dim3A_404 : vector<16xf32>
        %get3A_467 = arith.index_cast %add3A_428 : i32 to index
        %get3A_468 = arith.constant 0 : index
        %get3A_469 = tpu.vector_load %arg12[%get3A_467, %get3A_468] {strides = array<i32>} : memref<400x64xf32, #tpu.memory_space<vmem>>, vector<16xf32>,
        %mul3A_470 = arith.mulf %get3A_469, %broadcast_in_dim3A_407 : vector<16xf32>
        %get3A_471 = arith.index_cast %add3A_428 : i32 to index
        %get3A_472 = arith.constant 16 : index
        %get3A_473 = tpu.vector_load %arg12[%get3A_471, %get3A_472] {strides = array<i32>} : memref<400x64xf32, #tpu.memory_space<vmem>>, vector<16xf32>,
        %mul3A_474 = arith.mulf %get3A_473, %broadcast_in_dim3A_407 : vector<16xf32>
        %get3A_475 = arith.index_cast %add3A_428 : i32 to index
        %get3A_476 = arith.constant 32 : index
        %get3A_477 = tpu.vector_load %arg12[%get3A_475, %get3A_476] {strides = array<i32>} : memref<400x64xf32, #tpu.memory_space<vmem>>, vector<16xf32>,
        %mul3A_478 = arith.mulf %get3A_477, %broadcast_in_dim3A_407 : vector<16xf32>
        %get3A_479 = arith.index_cast %add3A_428 : i32 to index
        %get3A_480 = arith.constant 48 : index
        %get3A_481 = tpu.vector_load %arg12[%get3A_479, %get3A_480] {strides = array<i32>} : memref<400x64xf32, #tpu.memory_space<vmem>>, vector<16xf32>,
        %mul3A_482 = arith.mulf %get3A_481, %broadcast_in_dim3A_407 : vector<16xf32>
        %get3A_483 = arith.index_cast %add3A_434 : i32 to index
        %get3A_484 = arith.constant 0 : index
        %get3A_485 = tpu.vector_load %arg12[%get3A_483, %get3A_484] {strides = array<i32>} : memref<400x64xf32, #tpu.memory_space<vmem>>, vector<16xf32>,
        %mul3A_486 = arith.mulf %get3A_485, %broadcast_in_dim3A_410 : vector<16xf32>
        %get3A_487 = arith.index_cast %add3A_434 : i32 to index
        %get3A_488 = arith.constant 16 : index
        %get3A_489 = tpu.vector_load %arg12[%get3A_487, %get3A_488] {strides = array<i32>} : memref<400x64xf32, #tpu.memory_space<vmem>>, vector<16xf32>,
        %mul3A_490 = arith.mulf %get3A_489, %broadcast_in_dim3A_410 : vector<16xf32>
        %get3A_491 = arith.index_cast %add3A_434 : i32 to index
        %get3A_492 = arith.constant 32 : index
        %get3A_493 = tpu.vector_load %arg12[%get3A_491, %get3A_492] {strides = array<i32>} : memref<400x64xf32, #tpu.memory_space<vmem>>, vector<16xf32>,
        %mul3A_494 = arith.mulf %get3A_493, %broadcast_in_dim3A_410 : vector<16xf32>
        %get3A_495 = arith.index_cast %add3A_434 : i32 to index
        %get3A_496 = arith.constant 48 : index
        %get3A_497 = tpu.vector_load %arg12[%get3A_495, %get3A_496] {strides = array<i32>} : memref<400x64xf32, #tpu.memory_space<vmem>>, vector<16xf32>,
        %mul3A_498 = arith.mulf %get3A_497, %broadcast_in_dim3A_410 : vector<16xf32>
        %swap3A_499 = arith.index_cast %add3A_416 : i32 to index
        %swap3A_500 = arith.constant 0 : index
        %swap3A_501 = tpu.vector_load %arg12[%swap3A_499, %swap3A_500] {strides = array<i32>} : memref<400x64xf32, #tpu.memory_space<vmem>>, vector<16xf32>,
        tpu.vector_store %arg12[%swap3A_499, %swap3A_500], %mul3A_438 {strides = array<i32>} : memref<400x64xf32, #tpu.memory_space<vmem>>, vector<16xf32>,
        %swap3A_502 = arith.index_cast %add3A_416 : i32 to index
        %swap3A_503 = arith.constant 16 : index
        %swap3A_504 = tpu.vector_load %arg12[%swap3A_502, %swap3A_503] {strides = array<i32>} : memref<400x64xf32, #tpu.memory_space<vmem>>, vector<16xf32>,
        tpu.vector_store %arg12[%swap3A_502, %swap3A_503], %mul3A_442 {strides = array<i32>} : memref<400x64xf32, #tpu.memory_space<vmem>>, vector<16xf32>,
        %swap3A_505 = arith.index_cast %add3A_416 : i32 to index
        %swap3A_506 = arith.constant 32 : index
        %swap3A_507 = tpu.vector_load %arg12[%swap3A_505, %swap3A_506] {strides = array<i32>} : memref<400x64xf32, #tpu.memory_space<vmem>>, vector<16xf32>,
        tpu.vector_store %arg12[%swap3A_505, %swap3A_506], %mul3A_446 {strides = array<i32>} : memref<400x64xf32, #tpu.memory_space<vmem>>, vector<16xf32>,
        %swap3A_508 = arith.index_cast %add3A_416 : i32 to index
        %swap3A_509 = arith.constant 48 : index
        %swap3A_510 = tpu.vector_load %arg12[%swap3A_508, %swap3A_509] {strides = array<i32>} : memref<400x64xf32, #tpu.memory_space<vmem>>, vector<16xf32>,
        tpu.vector_store %arg12[%swap3A_508, %swap3A_509], %mul3A_450 {strides = array<i32>} : memref<400x64xf32, #tpu.memory_space<vmem>>, vector<16xf32>,
        %swap3A_511 = arith.index_cast %add3A_422 : i32 to index
        %swap3A_512 = arith.constant 0 : index
        %swap3A_513 = tpu.vector_load %arg12[%swap3A_511, %swap3A_512] {strides = array<i32>} : memref<400x64xf32, #tpu.memory_space<vmem>>, vector<16xf32>,
        tpu.vector_store %arg12[%swap3A_511, %swap3A_512], %mul3A_454 {strides = array<i32>} : memref<400x64xf32, #tpu.memory_space<vmem>>, vector<16xf32>,
        %swap3A_514 = arith.index_cast %add3A_422 : i32 to index
        %swap3A_515 = arith.constant 16 : index
        %swap3A_516 = tpu.vector_load %arg12[%swap3A_514, %swap3A_515] {strides = array<i32>} : memref<400x64xf32, #tpu.memory_space<vmem>>, vector<16xf32>,
        tpu.vector_store %arg12[%swap3A_514, %swap3A_515], %mul3A_458 {strides = array<i32>} : memref<400x64xf32, #tpu.memory_space<vmem>>, vector<16xf32>,
        %swap3A_517 = arith.index_cast %add3A_422 : i32 to index
        %swap3A_518 = arith.constant 32 : index
        %swap3A_519 = tpu.vector_load %arg12[%swap3A_517, %swap3A_518] {strides = array<i32>} : memref<400x64xf32, #tpu.memory_space<vmem>>, vector<16xf32>,
        tpu.vector_store %arg12[%swap3A_517, %swap3A_518], %mul3A_462 {strides = array<i32>} : memref<400x64xf32, #tpu.memory_space<vmem>>, vector<16xf32>,
        %swap3A_520 = arith.index_cast %add3A_422 : i32 to index
        %swap3A_521 = arith.constant 48 : index
        %swap3A_522 = tpu.vector_load %arg12[%swap3A_520, %swap3A_521] {strides = array<i32>} : memref<400x64xf32, #tpu.memory_space<vmem>>, vector<16xf32>,
        tpu.vector_store %arg12[%swap3A_520, %swap3A_521], %mul3A_466 {strides = array<i32>} : memref<400x64xf32, #tpu.memory_space<vmem>>, vector<16xf32>,
        %swap3A_523 = arith.index_cast %add3A_428 : i32 to index
        %swap3A_524 = arith.constant 0 : index
        %swap3A_525 = tpu.vector_load %arg12[%swap3A_523, %swap3A_524] {strides = array<i32>} : memref<400x64xf32, #tpu.memory_space<vmem>>, vector<16xf32>,
        tpu.vector_store %arg12[%swap3A_523, %swap3A_524], %mul3A_470 {strides = array<i32>} : memref<400x64xf32, #tpu.memory_space<vmem>>, vector<16xf32>,
        %swap3A_526 = arith.index_cast %add3A_428 : i32 to index
        %swap3A_527 = arith.constant 16 : index
        %swap3A_528 = tpu.vector_load %arg12[%swap3A_526, %swap3A_527] {strides = array<i32>} : memref<400x64xf32, #tpu.memory_space<vmem>>, vector<16xf32>,
        tpu.vector_store %arg12[%swap3A_526, %swap3A_527], %mul3A_474 {strides = array<i32>} : memref<400x64xf32, #tpu.memory_space<vmem>>, vector<16xf32>,
        %swap3A_529 = arith.index_cast %add3A_428 : i32 to index
        %swap3A_530 = arith.constant 32 : index
        %swap3A_531 = tpu.vector_load %arg12[%swap3A_529, %swap3A_530] {strides = array<i32>} : memref<400x64xf32, #tpu.memory_space<vmem>>, vector<16xf32>,
        tpu.vector_store %arg12[%swap3A_529, %swap3A_530], %mul3A_478 {strides = array<i32>} : memref<400x64xf32, #tpu.memory_space<vmem>>, vector<16xf32>,
        %swap3A_532 = arith.index_cast %add3A_428 : i32 to index
        %swap3A_533 = arith.constant 48 : index
        %swap3A_534 = tpu.vector_load %arg12[%swap3A_532, %swap3A_533] {strides = array<i32>} : memref<400x64xf32, #tpu.memory_space<vmem>>, vector<16xf32>,
        tpu.vector_store %arg12[%swap3A_532, %swap3A_533], %mul3A_482 {strides = array<i32>} : memref<400x64xf32, #tpu.memory_space<vmem>>, vector<16xf32>,
        %swap3A_535 = arith.index_cast %add3A_434 : i32 to index
        %swap3A_536 = arith.constant 0 : index
        %swap3A_537 = tpu.vector_load %arg12[%swap3A_535, %swap3A_536] {strides = array<i32>} : memref<400x64xf32, #tpu.memory_space<vmem>>, vector<16xf32>,
        tpu.vector_store %arg12[%swap3A_535, %swap3A_536], %mul3A_486 {strides = array<i32>} : memref<400x64xf32, #tpu.memory_space<vmem>>, vector<16xf32>,
        %swap3A_538 = arith.index_cast %add3A_434 : i32 to index
        %swap3A_539 = arith.constant 16 : index
        %swap3A_540 = tpu.vector_load %arg12[%swap3A_538, %swap3A_539] {strides = array<i32>} : memref<400x64xf32, #tpu.memory_space<vmem>>, vector<16xf32>,
        tpu.vector_store %arg12[%swap3A_538, %swap3A_539], %mul3A_490 {strides = array<i32>} : memref<400x64xf32, #tpu.memory_space<vmem>>, vector<16xf32>,
        %swap3A_541 = arith.index_cast %add3A_434 : i32 to index
        %swap3A_542 = arith.constant 32 : index
        %swap3A_543 = tpu.vector_load %arg12[%swap3A_541, %swap3A_542] {strides = array<i32>} : memref<400x64xf32, #tpu.memory_space<vmem>>, vector<16xf32>,
        tpu.vector_store %arg12[%swap3A_541, %swap3A_542], %mul3A_494 {strides = array<i32>} : memref<400x64xf32, #tpu.memory_space<vmem>>, vector<16xf32>,
        %swap3A_544 = arith.index_cast %add3A_434 : i32 to index
        %swap3A_545 = arith.constant 48 : index
        %swap3A_546 = tpu.vector_load %arg12[%swap3A_544, %swap3A_545] {strides = array<i32>} : memref<400x64xf32, #tpu.memory_space<vmem>>, vector<16xf32>,
        tpu.vector_store %arg12[%swap3A_544, %swap3A_545], %mul3A_498 {strides = array<i32>} : memref<400x64xf32, #tpu.memory_space<vmem>>, vector<16xf32>,
        %slice3A_547 = vector.extract_strided_slice %get3A_106 {offsets = [12], sizes = [1], strides = [1]} : vector<16xf32> to vector<1xf32>
        %squeeze3A_548 = vector.extract %slice3A_547[0] : f32 from vector<1xf32>
        %broadcast_in_dim3A_549 = vector.broadcast %squeeze3A_548 : f32 to vector<16xf32>
        %slice3A_550 = vector.extract_strided_slice %get3A_106 {offsets = [13], sizes = [1], strides = [1]} : vector<16xf32> to vector<1xf32>
        %squeeze3A_551 = vector.extract %slice3A_550[0] : f32 from vector<1xf32>
        %broadcast_in_dim3A_552 = vector.broadcast %squeeze3A_551 : f32 to vector<16xf32>
        %slice3A_553 = vector.extract_strided_slice %get3A_106 {offsets = [14], sizes = [1], strides = [1]} : vector<16xf32> to vector<1xf32>
        %squeeze3A_554 = vector.extract %slice3A_553[0] : f32 from vector<1xf32>
        %broadcast_in_dim3A_555 = vector.broadcast %squeeze3A_554 : f32 to vector<16xf32>
        %slice3A_556 = vector.extract_strided_slice %get3A_106 {offsets = [15], sizes = [1], strides = [1]} : vector<16xf32> to vector<1xf32>
        %squeeze3A_557 = vector.extract %slice3A_556[0] : f32 from vector<1xf32>
        %broadcast_in_dim3A_558 = vector.broadcast %squeeze3A_557 : f32 to vector<16xf32>
        %mul3A_559 = arith.constant 16 : i32
        %mul3A_560 = arith.muli %scan3A_102, %mul3A_559 : i32
        %add3A_561 = arith.constant 12 : i32
        %add3A_562 = arith.addi %mul3A_560, %add3A_561 : i32
        %add3A_563 = arith.constant 0 : i32
        %add3A_564 = arith.addi %add3A_562, %add3A_563 : i32
        %mul3A_565 = arith.constant 16 : i32
        %mul3A_566 = arith.muli %scan3A_102, %mul3A_565 : i32
        %add3A_567 = arith.constant 12 : i32
        %add3A_568 = arith.addi %mul3A_566, %add3A_567 : i32
        %add3A_569 = arith.constant 1 : i32
        %add3A_570 = arith.addi %add3A_568, %add3A_569 : i32
        %mul3A_571 = arith.constant 16 : i32
        %mul3A_572 = arith.muli %scan3A_102, %mul3A_571 : i32
        %add3A_573 = arith.constant 12 : i32
        %add3A_574 = arith.addi %mul3A_572, %add3A_573 : i32
        %add3A_575 = arith.constant 2 : i32
        %add3A_576 = arith.addi %add3A_574, %add3A_575 : i32
        %mul3A_577 = arith.constant 16 : i32
        %mul3A_578 = arith.muli %scan3A_102, %mul3A_577 : i32
        %add3A_579 = arith.constant 12 : i32
        %add3A_580 = arith.addi %mul3A_578, %add3A_579 : i32
        %add3A_581 = arith.constant 3 : i32
        %add3A_582 = arith.addi %add3A_580, %add3A_581 : i32
        %get3A_583 = arith.index_cast %add3A_564 : i32 to index
        %get3A_584 = arith.constant 0 : index
        %get3A_585 = tpu.vector_load %arg12[%get3A_583, %get3A_584] {strides = array<i32>} : memref<400x64xf32, #tpu.memory_space<vmem>>, vector<16xf32>,
        %mul3A_586 = arith.mulf %get3A_585, %broadcast_in_dim3A_549 : vector<16xf32>
        %get3A_587 = arith.index_cast %add3A_564 : i32 to index
        %get3A_588 = arith.constant 16 : index
        %get3A_589 = tpu.vector_load %arg12[%get3A_587, %get3A_588] {strides = array<i32>} : memref<400x64xf32, #tpu.memory_space<vmem>>, vector<16xf32>,
        %mul3A_590 = arith.mulf %get3A_589, %broadcast_in_dim3A_549 : vector<16xf32>
        %get3A_591 = arith.index_cast %add3A_564 : i32 to index
        %get3A_592 = arith.constant 32 : index
        %get3A_593 = tpu.vector_load %arg12[%get3A_591, %get3A_592] {strides = array<i32>} : memref<400x64xf32, #tpu.memory_space<vmem>>, vector<16xf32>,
        %mul3A_594 = arith.mulf %get3A_593, %broadcast_in_dim3A_549 : vector<16xf32>
        %get3A_595 = arith.index_cast %add3A_564 : i32 to index
        %get3A_596 = arith.constant 48 : index
        %get3A_597 = tpu.vector_load %arg12[%get3A_595, %get3A_596] {strides = array<i32>} : memref<400x64xf32, #tpu.memory_space<vmem>>, vector<16xf32>,
        %mul3A_598 = arith.mulf %get3A_597, %broadcast_in_dim3A_549 : vector<16xf32>
        %get3A_599 = arith.index_cast %add3A_570 : i32 to index
        %get3A_600 = arith.constant 0 : index
        %get3A_601 = tpu.vector_load %arg12[%get3A_599, %get3A_600] {strides = array<i32>} : memref<400x64xf32, #tpu.memory_space<vmem>>, vector<16xf32>,
        %mul3A_602 = arith.mulf %get3A_601, %broadcast_in_dim3A_552 : vector<16xf32>
        %get3A_603 = arith.index_cast %add3A_570 : i32 to index
        %get3A_604 = arith.constant 16 : index
        %get3A_605 = tpu.vector_load %arg12[%get3A_603, %get3A_604] {strides = array<i32>} : memref<400x64xf32, #tpu.memory_space<vmem>>, vector<16xf32>,
        %mul3A_606 = arith.mulf %get3A_605, %broadcast_in_dim3A_552 : vector<16xf32>
        %get3A_607 = arith.index_cast %add3A_570 : i32 to index
        %get3A_608 = arith.constant 32 : index
        %get3A_609 = tpu.vector_load %arg12[%get3A_607, %get3A_608] {strides = array<i32>} : memref<400x64xf32, #tpu.memory_space<vmem>>, vector<16xf32>,
        %mul3A_610 = arith.mulf %get3A_609, %broadcast_in_dim3A_552 : vector<16xf32>
        %get3A_611 = arith.index_cast %add3A_570 : i32 to index
        %get3A_612 = arith.constant 48 : index
        %get3A_613 = tpu.vector_load %arg12[%get3A_611, %get3A_612] {strides = array<i32>} : memref<400x64xf32, #tpu.memory_space<vmem>>, vector<16xf32>,
        %mul3A_614 = arith.mulf %get3A_613, %broadcast_in_dim3A_552 : vector<16xf32>
        %get3A_615 = arith.index_cast %add3A_576 : i32 to index
        %get3A_616 = arith.constant 0 : index
        %get3A_617 = tpu.vector_load %arg12[%get3A_615, %get3A_616] {strides = array<i32>} : memref<400x64xf32, #tpu.memory_space<vmem>>, vector<16xf32>,
        %mul3A_618 = arith.mulf %get3A_617, %broadcast_in_dim3A_555 : vector<16xf32>
        %get3A_619 = arith.index_cast %add3A_576 : i32 to index
        %get3A_620 = arith.constant 16 : index
        %get3A_621 = tpu.vector_load %arg12[%get3A_619, %get3A_620] {strides = array<i32>} : memref<400x64xf32, #tpu.memory_space<vmem>>, vector<16xf32>,
        %mul3A_622 = arith.mulf %get3A_621, %broadcast_in_dim3A_555 : vector<16xf32>
        %get3A_623 = arith.index_cast %add3A_576 : i32 to index
        %get3A_624 = arith.constant 32 : index
        %get3A_625 = tpu.vector_load %arg12[%get3A_623, %get3A_624] {strides = array<i32>} : memref<400x64xf32, #tpu.memory_space<vmem>>, vector<16xf32>,
        %mul3A_626 = arith.mulf %get3A_625, %broadcast_in_dim3A_555 : vector<16xf32>
        %get3A_627 = arith.index_cast %add3A_576 : i32 to index
        %get3A_628 = arith.constant 48 : index
        %get3A_629 = tpu.vector_load %arg12[%get3A_627, %get3A_628] {strides = array<i32>} : memref<400x64xf32, #tpu.memory_space<vmem>>, vector<16xf32>,
        %mul3A_630 = arith.mulf %get3A_629, %broadcast_in_dim3A_555 : vector<16xf32>
        %get3A_631 = arith.index_cast %add3A_582 : i32 to index
        %get3A_632 = arith.constant 0 : index
        %get3A_633 = tpu.vector_load %arg12[%get3A_631, %get3A_632] {strides = array<i32>} : memref<400x64xf32, #tpu.memory_space<vmem>>, vector<16xf32>,
        %mul3A_634 = arith.mulf %get3A_633, %broadcast_in_dim3A_558 : vector<16xf32>
        %get3A_635 = arith.index_cast %add3A_582 : i32 to index
        %get3A_636 = arith.constant 16 : index
        %get3A_637 = tpu.vector_load %arg12[%get3A_635, %get3A_636] {strides = array<i32>} : memref<400x64xf32, #tpu.memory_space<vmem>>, vector<16xf32>,
        %mul3A_638 = arith.mulf %get3A_637, %broadcast_in_dim3A_558 : vector<16xf32>
        %get3A_639 = arith.index_cast %add3A_582 : i32 to index
        %get3A_640 = arith.constant 32 : index
        %get3A_641 = tpu.vector_load %arg12[%get3A_639, %get3A_640] {strides = array<i32>} : memref<400x64xf32, #tpu.memory_space<vmem>>, vector<16xf32>,
        %mul3A_642 = arith.mulf %get3A_641, %broadcast_in_dim3A_558 : vector<16xf32>
        %get3A_643 = arith.index_cast %add3A_582 : i32 to index
        %get3A_644 = arith.constant 48 : index
        %get3A_645 = tpu.vector_load %arg12[%get3A_643, %get3A_644] {strides = array<i32>} : memref<400x64xf32, #tpu.memory_space<vmem>>, vector<16xf32>,
        %mul3A_646 = arith.mulf %get3A_645, %broadcast_in_dim3A_558 : vector<16xf32>
        %swap3A_647 = arith.index_cast %add3A_564 : i32 to index
        %swap3A_648 = arith.constant 0 : index
        %swap3A_649 = tpu.vector_load %arg12[%swap3A_647, %swap3A_648] {strides = array<i32>} : memref<400x64xf32, #tpu.memory_space<vmem>>, vector<16xf32>,
        tpu.vector_store %arg12[%swap3A_647, %swap3A_648], %mul3A_586 {strides = array<i32>} : memref<400x64xf32, #tpu.memory_space<vmem>>, vector<16xf32>,
        %swap3A_650 = arith.index_cast %add3A_564 : i32 to index
        %swap3A_651 = arith.constant 16 : index
        %swap3A_652 = tpu.vector_load %arg12[%swap3A_650, %swap3A_651] {strides = array<i32>} : memref<400x64xf32, #tpu.memory_space<vmem>>, vector<16xf32>,
        tpu.vector_store %arg12[%swap3A_650, %swap3A_651], %mul3A_590 {strides = array<i32>} : memref<400x64xf32, #tpu.memory_space<vmem>>, vector<16xf32>,
        %swap3A_653 = arith.index_cast %add3A_564 : i32 to index
        %swap3A_654 = arith.constant 32 : index
        %swap3A_655 = tpu.vector_load %arg12[%swap3A_653, %swap3A_654] {strides = array<i32>} : memref<400x64xf32, #tpu.memory_space<vmem>>, vector<16xf32>,
        tpu.vector_store %arg12[%swap3A_653, %swap3A_654], %mul3A_594 {strides = array<i32>} : memref<400x64xf32, #tpu.memory_space<vmem>>, vector<16xf32>,
        %swap3A_656 = arith.index_cast %add3A_564 : i32 to index
        %swap3A_657 = arith.constant 48 : index
        %swap3A_658 = tpu.vector_load %arg12[%swap3A_656, %swap3A_657] {strides = array<i32>} : memref<400x64xf32, #tpu.memory_space<vmem>>, vector<16xf32>,
        tpu.vector_store %arg12[%swap3A_656, %swap3A_657], %mul3A_598 {strides = array<i32>} : memref<400x64xf32, #tpu.memory_space<vmem>>, vector<16xf32>,
        %swap3A_659 = arith.index_cast %add3A_570 : i32 to index
        %swap3A_660 = arith.constant 0 : index
        %swap3A_661 = tpu.vector_load %arg12[%swap3A_659, %swap3A_660] {strides = array<i32>} : memref<400x64xf32, #tpu.memory_space<vmem>>, vector<16xf32>,
        tpu.vector_store %arg12[%swap3A_659, %swap3A_660], %mul3A_602 {strides = array<i32>} : memref<400x64xf32, #tpu.memory_space<vmem>>, vector<16xf32>,
        %swap3A_662 = arith.index_cast %add3A_570 : i32 to index
        %swap3A_663 = arith.constant 16 : index
        %swap3A_664 = tpu.vector_load %arg12[%swap3A_662, %swap3A_663] {strides = array<i32>} : memref<400x64xf32, #tpu.memory_space<vmem>>, vector<16xf32>,
        tpu.vector_store %arg12[%swap3A_662, %swap3A_663], %mul3A_606 {strides = array<i32>} : memref<400x64xf32, #tpu.memory_space<vmem>>, vector<16xf32>,
        %swap3A_665 = arith.index_cast %add3A_570 : i32 to index
        %swap3A_666 = arith.constant 32 : index
        %swap3A_667 = tpu.vector_load %arg12[%swap3A_665, %swap3A_666] {strides = array<i32>} : memref<400x64xf32, #tpu.memory_space<vmem>>, vector<16xf32>,
        tpu.vector_store %arg12[%swap3A_665, %swap3A_666], %mul3A_610 {strides = array<i32>} : memref<400x64xf32, #tpu.memory_space<vmem>>, vector<16xf32>,
        %swap3A_668 = arith.index_cast %add3A_570 : i32 to index
        %swap3A_669 = arith.constant 48 : index
        %swap3A_670 = tpu.vector_load %arg12[%swap3A_668, %swap3A_669] {strides = array<i32>} : memref<400x64xf32, #tpu.memory_space<vmem>>, vector<16xf32>,
        tpu.vector_store %arg12[%swap3A_668, %swap3A_669], %mul3A_614 {strides = array<i32>} : memref<400x64xf32, #tpu.memory_space<vmem>>, vector<16xf32>,
        %swap3A_671 = arith.index_cast %add3A_576 : i32 to index
        %swap3A_672 = arith.constant 0 : index
        %swap3A_673 = tpu.vector_load %arg12[%swap3A_671, %swap3A_672] {strides = array<i32>} : memref<400x64xf32, #tpu.memory_space<vmem>>, vector<16xf32>,
        tpu.vector_store %arg12[%swap3A_671, %swap3A_672], %mul3A_618 {strides = array<i32>} : memref<400x64xf32, #tpu.memory_space<vmem>>, vector<16xf32>,
        %swap3A_674 = arith.index_cast %add3A_576 : i32 to index
        %swap3A_675 = arith.constant 16 : index
        %swap3A_676 = tpu.vector_load %arg12[%swap3A_674, %swap3A_675] {strides = array<i32>} : memref<400x64xf32, #tpu.memory_space<vmem>>, vector<16xf32>,
        tpu.vector_store %arg12[%swap3A_674, %swap3A_675], %mul3A_622 {strides = array<i32>} : memref<400x64xf32, #tpu.memory_space<vmem>>, vector<16xf32>,
        %swap3A_677 = arith.index_cast %add3A_576 : i32 to index
        %swap3A_678 = arith.constant 32 : index
        %swap3A_679 = tpu.vector_load %arg12[%swap3A_677, %swap3A_678] {strides = array<i32>} : memref<400x64xf32, #tpu.memory_space<vmem>>, vector<16xf32>,
        tpu.vector_store %arg12[%swap3A_677, %swap3A_678], %mul3A_626 {strides = array<i32>} : memref<400x64xf32, #tpu.memory_space<vmem>>, vector<16xf32>,
        %swap3A_680 = arith.index_cast %add3A_576 : i32 to index
        %swap3A_681 = arith.constant 48 : index
        %swap3A_682 = tpu.vector_load %arg12[%swap3A_680, %swap3A_681] {strides = array<i32>} : memref<400x64xf32, #tpu.memory_space<vmem>>, vector<16xf32>,
        tpu.vector_store %arg12[%swap3A_680, %swap3A_681], %mul3A_630 {strides = array<i32>} : memref<400x64xf32, #tpu.memory_space<vmem>>, vector<16xf32>,
        %swap3A_683 = arith.index_cast %add3A_582 : i32 to index
        %swap3A_684 = arith.constant 0 : index
        %swap3A_685 = tpu.vector_load %arg12[%swap3A_683, %swap3A_684] {strides = array<i32>} : memref<400x64xf32, #tpu.memory_space<vmem>>, vector<16xf32>,
        tpu.vector_store %arg12[%swap3A_683, %swap3A_684], %mul3A_634 {strides = array<i32>} : memref<400x64xf32, #tpu.memory_space<vmem>>, vector<16xf32>,
        %swap3A_686 = arith.index_cast %add3A_582 : i32 to index
        %swap3A_687 = arith.constant 16 : index
        %swap3A_688 = tpu.vector_load %arg12[%swap3A_686, %swap3A_687] {strides = array<i32>} : memref<400x64xf32, #tpu.memory_space<vmem>>, vector<16xf32>,
        tpu.vector_store %arg12[%swap3A_686, %swap3A_687], %mul3A_638 {strides = array<i32>} : memref<400x64xf32, #tpu.memory_space<vmem>>, vector<16xf32>,
        %swap3A_689 = arith.index_cast %add3A_582 : i32 to index
        %swap3A_690 = arith.constant 32 : index
        %swap3A_691 = tpu.vector_load %arg12[%swap3A_689, %swap3A_690] {strides = array<i32>} : memref<400x64xf32, #tpu.memory_space<vmem>>, vector<16xf32>,
        tpu.vector_store %arg12[%swap3A_689, %swap3A_690], %mul3A_642 {strides = array<i32>} : memref<400x64xf32, #tpu.memory_space<vmem>>, vector<16xf32>,
        %swap3A_692 = arith.index_cast %add3A_582 : i32 to index
        %swap3A_693 = arith.constant 48 : index
        %swap3A_694 = tpu.vector_load %arg12[%swap3A_692, %swap3A_693] {strides = array<i32>} : memref<400x64xf32, #tpu.memory_space<vmem>>, vector<16xf32>,
        tpu.vector_store %arg12[%swap3A_692, %swap3A_693], %mul3A_646 {strides = array<i32>} : memref<400x64xf32, #tpu.memory_space<vmem>>, vector<16xf32>,
      }
      %scan3A_101 = arith.constant 25 : i32
      "tpu.region"() ({
        %run_scoped3A_102 = tpu.sem_alloc : memref<!tpu.dma_semaphore, #tpu.memory_space<semaphore_mem>>
        %dma_start3A_103 = arith.constant 0 : i32
        %dma_start3A_104 = tpu.memref_slice %arg9[%add3A_95, %dma_start3A_103] : memref<25x400xi32, #tpu.memory_space<vmem>> -> memref<1x400xi32, #tpu.memory_space<vmem>>
        %dma_start3A_105 = tpu.memref_squeeze %dma_start3A_104 : memref<1x400xi32, #tpu.memory_space<vmem>> -> memref<400xi32, #tpu.memory_space<vmem>>
        %dma_start3A_106 = arith.constant 0 : i32
        %dma_start3A_107 = arith.constant 0 : i32
        %dma_start3A_108 = tpu.memref_slice %arg13[%dma_start3A_106, %dma_start3A_107] : memref<10240x64xf32, #tpu.memory_space<vmem_shared>> -> memref<10240x64xf32, #tpu.memory_space<vmem_shared>>
        tpu.enqueue_indirect_dma source(%arg12 : memref<400x64xf32, #tpu.memory_space<vmem>>) target(%dma_start3A_108 : memref<10240x64xf32, #tpu.memory_space<vmem_shared>>) offsets(%dma_start3A_105 : memref<400xi32, #tpu.memory_space<vmem>>) semaphore(%run_scoped3A_102 : memref<!tpu.dma_semaphore, #tpu.memory_space<semaphore_mem>>) {add = true}
        %dma_wait3A_109 = arith.constant 0 : i32
        %dma_wait3A_110 = tpu.memref_slice %arg9[%add3A_95, %dma_wait3A_109] : memref<25x400xi32, #tpu.memory_space<vmem>> -> memref<1x400xi32, #tpu.memory_space<vmem>>
        %dma_wait3A_111 = tpu.memref_squeeze %dma_wait3A_110 : memref<1x400xi32, #tpu.memory_space<vmem>> -> memref<400xi32, #tpu.memory_space<vmem>>
        %dma_wait3A_112 = arith.constant 0 : i32
        %dma_wait3A_113 = arith.constant 0 : i32
        %dma_wait3A_114 = tpu.memref_slice %arg13[%dma_wait3A_112, %dma_wait3A_113] : memref<10240x64xf32, #tpu.memory_space<vmem_shared>> -> memref<10240x64xf32, #tpu.memory_space<vmem_shared>>
        tpu.wait_indirect_dma semaphore(%run_scoped3A_102 : memref<!tpu.dma_semaphore, #tpu.memory_space<semaphore_mem>>) src(%arg12 : memref<400x64xf32, #tpu.memory_space<vmem>>) dst(%dma_wait3A_114 : memref<10240x64xf32, #tpu.memory_space<vmem_shared>>)
        tpu.yield
      }) : () -> ()
    }
    %scan3A_40 = arith.constant 12 : i32
    %dma_wait3A_41 = arith.constant 0 : i32
    %dma_wait3A_42 = arith.constant 0 : i32
    %dma_wait3A_43 = tpu.memref_slice %arg8[%dma_wait3A_41, %dma_wait3A_42] : memref<25x400xi32, #tpu.memory_space<vmem>> -> memref<1x400xi32, #tpu.memory_space<vmem>>
    %dma_wait3A_44 = tpu.memref_squeeze %dma_wait3A_43 : memref<1x400xi32, #tpu.memory_space<vmem>> -> memref<400xi32, #tpu.memory_space<vmem>>
    %dma_wait3A_45 = arith.constant 0 : i32
    %dma_wait3A_46 = arith.constant 0 : i32
    %dma_wait3A_47 = tpu.memref_slice %arg2[%dma_wait3A_45, %dma_wait3A_46] : memref<10000x64xf32, #tpu.memory_space<hbm>> -> memref<10000x64xf32, #tpu.memory_space<hbm>>
    tpu.wait_indirect_dma semaphore(%arg15 : memref<!tpu.dma_semaphore, #tpu.memory_space<semaphore_mem>>) src(%dma_wait3A_47 : memref<10000x64xf32, #tpu.memory_space<hbm>>) dst(%arg11 : memref<400x64xf32, #tpu.memory_space<vmem>>)
    %scan3A_48 = arith.constant 0 : i32
    %scan3A_49 = arith.constant 0 : i32
    %scan3A_50 = arith.constant 25 : i32
    %scan3A_51 = arith.addi %scan3A_49, %scan3A_50 : i32
    %scan3A_52 = arith.constant 1 : i32
    scf.for %scan3A_59 = %scan3A_49 to %scan3A_51 step %scan3A_52  : i32 {
      %mul3A_60 = arith.constant 16 : i32
      %mul3A_61 = arith.muli %scan3A_59, %mul3A_60 : i32
      %get3A = arith.constant 24 : i32
      %get3A_62 = arith.index_cast %get3A : i32 to index
      %get3A_63 = arith.index_cast %mul3A_61 : i32 to index
      %get3A_64 = tpu.vector_load %arg10[%get3A_62, %get3A_63] {strides = array<i32>} : memref<25x400xf32, #tpu.memory_space<vmem>>, vector<16xf32>,
      %slice3A = vector.extract_strided_slice %get3A_64 {offsets = [0], sizes = [1], strides = [1]} : vector<16xf32> to vector<1xf32>
      %squeeze3A = vector.extract %slice3A[0] : f32 from vector<1xf32>
      %broadcast_in_dim3A = vector.broadcast %squeeze3A : f32 to vector<16xf32>
      %slice3A_65 = vector.extract_strided_slice %get3A_64 {offsets = [1], sizes = [1], strides = [1]} : vector<16xf32> to vector<1xf32>
      %squeeze3A_66 = vector.extract %slice3A_65[0] : f32 from vector<1xf32>
      %broadcast_in_dim3A_67 = vector.broadcast %squeeze3A_66 : f32 to vector<16xf32>
      %slice3A_68 = vector.extract_strided_slice %get3A_64 {offsets = [2], sizes = [1], strides = [1]} : vector<16xf32> to vector<1xf32>
      %squeeze3A_69 = vector.extract %slice3A_68[0] : f32 from vector<1xf32>
      %broadcast_in_dim3A_70 = vector.broadcast %squeeze3A_69 : f32 to vector<16xf32>
      %slice3A_71 = vector.extract_strided_slice %get3A_64 {offsets = [3], sizes = [1], strides = [1]} : vector<16xf32> to vector<1xf32>
      %squeeze3A_72 = vector.extract %slice3A_71[0] : f32 from vector<1xf32>
      %broadcast_in_dim3A_73 = vector.broadcast %squeeze3A_72 : f32 to vector<16xf32>
      %mul3A_74 = arith.constant 16 : i32
      %mul3A_75 = arith.muli %scan3A_59, %mul3A_74 : i32
      %add3A_76 = arith.constant 0 : i32
      %add3A_77 = arith.addi %mul3A_75, %add3A_76 : i32
      %add3A_78 = arith.constant 0 : i32
      %add3A_79 = arith.addi %add3A_77, %add3A_78 : i32
      %mul3A_80 = arith.constant 16 : i32
      %mul3A_81 = arith.muli %scan3A_59, %mul3A_80 : i32
      %add3A_82 = arith.constant 0 : i32
      %add3A_83 = arith.addi %mul3A_81, %add3A_82 : i32
      %add3A_84 = arith.constant 1 : i32
      %add3A_85 = arith.addi %add3A_83, %add3A_84 : i32
      %mul3A_86 = arith.constant 16 : i32
      %mul3A_87 = arith.muli %scan3A_59, %mul3A_86 : i32
      %add3A_88 = arith.constant 0 : i32
      %add3A_89 = arith.addi %mul3A_87, %add3A_88 : i32
      %add3A_90 = arith.constant 2 : i32
      %add3A_91 = arith.addi %add3A_89, %add3A_90 : i32
      %mul3A_92 = arith.constant 16 : i32
      %mul3A_93 = arith.muli %scan3A_59, %mul3A_92 : i32
      %add3A_94 = arith.constant 0 : i32
      %add3A_95 = arith.addi %mul3A_93, %add3A_94 : i32
      %add3A_96 = arith.constant 3 : i32
      %add3A_97 = arith.addi %add3A_95, %add3A_96 : i32
      %get3A_98 = arith.index_cast %add3A_79 : i32 to index
      %get3A_99 = arith.constant 0 : index
      %get3A_100 = tpu.vector_load %arg11[%get3A_98, %get3A_99] {strides = array<i32>} : memref<400x64xf32, #tpu.memory_space<vmem>>, vector<16xf32>,
      %mul3A_101 = arith.mulf %get3A_100, %broadcast_in_dim3A : vector<16xf32>
      %get3A_102 = arith.index_cast %add3A_79 : i32 to index
      %get3A_103 = arith.constant 16 : index
      %get3A_104 = tpu.vector_load %arg11[%get3A_102, %get3A_103] {strides = array<i32>} : memref<400x64xf32, #tpu.memory_space<vmem>>, vector<16xf32>,
      %mul3A_105 = arith.mulf %get3A_104, %broadcast_in_dim3A : vector<16xf32>
      %get3A_106 = arith.index_cast %add3A_79 : i32 to index
      %get3A_107 = arith.constant 32 : index
      %get3A_108 = tpu.vector_load %arg11[%get3A_106, %get3A_107] {strides = array<i32>} : memref<400x64xf32, #tpu.memory_space<vmem>>, vector<16xf32>,
      %mul3A_109 = arith.mulf %get3A_108, %broadcast_in_dim3A : vector<16xf32>
      %get3A_110 = arith.index_cast %add3A_79 : i32 to index
      %get3A_111 = arith.constant 48 : index
      %get3A_112 = tpu.vector_load %arg11[%get3A_110, %get3A_111] {strides = array<i32>} : memref<400x64xf32, #tpu.memory_space<vmem>>, vector<16xf32>,
      %mul3A_113 = arith.mulf %get3A_112, %broadcast_in_dim3A : vector<16xf32>
      %get3A_114 = arith.index_cast %add3A_85 : i32 to index
      %get3A_115 = arith.constant 0 : index
      %get3A_116 = tpu.vector_load %arg11[%get3A_114, %get3A_115] {strides = array<i32>} : memref<400x64xf32, #tpu.memory_space<vmem>>, vector<16xf32>,
      %mul3A_117 = arith.mulf %get3A_116, %broadcast_in_dim3A_67 : vector<16xf32>
      %get3A_118 = arith.index_cast %add3A_85 : i32 to index
      %get3A_119 = arith.constant 16 : index
      %get3A_120 = tpu.vector_load %arg11[%get3A_118, %get3A_119] {strides = array<i32>} : memref<400x64xf32, #tpu.memory_space<vmem>>, vector<16xf32>,
      %mul3A_121 = arith.mulf %get3A_120, %broadcast_in_dim3A_67 : vector<16xf32>
      %get3A_122 = arith.index_cast %add3A_85 : i32 to index
      %get3A_123 = arith.constant 32 : index
      %get3A_124 = tpu.vector_load %arg11[%get3A_122, %get3A_123] {strides = array<i32>} : memref<400x64xf32, #tpu.memory_space<vmem>>, vector<16xf32>,
      %mul3A_125 = arith.mulf %get3A_124, %broadcast_in_dim3A_67 : vector<16xf32>
      %get3A_126 = arith.index_cast %add3A_85 : i32 to index
      %get3A_127 = arith.constant 48 : index
      %get3A_128 = tpu.vector_load %arg11[%get3A_126, %get3A_127] {strides = array<i32>} : memref<400x64xf32, #tpu.memory_space<vmem>>, vector<16xf32>,
      %mul3A_129 = arith.mulf %get3A_128, %broadcast_in_dim3A_67 : vector<16xf32>
      %get3A_130 = arith.index_cast %add3A_91 : i32 to index
      %get3A_131 = arith.constant 0 : index
      %get3A_132 = tpu.vector_load %arg11[%get3A_130, %get3A_131] {strides = array<i32>} : memref<400x64xf32, #tpu.memory_space<vmem>>, vector<16xf32>,
      %mul3A_133 = arith.mulf %get3A_132, %broadcast_in_dim3A_70 : vector<16xf32>
      %get3A_134 = arith.index_cast %add3A_91 : i32 to index
      %get3A_135 = arith.constant 16 : index
      %get3A_136 = tpu.vector_load %arg11[%get3A_134, %get3A_135] {strides = array<i32>} : memref<400x64xf32, #tpu.memory_space<vmem>>, vector<16xf32>,
      %mul3A_137 = arith.mulf %get3A_136, %broadcast_in_dim3A_70 : vector<16xf32>
      %get3A_138 = arith.index_cast %add3A_91 : i32 to index
      %get3A_139 = arith.constant 32 : index
      %get3A_140 = tpu.vector_load %arg11[%get3A_138, %get3A_139] {strides = array<i32>} : memref<400x64xf32, #tpu.memory_space<vmem>>, vector<16xf32>,
      %mul3A_141 = arith.mulf %get3A_140, %broadcast_in_dim3A_70 : vector<16xf32>
      %get3A_142 = arith.index_cast %add3A_91 : i32 to index
      %get3A_143 = arith.constant 48 : index
      %get3A_144 = tpu.vector_load %arg11[%get3A_142, %get3A_143] {strides = array<i32>} : memref<400x64xf32, #tpu.memory_space<vmem>>, vector<16xf32>,
      %mul3A_145 = arith.mulf %get3A_144, %broadcast_in_dim3A_70 : vector<16xf32>
      %get3A_146 = arith.index_cast %add3A_97 : i32 to index
      %get3A_147 = arith.constant 0 : index
      %get3A_148 = tpu.vector_load %arg11[%get3A_146, %get3A_147] {strides = array<i32>} : memref<400x64xf32, #tpu.memory_space<vmem>>, vector<16xf32>,
      %mul3A_149 = arith.mulf %get3A_148, %broadcast_in_dim3A_73 : vector<16xf32>
      %get3A_150 = arith.index_cast %add3A_97 : i32 to index
      %get3A_151 = arith.constant 16 : index
      %get3A_152 = tpu.vector_load %arg11[%get3A_150, %get3A_151] {strides = array<i32>} : memref<400x64xf32, #tpu.memory_space<vmem>>, vector<16xf32>,
      %mul3A_153 = arith.mulf %get3A_152, %broadcast_in_dim3A_73 : vector<16xf32>
      %get3A_154 = arith.index_cast %add3A_97 : i32 to index
      %get3A_155 = arith.constant 32 : index
      %get3A_156 = tpu.vector_load %arg11[%get3A_154, %get3A_155] {strides = array<i32>} : memref<400x64xf32, #tpu.memory_space<vmem>>, vector<16xf32>,
      %mul3A_157 = arith.mulf %get3A_156, %broadcast_in_dim3A_73 : vector<16xf32>
      %get3A_158 = arith.index_cast %add3A_97 : i32 to index
      %get3A_159 = arith.constant 48 : index
      %get3A_160 = tpu.vector_load %arg11[%get3A_158, %get3A_159] {strides = array<i32>} : memref<400x64xf32, #tpu.memory_space<vmem>>, vector<16xf32>,
      %mul3A_161 = arith.mulf %get3A_160, %broadcast_in_dim3A_73 : vector<16xf32>
      %swap3A = arith.index_cast %add3A_79 : i32 to index
      %swap3A_162 = arith.constant 0 : index
      %swap3A_163 = tpu.vector_load %arg11[%swap3A, %swap3A_162] {strides = array<i32>} : memref<400x64xf32, #tpu.memory_space<vmem>>, vector<16xf32>,
      tpu.vector_store %arg11[%swap3A, %swap3A_162], %mul3A_101 {strides = array<i32>} : memref<400x64xf32, #tpu.memory_space<vmem>>, vector<16xf32>,
      %swap3A_164 = arith.index_cast %add3A_79 : i32 to index
      %swap3A_165 = arith.constant 16 : index
      %swap3A_166 = tpu.vector_load %arg11[%swap3A_164, %swap3A_165] {strides = array<i32>} : memref<400x64xf32, #tpu.memory_space<vmem>>, vector<16xf32>,
      tpu.vector_store %arg11[%swap3A_164, %swap3A_165], %mul3A_105 {strides = array<i32>} : memref<400x64xf32, #tpu.memory_space<vmem>>, vector<16xf32>,
      %swap3A_167 = arith.index_cast %add3A_79 : i32 to index
      %swap3A_168 = arith.constant 32 : index
      %swap3A_169 = tpu.vector_load %arg11[%swap3A_167, %swap3A_168] {strides = array<i32>} : memref<400x64xf32, #tpu.memory_space<vmem>>, vector<16xf32>,
      tpu.vector_store %arg11[%swap3A_167, %swap3A_168], %mul3A_109 {strides = array<i32>} : memref<400x64xf32, #tpu.memory_space<vmem>>, vector<16xf32>,
      %swap3A_170 = arith.index_cast %add3A_79 : i32 to index
      %swap3A_171 = arith.constant 48 : index
      %swap3A_172 = tpu.vector_load %arg11[%swap3A_170, %swap3A_171] {strides = array<i32>} : memref<400x64xf32, #tpu.memory_space<vmem>>, vector<16xf32>,
      tpu.vector_store %arg11[%swap3A_170, %swap3A_171], %mul3A_113 {strides = array<i32>} : memref<400x64xf32, #tpu.memory_space<vmem>>, vector<16xf32>,
      %swap3A_173 = arith.index_cast %add3A_85 : i32 to index
      %swap3A_174 = arith.constant 0 : index
      %swap3A_175 = tpu.vector_load %arg11[%swap3A_173, %swap3A_174] {strides = array<i32>} : memref<400x64xf32, #tpu.memory_space<vmem>>, vector<16xf32>,
      tpu.vector_store %arg11[%swap3A_173, %swap3A_174], %mul3A_117 {strides = array<i32>} : memref<400x64xf32, #tpu.memory_space<vmem>>, vector<16xf32>,
      %swap3A_176 = arith.index_cast %add3A_85 : i32 to index
      %swap3A_177 = arith.constant 16 : index
      %swap3A_178 = tpu.vector_load %arg11[%swap3A_176, %swap3A_177] {strides = array<i32>} : memref<400x64xf32, #tpu.memory_space<vmem>>, vector<16xf32>,
      tpu.vector_store %arg11[%swap3A_176, %swap3A_177], %mul3A_121 {strides = array<i32>} : memref<400x64xf32, #tpu.memory_space<vmem>>, vector<16xf32>,
      %swap3A_179 = arith.index_cast %add3A_85 : i32 to index
      %swap3A_180 = arith.constant 32 : index
      %swap3A_181 = tpu.vector_load %arg11[%swap3A_179, %swap3A_180] {strides = array<i32>} : memref<400x64xf32, #tpu.memory_space<vmem>>, vector<16xf32>,
      tpu.vector_store %arg11[%swap3A_179, %swap3A_180], %mul3A_125 {strides = array<i32>} : memref<400x64xf32, #tpu.memory_space<vmem>>, vector<16xf32>,
      %swap3A_182 = arith.index_cast %add3A_85 : i32 to index
      %swap3A_183 = arith.constant 48 : index
      %swap3A_184 = tpu.vector_load %arg11[%swap3A_182, %swap3A_183] {strides = array<i32>} : memref<400x64xf32, #tpu.memory_space<vmem>>, vector<16xf32>,
      tpu.vector_store %arg11[%swap3A_182, %swap3A_183], %mul3A_129 {strides = array<i32>} : memref<400x64xf32, #tpu.memory_space<vmem>>, vector<16xf32>,
      %swap3A_185 = arith.index_cast %add3A_91 : i32 to index
      %swap3A_186 = arith.constant 0 : index
      %swap3A_187 = tpu.vector_load %arg11[%swap3A_185, %swap3A_186] {strides = array<i32>} : memref<400x64xf32, #tpu.memory_space<vmem>>, vector<16xf32>,
      tpu.vector_store %arg11[%swap3A_185, %swap3A_186], %mul3A_133 {strides = array<i32>} : memref<400x64xf32, #tpu.memory_space<vmem>>, vector<16xf32>,
      %swap3A_188 = arith.index_cast %add3A_91 : i32 to index
      %swap3A_189 = arith.constant 16 : index
      %swap3A_190 = tpu.vector_load %arg11[%swap3A_188, %swap3A_189] {strides = array<i32>} : memref<400x64xf32, #tpu.memory_space<vmem>>, vector<16xf32>,
      tpu.vector_store %arg11[%swap3A_188, %swap3A_189], %mul3A_137 {strides = array<i32>} : memref<400x64xf32, #tpu.memory_space<vmem>>, vector<16xf32>,
      %swap3A_191 = arith.index_cast %add3A_91 : i32 to index
      %swap3A_192 = arith.constant 32 : index
      %swap3A_193 = tpu.vector_load %arg11[%swap3A_191, %swap3A_192] {strides = array<i32>} : memref<400x64xf32, #tpu.memory_space<vmem>>, vector<16xf32>,
      tpu.vector_store %arg11[%swap3A_191, %swap3A_192], %mul3A_141 {strides = array<i32>} : memref<400x64xf32, #tpu.memory_space<vmem>>, vector<16xf32>,
      %swap3A_194 = arith.index_cast %add3A_91 : i32 to index
      %swap3A_195 = arith.constant 48 : index
      %swap3A_196 = tpu.vector_load %arg11[%swap3A_194, %swap3A_195] {strides = array<i32>} : memref<400x64xf32, #tpu.memory_space<vmem>>, vector<16xf32>,
      tpu.vector_store %arg11[%swap3A_194, %swap3A_195], %mul3A_145 {strides = array<i32>} : memref<400x64xf32, #tpu.memory_space<vmem>>, vector<16xf32>,
      %swap3A_197 = arith.index_cast %add3A_97 : i32 to index
      %swap3A_198 = arith.constant 0 : index
      %swap3A_199 = tpu.vector_load %arg11[%swap3A_197, %swap3A_198] {strides = array<i32>} : memref<400x64xf32, #tpu.memory_space<vmem>>, vector<16xf32>,
      tpu.vector_store %arg11[%swap3A_197, %swap3A_198], %mul3A_149 {strides = array<i32>} : memref<400x64xf32, #tpu.memory_space<vmem>>, vector<16xf32>,
      %swap3A_200 = arith.index_cast %add3A_97 : i32 to index
      %swap3A_201 = arith.constant 16 : index
      %swap3A_202 = tpu.vector_load %arg11[%swap3A_200, %swap3A_201] {strides = array<i32>} : memref<400x64xf32, #tpu.memory_space<vmem>>, vector<16xf32>,
      tpu.vector_store %arg11[%swap3A_200, %swap3A_201], %mul3A_153 {strides = array<i32>} : memref<400x64xf32, #tpu.memory_space<vmem>>, vector<16xf32>,
      %swap3A_203 = arith.index_cast %add3A_97 : i32 to index
      %swap3A_204 = arith.constant 32 : index
      %swap3A_205 = tpu.vector_load %arg11[%swap3A_203, %swap3A_204] {strides = array<i32>} : memref<400x64xf32, #tpu.memory_space<vmem>>, vector<16xf32>,
      tpu.vector_store %arg11[%swap3A_203, %swap3A_204], %mul3A_157 {strides = array<i32>} : memref<400x64xf32, #tpu.memory_space<vmem>>, vector<16xf32>,
      %swap3A_206 = arith.index_cast %add3A_97 : i32 to index
      %swap3A_207 = arith.constant 48 : index
      %swap3A_208 = tpu.vector_load %arg11[%swap3A_206, %swap3A_207] {strides = array<i32>} : memref<400x64xf32, #tpu.memory_space<vmem>>, vector<16xf32>,
      tpu.vector_store %arg11[%swap3A_206, %swap3A_207], %mul3A_161 {strides = array<i32>} : memref<400x64xf32, #tpu.memory_space<vmem>>, vector<16xf32>,
      %slice3A_209 = vector.extract_strided_slice %get3A_64 {offsets = [4], sizes = [1], strides = [1]} : vector<16xf32> to vector<1xf32>
      %squeeze3A_210 = vector.extract %slice3A_209[0] : f32 from vector<1xf32>
      %broadcast_in_dim3A_211 = vector.broadcast %squeeze3A_210 : f32 to vector<16xf32>
      %slice3A_212 = vector.extract_strided_slice %get3A_64 {offsets = [5], sizes = [1], strides = [1]} : vector<16xf32> to vector<1xf32>
      %squeeze3A_213 = vector.extract %slice3A_212[0] : f32 from vector<1xf32>
      %broadcast_in_dim3A_214 = vector.broadcast %squeeze3A_213 : f32 to vector<16xf32>
      %slice3A_215 = vector.extract_strided_slice %get3A_64 {offsets = [6], sizes = [1], strides = [1]} : vector<16xf32> to vector<1xf32>
      %squeeze3A_216 = vector.extract %slice3A_215[0] : f32 from vector<1xf32>
      %broadcast_in_dim3A_217 = vector.broadcast %squeeze3A_216 : f32 to vector<16xf32>
      %slice3A_218 = vector.extract_strided_slice %get3A_64 {offsets = [7], sizes = [1], strides = [1]} : vector<16xf32> to vector<1xf32>
      %squeeze3A_219 = vector.extract %slice3A_218[0] : f32 from vector<1xf32>
      %broadcast_in_dim3A_220 = vector.broadcast %squeeze3A_219 : f32 to vector<16xf32>
      %mul3A_221 = arith.constant 16 : i32
      %mul3A_222 = arith.muli %scan3A_59, %mul3A_221 : i32
      %add3A_223 = arith.constant 4 : i32
      %add3A_224 = arith.addi %mul3A_222, %add3A_223 : i32
      %add3A_225 = arith.constant 0 : i32
      %add3A_226 = arith.addi %add3A_224, %add3A_225 : i32
      %mul3A_227 = arith.constant 16 : i32
      %mul3A_228 = arith.muli %scan3A_59, %mul3A_227 : i32
      %add3A_229 = arith.constant 4 : i32
      %add3A_230 = arith.addi %mul3A_228, %add3A_229 : i32
      %add3A_231 = arith.constant 1 : i32
      %add3A_232 = arith.addi %add3A_230, %add3A_231 : i32
      %mul3A_233 = arith.constant 16 : i32
      %mul3A_234 = arith.muli %scan3A_59, %mul3A_233 : i32
      %add3A_235 = arith.constant 4 : i32
      %add3A_236 = arith.addi %mul3A_234, %add3A_235 : i32
      %add3A_237 = arith.constant 2 : i32
      %add3A_238 = arith.addi %add3A_236, %add3A_237 : i32
      %mul3A_239 = arith.constant 16 : i32
      %mul3A_240 = arith.muli %scan3A_59, %mul3A_239 : i32
      %add3A_241 = arith.constant 4 : i32
      %add3A_242 = arith.addi %mul3A_240, %add3A_241 : i32
      %add3A_243 = arith.constant 3 : i32
      %add3A_244 = arith.addi %add3A_242, %add3A_243 : i32
      %get3A_245 = arith.index_cast %add3A_226 : i32 to index
      %get3A_246 = arith.constant 0 : index
      %get3A_247 = tpu.vector_load %arg11[%get3A_245, %get3A_246] {strides = array<i32>} : memref<400x64xf32, #tpu.memory_space<vmem>>, vector<16xf32>,
      %mul3A_248 = arith.mulf %get3A_247, %broadcast_in_dim3A_211 : vector<16xf32>
      %get3A_249 = arith.index_cast %add3A_226 : i32 to index
      %get3A_250 = arith.constant 16 : index
      %get3A_251 = tpu.vector_load %arg11[%get3A_249, %get3A_250] {strides = array<i32>} : memref<400x64xf32, #tpu.memory_space<vmem>>, vector<16xf32>,
      %mul3A_252 = arith.mulf %get3A_251, %broadcast_in_dim3A_211 : vector<16xf32>
      %get3A_253 = arith.index_cast %add3A_226 : i32 to index
      %get3A_254 = arith.constant 32 : index
      %get3A_255 = tpu.vector_load %arg11[%get3A_253, %get3A_254] {strides = array<i32>} : memref<400x64xf32, #tpu.memory_space<vmem>>, vector<16xf32>,
      %mul3A_256 = arith.mulf %get3A_255, %broadcast_in_dim3A_211 : vector<16xf32>
      %get3A_257 = arith.index_cast %add3A_226 : i32 to index
      %get3A_258 = arith.constant 48 : index
      %get3A_259 = tpu.vector_load %arg11[%get3A_257, %get3A_258] {strides = array<i32>} : memref<400x64xf32, #tpu.memory_space<vmem>>, vector<16xf32>,
      %mul3A_260 = arith.mulf %get3A_259, %broadcast_in_dim3A_211 : vector<16xf32>
      %get3A_261 = arith.index_cast %add3A_232 : i32 to index
      %get3A_262 = arith.constant 0 : index
      %get3A_263 = tpu.vector_load %arg11[%get3A_261, %get3A_262] {strides = array<i32>} : memref<400x64xf32, #tpu.memory_space<vmem>>, vector<16xf32>,
      %mul3A_264 = arith.mulf %get3A_263, %broadcast_in_dim3A_214 : vector<16xf32>
      %get3A_265 = arith.index_cast %add3A_232 : i32 to index
      %get3A_266 = arith.constant 16 : index
      %get3A_267 = tpu.vector_load %arg11[%get3A_265, %get3A_266] {strides = array<i32>} : memref<400x64xf32, #tpu.memory_space<vmem>>, vector<16xf32>,
      %mul3A_268 = arith.mulf %get3A_267, %broadcast_in_dim3A_214 : vector<16xf32>
      %get3A_269 = arith.index_cast %add3A_232 : i32 to index
      %get3A_270 = arith.constant 32 : index
      %get3A_271 = tpu.vector_load %arg11[%get3A_269, %get3A_270] {strides = array<i32>} : memref<400x64xf32, #tpu.memory_space<vmem>>, vector<16xf32>,
      %mul3A_272 = arith.mulf %get3A_271, %broadcast_in_dim3A_214 : vector<16xf32>
      %get3A_273 = arith.index_cast %add3A_232 : i32 to index
      %get3A_274 = arith.constant 48 : index
      %get3A_275 = tpu.vector_load %arg11[%get3A_273, %get3A_274] {strides = array<i32>} : memref<400x64xf32, #tpu.memory_space<vmem>>, vector<16xf32>,
      %mul3A_276 = arith.mulf %get3A_275, %broadcast_in_dim3A_214 : vector<16xf32>
      %get3A_277 = arith.index_cast %add3A_238 : i32 to index
      %get3A_278 = arith.constant 0 : index
      %get3A_279 = tpu.vector_load %arg11[%get3A_277, %get3A_278] {strides = array<i32>} : memref<400x64xf32, #tpu.memory_space<vmem>>, vector<16xf32>,
      %mul3A_280 = arith.mulf %get3A_279, %broadcast_in_dim3A_217 : vector<16xf32>
      %get3A_281 = arith.index_cast %add3A_238 : i32 to index
      %get3A_282 = arith.constant 16 : index
      %get3A_283 = tpu.vector_load %arg11[%get3A_281, %get3A_282] {strides = array<i32>} : memref<400x64xf32, #tpu.memory_space<vmem>>, vector<16xf32>,
      %mul3A_284 = arith.mulf %get3A_283, %broadcast_in_dim3A_217 : vector<16xf32>
      %get3A_285 = arith.index_cast %add3A_238 : i32 to index
      %get3A_286 = arith.constant 32 : index
      %get3A_287 = tpu.vector_load %arg11[%get3A_285, %get3A_286] {strides = array<i32>} : memref<400x64xf32, #tpu.memory_space<vmem>>, vector<16xf32>,
      %mul3A_288 = arith.mulf %get3A_287, %broadcast_in_dim3A_217 : vector<16xf32>
      %get3A_289 = arith.index_cast %add3A_238 : i32 to index
      %get3A_290 = arith.constant 48 : index
      %get3A_291 = tpu.vector_load %arg11[%get3A_289, %get3A_290] {strides = array<i32>} : memref<400x64xf32, #tpu.memory_space<vmem>>, vector<16xf32>,
      %mul3A_292 = arith.mulf %get3A_291, %broadcast_in_dim3A_217 : vector<16xf32>
      %get3A_293 = arith.index_cast %add3A_244 : i32 to index
      %get3A_294 = arith.constant 0 : index
      %get3A_295 = tpu.vector_load %arg11[%get3A_293, %get3A_294] {strides = array<i32>} : memref<400x64xf32, #tpu.memory_space<vmem>>, vector<16xf32>,
      %mul3A_296 = arith.mulf %get3A_295, %broadcast_in_dim3A_220 : vector<16xf32>
      %get3A_297 = arith.index_cast %add3A_244 : i32 to index
      %get3A_298 = arith.constant 16 : index
      %get3A_299 = tpu.vector_load %arg11[%get3A_297, %get3A_298] {strides = array<i32>} : memref<400x64xf32, #tpu.memory_space<vmem>>, vector<16xf32>,
      %mul3A_300 = arith.mulf %get3A_299, %broadcast_in_dim3A_220 : vector<16xf32>
      %get3A_301 = arith.index_cast %add3A_244 : i32 to index
      %get3A_302 = arith.constant 32 : index
      %get3A_303 = tpu.vector_load %arg11[%get3A_301, %get3A_302] {strides = array<i32>} : memref<400x64xf32, #tpu.memory_space<vmem>>, vector<16xf32>,
      %mul3A_304 = arith.mulf %get3A_303, %broadcast_in_dim3A_220 : vector<16xf32>
      %get3A_305 = arith.index_cast %add3A_244 : i32 to index
      %get3A_306 = arith.constant 48 : index
      %get3A_307 = tpu.vector_load %arg11[%get3A_305, %get3A_306] {strides = array<i32>} : memref<400x64xf32, #tpu.memory_space<vmem>>, vector<16xf32>,
      %mul3A_308 = arith.mulf %get3A_307, %broadcast_in_dim3A_220 : vector<16xf32>
      %swap3A_309 = arith.index_cast %add3A_226 : i32 to index
      %swap3A_310 = arith.constant 0 : index
      %swap3A_311 = tpu.vector_load %arg11[%swap3A_309, %swap3A_310] {strides = array<i32>} : memref<400x64xf32, #tpu.memory_space<vmem>>, vector<16xf32>,
      tpu.vector_store %arg11[%swap3A_309, %swap3A_310], %mul3A_248 {strides = array<i32>} : memref<400x64xf32, #tpu.memory_space<vmem>>, vector<16xf32>,
      %swap3A_312 = arith.index_cast %add3A_226 : i32 to index
      %swap3A_313 = arith.constant 16 : index
      %swap3A_314 = tpu.vector_load %arg11[%swap3A_312, %swap3A_313] {strides = array<i32>} : memref<400x64xf32, #tpu.memory_space<vmem>>, vector<16xf32>,
      tpu.vector_store %arg11[%swap3A_312, %swap3A_313], %mul3A_252 {strides = array<i32>} : memref<400x64xf32, #tpu.memory_space<vmem>>, vector<16xf32>,
      %swap3A_315 = arith.index_cast %add3A_226 : i32 to index
      %swap3A_316 = arith.constant 32 : index
      %swap3A_317 = tpu.vector_load %arg11[%swap3A_315, %swap3A_316] {strides = array<i32>} : memref<400x64xf32, #tpu.memory_space<vmem>>, vector<16xf32>,
      tpu.vector_store %arg11[%swap3A_315, %swap3A_316], %mul3A_256 {strides = array<i32>} : memref<400x64xf32, #tpu.memory_space<vmem>>, vector<16xf32>,
      %swap3A_318 = arith.index_cast %add3A_226 : i32 to index
      %swap3A_319 = arith.constant 48 : index
      %swap3A_320 = tpu.vector_load %arg11[%swap3A_318, %swap3A_319] {strides = array<i32>} : memref<400x64xf32, #tpu.memory_space<vmem>>, vector<16xf32>,
      tpu.vector_store %arg11[%swap3A_318, %swap3A_319], %mul3A_260 {strides = array<i32>} : memref<400x64xf32, #tpu.memory_space<vmem>>, vector<16xf32>,
      %swap3A_321 = arith.index_cast %add3A_232 : i32 to index
      %swap3A_322 = arith.constant 0 : index
      %swap3A_323 = tpu.vector_load %arg11[%swap3A_321, %swap3A_322] {strides = array<i32>} : memref<400x64xf32, #tpu.memory_space<vmem>>, vector<16xf32>,
      tpu.vector_store %arg11[%swap3A_321, %swap3A_322], %mul3A_264 {strides = array<i32>} : memref<400x64xf32, #tpu.memory_space<vmem>>, vector<16xf32>,
      %swap3A_324 = arith.index_cast %add3A_232 : i32 to index
      %swap3A_325 = arith.constant 16 : index
      %swap3A_326 = tpu.vector_load %arg11[%swap3A_324, %swap3A_325] {strides = array<i32>} : memref<400x64xf32, #tpu.memory_space<vmem>>, vector<16xf32>,
      tpu.vector_store %arg11[%swap3A_324, %swap3A_325], %mul3A_268 {strides = array<i32>} : memref<400x64xf32, #tpu.memory_space<vmem>>, vector<16xf32>,
      %swap3A_327 = arith.index_cast %add3A_232 : i32 to index
      %swap3A_328 = arith.constant 32 : index
      %swap3A_329 = tpu.vector_load %arg11[%swap3A_327, %swap3A_328] {strides = array<i32>} : memref<400x64xf32, #tpu.memory_space<vmem>>, vector<16xf32>,
      tpu.vector_store %arg11[%swap3A_327, %swap3A_328], %mul3A_272 {strides = array<i32>} : memref<400x64xf32, #tpu.memory_space<vmem>>, vector<16xf32>,
      %swap3A_330 = arith.index_cast %add3A_232 : i32 to index
      %swap3A_331 = arith.constant 48 : index
      %swap3A_332 = tpu.vector_load %arg11[%swap3A_330, %swap3A_331] {strides = array<i32>} : memref<400x64xf32, #tpu.memory_space<vmem>>, vector<16xf32>,
      tpu.vector_store %arg11[%swap3A_330, %swap3A_331], %mul3A_276 {strides = array<i32>} : memref<400x64xf32, #tpu.memory_space<vmem>>, vector<16xf32>,
      %swap3A_333 = arith.index_cast %add3A_238 : i32 to index
      %swap3A_334 = arith.constant 0 : index
      %swap3A_335 = tpu.vector_load %arg11[%swap3A_333, %swap3A_334] {strides = array<i32>} : memref<400x64xf32, #tpu.memory_space<vmem>>, vector<16xf32>,
      tpu.vector_store %arg11[%swap3A_333, %swap3A_334], %mul3A_280 {strides = array<i32>} : memref<400x64xf32, #tpu.memory_space<vmem>>, vector<16xf32>,
      %swap3A_336 = arith.index_cast %add3A_238 : i32 to index
      %swap3A_337 = arith.constant 16 : index
      %swap3A_338 = tpu.vector_load %arg11[%swap3A_336, %swap3A_337] {strides = array<i32>} : memref<400x64xf32, #tpu.memory_space<vmem>>, vector<16xf32>,
      tpu.vector_store %arg11[%swap3A_336, %swap3A_337], %mul3A_284 {strides = array<i32>} : memref<400x64xf32, #tpu.memory_space<vmem>>, vector<16xf32>,
      %swap3A_339 = arith.index_cast %add3A_238 : i32 to index
      %swap3A_340 = arith.constant 32 : index
      %swap3A_341 = tpu.vector_load %arg11[%swap3A_339, %swap3A_340] {strides = array<i32>} : memref<400x64xf32, #tpu.memory_space<vmem>>, vector<16xf32>,
      tpu.vector_store %arg11[%swap3A_339, %swap3A_340], %mul3A_288 {strides = array<i32>} : memref<400x64xf32, #tpu.memory_space<vmem>>, vector<16xf32>,
      %swap3A_342 = arith.index_cast %add3A_238 : i32 to index
      %swap3A_343 = arith.constant 48 : index
      %swap3A_344 = tpu.vector_load %arg11[%swap3A_342, %swap3A_343] {strides = array<i32>} : memref<400x64xf32, #tpu.memory_space<vmem>>, vector<16xf32>,
      tpu.vector_store %arg11[%swap3A_342, %swap3A_343], %mul3A_292 {strides = array<i32>} : memref<400x64xf32, #tpu.memory_space<vmem>>, vector<16xf32>,
      %swap3A_345 = arith.index_cast %add3A_244 : i32 to index
      %swap3A_346 = arith.constant 0 : index
      %swap3A_347 = tpu.vector_load %arg11[%swap3A_345, %swap3A_346] {strides = array<i32>} : memref<400x64xf32, #tpu.memory_space<vmem>>, vector<16xf32>,
      tpu.vector_store %arg11[%swap3A_345, %swap3A_346], %mul3A_296 {strides = array<i32>} : memref<400x64xf32, #tpu.memory_space<vmem>>, vector<16xf32>,
      %swap3A_348 = arith.index_cast %add3A_244 : i32 to index
      %swap3A_349 = arith.constant 16 : index
      %swap3A_350 = tpu.vector_load %arg11[%swap3A_348, %swap3A_349] {strides = array<i32>} : memref<400x64xf32, #tpu.memory_space<vmem>>, vector<16xf32>,
      tpu.vector_store %arg11[%swap3A_348, %swap3A_349], %mul3A_300 {strides = array<i32>} : memref<400x64xf32, #tpu.memory_space<vmem>>, vector<16xf32>,
      %swap3A_351 = arith.index_cast %add3A_244 : i32 to index
      %swap3A_352 = arith.constant 32 : index
      %swap3A_353 = tpu.vector_load %arg11[%swap3A_351, %swap3A_352] {strides = array<i32>} : memref<400x64xf32, #tpu.memory_space<vmem>>, vector<16xf32>,
      tpu.vector_store %arg11[%swap3A_351, %swap3A_352], %mul3A_304 {strides = array<i32>} : memref<400x64xf32, #tpu.memory_space<vmem>>, vector<16xf32>,
      %swap3A_354 = arith.index_cast %add3A_244 : i32 to index
      %swap3A_355 = arith.constant 48 : index
      %swap3A_356 = tpu.vector_load %arg11[%swap3A_354, %swap3A_355] {strides = array<i32>} : memref<400x64xf32, #tpu.memory_space<vmem>>, vector<16xf32>,
      tpu.vector_store %arg11[%swap3A_354, %swap3A_355], %mul3A_308 {strides = array<i32>} : memref<400x64xf32, #tpu.memory_space<vmem>>, vector<16xf32>,
      %slice3A_357 = vector.extract_strided_slice %get3A_64 {offsets = [8], sizes = [1], strides = [1]} : vector<16xf32> to vector<1xf32>
      %squeeze3A_358 = vector.extract %slice3A_357[0] : f32 from vector<1xf32>
      %broadcast_in_dim3A_359 = vector.broadcast %squeeze3A_358 : f32 to vector<16xf32>
      %slice3A_360 = vector.extract_strided_slice %get3A_64 {offsets = [9], sizes = [1], strides = [1]} : vector<16xf32> to vector<1xf32>
      %squeeze3A_361 = vector.extract %slice3A_360[0] : f32 from vector<1xf32>
      %broadcast_in_dim3A_362 = vector.broadcast %squeeze3A_361 : f32 to vector<16xf32>
      %slice3A_363 = vector.extract_strided_slice %get3A_64 {offsets = [10], sizes = [1], strides = [1]} : vector<16xf32> to vector<1xf32>
      %squeeze3A_364 = vector.extract %slice3A_363[0] : f32 from vector<1xf32>
      %broadcast_in_dim3A_365 = vector.broadcast %squeeze3A_364 : f32 to vector<16xf32>
      %slice3A_366 = vector.extract_strided_slice %get3A_64 {offsets = [11], sizes = [1], strides = [1]} : vector<16xf32> to vector<1xf32>
      %squeeze3A_367 = vector.extract %slice3A_366[0] : f32 from vector<1xf32>
      %broadcast_in_dim3A_368 = vector.broadcast %squeeze3A_367 : f32 to vector<16xf32>
      %mul3A_369 = arith.constant 16 : i32
      %mul3A_370 = arith.muli %scan3A_59, %mul3A_369 : i32
      %add3A_371 = arith.constant 8 : i32
      %add3A_372 = arith.addi %mul3A_370, %add3A_371 : i32
      %add3A_373 = arith.constant 0 : i32
      %add3A_374 = arith.addi %add3A_372, %add3A_373 : i32
      %mul3A_375 = arith.constant 16 : i32
      %mul3A_376 = arith.muli %scan3A_59, %mul3A_375 : i32
      %add3A_377 = arith.constant 8 : i32
      %add3A_378 = arith.addi %mul3A_376, %add3A_377 : i32
      %add3A_379 = arith.constant 1 : i32
      %add3A_380 = arith.addi %add3A_378, %add3A_379 : i32
      %mul3A_381 = arith.constant 16 : i32
      %mul3A_382 = arith.muli %scan3A_59, %mul3A_381 : i32
      %add3A_383 = arith.constant 8 : i32
      %add3A_384 = arith.addi %mul3A_382, %add3A_383 : i32
      %add3A_385 = arith.constant 2 : i32
      %add3A_386 = arith.addi %add3A_384, %add3A_385 : i32
      %mul3A_387 = arith.constant 16 : i32
      %mul3A_388 = arith.muli %scan3A_59, %mul3A_387 : i32
      %add3A_389 = arith.constant 8 : i32
      %add3A_390 = arith.addi %mul3A_388, %add3A_389 : i32
      %add3A_391 = arith.constant 3 : i32
      %add3A_392 = arith.addi %add3A_390, %add3A_391 : i32
      %get3A_393 = arith.index_cast %add3A_374 : i32 to index
      %get3A_394 = arith.constant 0 : index
      %get3A_395 = tpu.vector_load %arg11[%get3A_393, %get3A_394] {strides = array<i32>} : memref<400x64xf32, #tpu.memory_space<vmem>>, vector<16xf32>,
      %mul3A_396 = arith.mulf %get3A_395, %broadcast_in_dim3A_359 : vector<16xf32>
      %get3A_397 = arith.index_cast %add3A_374 : i32 to index
      %get3A_398 = arith.constant 16 : index
      %get3A_399 = tpu.vector_load %arg11[%get3A_397, %get3A_398] {strides = array<i32>} : memref<400x64xf32, #tpu.memory_space<vmem>>, vector<16xf32>,
      %mul3A_400 = arith.mulf %get3A_399, %broadcast_in_dim3A_359 : vector<16xf32>
      %get3A_401 = arith.index_cast %add3A_374 : i32 to index
      %get3A_402 = arith.constant 32 : index
      %get3A_403 = tpu.vector_load %arg11[%get3A_401, %get3A_402] {strides = array<i32>} : memref<400x64xf32, #tpu.memory_space<vmem>>, vector<16xf32>,
      %mul3A_404 = arith.mulf %get3A_403, %broadcast_in_dim3A_359 : vector<16xf32>
      %get3A_405 = arith.index_cast %add3A_374 : i32 to index
      %get3A_406 = arith.constant 48 : index
      %get3A_407 = tpu.vector_load %arg11[%get3A_405, %get3A_406] {strides = array<i32>} : memref<400x64xf32, #tpu.memory_space<vmem>>, vector<16xf32>,
      %mul3A_408 = arith.mulf %get3A_407, %broadcast_in_dim3A_359 : vector<16xf32>
      %get3A_409 = arith.index_cast %add3A_380 : i32 to index
      %get3A_410 = arith.constant 0 : index
      %get3A_411 = tpu.vector_load %arg11[%get3A_409, %get3A_410] {strides = array<i32>} : memref<400x64xf32, #tpu.memory_space<vmem>>, vector<16xf32>,
      %mul3A_412 = arith.mulf %get3A_411, %broadcast_in_dim3A_362 : vector<16xf32>
      %get3A_413 = arith.index_cast %add3A_380 : i32 to index
      %get3A_414 = arith.constant 16 : index
      %get3A_415 = tpu.vector_load %arg11[%get3A_413, %get3A_414] {strides = array<i32>} : memref<400x64xf32, #tpu.memory_space<vmem>>, vector<16xf32>,
      %mul3A_416 = arith.mulf %get3A_415, %broadcast_in_dim3A_362 : vector<16xf32>
      %get3A_417 = arith.index_cast %add3A_380 : i32 to index
      %get3A_418 = arith.constant 32 : index
      %get3A_419 = tpu.vector_load %arg11[%get3A_417, %get3A_418] {strides = array<i32>} : memref<400x64xf32, #tpu.memory_space<vmem>>, vector<16xf32>,
      %mul3A_420 = arith.mulf %get3A_419, %broadcast_in_dim3A_362 : vector<16xf32>
      %get3A_421 = arith.index_cast %add3A_380 : i32 to index
      %get3A_422 = arith.constant 48 : index
      %get3A_423 = tpu.vector_load %arg11[%get3A_421, %get3A_422] {strides = array<i32>} : memref<400x64xf32, #tpu.memory_space<vmem>>, vector<16xf32>,
      %mul3A_424 = arith.mulf %get3A_423, %broadcast_in_dim3A_362 : vector<16xf32>
      %get3A_425 = arith.index_cast %add3A_386 : i32 to index
      %get3A_426 = arith.constant 0 : index
      %get3A_427 = tpu.vector_load %arg11[%get3A_425, %get3A_426] {strides = array<i32>} : memref<400x64xf32, #tpu.memory_space<vmem>>, vector<16xf32>,
      %mul3A_428 = arith.mulf %get3A_427, %broadcast_in_dim3A_365 : vector<16xf32>
      %get3A_429 = arith.index_cast %add3A_386 : i32 to index
      %get3A_430 = arith.constant 16 : index
      %get3A_431 = tpu.vector_load %arg11[%get3A_429, %get3A_430] {strides = array<i32>} : memref<400x64xf32, #tpu.memory_space<vmem>>, vector<16xf32>,
      %mul3A_432 = arith.mulf %get3A_431, %broadcast_in_dim3A_365 : vector<16xf32>
      %get3A_433 = arith.index_cast %add3A_386 : i32 to index
      %get3A_434 = arith.constant 32 : index
      %get3A_435 = tpu.vector_load %arg11[%get3A_433, %get3A_434] {strides = array<i32>} : memref<400x64xf32, #tpu.memory_space<vmem>>, vector<16xf32>,
      %mul3A_436 = arith.mulf %get3A_435, %broadcast_in_dim3A_365 : vector<16xf32>
      %get3A_437 = arith.index_cast %add3A_386 : i32 to index
      %get3A_438 = arith.constant 48 : index
      %get3A_439 = tpu.vector_load %arg11[%get3A_437, %get3A_438] {strides = array<i32>} : memref<400x64xf32, #tpu.memory_space<vmem>>, vector<16xf32>,
      %mul3A_440 = arith.mulf %get3A_439, %broadcast_in_dim3A_365 : vector<16xf32>
      %get3A_441 = arith.index_cast %add3A_392 : i32 to index
      %get3A_442 = arith.constant 0 : index
      %get3A_443 = tpu.vector_load %arg11[%get3A_441, %get3A_442] {strides = array<i32>} : memref<400x64xf32, #tpu.memory_space<vmem>>, vector<16xf32>,
      %mul3A_444 = arith.mulf %get3A_443, %broadcast_in_dim3A_368 : vector<16xf32>
      %get3A_445 = arith.index_cast %add3A_392 : i32 to index
      %get3A_446 = arith.constant 16 : index
      %get3A_447 = tpu.vector_load %arg11[%get3A_445, %get3A_446] {strides = array<i32>} : memref<400x64xf32, #tpu.memory_space<vmem>>, vector<16xf32>,
      %mul3A_448 = arith.mulf %get3A_447, %broadcast_in_dim3A_368 : vector<16xf32>
      %get3A_449 = arith.index_cast %add3A_392 : i32 to index
      %get3A_450 = arith.constant 32 : index
      %get3A_451 = tpu.vector_load %arg11[%get3A_449, %get3A_450] {strides = array<i32>} : memref<400x64xf32, #tpu.memory_space<vmem>>, vector<16xf32>,
      %mul3A_452 = arith.mulf %get3A_451, %broadcast_in_dim3A_368 : vector<16xf32>
      %get3A_453 = arith.index_cast %add3A_392 : i32 to index
      %get3A_454 = arith.constant 48 : index
      %get3A_455 = tpu.vector_load %arg11[%get3A_453, %get3A_454] {strides = array<i32>} : memref<400x64xf32, #tpu.memory_space<vmem>>, vector<16xf32>,
      %mul3A_456 = arith.mulf %get3A_455, %broadcast_in_dim3A_368 : vector<16xf32>
      %swap3A_457 = arith.index_cast %add3A_374 : i32 to index
      %swap3A_458 = arith.constant 0 : index
      %swap3A_459 = tpu.vector_load %arg11[%swap3A_457, %swap3A_458] {strides = array<i32>} : memref<400x64xf32, #tpu.memory_space<vmem>>, vector<16xf32>,
      tpu.vector_store %arg11[%swap3A_457, %swap3A_458], %mul3A_396 {strides = array<i32>} : memref<400x64xf32, #tpu.memory_space<vmem>>, vector<16xf32>,
      %swap3A_460 = arith.index_cast %add3A_374 : i32 to index
      %swap3A_461 = arith.constant 16 : index
      %swap3A_462 = tpu.vector_load %arg11[%swap3A_460, %swap3A_461] {strides = array<i32>} : memref<400x64xf32, #tpu.memory_space<vmem>>, vector<16xf32>,
      tpu.vector_store %arg11[%swap3A_460, %swap3A_461], %mul3A_400 {strides = array<i32>} : memref<400x64xf32, #tpu.memory_space<vmem>>, vector<16xf32>,
      %swap3A_463 = arith.index_cast %add3A_374 : i32 to index
      %swap3A_464 = arith.constant 32 : index
      %swap3A_465 = tpu.vector_load %arg11[%swap3A_463, %swap3A_464] {strides = array<i32>} : memref<400x64xf32, #tpu.memory_space<vmem>>, vector<16xf32>,
      tpu.vector_store %arg11[%swap3A_463, %swap3A_464], %mul3A_404 {strides = array<i32>} : memref<400x64xf32, #tpu.memory_space<vmem>>, vector<16xf32>,
      %swap3A_466 = arith.index_cast %add3A_374 : i32 to index
      %swap3A_467 = arith.constant 48 : index
      %swap3A_468 = tpu.vector_load %arg11[%swap3A_466, %swap3A_467] {strides = array<i32>} : memref<400x64xf32, #tpu.memory_space<vmem>>, vector<16xf32>,
      tpu.vector_store %arg11[%swap3A_466, %swap3A_467], %mul3A_408 {strides = array<i32>} : memref<400x64xf32, #tpu.memory_space<vmem>>, vector<16xf32>,
      %swap3A_469 = arith.index_cast %add3A_380 : i32 to index
      %swap3A_470 = arith.constant 0 : index
      %swap3A_471 = tpu.vector_load %arg11[%swap3A_469, %swap3A_470] {strides = array<i32>} : memref<400x64xf32, #tpu.memory_space<vmem>>, vector<16xf32>,
      tpu.vector_store %arg11[%swap3A_469, %swap3A_470], %mul3A_412 {strides = array<i32>} : memref<400x64xf32, #tpu.memory_space<vmem>>, vector<16xf32>,
      %swap3A_472 = arith.index_cast %add3A_380 : i32 to index
      %swap3A_473 = arith.constant 16 : index
      %swap3A_474 = tpu.vector_load %arg11[%swap3A_472, %swap3A_473] {strides = array<i32>} : memref<400x64xf32, #tpu.memory_space<vmem>>, vector<16xf32>,
      tpu.vector_store %arg11[%swap3A_472, %swap3A_473], %mul3A_416 {strides = array<i32>} : memref<400x64xf32, #tpu.memory_space<vmem>>, vector<16xf32>,
      %swap3A_475 = arith.index_cast %add3A_380 : i32 to index
      %swap3A_476 = arith.constant 32 : index
      %swap3A_477 = tpu.vector_load %arg11[%swap3A_475, %swap3A_476] {strides = array<i32>} : memref<400x64xf32, #tpu.memory_space<vmem>>, vector<16xf32>,
      tpu.vector_store %arg11[%swap3A_475, %swap3A_476], %mul3A_420 {strides = array<i32>} : memref<400x64xf32, #tpu.memory_space<vmem>>, vector<16xf32>,
      %swap3A_478 = arith.index_cast %add3A_380 : i32 to index
      %swap3A_479 = arith.constant 48 : index
      %swap3A_480 = tpu.vector_load %arg11[%swap3A_478, %swap3A_479] {strides = array<i32>} : memref<400x64xf32, #tpu.memory_space<vmem>>, vector<16xf32>,
      tpu.vector_store %arg11[%swap3A_478, %swap3A_479], %mul3A_424 {strides = array<i32>} : memref<400x64xf32, #tpu.memory_space<vmem>>, vector<16xf32>,
      %swap3A_481 = arith.index_cast %add3A_386 : i32 to index
      %swap3A_482 = arith.constant 0 : index
      %swap3A_483 = tpu.vector_load %arg11[%swap3A_481, %swap3A_482] {strides = array<i32>} : memref<400x64xf32, #tpu.memory_space<vmem>>, vector<16xf32>,
      tpu.vector_store %arg11[%swap3A_481, %swap3A_482], %mul3A_428 {strides = array<i32>} : memref<400x64xf32, #tpu.memory_space<vmem>>, vector<16xf32>,
      %swap3A_484 = arith.index_cast %add3A_386 : i32 to index
      %swap3A_485 = arith.constant 16 : index
      %swap3A_486 = tpu.vector_load %arg11[%swap3A_484, %swap3A_485] {strides = array<i32>} : memref<400x64xf32, #tpu.memory_space<vmem>>, vector<16xf32>,
      tpu.vector_store %arg11[%swap3A_484, %swap3A_485], %mul3A_432 {strides = array<i32>} : memref<400x64xf32, #tpu.memory_space<vmem>>, vector<16xf32>,
      %swap3A_487 = arith.index_cast %add3A_386 : i32 to index
      %swap3A_488 = arith.constant 32 : index
      %swap3A_489 = tpu.vector_load %arg11[%swap3A_487, %swap3A_488] {strides = array<i32>} : memref<400x64xf32, #tpu.memory_space<vmem>>, vector<16xf32>,
      tpu.vector_store %arg11[%swap3A_487, %swap3A_488], %mul3A_436 {strides = array<i32>} : memref<400x64xf32, #tpu.memory_space<vmem>>, vector<16xf32>,
      %swap3A_490 = arith.index_cast %add3A_386 : i32 to index
      %swap3A_491 = arith.constant 48 : index
      %swap3A_492 = tpu.vector_load %arg11[%swap3A_490, %swap3A_491] {strides = array<i32>} : memref<400x64xf32, #tpu.memory_space<vmem>>, vector<16xf32>,
      tpu.vector_store %arg11[%swap3A_490, %swap3A_491], %mul3A_440 {strides = array<i32>} : memref<400x64xf32, #tpu.memory_space<vmem>>, vector<16xf32>,
      %swap3A_493 = arith.index_cast %add3A_392 : i32 to index
      %swap3A_494 = arith.constant 0 : index
      %swap3A_495 = tpu.vector_load %arg11[%swap3A_493, %swap3A_494] {strides = array<i32>} : memref<400x64xf32, #tpu.memory_space<vmem>>, vector<16xf32>,
      tpu.vector_store %arg11[%swap3A_493, %swap3A_494], %mul3A_444 {strides = array<i32>} : memref<400x64xf32, #tpu.memory_space<vmem>>, vector<16xf32>,
      %swap3A_496 = arith.index_cast %add3A_392 : i32 to index
      %swap3A_497 = arith.constant 16 : index
      %swap3A_498 = tpu.vector_load %arg11[%swap3A_496, %swap3A_497] {strides = array<i32>} : memref<400x64xf32, #tpu.memory_space<vmem>>, vector<16xf32>,
      tpu.vector_store %arg11[%swap3A_496, %swap3A_497], %mul3A_448 {strides = array<i32>} : memref<400x64xf32, #tpu.memory_space<vmem>>, vector<16xf32>,
      %swap3A_499 = arith.index_cast %add3A_392 : i32 to index
      %swap3A_500 = arith.constant 32 : index
      %swap3A_501 = tpu.vector_load %arg11[%swap3A_499, %swap3A_500] {strides = array<i32>} : memref<400x64xf32, #tpu.memory_space<vmem>>, vector<16xf32>,
      tpu.vector_store %arg11[%swap3A_499, %swap3A_500], %mul3A_452 {strides = array<i32>} : memref<400x64xf32, #tpu.memory_space<vmem>>, vector<16xf32>,
      %swap3A_502 = arith.index_cast %add3A_392 : i32 to index
      %swap3A_503 = arith.constant 48 : index
      %swap3A_504 = tpu.vector_load %arg11[%swap3A_502, %swap3A_503] {strides = array<i32>} : memref<400x64xf32, #tpu.memory_space<vmem>>, vector<16xf32>,
      tpu.vector_store %arg11[%swap3A_502, %swap3A_503], %mul3A_456 {strides = array<i32>} : memref<400x64xf32, #tpu.memory_space<vmem>>, vector<16xf32>,
      %slice3A_505 = vector.extract_strided_slice %get3A_64 {offsets = [12], sizes = [1], strides = [1]} : vector<16xf32> to vector<1xf32>
      %squeeze3A_506 = vector.extract %slice3A_505[0] : f32 from vector<1xf32>
      %broadcast_in_dim3A_507 = vector.broadcast %squeeze3A_506 : f32 to vector<16xf32>
      %slice3A_508 = vector.extract_strided_slice %get3A_64 {offsets = [13], sizes = [1], strides = [1]} : vector<16xf32> to vector<1xf32>
      %squeeze3A_509 = vector.extract %slice3A_508[0] : f32 from vector<1xf32>
      %broadcast_in_dim3A_510 = vector.broadcast %squeeze3A_509 : f32 to vector<16xf32>
      %slice3A_511 = vector.extract_strided_slice %get3A_64 {offsets = [14], sizes = [1], strides = [1]} : vector<16xf32> to vector<1xf32>
      %squeeze3A_512 = vector.extract %slice3A_511[0] : f32 from vector<1xf32>
      %broadcast_in_dim3A_513 = vector.broadcast %squeeze3A_512 : f32 to vector<16xf32>
      %slice3A_514 = vector.extract_strided_slice %get3A_64 {offsets = [15], sizes = [1], strides = [1]} : vector<16xf32> to vector<1xf32>
      %squeeze3A_515 = vector.extract %slice3A_514[0] : f32 from vector<1xf32>
      %broadcast_in_dim3A_516 = vector.broadcast %squeeze3A_515 : f32 to vector<16xf32>
      %mul3A_517 = arith.constant 16 : i32
      %mul3A_518 = arith.muli %scan3A_59, %mul3A_517 : i32
      %add3A_519 = arith.constant 12 : i32
      %add3A_520 = arith.addi %mul3A_518, %add3A_519 : i32
      %add3A_521 = arith.constant 0 : i32
      %add3A_522 = arith.addi %add3A_520, %add3A_521 : i32
      %mul3A_523 = arith.constant 16 : i32
      %mul3A_524 = arith.muli %scan3A_59, %mul3A_523 : i32
      %add3A_525 = arith.constant 12 : i32
      %add3A_526 = arith.addi %mul3A_524, %add3A_525 : i32
      %add3A_527 = arith.constant 1 : i32
      %add3A_528 = arith.addi %add3A_526, %add3A_527 : i32
      %mul3A_529 = arith.constant 16 : i32
      %mul3A_530 = arith.muli %scan3A_59, %mul3A_529 : i32
      %add3A_531 = arith.constant 12 : i32
      %add3A_532 = arith.addi %mul3A_530, %add3A_531 : i32
      %add3A_533 = arith.constant 2 : i32
      %add3A_534 = arith.addi %add3A_532, %add3A_533 : i32
      %mul3A_535 = arith.constant 16 : i32
      %mul3A_536 = arith.muli %scan3A_59, %mul3A_535 : i32
      %add3A_537 = arith.constant 12 : i32
      %add3A_538 = arith.addi %mul3A_536, %add3A_537 : i32
      %add3A_539 = arith.constant 3 : i32
      %add3A_540 = arith.addi %add3A_538, %add3A_539 : i32
      %get3A_541 = arith.index_cast %add3A_522 : i32 to index
      %get3A_542 = arith.constant 0 : index
      %get3A_543 = tpu.vector_load %arg11[%get3A_541, %get3A_542] {strides = array<i32>} : memref<400x64xf32, #tpu.memory_space<vmem>>, vector<16xf32>,
      %mul3A_544 = arith.mulf %get3A_543, %broadcast_in_dim3A_507 : vector<16xf32>
      %get3A_545 = arith.index_cast %add3A_522 : i32 to index
      %get3A_546 = arith.constant 16 : index
      %get3A_547 = tpu.vector_load %arg11[%get3A_545, %get3A_546] {strides = array<i32>} : memref<400x64xf32, #tpu.memory_space<vmem>>, vector<16xf32>,
      %mul3A_548 = arith.mulf %get3A_547, %broadcast_in_dim3A_507 : vector<16xf32>
      %get3A_549 = arith.index_cast %add3A_522 : i32 to index
      %get3A_550 = arith.constant 32 : index
      %get3A_551 = tpu.vector_load %arg11[%get3A_549, %get3A_550] {strides = array<i32>} : memref<400x64xf32, #tpu.memory_space<vmem>>, vector<16xf32>,
      %mul3A_552 = arith.mulf %get3A_551, %broadcast_in_dim3A_507 : vector<16xf32>
      %get3A_553 = arith.index_cast %add3A_522 : i32 to index
      %get3A_554 = arith.constant 48 : index
      %get3A_555 = tpu.vector_load %arg11[%get3A_553, %get3A_554] {strides = array<i32>} : memref<400x64xf32, #tpu.memory_space<vmem>>, vector<16xf32>,
      %mul3A_556 = arith.mulf %get3A_555, %broadcast_in_dim3A_507 : vector<16xf32>
      %get3A_557 = arith.index_cast %add3A_528 : i32 to index
      %get3A_558 = arith.constant 0 : index
      %get3A_559 = tpu.vector_load %arg11[%get3A_557, %get3A_558] {strides = array<i32>} : memref<400x64xf32, #tpu.memory_space<vmem>>, vector<16xf32>,
      %mul3A_560 = arith.mulf %get3A_559, %broadcast_in_dim3A_510 : vector<16xf32>
      %get3A_561 = arith.index_cast %add3A_528 : i32 to index
      %get3A_562 = arith.constant 16 : index
      %get3A_563 = tpu.vector_load %arg11[%get3A_561, %get3A_562] {strides = array<i32>} : memref<400x64xf32, #tpu.memory_space<vmem>>, vector<16xf32>,
      %mul3A_564 = arith.mulf %get3A_563, %broadcast_in_dim3A_510 : vector<16xf32>
      %get3A_565 = arith.index_cast %add3A_528 : i32 to index
      %get3A_566 = arith.constant 32 : index
      %get3A_567 = tpu.vector_load %arg11[%get3A_565, %get3A_566] {strides = array<i32>} : memref<400x64xf32, #tpu.memory_space<vmem>>, vector<16xf32>,
      %mul3A_568 = arith.mulf %get3A_567, %broadcast_in_dim3A_510 : vector<16xf32>
      %get3A_569 = arith.index_cast %add3A_528 : i32 to index
      %get3A_570 = arith.constant 48 : index
      %get3A_571 = tpu.vector_load %arg11[%get3A_569, %get3A_570] {strides = array<i32>} : memref<400x64xf32, #tpu.memory_space<vmem>>, vector<16xf32>,
      %mul3A_572 = arith.mulf %get3A_571, %broadcast_in_dim3A_510 : vector<16xf32>
      %get3A_573 = arith.index_cast %add3A_534 : i32 to index
      %get3A_574 = arith.constant 0 : index
      %get3A_575 = tpu.vector_load %arg11[%get3A_573, %get3A_574] {strides = array<i32>} : memref<400x64xf32, #tpu.memory_space<vmem>>, vector<16xf32>,
      %mul3A_576 = arith.mulf %get3A_575, %broadcast_in_dim3A_513 : vector<16xf32>
      %get3A_577 = arith.index_cast %add3A_534 : i32 to index
      %get3A_578 = arith.constant 16 : index
      %get3A_579 = tpu.vector_load %arg11[%get3A_577, %get3A_578] {strides = array<i32>} : memref<400x64xf32, #tpu.memory_space<vmem>>, vector<16xf32>,
      %mul3A_580 = arith.mulf %get3A_579, %broadcast_in_dim3A_513 : vector<16xf32>
      %get3A_581 = arith.index_cast %add3A_534 : i32 to index
      %get3A_582 = arith.constant 32 : index
      %get3A_583 = tpu.vector_load %arg11[%get3A_581, %get3A_582] {strides = array<i32>} : memref<400x64xf32, #tpu.memory_space<vmem>>, vector<16xf32>,
      %mul3A_584 = arith.mulf %get3A_583, %broadcast_in_dim3A_513 : vector<16xf32>
      %get3A_585 = arith.index_cast %add3A_534 : i32 to index
      %get3A_586 = arith.constant 48 : index
      %get3A_587 = tpu.vector_load %arg11[%get3A_585, %get3A_586] {strides = array<i32>} : memref<400x64xf32, #tpu.memory_space<vmem>>, vector<16xf32>,
      %mul3A_588 = arith.mulf %get3A_587, %broadcast_in_dim3A_513 : vector<16xf32>
      %get3A_589 = arith.index_cast %add3A_540 : i32 to index
      %get3A_590 = arith.constant 0 : index
      %get3A_591 = tpu.vector_load %arg11[%get3A_589, %get3A_590] {strides = array<i32>} : memref<400x64xf32, #tpu.memory_space<vmem>>, vector<16xf32>,
      %mul3A_592 = arith.mulf %get3A_591, %broadcast_in_dim3A_516 : vector<16xf32>
      %get3A_593 = arith.index_cast %add3A_540 : i32 to index
      %get3A_594 = arith.constant 16 : index
      %get3A_595 = tpu.vector_load %arg11[%get3A_593, %get3A_594] {strides = array<i32>} : memref<400x64xf32, #tpu.memory_space<vmem>>, vector<16xf32>,
      %mul3A_596 = arith.mulf %get3A_595, %broadcast_in_dim3A_516 : vector<16xf32>
      %get3A_597 = arith.index_cast %add3A_540 : i32 to index
      %get3A_598 = arith.constant 32 : index
      %get3A_599 = tpu.vector_load %arg11[%get3A_597, %get3A_598] {strides = array<i32>} : memref<400x64xf32, #tpu.memory_space<vmem>>, vector<16xf32>,
      %mul3A_600 = arith.mulf %get3A_599, %broadcast_in_dim3A_516 : vector<16xf32>
      %get3A_601 = arith.index_cast %add3A_540 : i32 to index
      %get3A_602 = arith.constant 48 : index
      %get3A_603 = tpu.vector_load %arg11[%get3A_601, %get3A_602] {strides = array<i32>} : memref<400x64xf32, #tpu.memory_space<vmem>>, vector<16xf32>,
      %mul3A_604 = arith.mulf %get3A_603, %broadcast_in_dim3A_516 : vector<16xf32>
      %swap3A_605 = arith.index_cast %add3A_522 : i32 to index
      %swap3A_606 = arith.constant 0 : index
      %swap3A_607 = tpu.vector_load %arg11[%swap3A_605, %swap3A_606] {strides = array<i32>} : memref<400x64xf32, #tpu.memory_space<vmem>>, vector<16xf32>,
      tpu.vector_store %arg11[%swap3A_605, %swap3A_606], %mul3A_544 {strides = array<i32>} : memref<400x64xf32, #tpu.memory_space<vmem>>, vector<16xf32>,
      %swap3A_608 = arith.index_cast %add3A_522 : i32 to index
      %swap3A_609 = arith.constant 16 : index
      %swap3A_610 = tpu.vector_load %arg11[%swap3A_608, %swap3A_609] {strides = array<i32>} : memref<400x64xf32, #tpu.memory_space<vmem>>, vector<16xf32>,
      tpu.vector_store %arg11[%swap3A_608, %swap3A_609], %mul3A_548 {strides = array<i32>} : memref<400x64xf32, #tpu.memory_space<vmem>>, vector<16xf32>,
      %swap3A_611 = arith.index_cast %add3A_522 : i32 to index
      %swap3A_612 = arith.constant 32 : index
      %swap3A_613 = tpu.vector_load %arg11[%swap3A_611, %swap3A_612] {strides = array<i32>} : memref<400x64xf32, #tpu.memory_space<vmem>>, vector<16xf32>,
      tpu.vector_store %arg11[%swap3A_611, %swap3A_612], %mul3A_552 {strides = array<i32>} : memref<400x64xf32, #tpu.memory_space<vmem>>, vector<16xf32>,
      %swap3A_614 = arith.index_cast %add3A_522 : i32 to index
      %swap3A_615 = arith.constant 48 : index
      %swap3A_616 = tpu.vector_load %arg11[%swap3A_614, %swap3A_615] {strides = array<i32>} : memref<400x64xf32, #tpu.memory_space<vmem>>, vector<16xf32>,
      tpu.vector_store %arg11[%swap3A_614, %swap3A_615], %mul3A_556 {strides = array<i32>} : memref<400x64xf32, #tpu.memory_space<vmem>>, vector<16xf32>,
      %swap3A_617 = arith.index_cast %add3A_528 : i32 to index
      %swap3A_618 = arith.constant 0 : index
      %swap3A_619 = tpu.vector_load %arg11[%swap3A_617, %swap3A_618] {strides = array<i32>} : memref<400x64xf32, #tpu.memory_space<vmem>>, vector<16xf32>,
      tpu.vector_store %arg11[%swap3A_617, %swap3A_618], %mul3A_560 {strides = array<i32>} : memref<400x64xf32, #tpu.memory_space<vmem>>, vector<16xf32>,
      %swap3A_620 = arith.index_cast %add3A_528 : i32 to index
      %swap3A_621 = arith.constant 16 : index
      %swap3A_622 = tpu.vector_load %arg11[%swap3A_620, %swap3A_621] {strides = array<i32>} : memref<400x64xf32, #tpu.memory_space<vmem>>, vector<16xf32>,
      tpu.vector_store %arg11[%swap3A_620, %swap3A_621], %mul3A_564 {strides = array<i32>} : memref<400x64xf32, #tpu.memory_space<vmem>>, vector<16xf32>,
      %swap3A_623 = arith.index_cast %add3A_528 : i32 to index
      %swap3A_624 = arith.constant 32 : index
      %swap3A_625 = tpu.vector_load %arg11[%swap3A_623, %swap3A_624] {strides = array<i32>} : memref<400x64xf32, #tpu.memory_space<vmem>>, vector<16xf32>,
      tpu.vector_store %arg11[%swap3A_623, %swap3A_624], %mul3A_568 {strides = array<i32>} : memref<400x64xf32, #tpu.memory_space<vmem>>, vector<16xf32>,
      %swap3A_626 = arith.index_cast %add3A_528 : i32 to index
      %swap3A_627 = arith.constant 48 : index
      %swap3A_628 = tpu.vector_load %arg11[%swap3A_626, %swap3A_627] {strides = array<i32>} : memref<400x64xf32, #tpu.memory_space<vmem>>, vector<16xf32>,
      tpu.vector_store %arg11[%swap3A_626, %swap3A_627], %mul3A_572 {strides = array<i32>} : memref<400x64xf32, #tpu.memory_space<vmem>>, vector<16xf32>,
      %swap3A_629 = arith.index_cast %add3A_534 : i32 to index
      %swap3A_630 = arith.constant 0 : index
      %swap3A_631 = tpu.vector_load %arg11[%swap3A_629, %swap3A_630] {strides = array<i32>} : memref<400x64xf32, #tpu.memory_space<vmem>>, vector<16xf32>,
      tpu.vector_store %arg11[%swap3A_629, %swap3A_630], %mul3A_576 {strides = array<i32>} : memref<400x64xf32, #tpu.memory_space<vmem>>, vector<16xf32>,
      %swap3A_632 = arith.index_cast %add3A_534 : i32 to index
      %swap3A_633 = arith.constant 16 : index
      %swap3A_634 = tpu.vector_load %arg11[%swap3A_632, %swap3A_633] {strides = array<i32>} : memref<400x64xf32, #tpu.memory_space<vmem>>, vector<16xf32>,
      tpu.vector_store %arg11[%swap3A_632, %swap3A_633], %mul3A_580 {strides = array<i32>} : memref<400x64xf32, #tpu.memory_space<vmem>>, vector<16xf32>,
      %swap3A_635 = arith.index_cast %add3A_534 : i32 to index
      %swap3A_636 = arith.constant 32 : index
      %swap3A_637 = tpu.vector_load %arg11[%swap3A_635, %swap3A_636] {strides = array<i32>} : memref<400x64xf32, #tpu.memory_space<vmem>>, vector<16xf32>,
      tpu.vector_store %arg11[%swap3A_635, %swap3A_636], %mul3A_584 {strides = array<i32>} : memref<400x64xf32, #tpu.memory_space<vmem>>, vector<16xf32>,
      %swap3A_638 = arith.index_cast %add3A_534 : i32 to index
      %swap3A_639 = arith.constant 48 : index
      %swap3A_640 = tpu.vector_load %arg11[%swap3A_638, %swap3A_639] {strides = array<i32>} : memref<400x64xf32, #tpu.memory_space<vmem>>, vector<16xf32>,
      tpu.vector_store %arg11[%swap3A_638, %swap3A_639], %mul3A_588 {strides = array<i32>} : memref<400x64xf32, #tpu.memory_space<vmem>>, vector<16xf32>,
      %swap3A_641 = arith.index_cast %add3A_540 : i32 to index
      %swap3A_642 = arith.constant 0 : index
      %swap3A_643 = tpu.vector_load %arg11[%swap3A_641, %swap3A_642] {strides = array<i32>} : memref<400x64xf32, #tpu.memory_space<vmem>>, vector<16xf32>,
      tpu.vector_store %arg11[%swap3A_641, %swap3A_642], %mul3A_592 {strides = array<i32>} : memref<400x64xf32, #tpu.memory_space<vmem>>, vector<16xf32>,
      %swap3A_644 = arith.index_cast %add3A_540 : i32 to index
      %swap3A_645 = arith.constant 16 : index
      %swap3A_646 = tpu.vector_load %arg11[%swap3A_644, %swap3A_645] {strides = array<i32>} : memref<400x64xf32, #tpu.memory_space<vmem>>, vector<16xf32>,
      tpu.vector_store %arg11[%swap3A_644, %swap3A_645], %mul3A_596 {strides = array<i32>} : memref<400x64xf32, #tpu.memory_space<vmem>>, vector<16xf32>,
      %swap3A_647 = arith.index_cast %add3A_540 : i32 to index
      %swap3A_648 = arith.constant 32 : index
      %swap3A_649 = tpu.vector_load %arg11[%swap3A_647, %swap3A_648] {strides = array<i32>} : memref<400x64xf32, #tpu.memory_space<vmem>>, vector<16xf32>,
      tpu.vector_store %arg11[%swap3A_647, %swap3A_648], %mul3A_600 {strides = array<i32>} : memref<400x64xf32, #tpu.memory_space<vmem>>, vector<16xf32>,
      %swap3A_650 = arith.index_cast %add3A_540 : i32 to index
      %swap3A_651 = arith.constant 48 : index
      %swap3A_652 = tpu.vector_load %arg11[%swap3A_650, %swap3A_651] {strides = array<i32>} : memref<400x64xf32, #tpu.memory_space<vmem>>, vector<16xf32>,
      tpu.vector_store %arg11[%swap3A_650, %swap3A_651], %mul3A_604 {strides = array<i32>} : memref<400x64xf32, #tpu.memory_space<vmem>>, vector<16xf32>,
    }
    %scan3A_53 = arith.constant 25 : i32
    %run_scoped3A = arith.constant 24 : i32
    "tpu.region"() ({
      %run_scoped3A_59 = tpu.sem_alloc : memref<!tpu.dma_semaphore, #tpu.memory_space<semaphore_mem>>
      %dma_start3A_60 = arith.constant 0 : i32
      %dma_start3A_61 = tpu.memref_slice %arg9[%run_scoped3A, %dma_start3A_60] : memref<25x400xi32, #tpu.memory_space<vmem>> -> memref<1x400xi32, #tpu.memory_space<vmem>>
      %dma_start3A_62 = tpu.memref_squeeze %dma_start3A_61 : memref<1x400xi32, #tpu.memory_space<vmem>> -> memref<400xi32, #tpu.memory_space<vmem>>
      %dma_start3A_63 = arith.constant 0 : i32
      %dma_start3A_64 = arith.constant 0 : i32
      %dma_start3A_65 = tpu.memref_slice %arg13[%dma_start3A_63, %dma_start3A_64] : memref<10240x64xf32, #tpu.memory_space<vmem_shared>> -> memref<10240x64xf32, #tpu.memory_space<vmem_shared>>
      tpu.enqueue_indirect_dma source(%arg11 : memref<400x64xf32, #tpu.memory_space<vmem>>) target(%dma_start3A_65 : memref<10240x64xf32, #tpu.memory_space<vmem_shared>>) offsets(%dma_start3A_62 : memref<400xi32, #tpu.memory_space<vmem>>) semaphore(%run_scoped3A_59 : memref<!tpu.dma_semaphore, #tpu.memory_space<semaphore_mem>>) {add = true}
      %dma_wait3A_66 = arith.constant 0 : i32
      %dma_wait3A_67 = tpu.memref_slice %arg9[%run_scoped3A, %dma_wait3A_66] : memref<25x400xi32, #tpu.memory_space<vmem>> -> memref<1x400xi32, #tpu.memory_space<vmem>>
      %dma_wait3A_68 = tpu.memref_squeeze %dma_wait3A_67 : memref<1x400xi32, #tpu.memory_space<vmem>> -> memref<400xi32, #tpu.memory_space<vmem>>
      %dma_wait3A_69 = arith.constant 0 : i32
      %dma_wait3A_70 = arith.constant 0 : i32
      %dma_wait3A_71 = tpu.memref_slice %arg13[%dma_wait3A_69, %dma_wait3A_70] : memref<10240x64xf32, #tpu.memory_space<vmem_shared>> -> memref<10240x64xf32, #tpu.memory_space<vmem_shared>>
      tpu.wait_indirect_dma semaphore(%run_scoped3A_59 : memref<!tpu.dma_semaphore, #tpu.memory_space<semaphore_mem>>) src(%arg11 : memref<400x64xf32, #tpu.memory_space<vmem>>) dst(%dma_wait3A_71 : memref<10240x64xf32, #tpu.memory_space<vmem_shared>>)
      tpu.yield
    }) : () -> ()
    %barrier3A_54 = arith.constant 0 : index
    tpu.barrier barrier_id(%barrier3A_54)
    %mul3A_55 = arith.constant 640 : i32
    %mul3A_56 = arith.muli %arg1, %mul3A_55 : i32
    %mul3A_57 = arith.constant 640 : i32
    %mul3A_58 = arith.muli %arg1, %mul3A_57 : i32
    "tpu.region"() ({
      %run_scoped3A_59 = tpu.sem_alloc : memref<!tpu.dma_semaphore, #tpu.memory_space<semaphore_mem>>
      %dma_start3A_60 = arith.constant 0 : i32
      %dma_start3A_61 = tpu.memref_slice %arg7[%arg0, %mul3A_58, %dma_start3A_60] : memref<2x10240x64xf32, #tpu.memory_space<hbm>> -> memref<1x640x64xf32, #tpu.memory_space<hbm>>
      %dma_start3A_62 = tpu.memref_squeeze %dma_start3A_61 : memref<1x640x64xf32, #tpu.memory_space<hbm>> -> memref<640x64xf32, #tpu.memory_space<hbm>>
      %dma_start3A_63 = arith.constant 0 : i32
      %dma_start3A_64 = tpu.memref_slice %arg13[%mul3A_56, %dma_start3A_63] : memref<10240x64xf32, #tpu.memory_space<vmem_shared>> -> memref<640x64xf32, #tpu.memory_space<vmem_shared>>
      tpu.enqueue_dma source(%dma_start3A_64 : memref<640x64xf32, #tpu.memory_space<vmem_shared>>) target(%dma_start3A_62 : memref<640x64xf32, #tpu.memory_space<hbm>>) target_semaphore(%run_scoped3A_59 : memref<!tpu.dma_semaphore, #tpu.memory_space<semaphore_mem>>)
      %dma_wait3A_65 = arith.constant 0 : i32
      %dma_wait3A_66 = tpu.memref_slice %arg7[%arg0, %mul3A_58, %dma_wait3A_65] : memref<2x10240x64xf32, #tpu.memory_space<hbm>> -> memref<1x640x64xf32, #tpu.memory_space<hbm>>
      %dma_wait3A_67 = tpu.memref_squeeze %dma_wait3A_66 : memref<1x640x64xf32, #tpu.memory_space<hbm>> -> memref<640x64xf32, #tpu.memory_space<hbm>>
      %dma_wait3A_68 = arith.constant 0 : i32
      %dma_wait3A_69 = tpu.memref_slice %arg13[%mul3A_56, %dma_wait3A_68] : memref<10240x64xf32, #tpu.memory_space<vmem_shared>> -> memref<640x64xf32, #tpu.memory_space<vmem_shared>>
      tpu.wait_dma2 semaphore(%run_scoped3A_59 : memref<!tpu.dma_semaphore, #tpu.memory_space<semaphore_mem>>) src(%dma_wait3A_69 : memref<640x64xf32, #tpu.memory_space<vmem_shared>>) dst(%dma_wait3A_67 : memref<640x64xf32, #tpu.memory_space<hbm>>)
      tpu.yield
    }) : () -> ()
    return
  }
}

#map = affine_map<(d0, d1) -> (0)>
#map1 = affine_map<(d0, d1) -> (0, 0)>
module attributes {stable_mosaic.version = 14 : i64} {
  func.func @_deg_body(%arg0: i32, %arg1: i32, %arg2: memref<320000xi32, #tpu.memory_space<hbm>>, %arg3: memref<320000xf32, #tpu.memory_space<hbm>>, %arg4: memref<10240xf32, #tpu.memory_space<hbm>>, %arg5: memref<2x10240xf32, #tpu.memory_space<hbm>>, %arg6: memref<10000xi32, #tpu.memory_space<vmem>>, %arg7: memref<10000xf32, #tpu.memory_space<vmem>>, %arg8: memref<10240xf32, #tpu.memory_space<vmem_shared>>, %arg9: memref<!tpu.dma_semaphore, #tpu.memory_space<semaphore_mem>>) attributes {dimension_semantics = [#tpu.dimension_semantics<core_parallel>, #tpu.dimension_semantics<subcore_parallel>], iteration_bounds = array<i64: 2, 16>, scalar_prefetch = 0 : i64, scratch_operands = 4 : i64, tpu.core_type = #tpu.core_type<sc_vector_subcore>, window_params = [{transform_indices = #map}, {transform_indices = #map}, {transform_indices = #map}, {transform_indices = #map1}]} {
    %mul3A = arith.constant 16 : i32
    %mul3A_0 = arith.muli %arg0, %mul3A : i32
    %add3A = arith.addi %mul3A_0, %arg1 : i32
    %mul3A_1 = arith.constant 10000 : i32
    %mul3A_2 = arith.muli %add3A, %mul3A_1 : i32
    %dma_start3A = tpu.memref_slice %arg2[%mul3A_2] : memref<320000xi32, #tpu.memory_space<hbm>> -> memref<10000xi32, #tpu.memory_space<hbm>>
    %dma_start3A_3 = tpu.memref_slice %arg2[%mul3A_2] : memref<320000xi32, #tpu.memory_space<hbm>> -> memref<10000xi32, #tpu.memory_space<hbm>>
    tpu.enqueue_dma source(%dma_start3A_3 : memref<10000xi32, #tpu.memory_space<hbm>>) target(%arg6 : memref<10000xi32, #tpu.memory_space<vmem>>) target_semaphore(%arg9 : memref<!tpu.dma_semaphore, #tpu.memory_space<semaphore_mem>>)
    %dma_start3A_4 = tpu.memref_slice %arg3[%mul3A_2] : memref<320000xf32, #tpu.memory_space<hbm>> -> memref<10000xf32, #tpu.memory_space<hbm>>
    %dma_start3A_5 = tpu.memref_slice %arg3[%mul3A_2] : memref<320000xf32, #tpu.memory_space<hbm>> -> memref<10000xf32, #tpu.memory_space<hbm>>
    tpu.enqueue_dma source(%dma_start3A_5 : memref<10000xf32, #tpu.memory_space<hbm>>) target(%arg7 : memref<10000xf32, #tpu.memory_space<vmem>>) target_semaphore(%arg9 : memref<!tpu.dma_semaphore, #tpu.memory_space<semaphore_mem>>)
    %mul3A_6 = arith.constant 640 : i32
    %mul3A_7 = arith.muli %arg1, %mul3A_6 : i32
    %mul3A_8 = arith.constant 640 : i32
    %mul3A_9 = arith.muli %arg1, %mul3A_8 : i32
    "tpu.region"() ({
      %run_scoped3A = tpu.sem_alloc : memref<!tpu.dma_semaphore, #tpu.memory_space<semaphore_mem>>
      %dma_start3A_18 = tpu.memref_slice %arg8[%mul3A_9] : memref<10240xf32, #tpu.memory_space<vmem_shared>> -> memref<640xf32, #tpu.memory_space<vmem_shared>>
      %dma_start3A_19 = tpu.memref_slice %arg4[%mul3A_7] : memref<10240xf32, #tpu.memory_space<hbm>> -> memref<640xf32, #tpu.memory_space<hbm>>
      tpu.enqueue_dma source(%dma_start3A_19 : memref<640xf32, #tpu.memory_space<hbm>>) target(%dma_start3A_18 : memref<640xf32, #tpu.memory_space<vmem_shared>>) target_semaphore(%run_scoped3A : memref<!tpu.dma_semaphore, #tpu.memory_space<semaphore_mem>>)
      %dma_wait3A_20 = tpu.memref_slice %arg8[%mul3A_9] : memref<10240xf32, #tpu.memory_space<vmem_shared>> -> memref<640xf32, #tpu.memory_space<vmem_shared>>
      %dma_wait3A_21 = tpu.memref_slice %arg4[%mul3A_7] : memref<10240xf32, #tpu.memory_space<hbm>> -> memref<640xf32, #tpu.memory_space<hbm>>
      tpu.wait_dma2 semaphore(%run_scoped3A : memref<!tpu.dma_semaphore, #tpu.memory_space<semaphore_mem>>) src(%dma_wait3A_21 : memref<640xf32, #tpu.memory_space<hbm>>) dst(%dma_wait3A_20 : memref<640xf32, #tpu.memory_space<vmem_shared>>)
      tpu.yield
    }) : () -> ()
    %dma_wait3A = tpu.memref_slice %arg2[%mul3A_2] : memref<320000xi32, #tpu.memory_space<hbm>> -> memref<10000xi32, #tpu.memory_space<hbm>>
    %dma_wait3A_10 = tpu.memref_slice %arg2[%mul3A_2] : memref<320000xi32, #tpu.memory_space<hbm>> -> memref<10000xi32, #tpu.memory_space<hbm>>
    tpu.wait_dma2 semaphore(%arg9 : memref<!tpu.dma_semaphore, #tpu.memory_space<semaphore_mem>>) src(%dma_wait3A_10 : memref<10000xi32, #tpu.memory_space<hbm>>) dst(%arg6 : memref<10000xi32, #tpu.memory_space<vmem>>)
    %dma_wait3A_11 = tpu.memref_slice %arg3[%mul3A_2] : memref<320000xf32, #tpu.memory_space<hbm>> -> memref<10000xf32, #tpu.memory_space<hbm>>
    %dma_wait3A_12 = tpu.memref_slice %arg3[%mul3A_2] : memref<320000xf32, #tpu.memory_space<hbm>> -> memref<10000xf32, #tpu.memory_space<hbm>>
    tpu.wait_dma2 semaphore(%arg9 : memref<!tpu.dma_semaphore, #tpu.memory_space<semaphore_mem>>) src(%dma_wait3A_12 : memref<10000xf32, #tpu.memory_space<hbm>>) dst(%arg7 : memref<10000xf32, #tpu.memory_space<vmem>>)
    %barrier3A = arith.constant 0 : index
    tpu.barrier barrier_id(%barrier3A)
    "tpu.region"() ({
      %run_scoped3A = tpu.sem_alloc : memref<!tpu.dma_semaphore, #tpu.memory_space<semaphore_mem>>
      %dma_start3A_18 = arith.constant 0 : i32
      %dma_start3A_19 = tpu.memref_slice %arg8[%dma_start3A_18] : memref<10240xf32, #tpu.memory_space<vmem_shared>> -> memref<10240xf32, #tpu.memory_space<vmem_shared>>
      tpu.enqueue_indirect_dma source(%arg7 : memref<10000xf32, #tpu.memory_space<vmem>>) target(%dma_start3A_19 : memref<10240xf32, #tpu.memory_space<vmem_shared>>) offsets(%arg6 : memref<10000xi32, #tpu.memory_space<vmem>>) semaphore(%run_scoped3A : memref<!tpu.dma_semaphore, #tpu.memory_space<semaphore_mem>>) {add = true}
      %dma_wait3A_20 = arith.constant 0 : i32
      %dma_wait3A_21 = tpu.memref_slice %arg8[%dma_wait3A_20] : memref<10240xf32, #tpu.memory_space<vmem_shared>> -> memref<10240xf32, #tpu.memory_space<vmem_shared>>
      tpu.wait_indirect_dma semaphore(%run_scoped3A : memref<!tpu.dma_semaphore, #tpu.memory_space<semaphore_mem>>) src(%arg7 : memref<10000xf32, #tpu.memory_space<vmem>>) dst(%dma_wait3A_21 : memref<10240xf32, #tpu.memory_space<vmem_shared>>)
      tpu.yield
    }) : () -> ()
    %barrier3A_13 = arith.constant 0 : index
    tpu.barrier barrier_id(%barrier3A_13)
    %mul3A_14 = arith.constant 640 : i32
    %mul3A_15 = arith.muli %arg1, %mul3A_14 : i32
    %mul3A_16 = arith.constant 640 : i32
    %mul3A_17 = arith.muli %arg1, %mul3A_16 : i32
    "tpu.region"() ({
      %run_scoped3A = tpu.sem_alloc : memref<!tpu.dma_semaphore, #tpu.memory_space<semaphore_mem>>
      %dma_start3A_18 = tpu.memref_slice %arg5[%arg0, %mul3A_17] : memref<2x10240xf32, #tpu.memory_space<hbm>> -> memref<1x640xf32, #tpu.memory_space<hbm>>
      %dma_start3A_19 = tpu.memref_squeeze %dma_start3A_18 : memref<1x640xf32, #tpu.memory_space<hbm>> -> memref<640xf32, #tpu.memory_space<hbm>>
      %dma_start3A_20 = tpu.memref_slice %arg8[%mul3A_15] : memref<10240xf32, #tpu.memory_space<vmem_shared>> -> memref<640xf32, #tpu.memory_space<vmem_shared>>
      tpu.enqueue_dma source(%dma_start3A_20 : memref<640xf32, #tpu.memory_space<vmem_shared>>) target(%dma_start3A_19 : memref<640xf32, #tpu.memory_space<hbm>>) target_semaphore(%run_scoped3A : memref<!tpu.dma_semaphore, #tpu.memory_space<semaphore_mem>>)
      %dma_wait3A_21 = tpu.memref_slice %arg5[%arg0, %mul3A_17] : memref<2x10240xf32, #tpu.memory_space<hbm>> -> memref<1x640xf32, #tpu.memory_space<hbm>>
      %dma_wait3A_22 = tpu.memref_squeeze %dma_wait3A_21 : memref<1x640xf32, #tpu.memory_space<hbm>> -> memref<640xf32, #tpu.memory_space<hbm>>
      %dma_wait3A_23 = tpu.memref_slice %arg8[%mul3A_15] : memref<10240xf32, #tpu.memory_space<vmem_shared>> -> memref<640xf32, #tpu.memory_space<vmem_shared>>
      tpu.wait_dma2 semaphore(%run_scoped3A : memref<!tpu.dma_semaphore, #tpu.memory_space<semaphore_mem>>) src(%dma_wait3A_23 : memref<640xf32, #tpu.memory_space<vmem_shared>>) dst(%dma_wait3A_22 : memref<640xf32, #tpu.memory_space<hbm>>)
      tpu.yield
    }) : () -> ()
    return
  }
}

module attributes {stable_mosaic.version = 14 : i64} {
  func.func @_tc_edge_body(%arg0: i32, %arg1: memref<16000x16xf32, #tpu.memory_space<vmem>>, %arg2: memref<16x16xf32, #tpu.memory_space<vmem>>, %arg3: memref<16x1xf32, #tpu.memory_space<vmem>>, %arg4: memref<1x16xf32, #tpu.memory_space<vmem>>, %arg5: memref<1xf32, #tpu.memory_space<vmem>>, %arg6: memref<1x1x16000xf32, #tpu.memory_space<vmem>>) attributes {dimension_semantics = [#tpu.dimension_semantics<arbitrary>], iteration_bounds = array<i64: 20>, scalar_prefetch = 0 : i64, scratch_operands = 0 : i64, tpu.core_type = #tpu.core_type<tc>, window_params = [{transform_indices = @transform_0, window_bounds = array<i64: 16000, 16>}, {pipeline_mode = #tpu.pipeline_mode<synchronous>, transform_indices = @transform_1, window_bounds = array<i64: 16, 16>}, {pipeline_mode = #tpu.pipeline_mode<synchronous>, transform_indices = @transform_2, window_bounds = array<i64: 16, 1>}, {pipeline_mode = #tpu.pipeline_mode<synchronous>, transform_indices = @transform_3, window_bounds = array<i64: 1, 16>}, {pipeline_mode = #tpu.pipeline_mode<synchronous>, transform_indices = @transform_4, window_bounds = array<i64: 1>}, {transform_indices = @transform_5, window_bounds = array<i64: 1, 1, 16000>}]} {
    %get3A = arith.constant 0 : index
    %get3A_0 = arith.constant 0 : index
    %get3A_1 = vector.load %arg2[%get3A, %get3A_0] : memref<16x16xf32, #tpu.memory_space<vmem>>, vector<16x16xf32>
    %get3A_2 = arith.constant 0 : index
    %get3A_3 = arith.constant 0 : index
    %get3A_4 = vector.load %arg1[%get3A_2, %get3A_3] : memref<16000x16xf32, #tpu.memory_space<vmem>>, vector<16000x16xf32>
    %dot_general3A = arith.constant dense<0.000000e+00> : vector<16x16000xf32>
    %dot_general3A_5 = tpu.matmul %get3A_1, %get3A_4, %dot_general3A {dimension_numbers = #tpu.dot_dimension_numbers<[1], [1], [0], [0], [0, 0, 1, 0], [], []>, transpose_lhs_hint = false} : vector<16x16xf32>, vector<16000x16xf32>, vector<16x16000xf32> -> vector<16x16000xf32>
    %get3A_6 = arith.constant 0 : index
    %get3A_7 = arith.constant 0 : index
    %get3A_8 = vector.load %arg3[%get3A_6, %get3A_7] : memref<16x1xf32, #tpu.memory_space<vmem>>, vector<16x1xf32>
    %add3A = vector.broadcast %get3A_8 : vector<16x1xf32> to vector<16x16000xf32>
    %add3A_9 = arith.addf %dot_general3A_5, %add3A : vector<16x16000xf32>
    %max3A = arith.constant 0.000000e+00 : f32
    %max3A_10 = vector.broadcast %max3A : f32 to vector<16x16000xf32>
    %max3A_11 = arith.maximumf %add3A_9, %max3A_10 : vector<16x16000xf32>
    %get3A_12 = arith.constant 0 : index
    %get3A_13 = arith.constant 0 : index
    %get3A_14 = vector.load %arg4[%get3A_12, %get3A_13] : memref<1x16xf32, #tpu.memory_space<vmem>>, vector<1x16xf32>
    %dot_general3A_15 = arith.constant dense<0.000000e+00> : vector<1x16000xf32>
    %dot_general3A_16 = tpu.matmul %get3A_14, %max3A_11, %dot_general3A_15 {dimension_numbers = #tpu.dot_dimension_numbers<[1], [0], [0], [1], [0, 0, 1, 1], [], []>, transpose_lhs_hint = false} : vector<1x16xf32>, vector<16x16000xf32>, vector<1x16000xf32> -> vector<1x16000xf32>
    %get3A_17 = arith.constant 0 : index
    %get3A_18 = vector.load %arg5[%get3A_17] : memref<1xf32, #tpu.memory_space<vmem>>, vector<1xf32>
    %broadcast_in_dim3A = vector.shape_cast %get3A_18 : vector<1xf32> to vector<1x1xf32>
    %add3A_19 = vector.broadcast %broadcast_in_dim3A : vector<1x1xf32> to vector<1x16000xf32>
    %add3A_20 = arith.addf %dot_general3A_16, %add3A_19 : vector<1x16000xf32>
    %reshape3A = vector.shape_cast %add3A_20 : vector<1x16000xf32> to vector<1x1x16000xf32>
    %swap3A = arith.constant 0 : index
    %swap3A_21 = arith.constant 0 : index
    %swap3A_22 = arith.constant 0 : index
    %swap3A_23 = vector.load %arg6[%swap3A, %swap3A_21, %swap3A_22] : memref<1x1x16000xf32, #tpu.memory_space<vmem>>, vector<1x1x16000xf32>
    tpu.vector_store %arg6[%swap3A, %swap3A_21, %swap3A_22], %reshape3A {strides = array<i32>} : memref<1x1x16000xf32, #tpu.memory_space<vmem>>, vector<1x1x16000xf32>,
    return
  }
  func.func @transform_0(%arg0: i32) -> (i32, i32) {
    %c0_i32 = arith.constant 0 : i32
    %c0_i32_0 = arith.constant 0 : i32
    return %arg0, %c0_i32 : i32, i32
  }
  func.func @transform_1(%arg0: i32) -> (i32, i32) {
    %c0_i32 = arith.constant 0 : i32
    %c0_i32_0 = arith.constant 0 : i32
    %c0_i32_1 = arith.constant 0 : i32
    return %c0_i32, %c0_i32_0 : i32, i32
  }
  func.func @transform_2(%arg0: i32) -> (i32, i32) {
    %c0_i32 = arith.constant 0 : i32
    %c0_i32_0 = arith.constant 0 : i32
    %c0_i32_1 = arith.constant 0 : i32
    return %c0_i32, %c0_i32_0 : i32, i32
  }
  func.func @transform_3(%arg0: i32) -> (i32, i32) {
    %c0_i32 = arith.constant 0 : i32
    %c0_i32_0 = arith.constant 0 : i32
    %c0_i32_1 = arith.constant 0 : i32
    return %c0_i32, %c0_i32_0 : i32, i32
  }
  func.func @transform_4(%arg0: i32) -> i32 {
    %c0_i32 = arith.constant 0 : i32
    %c0_i32_0 = arith.constant 0 : i32
    return %c0_i32 : i32
  }
  func.func @transform_5(%arg0: i32) -> (i32, i32, i32) {
    %c0_i32 = arith.constant 0 : i32
    %c0_i32_0 = arith.constant 0 : i32
    %c0_i32_1 = arith.constant 0 : i32
    return %arg0, %c0_i32, %c0_i32_0 : i32, i32, i32
  }
}

module attributes {stable_mosaic.version = 14 : i64} {
  func.func @_tc_mid1_body(%arg0: memref<2x10240xf32, #tpu.memory_space<vmem>>, %arg1: memref<10000x128xf32, #tpu.memory_space<vmem>>, %arg2: memref<128x128xf32, #tpu.memory_space<vmem>>, %arg3: memref<128xf32, #tpu.memory_space<vmem>>, %arg4: memref<64x128xf32, #tpu.memory_space<vmem>>, %arg5: memref<64xf32, #tpu.memory_space<vmem>>, %arg6: memref<64x64xf32, #tpu.memory_space<vmem>>, %arg7: memref<10000x64xf32, #tpu.memory_space<vmem>>, %arg8: memref<10240xf32, #tpu.memory_space<vmem>>, %arg9: memref<10000x64xf32, #tpu.memory_space<vmem>>) attributes {dimension_semantics = [], scalar_prefetch = 0 : i64, scratch_operands = 0 : i64, tpu.core_type = #tpu.core_type<tc>} {
    %get3A = arith.constant 0 : index
    %get3A_0 = arith.constant 0 : index
    %get3A_1 = vector.load %arg1[%get3A, %get3A_0] : memref<10000x128xf32, #tpu.memory_space<vmem>>, vector<10000x128xf32>
    %get3A_2 = arith.constant 0 : index
    %get3A_3 = arith.constant 0 : index
    %get3A_4 = vector.load %arg2[%get3A_2, %get3A_3] : memref<128x128xf32, #tpu.memory_space<vmem>>, vector<128x128xf32>
    %dot_general3A = arith.constant dense<0.000000e+00> : vector<10000x128xf32>
    %dot_general3A_5 = tpu.matmul %get3A_1, %get3A_4, %dot_general3A {dimension_numbers = #tpu.dot_dimension_numbers<[1], [1], [0], [0], [0, 0, 1, 0], [], []>, transpose_lhs_hint = false} : vector<10000x128xf32>, vector<128x128xf32>, vector<10000x128xf32> -> vector<10000x128xf32>
    %get3A_6 = arith.constant 0 : index
    %get3A_7 = vector.load %arg3[%get3A_6] : memref<128xf32, #tpu.memory_space<vmem>>, vector<128xf32>
    %broadcast_in_dim3A = vector.shape_cast %get3A_7 : vector<128xf32> to vector<1x128xf32>
    %add3A = vector.broadcast %broadcast_in_dim3A : vector<1x128xf32> to vector<10000x128xf32>
    %add3A_8 = arith.addf %dot_general3A_5, %add3A : vector<10000x128xf32>
    %max3A = arith.constant 0.000000e+00 : f32
    %max3A_9 = vector.broadcast %max3A : f32 to vector<10000x128xf32>
    %max3A_10 = arith.maximumf %add3A_8, %max3A_9 : vector<10000x128xf32>
    %get3A_11 = arith.constant 0 : index
    %get3A_12 = arith.constant 0 : index
    %get3A_13 = vector.load %arg4[%get3A_11, %get3A_12] : memref<64x128xf32, #tpu.memory_space<vmem>>, vector<64x128xf32>
    %dot_general3A_14 = arith.constant dense<0.000000e+00> : vector<10000x64xf32>
    %dot_general3A_15 = tpu.matmul %max3A_10, %get3A_13, %dot_general3A_14 {dimension_numbers = #tpu.dot_dimension_numbers<[1], [1], [0], [0], [0, 0, 1, 0], [], []>, transpose_lhs_hint = false} : vector<10000x128xf32>, vector<64x128xf32>, vector<10000x64xf32> -> vector<10000x64xf32>
    %get3A_16 = arith.constant 0 : index
    %get3A_17 = vector.load %arg5[%get3A_16] : memref<64xf32, #tpu.memory_space<vmem>>, vector<64xf32>
    %broadcast_in_dim3A_18 = vector.shape_cast %get3A_17 : vector<64xf32> to vector<1x64xf32>
    %add3A_19 = vector.broadcast %broadcast_in_dim3A_18 : vector<1x64xf32> to vector<10000x64xf32>
    %add3A_20 = arith.addf %dot_general3A_15, %add3A_19 : vector<10000x64xf32>
    %get3A_21 = arith.constant 0 : index
    %get3A_22 = arith.constant 0 : index
    %get3A_23 = vector.load %arg6[%get3A_21, %get3A_22] : memref<64x64xf32, #tpu.memory_space<vmem>>, vector<64x64xf32>
    %dot_general3A_24 = arith.constant dense<0.000000e+00> : vector<10000x64xf32>
    %dot_general3A_25 = tpu.matmul %add3A_20, %get3A_23, %dot_general3A_24 {dimension_numbers = #tpu.dot_dimension_numbers<[1], [1], [0], [0], [0, 0, 1, 0], [], []>, transpose_lhs_hint = false} : vector<10000x64xf32>, vector<64x64xf32>, vector<10000x64xf32> -> vector<10000x64xf32>
    %swap3A = arith.constant 0 : index
    %swap3A_26 = arith.constant 0 : index
    %swap3A_27 = vector.load %arg7[%swap3A, %swap3A_26] : memref<10000x64xf32, #tpu.memory_space<vmem>>, vector<10000x64xf32>
    tpu.vector_store %arg7[%swap3A, %swap3A_26], %dot_general3A_25 {strides = array<i32>} : memref<10000x64xf32, #tpu.memory_space<vmem>>, vector<10000x64xf32>,
    %get3A_28 = arith.constant 0 : index
    %get3A_29 = arith.constant 0 : index
    %get3A_30 = vector.load %arg0[%get3A_28, %get3A_29] : memref<2x10240xf32, #tpu.memory_space<vmem>>, vector<1x10240xf32>
    %get3A_31 = vector.shape_cast %get3A_30 : vector<1x10240xf32> to vector<10240xf32>
    %get3A_32 = arith.constant 1 : index
    %get3A_33 = arith.constant 0 : index
    %get3A_34 = vector.load %arg0[%get3A_32, %get3A_33] : memref<2x10240xf32, #tpu.memory_space<vmem>>, vector<1x10240xf32>
    %get3A_35 = vector.shape_cast %get3A_34 : vector<1x10240xf32> to vector<10240xf32>
    %add3A_36 = arith.addf %get3A_31, %get3A_35 : vector<10240xf32>
    %add3A_37 = arith.constant 1.000000e+00 : f32
    %add3A_38 = vector.broadcast %add3A_37 : f32 to vector<10240xf32>
    %add3A_39 = arith.addf %add3A_36, %add3A_38 : vector<10240xf32>
    %gt3A = arith.constant 0.000000e+00 : f32
    %gt3A_40 = vector.broadcast %gt3A : f32 to vector<10240xf32>
    %gt3A_41 = arith.cmpf ogt, %add3A_39, %gt3A_40 : vector<10240xf32>
    %jit3A = arith.constant 1.000000e+00 : f32
    %broadcast_in_dim3A_42 = vector.broadcast %jit3A : f32 to vector<10240xf32>
    %select_n3A = arith.select %gt3A_41, %add3A_39, %broadcast_in_dim3A_42 : vector<10240xi1>, vector<10240xf32>
    %gt3A_43 = arith.constant 0.000000e+00 : f32
    %gt3A_44 = vector.broadcast %gt3A_43 : f32 to vector<10240xf32>
    %gt3A_45 = arith.cmpf ogt, %add3A_39, %gt3A_44 : vector<10240xf32>
    %rsqrt3A = math.rsqrt %select_n3A : vector<10240xf32>
    %jit3A_46 = arith.constant 0.000000e+00 : f32
    %broadcast_in_dim3A_47 = vector.broadcast %jit3A_46 : f32 to vector<10240xf32>
    %select_n3A_48 = arith.select %gt3A_45, %rsqrt3A, %broadcast_in_dim3A_47 : vector<10240xi1>, vector<10240xf32>
    %swap3A_49 = arith.constant 0 : index
    %swap3A_50 = vector.load %arg8[%swap3A_49] : memref<10240xf32, #tpu.memory_space<vmem>>, vector<10240xf32>
    tpu.vector_store %arg8[%swap3A_49], %select_n3A_48 {strides = array<i32>} : memref<10240xf32, #tpu.memory_space<vmem>>, vector<10240xf32>,
    %slice3A = vector.extract_strided_slice %select_n3A_48 {offsets = [0], sizes = [10000], strides = [1]} : vector<10240xf32> to vector<10000xf32>
    %broadcast_in_dim3A_51 = vector.shape_cast %slice3A : vector<10000xf32> to vector<10000x1xf32>
    %mul3A = vector.broadcast %broadcast_in_dim3A_51 : vector<10000x1xf32> to vector<10000x64xf32>
    %mul3A_52 = arith.mulf %dot_general3A_25, %mul3A : vector<10000x64xf32>
    %swap3A_53 = arith.constant 0 : index
    %swap3A_54 = arith.constant 0 : index
    %swap3A_55 = vector.load %arg9[%swap3A_53, %swap3A_54] : memref<10000x64xf32, #tpu.memory_space<vmem>>, vector<10000x64xf32>
    tpu.vector_store %arg9[%swap3A_53, %swap3A_54], %mul3A_52 {strides = array<i32>} : memref<10000x64xf32, #tpu.memory_space<vmem>>, vector<10000x64xf32>,
    return
  }
}

module attributes {stable_mosaic.version = 14 : i64} {
  func.func @_tc_mid2_body(%arg0: memref<2x10240x64xf32, #tpu.memory_space<vmem>>, %arg1: memref<10000x64xf32, #tpu.memory_space<vmem>>, %arg2: memref<10240xf32, #tpu.memory_space<vmem>>, %arg3: memref<64xf32, #tpu.memory_space<vmem>>, %arg4: memref<64x64xf32, #tpu.memory_space<vmem>>, %arg5: memref<10000x64xf32, #tpu.memory_space<vmem>>, %arg6: memref<10000x64xf32, #tpu.memory_space<vmem>>) attributes {dimension_semantics = [], scalar_prefetch = 0 : i64, scratch_operands = 0 : i64, tpu.core_type = #tpu.core_type<tc>} {
    %get3A = arith.constant 0 : index
    %get3A_0 = arith.constant 0 : index
    %get3A_1 = arith.constant 0 : index
    %get3A_2 = vector.load %arg0[%get3A, %get3A_0, %get3A_1] : memref<2x10240x64xf32, #tpu.memory_space<vmem>>, vector<1x10000x64xf32>
    %get3A_3 = vector.shape_cast %get3A_2 : vector<1x10000x64xf32> to vector<10000x64xf32>
    %get3A_4 = arith.constant 1 : index
    %get3A_5 = arith.constant 0 : index
    %get3A_6 = arith.constant 0 : index
    %get3A_7 = vector.load %arg0[%get3A_4, %get3A_5, %get3A_6] : memref<2x10240x64xf32, #tpu.memory_space<vmem>>, vector<1x10000x64xf32>
    %get3A_8 = vector.shape_cast %get3A_7 : vector<1x10000x64xf32> to vector<10000x64xf32>
    %add3A = arith.addf %get3A_3, %get3A_8 : vector<10000x64xf32>
    %get3A_9 = arith.constant 0 : index
    %get3A_10 = vector.load %arg2[%get3A_9] : memref<10240xf32, #tpu.memory_space<vmem>>, vector<10000xf32>
    %broadcast_in_dim3A = vector.shape_cast %get3A_10 : vector<10000xf32> to vector<10000x1xf32>
    %mul3A = vector.broadcast %broadcast_in_dim3A : vector<10000x1xf32> to vector<10000x64xf32>
    %mul3A_11 = arith.mulf %mul3A, %add3A : vector<10000x64xf32>
    %mul3A_12 = arith.mulf %get3A_10, %get3A_10 : vector<10000xf32>
    %broadcast_in_dim3A_13 = vector.shape_cast %mul3A_12 : vector<10000xf32> to vector<10000x1xf32>
    %get3A_14 = arith.constant 0 : index
    %get3A_15 = arith.constant 0 : index
    %get3A_16 = vector.load %arg1[%get3A_14, %get3A_15] : memref<10000x64xf32, #tpu.memory_space<vmem>>, vector<10000x64xf32>
    %mul3A_17 = vector.broadcast %broadcast_in_dim3A_13 : vector<10000x1xf32> to vector<10000x64xf32>
    %mul3A_18 = arith.mulf %mul3A_17, %get3A_16 : vector<10000x64xf32>
    %add3A_19 = arith.addf %mul3A_11, %mul3A_18 : vector<10000x64xf32>
    %get3A_20 = arith.constant 0 : index
    %get3A_21 = vector.load %arg3[%get3A_20] : memref<64xf32, #tpu.memory_space<vmem>>, vector<64xf32>
    %broadcast_in_dim3A_22 = vector.shape_cast %get3A_21 : vector<64xf32> to vector<1x64xf32>
    %add3A_23 = vector.broadcast %broadcast_in_dim3A_22 : vector<1x64xf32> to vector<10000x64xf32>
    %add3A_24 = arith.addf %add3A_19, %add3A_23 : vector<10000x64xf32>
    %max3A = arith.constant 0.000000e+00 : f32
    %max3A_25 = vector.broadcast %max3A : f32 to vector<10000x64xf32>
    %max3A_26 = arith.maximumf %add3A_24, %max3A_25 : vector<10000x64xf32>
    %get3A_27 = arith.constant 0 : index
    %get3A_28 = arith.constant 0 : index
    %get3A_29 = vector.load %arg4[%get3A_27, %get3A_28] : memref<64x64xf32, #tpu.memory_space<vmem>>, vector<64x64xf32>
    %dot_general3A = arith.constant dense<0.000000e+00> : vector<10000x64xf32>
    %dot_general3A_30 = tpu.matmul %max3A_26, %get3A_29, %dot_general3A {dimension_numbers = #tpu.dot_dimension_numbers<[1], [1], [0], [0], [0, 0, 1, 0], [], []>, transpose_lhs_hint = false} : vector<10000x64xf32>, vector<64x64xf32>, vector<10000x64xf32> -> vector<10000x64xf32>
    %swap3A = arith.constant 0 : index
    %swap3A_31 = arith.constant 0 : index
    %swap3A_32 = vector.load %arg5[%swap3A, %swap3A_31] : memref<10000x64xf32, #tpu.memory_space<vmem>>, vector<10000x64xf32>
    tpu.vector_store %arg5[%swap3A, %swap3A_31], %dot_general3A_30 {strides = array<i32>} : memref<10000x64xf32, #tpu.memory_space<vmem>>, vector<10000x64xf32>,
    %broadcast_in_dim3A_33 = vector.shape_cast %get3A_10 : vector<10000xf32> to vector<10000x1xf32>
    %mul3A_34 = vector.broadcast %broadcast_in_dim3A_33 : vector<10000x1xf32> to vector<10000x64xf32>
    %mul3A_35 = arith.mulf %dot_general3A_30, %mul3A_34 : vector<10000x64xf32>
    %swap3A_36 = arith.constant 0 : index
    %swap3A_37 = arith.constant 0 : index
    %swap3A_38 = vector.load %arg6[%swap3A_36, %swap3A_37] : memref<10000x64xf32, #tpu.memory_space<vmem>>, vector<10000x64xf32>
    tpu.vector_store %arg6[%swap3A_36, %swap3A_37], %mul3A_35 {strides = array<i32>} : memref<10000x64xf32, #tpu.memory_space<vmem>>, vector<10000x64xf32>,
    return
  }
}

module attributes {stable_mosaic.version = 14 : i64} {
  func.func @_tc_final_body(%arg0: memref<2x10240x64xf32, #tpu.memory_space<vmem>>, %arg1: memref<10000x64xf32, #tpu.memory_space<vmem>>, %arg2: memref<10240xf32, #tpu.memory_space<vmem>>, %arg3: memref<64xf32, #tpu.memory_space<vmem>>, %arg4: memref<10000xi32, #tpu.memory_space<vmem>>, %arg5: memref<1x64xf32, #tpu.memory_space<vmem>>, %arg6: memref<1x1xf32, #tpu.memory_space<vmem>>, %arg7: memref<1x64xf32, #tpu.memory_space<vmem>>) attributes {dimension_semantics = [], scalar_prefetch = 0 : i64, scratch_operands = 0 : i64, tpu.core_type = #tpu.core_type<tc>} {
    %get3A = arith.constant 0 : index
    %get3A_0 = arith.constant 0 : index
    %get3A_1 = arith.constant 0 : index
    %get3A_2 = vector.load %arg0[%get3A, %get3A_0, %get3A_1] : memref<2x10240x64xf32, #tpu.memory_space<vmem>>, vector<1x10000x64xf32>
    %get3A_3 = vector.shape_cast %get3A_2 : vector<1x10000x64xf32> to vector<10000x64xf32>
    %get3A_4 = arith.constant 1 : index
    %get3A_5 = arith.constant 0 : index
    %get3A_6 = arith.constant 0 : index
    %get3A_7 = vector.load %arg0[%get3A_4, %get3A_5, %get3A_6] : memref<2x10240x64xf32, #tpu.memory_space<vmem>>, vector<1x10000x64xf32>
    %get3A_8 = vector.shape_cast %get3A_7 : vector<1x10000x64xf32> to vector<10000x64xf32>
    %add3A = arith.addf %get3A_3, %get3A_8 : vector<10000x64xf32>
    %get3A_9 = arith.constant 0 : index
    %get3A_10 = vector.load %arg2[%get3A_9] : memref<10240xf32, #tpu.memory_space<vmem>>, vector<10000xf32>
    %broadcast_in_dim3A = vector.shape_cast %get3A_10 : vector<10000xf32> to vector<10000x1xf32>
    %mul3A = vector.broadcast %broadcast_in_dim3A : vector<10000x1xf32> to vector<10000x64xf32>
    %mul3A_11 = arith.mulf %mul3A, %add3A : vector<10000x64xf32>
    %mul3A_12 = arith.mulf %get3A_10, %get3A_10 : vector<10000xf32>
    %broadcast_in_dim3A_13 = vector.shape_cast %mul3A_12 : vector<10000xf32> to vector<10000x1xf32>
    %get3A_14 = arith.constant 0 : index
    %get3A_15 = arith.constant 0 : index
    %get3A_16 = vector.load %arg1[%get3A_14, %get3A_15] : memref<10000x64xf32, #tpu.memory_space<vmem>>, vector<10000x64xf32>
    %mul3A_17 = vector.broadcast %broadcast_in_dim3A_13 : vector<10000x1xf32> to vector<10000x64xf32>
    %mul3A_18 = arith.mulf %mul3A_17, %get3A_16 : vector<10000x64xf32>
    %add3A_19 = arith.addf %mul3A_11, %mul3A_18 : vector<10000x64xf32>
    %get3A_20 = arith.constant 0 : index
    %get3A_21 = vector.load %arg3[%get3A_20] : memref<64xf32, #tpu.memory_space<vmem>>, vector<64xf32>
    %broadcast_in_dim3A_22 = vector.shape_cast %get3A_21 : vector<64xf32> to vector<1x64xf32>
    %add3A_23 = vector.broadcast %broadcast_in_dim3A_22 : vector<1x64xf32> to vector<10000x64xf32>
    %add3A_24 = arith.addf %add3A_19, %add3A_23 : vector<10000x64xf32>
    %max3A = arith.constant 0.000000e+00 : f32
    %max3A_25 = vector.broadcast %max3A : f32 to vector<10000x64xf32>
    %max3A_26 = arith.maximumf %add3A_24, %max3A_25 : vector<10000x64xf32>
    %iota3A = tpu.iota {dimensions = array<i32: 0>} : vector<64x10000xi32>
    %get3A_27 = arith.constant 0 : index
    %get3A_28 = vector.load %arg4[%get3A_27] : memref<10000xi32, #tpu.memory_space<vmem>>, vector<10000xi32>
    %broadcast_in_dim3A_29 = vector.shape_cast %get3A_28 : vector<10000xi32> to vector<1x10000xi32>
    %eq3A = vector.broadcast %broadcast_in_dim3A_29 : vector<1x10000xi32> to vector<64x10000xi32>
    %eq3A_30 = arith.cmpi eq, %eq3A, %iota3A : vector<64x10000xi32>
    %convert_element_type3A = arith.extui %eq3A_30 : vector<64x10000xi1> to vector<64x10000xi32>
    %convert_element_type3A_31 = arith.sitofp %convert_element_type3A : vector<64x10000xi32> to vector<64x10000xf32>
    %reduce_sum3A = arith.constant dense<0.000000e+00> : vector<64xf32>
    %reduce_sum3A_32 = vector.multi_reduction <add>, %convert_element_type3A_31, %reduce_sum3A [1] : vector<64x10000xf32> to vector<64xf32>
    %broadcast_in_dim3A_33 = vector.shape_cast %reduce_sum3A_32 : vector<64xf32> to vector<64x1xf32>
    %dot_general3A = arith.constant dense<0.000000e+00> : vector<64x64xf32>
    %dot_general3A_34 = tpu.matmul %convert_element_type3A_31, %max3A_26, %dot_general3A {dimension_numbers = #tpu.dot_dimension_numbers<[1], [0], [0], [1], [0, 0, 1, 1], [], []>, transpose_lhs_hint = false} : vector<64x10000xf32>, vector<10000x64xf32>, vector<64x64xf32> -> vector<64x64xf32>
    %max3A_35 = arith.constant 1.000000e+00 : f32
    %max3A_36 = vector.broadcast %max3A_35 : f32 to vector<64x1xf32>
    %max3A_37 = arith.maximumf %broadcast_in_dim3A_33, %max3A_36 : vector<64x1xf32>
    %div3A = vector.broadcast %max3A_37 : vector<64x1xf32> to vector<64x64xf32>
    %div3A_38 = arith.divf %dot_general3A_34, %div3A : vector<64x64xf32>
    %get3A_39 = arith.constant 0 : index
    %get3A_40 = arith.constant 0 : index
    %get3A_41 = vector.load %arg5[%get3A_39, %get3A_40] : memref<1x64xf32, #tpu.memory_space<vmem>>, vector<1x64xf32>
    %dot_general3A_42 = arith.constant dense<0.000000e+00> : vector<1x64xf32>
    %dot_general3A_43 = tpu.matmul %get3A_41, %div3A_38, %dot_general3A_42 {dimension_numbers = #tpu.dot_dimension_numbers<[1], [1], [0], [0], [0, 0, 1, 0], [], []>, transpose_lhs_hint = false} : vector<1x64xf32>, vector<64x64xf32>, vector<1x64xf32> -> vector<1x64xf32>
    %get3A_44 = arith.constant 0 : index
    %get3A_45 = arith.constant 0 : index
    %get3A_46 = vector.load %arg6[%get3A_44, %get3A_45] : memref<1x1xf32, #tpu.memory_space<vmem>>, vector<1x1xf32>
    %add3A_47 = vector.broadcast %get3A_46 : vector<1x1xf32> to vector<1x64xf32>
    %add3A_48 = arith.addf %dot_general3A_43, %add3A_47 : vector<1x64xf32>
    %swap3A = arith.constant 0 : index
    %swap3A_49 = arith.constant 0 : index
    %swap3A_50 = vector.load %arg7[%swap3A, %swap3A_49] : memref<1x64xf32, #tpu.memory_space<vmem>>, vector<1x64xf32>
    tpu.vector_store %arg7[%swap3A, %swap3A_49], %add3A_48 {strides = array<i32>} : memref<1x64xf32, #tpu.memory_space<vmem>>, vector<1x64xf32>,
    return
  }
}

</mosaic_0001>

<sc_bundles>
// kernel: kernel.12.cloned.1.call-start
scs
__scs_entry_jumppad:
0x0: {  	(pc) =	sbr.rel $0x88, $3  }
0x1: {  	(tag) =	ssettag $0x0;
	lr =	simm.s32 $0x1  }
0x2: {  	[smem:$0x3F8F] =	sst lr;
	_ =	strace $0xD0000000  }
0x3: {  	_ = 	snop  }
0x4: {  	_ = 	snop  }
0x5: {  	_ = 	snop  }
0x6: {  	_ = 	snop  }
0x7: {  	_ = 	snop  }
__scs_overlays_trampoline_lowered:
0x8: {  	[smem:$0x3F9E] =	sst s0  }
0x9: {  	[smem:$0x3F9F] =	sst s1  }
0xa: {  	[smem:$0x3FA0] =	sst s2  }
0xb: {  	[smem:$0x3FA1] =	sst s3  }
0xc: {  	[smem:$0x3FA2] =	sst s4  }
0xd: {  	[smem:$0x3FA3] =	sst s5  }
0xe: {  	[smem:$0x3FA4] =	sst s6  }
0xf: {  	[smem:$0x3FA5] =	sst s7  }
0x10: {  	[smem:$0x3FA6] =	sst s8  }
0x11: {  	[smem:$0x3FA7] =	sst s9;
	s0 =	simm.s32 @!p0 $0x0  }
0x12: {  	s1 =	sld [smem:$0x3F8D];
	s0 =	simm.s32 @p0 $0x1  }
0x13: {  	[smem:$0x3FA8] =	sst s0;
	s0 =	simm.s32 @!p1 $0x0  }
0x14: {  	s2 =	sld [smem:$0x3F8C];
	s0 =	simm.s32 @p1 $0x1  }
0x15: {  	[smem:$0x3FA9] =	sst s0;
	s0 =	simm.s32 @!p2 $0x0  }
0x16: {  	s3 =	sld [smem:$0x3FDB];
	s0 =	simm.s32 @p2 $0x1  }
0x17: {  	s4 =	simm.s32 $0x1BF5;
	[smem:$0x3FAB] =	sst s0  }
0x18: {  	s0 =	sld [smem:$0x3F8E];
	_ =	swait.ge [sflag:s4], $0x0  }
0x19: {  	s7 =	sld [smem:$0x3F8F]  }
0x1a: {  	s8 =	sadd.s32 $0xFFFFE003, lr  }
0x1b: {  	s9 =	sadd.s32 $0xFFFFFEF7, lr;
	s5 =	simm.s32 $0xFFFFFFFF;
	p2 =	slt.u32 s8, $0xFFFFF086  }
0x1c: {  	p1 =	slt.u32 s9, $0xF7A;
	s5 =	simm.s32 @!p2 $0x0  }
0x1d: {  	s5 =	simm.s32 @p1 $0x1;
	p0 =	seq.s32 s7, s2  }
0x1e: {  	s7 =	smul.u32 @!p0 $0xF7A, s2;
	p2 =	seq.s32 @!p0 s5, $0x0  }
0x1f: {  	s9 =	smul.u32 $0xF7A, s1;
	s8 =	simm.s32 @!p0 $0x1BF5;
	p2 =	por !p2, p0  }
0x20: {  	[sflag:s8] =	ssyncset.s32 @!p0 $0xFFFFF086;
	s6 =	sadd.s32 @!p0 s3, s7;
	s7 =	simm.s32 @!p0 $0x108  }
0x21: {  	s3 =	sadd.s32 s3, s9;
	s6 =	sadd.s32 @!p0 $0x88, s6;
	s7 =	simm.s32 @p2 $0x1082  }
0x22: {  	[simem:s7], [sflag:s8] =	dma.local @!p0 [hbm:s6], $0xF7A  }
0x23: {  	s9 =	sor.u32 $0xD0000000, s2;
	s6 =	simm.s32 $0x108;
	_ =	swait.ge @!p0 [sflag:s8], $0x0  }
0x24: {  	s3 =	sadd.s32 $0x88, s3;
	s6 =	simm.s32 @!p1 $0x1082;
	[sflag:s4] =	ssyncset.s32 $0xFFFFF086  }
0x25: {  	[simem:s6], [sflag:s4] =	dma.local [hbm:s3], $0xF7A  }
0x26: {  	[smem:$0x3F8F] =	sst s1;
	(tag) =	ssettag s2;
	_ =	strace s9  }
0x27: {  	s1 =	sld [smem:$0x3F9F]  }
0x28: {  	s2 =	sld [smem:$0x3FA0]  }
0x29: {  	s4 =	sld [smem:$0x3FA2]  }
0x2a: {  	p0 =	seq.s32 s5, $0x0;
	s5 =	sld [smem:$0x3FA3]  }
0x2b: {  	s6 =	sld [smem:$0x3FA4]  }
0x2c: {  	s7 =	sld [smem:$0x3FA5]  }
0x2d: {  	s3 =	simm.s32 $0x108;
	s8 =	sld [smem:$0x3FA6]  }
0x2e: {  	s3 =	simm.s32 @!p0 $0x1082;
	s9 =	sld [smem:$0x3FA7]  }
0x2f: {  	lr =	sadd.s32 s0, s3;
	s0 =	sld [smem:$0x3F9E]  }
0x30: {  	s3 =	sld [smem:$0x3FA1]  }
0x31: {  	[smem:$0x3FAA] =	sst s10  }
0x32: {  	s10 =	sld [smem:$0x3FA8];
	_ =	sdelay $0x3  }
0x33: {  	p0 =	seq.s32 s10, $0x1;
	s10 =	sld [smem:$0x3FAA];
	_ =	sdelay $0x3  }
0x34: {  	[smem:$0x3FAA] =	sst s10  }
0x35: {  	s10 =	sld [smem:$0x3FA9];
	_ =	sdelay $0x3  }
0x36: {  	p1 =	seq.s32 s10, $0x1;
	s10 =	sld [smem:$0x3FAA];
	_ =	sdelay $0x3  }
0x37: {  	[smem:$0x3FAA] =	sst s10  }
0x38: {  	s10 =	sld [smem:$0x3FAB]  }
0x39: {  	_ = 	snop;
	(pc) =	sbr.ind lr, $3  }
0x3a: {  	_ = 	snop  }
0x3b: {  	_ = 	snop  }
0x3c: {  	p2 =	seq.s32 s10, $0x1;
	s10 =	sld [smem:$0x3FAA]  }
0x3d: {  	_ =	shalt  }
0x3e: {  	_ =	shalt  }
0x3f: {  	_ =	shalt  }
0x40: {  	_ =	shalt  }
0x41: {  	_ =	shalt  }
0x42: {  	_ =	shalt  }
0x43: {  	_ =	shalt  }
0x44: {  	_ =	shalt  }
0x45: {  	_ =	shalt  }
0x46: {  	_ =	shalt  }
0x47: {  	_ =	shalt  }
0x48: {  	_ =	shalt  }
0x49: {  	_ =	shalt  }
0x4a: {  	_ =	shalt  }
0x4b: {  	_ =	shalt  }
0x4c: {  	_ =	shalt  }
0x4d: {  	_ =	shalt  }
0x4e: {  	_ =	shalt  }
0x4f: {  	_ =	shalt  }
0x50: {  	_ =	shalt  }
0x51: {  	_ =	shalt  }
0x52: {  	_ =	shalt  }
0x53: {  	_ =	shalt  }
0x54: {  	_ =	shalt  }
0x55: {  	_ =	shalt  }
0x56: {  	_ =	shalt  }
0x57: {  	_ =	shalt  }
0x58: {  	_ =	shalt  }
0x59: {  	_ =	shalt  }
0x5a: {  	_ =	shalt  }
0x5b: {  	_ =	shalt  }
0x5c: {  	_ =	shalt  }
0x5d: {  	_ =	shalt  }
0x5e: {  	_ =	shalt  }
0x5f: {  	_ =	shalt  }
0x60: {  	_ =	shalt  }
0x61: {  	_ =	shalt  }
0x62: {  	_ =	shalt  }
0x63: {  	_ =	shalt  }
0x64: {  	_ =	shalt  }
0x65: {  	_ =	shalt  }
0x66: {  	_ =	shalt  }
0x67: {  	_ =	shalt  }
0x68: {  	_ =	shalt  }
0x69: {  	_ =	shalt  }
0x6a: {  	_ =	shalt  }
0x6b: {  	_ =	shalt  }
0x6c: {  	_ =	shalt  }
0x6d: {  	_ =	shalt  }
0x6e: {  	_ =	shalt  }
0x6f: {  	_ =	shalt  }
0x70: {  	_ =	shalt  }
0x71: {  	_ =	shalt  }
0x72: {  	_ =	shalt  }
0x73: {  	_ =	shalt  }
0x74: {  	_ =	shalt  }
0x75: {  	_ =	shalt  }
0x76: {  	_ =	shalt  }
0x77: {  	_ =	shalt  }
0x78: {  	_ =	shalt  }
0x79: {  	_ =	shalt  }
0x7a: {  	_ =	shalt  }
0x7b: {  	_ =	shalt  }
0x7c: {  	_ =	shalt  }
0x7d: {  	_ =	shalt  }
0x7e: {  	_ =	shalt  }
0x7f: {  	_ =	shalt  }
0x80: {  	_ =	shalt  }
0x81: {  	_ =	shalt  }
0x82: {  	_ =	shalt  }
0x83: {  	_ =	shalt  }
0x84: {  	_ =	shalt  }
0x85: {  	_ =	shalt  }
0x86: {  	_ =	shalt  }
0x87: {  	_ =	shalt  }
.Lfunc_end0:
.L_simem_size_0:
called_computation.1_lowered:
.L_overlay_start_0:
0x88: {  	s2 =	sld [smem:$0x3FD9]  }
0x89: {  	s3 =	sld [smem:$0x3FFE];
	_ =	sdelay $0x1  }
0x8a: {  	s1 =	srdreg.scid  }
0x8b: {  	s0 =	sand.u32 $0x1, s1  }
0x8c: {  	s16 =	sshll.u32 s0, $0xA;
	s2 =	sadd.s32 s3, s2  }
0x8d: {  	s2 =	sadd.s32 s2, s16  }
0x8e: {  	[smem:$0x3FB6] =	sst s2  }
0x8f: {  	_ = 	snop  }
0x90: {  	(tm) =	ssettm $0x1  }
0x91: {  	s17 =	sld [smem:$0x3FFB];
	_ =	sdelay $0x3  }
0x92: {  	_ =	strace s17  }
0x93: {  	s2 =	sld [smem:$0x3FFC];
	_ =	sdelay $0x3  }
0x94: {  	_ =	strace s2  }
0x95: {  	s2 =	sld [smem:$0x3FFD];
	_ =	sdelay $0x3  }
0x96: {  	_ =	strace s2  }
0x97: {  	_ =	strace $0x8FFFFFFF  }
0x98: {  	s18 =	sld [smem:$0x3FDB];
	_ =	sdelay $0x1  }
0x99: {  	s19 =	simm.s32 $_scs_section_size  }
0x9a: {  	s4 =	simm.s32 $_size__tile_overlayer_lowered;
	s5 =	simm.s32 $_tile_overlayer_lowered  }
0x9b: {  	s22 =	simm.s32 $0x1BFF;
	s21 =	sshll.u32 s5, $0x1;
	s2 =	sadd.s32 s19, s18  }
0x9c: {  	s6 =	simm.s32 $0x0;
	s20 =	sshll.u32 s4, $0x1;
	s4 =	sadd.s32 s21, s2  }
0x9d: {  	[timem:s6], [sflag:s22] =	dma.local [hbm:s4], s20  }
0x9e: {  	_ =	swait.ge [sflag:s22], s20  }
0x9f: {  	s3 =	ssub.s32 $0x0, s20;
	[sflag:s22] =	ssyncset.done $0x0  }
0xa0: {  	[sflag:s22] =	ssyncadd.s32 s3;
	_ =	sdelay $0x1  }
0xa1: {  	s23 =	simm.s32 $0x1B8B  }
0xa2: {  	_ =	swait.ge [sflag:s23], $0x1  }
0xa3: {  	[sflag:s23] =	ssyncset.done $0x0  }
0xa4: {  	s25 =	simm.s32 $0x1B8E;
	s24 =	sld [smem:$0x3FFE];
	[sflag:s23] =	ssyncadd.s32 $0xFFFFFFFF  }
0xa5: {  	s26 =	simm.s32 $execute0_lowered;
	[smem:$0x3FD2] =	sst s25  }
0xa6: {  	s4 =	sshll.u32 s26, $0x1;
	_ =	strace $0x80000049;
	[dreg:$0x1] =	wrdreg $0xFFFFFFFF  }
0xa7: {  	s28 =	simm.s32 $_size_execute0_lowered;
	s2 =	sadd.s32 s2, s4;
	[dreg:$0x0] =	wrdreg $0x0  }
0xa8: {  	s4 =	sshll.u32 s28, $0x1;
	[dreg:$0x2] =	wrdreg s2  }
0xa9: {  	[dreg:$0x3] =	wrdreg s4  }
0xaa: {  	[dreg:$0x4] =	wrdreg $0xC0  }
0xab: {  	_ =	task [dreg:s6], $0x5FFFF  }
0xac: {  	[dreg:$0x1] =	wrdreg $0xFFFFFFFF  }
0xad: {  	[dreg:$0x0] =	wrdreg $0x60  }
0xae: {  	[dreg:$0x2] =	wrdreg s24  }
0xaf: {  	[dreg:$0x3] =	wrdreg $0x13D300  }
0xb0: {  	[dreg:$0x4] =	wrdreg $0x9  }
0xb1: {  	_ =	task.clear_ibuf [dreg:s6], $0x5FFFF;
	_ =	strace $0x90000049  }
0xb2: {  	s29 =	simm.s32 $0x9;
	_ =	strace $0x8000004B  }
0xb3: {  	_ =	swait.ge [sflag:s29], $0x1  }
0xb4: {  	[sflag:s29] =	ssyncadd.s32 $0xFFFFFFFF  }
0xb5: {  	_ =	strace $0x9000004B  }
0xb6: {  	_ =	sfence  }
0xb7: {  	s30 =	sld [smem:$0x0];
	_ =	sdelay $0x2  }
0xb8: {  	s31 =	sshll.u32 s1, $0xD;
	s1 =	sshrl.u32 s1, $0x2  }
0xb9: {  	s3 =	sand.u32 $0x4000, s31;
	s1 =	sadd.s32 s1, s30  }
0xba: {  	s0 =	sor.u32 s3, s0;
	s1 =	sshll.u32 s1, $0x11  }
0xbb: {  	s0 =	sor.u32 s1, s0  }
0xbc: {  	s0 =	sadd.s32 $0x8F2B, s0  }
0xbd: {  	[sflag:s0] =	ssyncadd.remote.s32 $0x1  }
0xbe: {  	_ =	sfence.sel $0xFFFF  }
0xbf: {  	[dreg:$0x0] =	wrdreg $0xFFFFFFFF;
	(pc) =	sbr.abs _section_cstart, $3  }
0xc0: {  	[dreg:$0x1] =	wrdreg $0xFFFFFFFF  }
0xc1: {  	_ =	task.clear_ibuf [dreg:s6], $0x2FFFF;
	_ =	strace $0x9FFFFFFF  }
0xc2: {  	(tm) =	ssettm $0x7FFFFFFF  }
0xc3: {  	_ =	shalt  }
tec
execute0_lowered:
.L_overlay_start_1:
0x0: {  	(tag) =	ssettag $0x1  }
0x1: {  	s0 =	srdreg.scid;
	s6 =	rddreg [dreg:$0x0]  }
0x2: {  	s2 =	rddreg [dreg:$0x1];
	s3 =	simm.s32 $0x0;
	s14 =	simm.s32 $0x4  }
0x3: {  	s15 =	simm.s32 $0x1;
	s16 =	simm.s32 $0x190;
	s17 =	simm.s32 $0x7530  }
0x4: {  	s18 =	simm.s32 $0xD930;
	s19 =	simm.s32 $0x2;
	s20 =	simm.s32 $0x3  }
0x5: {  	s21 =	simm.s32 $0x4C90;
	s5 =	sand.u32 $0x1, s0;
	s0 =	stileid.u32  }
0x6: {  	s22 =	simm.s32 $0x0;
	[smem:$0x7FF] =	sst s3;
	s8 =	smul.u32 $0xA000, s0  }
0x7: {  	s4 =	sadd.s32 $0x1FE00, s6;
	s1 =	sshll.u32 s5, $0x4;
	s9 =	smul.u32 $0xA0000, s5  }
0x8: {  	s5 =	ssub.s32 $0x2, s5;
	s31 =	sshll.u32 s0, $0x6;
	s1 =	sor.u32 s0, s1  }
0x9: {  	s30 =	sshrl.u32 s5, $0x1;
	s7 =	smul.u32 $0x4E2, s1;
	s1 =	rddreg [dreg:$0x2]  }
0xa: {  	_ =	strace $0x8000004A;
	s9 =	sadd.s32 s8, s9;
	s10 =	sshrl.u32 s8, $0x3  }
0xb: {  	s12 =	ssub.s32 s5, s30;
	s13 =	sadd.s32 s8, s2;
	s9 =	sshrl.u32 s9, $0x3  }
0xc: {  	s10 =	sadd.s32 s10, s6;
	s13 =	sshrl.u32 s13, $0x3;
	s7 =	sadd.s32 s7, s6  }
0xd: {  	s11 =	sadd.s32 s9, s6;
	s8 =	sadd.s32 $0x33800, s10;
	s9 =	sor.u32 $0x1C04, s31  }
0xe: {  	s5 =	sadd.s32 $0x2400, s7;
	s6 =	sadd.s32 $0xC200, s7;
	s7 =	sadd.s32 $0x16000, s7  }
0xf: {  	s10 =	sadd.s32 $0x47800, s11;
	s11 =	smax.u32 s12, $0x1;
	s12 =	simm.s32 $0x2710  }
.LBB2_1:
0x10: {  	[tilespmem:s3], [sflag:$0x1] =	stream.linear.gather [hbm4b:s5+s3], $0x2710, $0x38;
	[tilespmem:$0x1DD30] =	vst v63  }
0x11: {  	_ = 	snop  }
0x12: {  	[tilespmem:s12], [sflag:$0x1] =	stream.linear.gather [hbm4b:s6+s3], $0x2710, $0x38;
	[tilespmem:$0x1DD30] =	vst v63  }
0x13: {  	s23 =	simm.s32 $0x4E20  }
0x14: {  	[tilespmem:s23], [sflag:$0x1] =	stream.linear.gather [hbm4b:s7+s3], $0x2710, $0x38;
	[tilespmem:$0x1DD30] =	vst v63  }
0x15: {  	[spmem:s13], [sflag:s9] =	dma.local [hbm:s8], $0x1400  }
0x16: {  	_ =	swait.ge [sflag:s14], $0x1400  }
0x17: {  	[sflag:s14] =	ssyncset.done $0x0  }
0x18: {  	[sflag:s14] =	ssyncadd.s32 $0xFFFFEC00  }
0x19: {  	_ =	swait.ge [sflag:s15], $0x2710  }
0x1a: {  	[sflag:s15] =	ssyncset.done $0x0  }
0x1b: {  	[sflag:s15] =	ssyncadd.s32 $0xFFFFD8F0  }
0x1c: {  	_ =	swait.ge [sflag:s15], $0x2710  }
0x1d: {  	[sflag:s15] =	ssyncset.done $0x0  }
0x1e: {  	[sflag:s15] =	ssyncadd.s32 $0xFFFFD8F0  }
0x1f: {  	_ =	swait.ge [sflag:s15], $0x2710  }
0x20: {  	[sflag:s15] =	ssyncset.done $0x0  }
0x21: {  	[sflag:s15] =	ssyncadd.s32 $0xFFFFD8F0  }
0x22: {  	s24 =	simm.s32 $0x4FB0;
	s25 =	simm.s32 $0x0;
	[bflag:$0x0] =	sbarrier.arrive $0xFFFF  }
0x23: {  	[tilespmem:s17], [sflag:$0x2] =	stream.indirect.gather [hbm4b:s4+s16], $0x40, s3, s16, $0xb8;
	[tilespmem:$0x1DD30] =	vst v63  }
.LBB2_2:
0x24: {  	s26 =	smul.u32 $0x320, s25;
	_ =	sdelay $0x1  }
0x25: {  	s26 =	sadd.s32 $0x190, s26  }
0x26: {  	[tilespmem:s18], [sflag:$0x3] =	stream.indirect.gather [hbm4b:s4+s16], $0x40, s26, s16, $0xb8;
	[tilespmem:$0x1DD30] =	vst v63  }
0x27: {  	_ =	swait.ge [sflag:s19], $0x6400  }
0x28: {  	s28 =	smul.u32 $0xC80, s25;
	[sflag:s19] =	ssyncset.done $0x0  }
0x29: {  	s29 =	simm.s32 $0x0;
	s30 =	simm.s32 $0x7730;
	v0 =	vmov s23;
	[sflag:s19] =	ssyncadd.s32 $0xFFFF9C00  }
.LBB2_3:
0x2a: {  	v2 =	vld [tilespmem:s30+$0xFFFFFE00]  }
0x2b: {  	v3 =	vld [tilespmem:s30+$0xFFFFFE10]  }
0x2c: {  	v4 =	vld [tilespmem:s30+$0xFFFFFE20]  }
0x2d: {  	v6 =	vld [tilespmem:s30+$0xFFFFFE30]  }
0x2e: {  	s31 =	sshra.s32 s29, $0x2;
	v7 =	vld [tilespmem:s30+$0xFFFFFE40]  }
0x2f: {  	v1 =	vld.idx.msk [tilespmem:v0+s31+$0x0 ss:$0x1], $0xffff  }
0x30: {  	v8 =	vld [tilespmem:s30+$0xFFFFFE50]  }
0x31: {  	v9 =	vld [tilespmem:s30+$0xFFFFFE60]  }
0x32: {  	v11 =	vld [tilespmem:s30+$0xFFFFFE70]  }
0x33: {  	v44 =	vld [tilespmem:s30+$0xFFFFFE80]  }
0x34: {  	v45 =	vld [tilespmem:s30+$0xFFFFFE90];
	v5 =	vbroadcast v1, $0x0  }
0x35: {  	v47 =	vld [tilespmem:s30+$0xFFFFFEA0]  }
0x36: {  	v49 =	vld [tilespmem:s30+$0xFFFFFEB0];
	v2 =	vmul.f32 v5, v2  }
0x37: {  	v50 =	vld [tilespmem:s30+$0xFFFFFEC0];
	v10 =	vbroadcast v1, $0x1;
	v3 =	vmul.f32 v3, v5  }
0x38: {  	v52 =	vld [tilespmem:s30+$0xFFFFFED0];
	[tilespmem:s30+$0xFFFFFE00] =	vst v2;
	v2 =	vmul.f32 v6, v5  }
0x39: {  	v53 =	vld [tilespmem:s30+$0xFFFFFEE0];
	[tilespmem:s30+$0xFFFFFE10] =	vst v3;
	v3 =	vmul.f32 v7, v10  }
0x3a: {  	v54 =	vld [tilespmem:s30+$0xFFFFFEF0];
	[tilespmem:s30+$0xFFFFFE30] =	vst v2;
	v2 =	vbroadcast v1, $0x2  }
0x3b: {  	v56 =	vld [tilespmem:s30+$0xFFFFFF20];
	v4 =	vmul.f32 v4, v5;
	[tilespmem:s30+$0xFFFFFE40] =	vst v3;
	v3 =	vmul.f32 v11, v10  }
0x3c: {  	v58 =	vld [tilespmem:s30+$0xFFFFFF30];
	v46 =	vmul.f32 v8, v10;
	v51 =	vmul.f32 v44, v2  }
0x3d: {  	v60 =	vld [tilespmem:s30+$0xFFFFFF50];
	v6 =	vmul.f32 v45, v2;
	[tilespmem:s30+$0xFFFFFE70] =	vst v3;
	v3 =	vbroadcast v1, $0x3  }
0x3e: {  	v61 =	vld [tilespmem:s30+$0xFFFFFF60];
	[tilespmem:s30+$0xFFFFFE20] =	vst v4;
	v7 =	vmul.f32 v47, v2;
	v2 =	vmul.f32 v49, v2  }
0x3f: {  	v28 =	vld [tilespmem:s30+$0x50];
	v62 =	vbroadcast v1, $0x5;
	v48 =	vmul.f32 v9, v10;
	[tilespmem:s30+$0xFFFFFE50] =	vst v46  }
0x40: {  	v29 =	vld [tilespmem:s30+$0x60];
	v55 =	vmul.f32 v50, v3;
	[tilespmem:s30+$0xFFFFFEB0] =	vst v2;
	v2 =	vmul.f32 v53, v3  }
0x41: {  	v59 =	vld [tilespmem:s30+$0xFFFFFF40];
	[tilespmem:s30+$0xFFFFFE60] =	vst v48;
	v5 =	vmul.f32 v52, v3;
	v3 =	vmul.f32 v54, v3  }
0x42: {  	v30 =	vbroadcast v1, $0x9;
	v14 =	vmul.f32 v60, v62;
	[tilespmem:s30+$0xFFFFFEE0] =	vst v2;
	v2 =	vld [tilespmem:s30+$0xFFFFFF00]  }
0x43: {  	v16 =	vmul.f32 v61, v62;
	[tilespmem:s30+$0xFFFFFEF0] =	vst v3;
	v3 =	vld [tilespmem:s30+$0xFFFFFF10]  }
0x44: {  	v63 =	vld [tilespmem:s30+$0xFFFFFF70];
	v57 =	vbroadcast v1, $0x4;
	v34 =	vmul.f32 v28, v30;
	[tilespmem:s30+$0xFFFFFF50] =	vst v14  }
0x45: {  	v12 =	vld [tilespmem:s30+$0xFFFFFF80];
	v36 =	vmul.f32 v29, v30;
	[tilespmem:s30+$0xFFFFFF60] =	vst v16  }
0x46: {  	v13 =	vld [tilespmem:s30+$0xFFFFFF90];
	v4 =	vmul.f32 v56, v57;
	[tilespmem:s30+$0x50] =	vst v34  }
0x47: {  	v15 =	vld [tilespmem:s30+$0xFFFFFFA0];
	[tilespmem:s30+$0x60] =	vst v36;
	v2 =	vmul.f32 v2, v57  }
0x48: {  	v24 =	vld [tilespmem:s30+$0x20];
	[tilespmem:s30+$0xFFFFFF20] =	vst v4;
	v3 =	vmul.f32 v3, v57  }
0x49: {  	v17 =	vld [tilespmem:s30+$0xFFFFFFB0];
	[tilespmem:s30+$0xFFFFFF00] =	vst v2;
	v2 =	vmul.f32 v58, v57  }
0x4a: {  	v18 =	vld [tilespmem:s30+$0xFFFFFFC0];
	[tilespmem:s30+$0xFFFFFF10] =	vst v3;
	v3 =	vmul.f32 v59, v62  }
0x4b: {  	v20 =	vld [tilespmem:s30+$0xFFFFFFD0];
	v25 =	vbroadcast v1, $0x8;
	[tilespmem:s30+$0xFFFFFF30] =	vst v2;
	v2 =	vbroadcast v1, $0x6  }
0x4c: {  	v21 =	vld [tilespmem:s30+$0xFFFFFFE0];
	[tilespmem:s30+$0xFFFFFF40] =	vst v3;
	v3 =	vmul.f32 v63, v62  }
0x4d: {  	v22 =	vld [tilespmem:s30+$0xFFFFFFF0];
	v4 =	vmul.f32 v24, v25;
	[tilespmem:s30+$0xFFFFFE90] =	vst v6;
	v19 =	vmul.f32 v12, v2  }
0x4e: {  	v6 =	vmul.f32 v13, v2;
	[tilespmem:s30+$0xFFFFFF70] =	vst v3;
	v3 =	vbroadcast v1, $0x7  }
0x4f: {  	v26 =	vld [tilespmem:s30+$0x30];
	[tilespmem:s30+$0xFFFFFEA0] =	vst v7;
	v7 =	vmul.f32 v15, v2;
	v2 =	vmul.f32 v17, v2  }
0x50: {  	v48 =	vld [tilespmem:s30+$0x150];
	[tilespmem:s30+$0x20] =	vst v4  }
0x51: {  	v44 =	vld [tilespmem:s30+$0x120];
	v23 =	vmul.f32 v18, v3;
	[tilespmem:s30+$0xFFFFFFB0] =	vst v2;
	v2 =	vmul.f32 v21, v3  }
0x52: {  	v49 =	vld [tilespmem:s30+$0x160];
	[tilespmem:s30+$0xFFFFFED0] =	vst v5;
	v5 =	vmul.f32 v20, v3;
	v3 =	vmul.f32 v22, v3  }
0x53: {  	v50 =	vbroadcast v1, $0xD;
	[tilespmem:s30+$0xFFFFFFE0] =	vst v2;
	v2 =	vld [tilespmem:s30+$0x0]  }
0x54: {  	v45 =	vbroadcast v1, $0xC;
	[tilespmem:s30+$0xFFFFFFF0] =	vst v3;
	v3 =	vld [tilespmem:s30+$0x10]  }
0x55: {  	v27 =	vld [tilespmem:s30+$0x40];
	[tilespmem:s30+$0xFFFFFE80] =	vst v51;
	v54 =	vmul.f32 v48, v50  }
0x56: {  	v31 =	vld [tilespmem:s30+$0x70];
	[tilespmem:s30+$0xFFFFFEC0] =	vst v55;
	v4 =	vmul.f32 v44, v45  }
0x57: {  	v32 =	vld [tilespmem:s30+$0x80];
	v56 =	vmul.f32 v49, v50;
	[tilespmem:s30+$0x150] =	vst v54  }
0x58: {  	v33 =	vld [tilespmem:s30+$0x90];
	[tilespmem:s30+$0x120] =	vst v4;
	v2 =	vmul.f32 v2, v25  }
0x59: {  	v35 =	vld [tilespmem:s30+$0xA0];
	[tilespmem:s30+$0x160] =	vst v56;
	v3 =	vmul.f32 v3, v25  }
0x5a: {  	v37 =	vld [tilespmem:s30+$0xB0];
	[tilespmem:s30+$0x0] =	vst v2;
	v2 =	vmul.f32 v26, v25  }
0x5b: {  	v38 =	vld [tilespmem:s30+$0xC0];
	[tilespmem:s30+$0x10] =	vst v3;
	v3 =	vmul.f32 v27, v30  }
0x5c: {  	v40 =	vld [tilespmem:s30+$0xD0];
	[tilespmem:s30+$0x30] =	vst v2;
	v2 =	vbroadcast v1, $0xA  }
0x5d: {  	v41 =	vld [tilespmem:s30+$0xE0];
	[tilespmem:s30+$0x40] =	vst v3;
	v3 =	vmul.f32 v31, v30  }
0x5e: {  	v42 =	vld [tilespmem:s30+$0xF0];
	[tilespmem:s30+$0xFFFFFF90] =	vst v6;
	v39 =	vmul.f32 v32, v2  }
0x5f: {  	v6 =	vmul.f32 v33, v2;
	[tilespmem:s30+$0x70] =	vst v3;
	v3 =	vbroadcast v1, $0xB  }
0x60: {  	[tilespmem:s30+$0xFFFFFFA0] =	vst v7;
	v7 =	vmul.f32 v35, v2;
	v2 =	vmul.f32 v37, v2  }
0x61: {  	[tilespmem:s30+$0xFFFFFF80] =	vst v19  }
0x62: {  	v43 =	vmul.f32 v38, v3;
	[tilespmem:s30+$0xB0] =	vst v2;
	v2 =	vmul.f32 v41, v3  }
0x63: {  	[tilespmem:s30+$0xFFFFFFD0] =	vst v5;
	v5 =	vmul.f32 v40, v3;
	v3 =	vmul.f32 v42, v3  }
0x64: {  	[tilespmem:s30+$0xE0] =	vst v2;
	v2 =	vld [tilespmem:s30+$0x100]  }
0x65: {  	[tilespmem:s30+$0xF0] =	vst v3;
	v3 =	vld [tilespmem:s30+$0x110]  }
0x66: {  	v46 =	vld [tilespmem:s30+$0x130];
	[tilespmem:s30+$0xFFFFFFC0] =	vst v23  }
0x67: {  	v47 =	vld [tilespmem:s30+$0x140];
	[tilespmem:s30+$0x80] =	vst v39  }
0x68: {  	[tilespmem:s30+$0x90] =	vst v6  }
0x69: {  	v51 =	vld [tilespmem:s30+$0x170];
	[tilespmem:s30+$0xA0] =	vst v7;
	v2 =	vmul.f32 v2, v45  }
0x6a: {  	v52 =	vld [tilespmem:s30+$0x180];
	[tilespmem:s30+$0xC0] =	vst v43;
	v3 =	vmul.f32 v3, v45  }
0x6b: {  	v53 =	vld [tilespmem:s30+$0x190];
	[tilespmem:s30+$0x100] =	vst v2;
	v2 =	vmul.f32 v46, v45  }
0x6c: {  	v55 =	vld [tilespmem:s30+$0x1A0];
	[tilespmem:s30+$0x110] =	vst v3;
	v3 =	vmul.f32 v47, v50  }
0x6d: {  	v57 =	vld [tilespmem:s30+$0x1B0];
	[tilespmem:s30+$0x130] =	vst v2;
	v2 =	vbroadcast v1, $0xE  }
0x6e: {  	v58 =	vld [tilespmem:s30+$0x1C0];
	[tilespmem:s30+$0x140] =	vst v3;
	v3 =	vmul.f32 v51, v50  }
0x6f: {  	v60 =	vld [tilespmem:s30+$0x1D0];
	[tilespmem:s30+$0xD0] =	vst v5;
	v59 =	vmul.f32 v52, v2  }
0x70: {  	v61 =	vld [tilespmem:s30+$0x1E0];
	v6 =	vmul.f32 v53, v2;
	[tilespmem:s30+$0x170] =	vst v3  }
0x71: {  	v62 =	vld [tilespmem:s30+$0x1F0];
	v1 =	vbroadcast v1, $0xF;
	v3 =	vmul.f32 v55, v2;
	[tilespmem:s30+$0x180] =	vst v59  }
0x72: {  	v2 =	vmul.f32 v57, v2;
	[tilespmem:s30+$0x190] =	vst v6  }
0x73: {  	p0 =	sne.s32 s29, $0x600;
	v63 =	vmul.f32 v58, v1;
	[tilespmem:s30+$0x1A0] =	vst v3  }
.Ltmp0:
0x74: {  	v3 =	vmul.f32 v60, v1;
	[tilespmem:s30+$0x1B0] =	vst v2;
	(pc) =	sbr.rel @p0 .LBB2_3-.Ltmp0, $4  }
0x75: {  	v2 =	vmul.f32 v61, v1;
	[tilespmem:s30+$0x1C0] =	vst v63  }
0x76: {  	v1 =	vmul.f32 v62, v1;
	[tilespmem:s30+$0x1D0] =	vst v3  }
0x77: {  	[tilespmem:s30+$0x1E0] =	vst v2  }
0x78: {  	s29 =	sadd.s32 $0x40, s29;
	[tilespmem:s30+$0x1F0] =	vst v1;
	s30 =	sadd.s32 $0x400, s30  }
0x79: {  	s28 =	sshra.s32 s28, $0x2  }
0x7a: {  	s29 =	sadd.s32 $0x2710, s28  }
0x7b: {  	[spmem:s2] =	stream.indirect.scatter.add.f32 [tilespmem:s17], [sflag:$0x4], $0x40, s29, s16, $0xb8;
	[tilespmem:$0x1DD30] =	vst v63  }
0x7c: {  	_ =	swait.ge [sflag:s14], $0x6400  }
0x7d: {  	[sflag:s14] =	ssyncset.done $0x0  }
0x7e: {  	s28 =	sadd.s32 $0x320, s28;
	[sflag:s14] =	ssyncadd.s32 $0xFFFF9C00  }
0x7f: {  	[tilespmem:s17], [sflag:$0x2] =	stream.indirect.gather [hbm4b:s4+s16], $0x40, s28, s16, $0xb8;
	[tilespmem:$0x1DD30] =	vst v63  }
0x80: {  	_ =	swait.ge [sflag:s20], $0x6400  }
0x81: {  	[sflag:s20] =	ssyncset.done $0x0  }
0x82: {  	v0 =	vmov s24;
	s29 =	simm.s32 $0xDB30;
	s28 =	simm.s32 $0x0;
	[sflag:s20] =	ssyncadd.s32 $0xFFFF9C00  }
.LBB2_5:
0x83: {  	v2 =	vld [tilespmem:s29+$0xFFFFFE00]  }
0x84: {  	v3 =	vld [tilespmem:s29+$0xFFFFFE10]  }
0x85: {  	v4 =	vld [tilespmem:s29+$0xFFFFFE20]  }
0x86: {  	v6 =	vld [tilespmem:s29+$0xFFFFFE30]  }
0x87: {  	s30 =	sshra.s32 s28, $0x2;
	v7 =	vld [tilespmem:s29+$0xFFFFFE40]  }
0x88: {  	v1 =	vld.idx.msk [tilespmem:v0+s30+$0x0 ss:$0x1], $0xffff  }
0x89: {  	v8 =	vld [tilespmem:s29+$0xFFFFFE50]  }
0x8a: {  	v9 =	vld [tilespmem:s29+$0xFFFFFE60]  }
0x8b: {  	v11 =	vld [tilespmem:s29+$0xFFFFFE70]  }
0x8c: {  	v44 =	vld [tilespmem:s29+$0xFFFFFE80]  }
0x8d: {  	v45 =	vld [tilespmem:s29+$0xFFFFFE90];
	v5 =	vbroadcast v1, $0x0  }
0x8e: {  	v47 =	vld [tilespmem:s29+$0xFFFFFEA0]  }
0x8f: {  	v49 =	vld [tilespmem:s29+$0xFFFFFEB0];
	v2 =	vmul.f32 v5, v2  }
0x90: {  	v50 =	vld [tilespmem:s29+$0xFFFFFEC0];
	v10 =	vbroadcast v1, $0x1;
	v3 =	vmul.f32 v3, v5  }
0x91: {  	v52 =	vld [tilespmem:s29+$0xFFFFFED0];
	[tilespmem:s29+$0xFFFFFE00] =	vst v2;
	v2 =	vmul.f32 v6, v5  }
0x92: {  	v53 =	vld [tilespmem:s29+$0xFFFFFEE0];
	[tilespmem:s29+$0xFFFFFE10] =	vst v3;
	v3 =	vmul.f32 v7, v10  }
0x93: {  	v54 =	vld [tilespmem:s29+$0xFFFFFEF0];
	[tilespmem:s29+$0xFFFFFE30] =	vst v2;
	v2 =	vbroadcast v1, $0x2  }
0x94: {  	v56 =	vld [tilespmem:s29+$0xFFFFFF20];
	v4 =	vmul.f32 v4, v5;
	[tilespmem:s29+$0xFFFFFE40] =	vst v3;
	v3 =	vmul.f32 v11, v10  }
0x95: {  	v58 =	vld [tilespmem:s29+$0xFFFFFF30];
	v46 =	vmul.f32 v8, v10;
	v51 =	vmul.f32 v44, v2  }
0x96: {  	v60 =	vld [tilespmem:s29+$0xFFFFFF50];
	v6 =	vmul.f32 v45, v2;
	[tilespmem:s29+$0xFFFFFE70] =	vst v3;
	v3 =	vbroadcast v1, $0x3  }
0x97: {  	v61 =	vld [tilespmem:s29+$0xFFFFFF60];
	[tilespmem:s29+$0xFFFFFE20] =	vst v4;
	v7 =	vmul.f32 v47, v2;
	v2 =	vmul.f32 v49, v2  }
0x98: {  	v28 =	vld [tilespmem:s29+$0x50];
	v62 =	vbroadcast v1, $0x5;
	v48 =	vmul.f32 v9, v10;
	[tilespmem:s29+$0xFFFFFE50] =	vst v46  }
0x99: {  	v29 =	vld [tilespmem:s29+$0x60];
	v55 =	vmul.f32 v50, v3;
	[tilespmem:s29+$0xFFFFFEB0] =	vst v2;
	v2 =	vmul.f32 v53, v3  }
0x9a: {  	v59 =	vld [tilespmem:s29+$0xFFFFFF40];
	[tilespmem:s29+$0xFFFFFE60] =	vst v48;
	v5 =	vmul.f32 v52, v3;
	v3 =	vmul.f32 v54, v3  }
0x9b: {  	v30 =	vbroadcast v1, $0x9;
	v14 =	vmul.f32 v60, v62;
	[tilespmem:s29+$0xFFFFFEE0] =	vst v2;
	v2 =	vld [tilespmem:s29+$0xFFFFFF00]  }
0x9c: {  	v16 =	vmul.f32 v61, v62;
	[tilespmem:s29+$0xFFFFFEF0] =	vst v3;
	v3 =	vld [tilespmem:s29+$0xFFFFFF10]  }
0x9d: {  	v63 =	vld [tilespmem:s29+$0xFFFFFF70];
	v57 =	vbroadcast v1, $0x4;
	v34 =	vmul.f32 v28, v30;
	[tilespmem:s29+$0xFFFFFF50] =	vst v14  }
0x9e: {  	v12 =	vld [tilespmem:s29+$0xFFFFFF80];
	v36 =	vmul.f32 v29, v30;
	[tilespmem:s29+$0xFFFFFF60] =	vst v16  }
0x9f: {  	v13 =	vld [tilespmem:s29+$0xFFFFFF90];
	v4 =	vmul.f32 v56, v57;
	[tilespmem:s29+$0x50] =	vst v34  }
0xa0: {  	v15 =	vld [tilespmem:s29+$0xFFFFFFA0];
	[tilespmem:s29+$0x60] =	vst v36;
	v2 =	vmul.f32 v2, v57  }
0xa1: {  	v24 =	vld [tilespmem:s29+$0x20];
	[tilespmem:s29+$0xFFFFFF20] =	vst v4;
	v3 =	vmul.f32 v3, v57  }
0xa2: {  	v17 =	vld [tilespmem:s29+$0xFFFFFFB0];
	[tilespmem:s29+$0xFFFFFF00] =	vst v2;
	v2 =	vmul.f32 v58, v57  }
0xa3: {  	v18 =	vld [tilespmem:s29+$0xFFFFFFC0];
	[tilespmem:s29+$0xFFFFFF10] =	vst v3;
	v3 =	vmul.f32 v59, v62  }
0xa4: {  	v20 =	vld [tilespmem:s29+$0xFFFFFFD0];
	v25 =	vbroadcast v1, $0x8;
	[tilespmem:s29+$0xFFFFFF30] =	vst v2;
	v2 =	vbroadcast v1, $0x6  }
0xa5: {  	v21 =	vld [tilespmem:s29+$0xFFFFFFE0];
	[tilespmem:s29+$0xFFFFFF40] =	vst v3;
	v3 =	vmul.f32 v63, v62  }
0xa6: {  	v22 =	vld [tilespmem:s29+$0xFFFFFFF0];
	v4 =	vmul.f32 v24, v25;
	[tilespmem:s29+$0xFFFFFE90] =	vst v6;
	v19 =	vmul.f32 v12, v2  }
0xa7: {  	v6 =	vmul.f32 v13, v2;
	[tilespmem:s29+$0xFFFFFF70] =	vst v3;
	v3 =	vbroadcast v1, $0x7  }
0xa8: {  	v26 =	vld [tilespmem:s29+$0x30];
	[tilespmem:s29+$0xFFFFFEA0] =	vst v7;
	v7 =	vmul.f32 v15, v2;
	v2 =	vmul.f32 v17, v2  }
0xa9: {  	v48 =	vld [tilespmem:s29+$0x150];
	[tilespmem:s29+$0x20] =	vst v4  }
0xaa: {  	v44 =	vld [tilespmem:s29+$0x120];
	v23 =	vmul.f32 v18, v3;
	[tilespmem:s29+$0xFFFFFFB0] =	vst v2;
	v2 =	vmul.f32 v21, v3  }
0xab: {  	v49 =	vld [tilespmem:s29+$0x160];
	[tilespmem:s29+$0xFFFFFED0] =	vst v5;
	v5 =	vmul.f32 v20, v3;
	v3 =	vmul.f32 v22, v3  }
0xac: {  	v50 =	vbroadcast v1, $0xD;
	[tilespmem:s29+$0xFFFFFFE0] =	vst v2;
	v2 =	vld [tilespmem:s29+$0x0]  }
0xad: {  	v45 =	vbroadcast v1, $0xC;
	[tilespmem:s29+$0xFFFFFFF0] =	vst v3;
	v3 =	vld [tilespmem:s29+$0x10]  }
0xae: {  	v27 =	vld [tilespmem:s29+$0x40];
	[tilespmem:s29+$0xFFFFFE80] =	vst v51;
	v54 =	vmul.f32 v48, v50  }
0xaf: {  	v31 =	vld [tilespmem:s29+$0x70];
	[tilespmem:s29+$0xFFFFFEC0] =	vst v55;
	v4 =	vmul.f32 v44, v45  }
0xb0: {  	v32 =	vld [tilespmem:s29+$0x80];
	v56 =	vmul.f32 v49, v50;
	[tilespmem:s29+$0x150] =	vst v54  }
0xb1: {  	v33 =	vld [tilespmem:s29+$0x90];
	[tilespmem:s29+$0x120] =	vst v4;
	v2 =	vmul.f32 v2, v25  }
0xb2: {  	v35 =	vld [tilespmem:s29+$0xA0];
	[tilespmem:s29+$0x160] =	vst v56;
	v3 =	vmul.f32 v3, v25  }
0xb3: {  	v37 =	vld [tilespmem:s29+$0xB0];
	[tilespmem:s29+$0x0] =	vst v2;
	v2 =	vmul.f32 v26, v25  }
0xb4: {  	v38 =	vld [tilespmem:s29+$0xC0];
	[tilespmem:s29+$0x10] =	vst v3;
	v3 =	vmul.f32 v27, v30  }
0xb5: {  	v40 =	vld [tilespmem:s29+$0xD0];
	[tilespmem:s29+$0x30] =	vst v2;
	v2 =	vbroadcast v1, $0xA  }
0xb6: {  	v41 =	vld [tilespmem:s29+$0xE0];
	[tilespmem:s29+$0x40] =	vst v3;
	v3 =	vmul.f32 v31, v30  }
0xb7: {  	v42 =	vld [tilespmem:s29+$0xF0];
	[tilespmem:s29+$0xFFFFFF90] =	vst v6;
	v39 =	vmul.f32 v32, v2  }
0xb8: {  	v6 =	vmul.f32 v33, v2;
	[tilespmem:s29+$0x70] =	vst v3;
	v3 =	vbroadcast v1, $0xB  }
0xb9: {  	[tilespmem:s29+$0xFFFFFFA0] =	vst v7;
	v7 =	vmul.f32 v35, v2;
	v2 =	vmul.f32 v37, v2  }
0xba: {  	[tilespmem:s29+$0xFFFFFF80] =	vst v19  }
0xbb: {  	v43 =	vmul.f32 v38, v3;
	[tilespmem:s29+$0xB0] =	vst v2;
	v2 =	vmul.f32 v41, v3  }
0xbc: {  	[tilespmem:s29+$0xFFFFFFD0] =	vst v5;
	v5 =	vmul.f32 v40, v3;
	v3 =	vmul.f32 v42, v3  }
0xbd: {  	[tilespmem:s29+$0xE0] =	vst v2;
	v2 =	vld [tilespmem:s29+$0x100]  }
0xbe: {  	[tilespmem:s29+$0xF0] =	vst v3;
	v3 =	vld [tilespmem:s29+$0x110]  }
0xbf: {  	v46 =	vld [tilespmem:s29+$0x130];
	[tilespmem:s29+$0xFFFFFFC0] =	vst v23  }
0xc0: {  	v47 =	vld [tilespmem:s29+$0x140];
	[tilespmem:s29+$0x80] =	vst v39  }
0xc1: {  	[tilespmem:s29+$0x90] =	vst v6  }
0xc2: {  	v51 =	vld [tilespmem:s29+$0x170];
	[tilespmem:s29+$0xA0] =	vst v7;
	v2 =	vmul.f32 v2, v45  }
0xc3: {  	v52 =	vld [tilespmem:s29+$0x180];
	[tilespmem:s29+$0xC0] =	vst v43;
	v3 =	vmul.f32 v3, v45  }
0xc4: {  	v53 =	vld [tilespmem:s29+$0x190];
	[tilespmem:s29+$0x100] =	vst v2;
	v2 =	vmul.f32 v46, v45  }
0xc5: {  	v55 =	vld [tilespmem:s29+$0x1A0];
	[tilespmem:s29+$0x110] =	vst v3;
	v3 =	vmul.f32 v47, v50  }
0xc6: {  	v57 =	vld [tilespmem:s29+$0x1B0];
	[tilespmem:s29+$0x130] =	vst v2;
	v2 =	vbroadcast v1, $0xE  }
0xc7: {  	v58 =	vld [tilespmem:s29+$0x1C0];
	[tilespmem:s29+$0x140] =	vst v3;
	v3 =	vmul.f32 v51, v50  }
0xc8: {  	v60 =	vld [tilespmem:s29+$0x1D0];
	[tilespmem:s29+$0xD0] =	vst v5;
	v59 =	vmul.f32 v52, v2  }
0xc9: {  	v61 =	vld [tilespmem:s29+$0x1E0];
	v6 =	vmul.f32 v53, v2;
	[tilespmem:s29+$0x170] =	vst v3  }
0xca: {  	v62 =	vld [tilespmem:s29+$0x1F0];
	v1 =	vbroadcast v1, $0xF;
	v3 =	vmul.f32 v55, v2;
	[tilespmem:s29+$0x180] =	vst v59  }
0xcb: {  	v2 =	vmul.f32 v57, v2;
	[tilespmem:s29+$0x190] =	vst v6  }
0xcc: {  	p0 =	sne.s32 s28, $0x600;
	v63 =	vmul.f32 v58, v1;
	[tilespmem:s29+$0x1A0] =	vst v3  }
.Ltmp1:
0xcd: {  	v3 =	vmul.f32 v60, v1;
	[tilespmem:s29+$0x1B0] =	vst v2;
	(pc) =	sbr.rel @p0 .LBB2_5-.Ltmp1, $4  }
0xce: {  	v2 =	vmul.f32 v61, v1;
	[tilespmem:s29+$0x1C0] =	vst v63  }
0xcf: {  	v1 =	vmul.f32 v62, v1;
	[tilespmem:s29+$0x1D0] =	vst v3  }
0xd0: {  	[tilespmem:s29+$0x1E0] =	vst v2  }
0xd1: {  	s28 =	sadd.s32 $0x40, s28;
	[tilespmem:s29+$0x1F0] =	vst v1;
	s29 =	sadd.s32 $0x400, s29  }
0xd2: {  	s25 =	sadd.s32 $0x1, s25  }
0xd3: {  	p0 =	sne.s32 s25, $0xC  }
.Ltmp2:
0xd4: {  	s26 =	sadd.s32 $0x2710, s26;
	(pc) =	sbr.rel @p0 .LBB2_2-.Ltmp2, $4  }
0xd5: {  	[spmem:s2] =	stream.indirect.scatter.add.f32 [tilespmem:s18], [sflag:$0x4], $0x40, s26, s16, $0xb8;
	[tilespmem:$0x1DD30] =	vst v63  }
0xd6: {  	_ =	swait.ge [sflag:s14], $0x6400  }
0xd7: {  	[sflag:s14] =	ssyncset.done $0x0  }
0xd8: {  	s23 =	sadd.s32 $0x320, s23;
	s24 =	sadd.s32 $0x320, s24;
	[sflag:s14] =	ssyncadd.s32 $0xFFFF9C00  }
0xd9: {  	_ =	swait.ge [sflag:s19], $0x6400  }
0xda: {  	[sflag:s19] =	ssyncset.done $0x0  }
0xdb: {  	s23 =	simm.s32 $0x0;
	s24 =	simm.s32 $0x7730;
	[sflag:s19] =	ssyncadd.s32 $0xFFFF9C00  }
.LBB2_8:
0xdc: {  	s25 =	sshra.s32 s23, $0x2  }
0xdd: {  	v0 =	vld [tilespmem:s25+$0x73A0];
	_ =	sdelay $0x1  }
0xde: {  	v1 =	vld [tilespmem:s24+$0xFFFFFE00]  }
0xdf: {  	v2 =	vld [tilespmem:s24+$0xFFFFFE10]  }
0xe0: {  	v3 =	vld [tilespmem:s24+$0xFFFFFE20]  }
0xe1: {  	v5 =	vld [tilespmem:s24+$0xFFFFFE30];
	v4 =	vbroadcast v0, $0x0  }
0xe2: {  	v6 =	vld [tilespmem:s24+$0xFFFFFE40]  }
0xe3: {  	v7 =	vld [tilespmem:s24+$0xFFFFFE50];
	v1 =	vmul.f32 v4, v1  }
0xe4: {  	v8 =	vld [tilespmem:s24+$0xFFFFFE60];
	v2 =	vmul.f32 v2, v4  }
0xe5: {  	v10 =	vld [tilespmem:s24+$0xFFFFFE70];
	v9 =	vbroadcast v0, $0x1;
	v3 =	vmul.f32 v3, v4;
	[tilespmem:s24+$0xFFFFFE00] =	vst v1  }
0xe6: {  	v14 =	vld [tilespmem:s24+$0xFFFFFE80];
	v13 =	vmul.f32 v5, v4;
	[tilespmem:s24+$0xFFFFFE10] =	vst v2  }
0xe7: {  	v16 =	vld [tilespmem:s24+$0xFFFFFE90];
	v15 =	vmul.f32 v6, v9;
	[tilespmem:s24+$0xFFFFFE20] =	vst v3  }
0xe8: {  	v18 =	vld [tilespmem:s24+$0xFFFFFEA0];
	v17 =	vmul.f32 v7, v9;
	[tilespmem:s24+$0xFFFFFE30] =	vst v13  }
0xe9: {  	v23 =	vld [tilespmem:s24+$0xFFFFFEC0];
	v19 =	vbroadcast v0, $0x2;
	v20 =	vmul.f32 v8, v9;
	[tilespmem:s24+$0xFFFFFE40] =	vst v15  }
0xea: {  	v25 =	vld [tilespmem:s24+$0xFFFFFED0];
	v22 =	vmul.f32 v10, v9;
	[tilespmem:s24+$0xFFFFFE50] =	vst v17  }
0xeb: {  	v26 =	vld [tilespmem:s24+$0xFFFFFEE0];
	v24 =	vmul.f32 v14, v19;
	[tilespmem:s24+$0xFFFFFE60] =	vst v20  }
0xec: {  	v35 =	vld [tilespmem:s24+$0xFFFFFF30];
	v27 =	vbroadcast v0, $0x3;
	v5 =	vmul.f32 v16, v19;
	[tilespmem:s24+$0xFFFFFE70] =	vst v22  }
0xed: {  	v36 =	vld [tilespmem:s24+$0xFFFFFF40];
	v6 =	vmul.f32 v18, v19;
	[tilespmem:s24+$0xFFFFFE80] =	vst v24  }
0xee: {  	v37 =	vld [tilespmem:s24+$0xFFFFFF50];
	v29 =	vmul.f32 v23, v27;
	[tilespmem:s24+$0xFFFFFE90] =	vst v5  }
0xef: {  	v38 =	vld [tilespmem:s24+$0xFFFFFF60];
	v34 =	vbroadcast v0, $0x4;
	v4 =	vmul.f32 v25, v27;
	[tilespmem:s24+$0xFFFFFEA0] =	vst v6  }
0xf0: {  	v40 =	vld [tilespmem:s24+$0xFFFFFF70];
	v39 =	vbroadcast v0, $0x5;
	v30 =	vmul.f32 v26, v27;
	[tilespmem:s24+$0xFFFFFEC0] =	vst v29  }
0xf1: {  	v42 =	vld [tilespmem:s24+$0xFFFFFF80];
	v41 =	vmul.f32 v35, v34;
	[tilespmem:s24+$0xFFFFFED0] =	vst v4  }
0xf2: {  	v51 =	vld [tilespmem:s24+$0xFFFFFFC0];
	v43 =	vmul.f32 v36, v39;
	[tilespmem:s24+$0xFFFFFEE0] =	vst v30  }
0xf3: {  	v54 =	vld [tilespmem:s24+$0xFFFFFFE0];
	v45 =	vmul.f32 v37, v39;
	[tilespmem:s24+$0xFFFFFF30] =	vst v41  }
0xf4: {  	v21 =	vld [tilespmem:s24+$0xFFFFFEB0];
	v47 =	vbroadcast v0, $0x6;
	v48 =	vmul.f32 v38, v39;
	[tilespmem:s24+$0xFFFFFF40] =	vst v43  }
0xf5: {  	v28 =	vld [tilespmem:s24+$0xFFFFFEF0];
	v55 =	vbroadcast v0, $0x7;
	v50 =	vmul.f32 v40, v39;
	[tilespmem:s24+$0xFFFFFF50] =	vst v45  }
0xf6: {  	v33 =	vld [tilespmem:s24+$0xFFFFFF20];
	v52 =	vmul.f32 v42, v47;
	[tilespmem:s24+$0xFFFFFF60] =	vst v48  }
0xf7: {  	v44 =	vld [tilespmem:s24+$0xFFFFFF90];
	v57 =	vmul.f32 v51, v55;
	[tilespmem:s24+$0xFFFFFF70] =	vst v50  }
0xf8: {  	v46 =	vld [tilespmem:s24+$0xFFFFFFA0];
	v58 =	vmul.f32 v54, v55;
	[tilespmem:s24+$0xFFFFFF80] =	vst v52  }
0xf9: {  	v53 =	vld [tilespmem:s24+$0xFFFFFFD0];
	v1 =	vmul.f32 v21, v19;
	[tilespmem:s24+$0xFFFFFFC0] =	vst v57  }
0xfa: {  	v63 =	vld [tilespmem:s24+$0x30];
	v2 =	vmul.f32 v28, v27;
	[tilespmem:s24+$0xFFFFFFE0] =	vst v58  }
0xfb: {  	v31 =	vld [tilespmem:s24+$0xFFFFFF00];
	v3 =	vmul.f32 v33, v34;
	[tilespmem:s24+$0xFFFFFEB0] =	vst v1  }
0xfc: {  	v32 =	vld [tilespmem:s24+$0xFFFFFF10];
	v5 =	vmul.f32 v44, v47;
	[tilespmem:s24+$0xFFFFFEF0] =	vst v2  }
0xfd: {  	v61 =	vld [tilespmem:s24+$0x20];
	v62 =	vbroadcast v0, $0x8;
	v6 =	vmul.f32 v46, v47;
	[tilespmem:s24+$0xFFFFFF20] =	vst v3  }
0xfe: {  	v12 =	vld [tilespmem:s24+$0x40];
	v4 =	vmul.f32 v53, v55;
	[tilespmem:s24+$0xFFFFFF90] =	vst v5  }
0xff: {  	v14 =	vld [tilespmem:s24+$0x60];
	v17 =	vmul.f32 v63, v62;
	[tilespmem:s24+$0xFFFFFFA0] =	vst v6  }
0x100: {  	v16 =	vld [tilespmem:s24+$0x70];
	v1 =	vmul.f32 v31, v34;
	[tilespmem:s24+$0xFFFFFFD0] =	vst v4  }
0x101: {  	v18 =	vld [tilespmem:s24+$0x80];
	v15 =	vbroadcast v0, $0x9;
	v2 =	vmul.f32 v32, v34;
	[tilespmem:s24+$0x30] =	vst v17  }
0x102: {  	v39 =	vld [tilespmem:s24+$0x130];
	v3 =	vmul.f32 v61, v62;
	[tilespmem:s24+$0xFFFFFF00] =	vst v1  }
0x103: {  	v42 =	vld [tilespmem:s24+$0x160];
	v19 =	vmul.f32 v12, v15;
	[tilespmem:s24+$0xFFFFFF10] =	vst v2  }
0x104: {  	v49 =	vld [tilespmem:s24+$0xFFFFFFB0];
	v23 =	vbroadcast v0, $0xA;
	v24 =	vmul.f32 v14, v15;
	[tilespmem:s24+$0x20] =	vst v3  }
0x105: {  	v56 =	vld [tilespmem:s24+$0xFFFFFFF0];
	v38 =	vbroadcast v0, $0xC;
	v26 =	vmul.f32 v16, v15;
	[tilespmem:s24+$0x40] =	vst v19  }
0x106: {  	v37 =	vld [tilespmem:s24+$0x120];
	v43 =	vbroadcast v0, $0xD;
	v28 =	vmul.f32 v18, v23;
	[tilespmem:s24+$0x60] =	vst v24  }
0x107: {  	v40 =	vld [tilespmem:s24+$0x140];
	v45 =	vmul.f32 v39, v38;
	[tilespmem:s24+$0x70] =	vst v26  }
0x108: {  	v13 =	vld [tilespmem:s24+$0x50];
	v52 =	vmul.f32 v42, v43;
	[tilespmem:s24+$0x80] =	vst v28  }
0x109: {  	v20 =	vld [tilespmem:s24+$0x90];
	v1 =	vmul.f32 v49, v47;
	[tilespmem:s24+$0x130] =	vst v45  }
0x10a: {  	v22 =	vld [tilespmem:s24+$0xA0];
	v2 =	vmul.f32 v56, v55;
	[tilespmem:s24+$0x160] =	vst v52  }
0x10b: {  	v27 =	vld [tilespmem:s24+$0xC0];
	v3 =	vmul.f32 v37, v38;
	[tilespmem:s24+$0xFFFFFFB0] =	vst v1  }
0x10c: {  	v29 =	vld [tilespmem:s24+$0xD0];
	v47 =	vmul.f32 v40, v43;
	[tilespmem:s24+$0xFFFFFFF0] =	vst v2  }
0x10d: {  	v30 =	vld [tilespmem:s24+$0xE0];
	v21 =	vmul.f32 v13, v15;
	[tilespmem:s24+$0x120] =	vst v3  }
0x10e: {  	v41 =	vld [tilespmem:s24+$0x150];
	v31 =	vbroadcast v0, $0xB;
	v5 =	vmul.f32 v20, v23;
	[tilespmem:s24+$0x140] =	vst v47  }
0x10f: {  	v44 =	vld [tilespmem:s24+$0x170];
	v6 =	vmul.f32 v22, v23;
	[tilespmem:s24+$0x50] =	vst v21  }
0x110: {  	v46 =	vld [tilespmem:s24+$0x180];
	v33 =	vmul.f32 v27, v31;
	[tilespmem:s24+$0x90] =	vst v5  }
0x111: {  	v58 =	vld [tilespmem:s24+$0x1E0];
	v4 =	vmul.f32 v29, v31;
	[tilespmem:s24+$0xA0] =	vst v6  }
0x112: {  	v59 =	vld [tilespmem:s24+$0x0];
	v34 =	vmul.f32 v30, v31;
	[tilespmem:s24+$0xC0] =	vst v33  }
0x113: {  	v60 =	vld [tilespmem:s24+$0x10];
	v51 =	vbroadcast v0, $0xE;
	v49 =	vmul.f32 v41, v43;
	[tilespmem:s24+$0xD0] =	vst v4  }
0x114: {  	v50 =	vld [tilespmem:s24+$0x1A0];
	v0 =	vbroadcast v0, $0xF;
	v54 =	vmul.f32 v44, v43;
	[tilespmem:s24+$0xE0] =	vst v34  }
0x115: {  	v57 =	vld [tilespmem:s24+$0x1D0];
	v56 =	vmul.f32 v46, v51;
	[tilespmem:s24+$0x150] =	vst v49  }
0x116: {  	v48 =	vld [tilespmem:s24+$0x190];
	v63 =	vmul.f32 v58, v0;
	[tilespmem:s24+$0x170] =	vst v54  }
0x117: {  	v25 =	vld [tilespmem:s24+$0xB0];
	v1 =	vmul.f32 v59, v62;
	[tilespmem:s24+$0x180] =	vst v56  }
0x118: {  	v32 =	vld [tilespmem:s24+$0xF0];
	v2 =	vmul.f32 v60, v62;
	[tilespmem:s24+$0x1E0] =	vst v63  }
0x119: {  	v55 =	vld [tilespmem:s24+$0x1C0];
	v59 =	vmul.f32 v50, v51;
	[tilespmem:s24+$0x0] =	vst v1  }
0x11a: {  	v35 =	vld [tilespmem:s24+$0x100];
	v62 =	vmul.f32 v57, v0;
	[tilespmem:s24+$0x10] =	vst v2  }
0x11b: {  	v36 =	vld [tilespmem:s24+$0x110];
	v5 =	vmul.f32 v48, v51;
	[tilespmem:s24+$0x1A0] =	vst v59  }
0x11c: {  	v60 =	vld [tilespmem:s24+$0x1F0];
	v1 =	vmul.f32 v25, v23;
	[tilespmem:s24+$0x1D0] =	vst v62  }
0x11d: {  	v53 =	vld [tilespmem:s24+$0x1B0];
	v2 =	vmul.f32 v32, v31;
	[tilespmem:s24+$0x190] =	vst v5  }
0x11e: {  	v61 =	vmul.f32 v55, v0;
	[tilespmem:s24+$0xB0] =	vst v1  }
0x11f: {  	p0 =	sne.s32 s23, $0x600;
	[tilespmem:s24+$0xF0] =	vst v2;
	v1 =	vmul.f32 v35, v38  }
.Ltmp3:
0x120: {  	v2 =	vmul.f32 v36, v38;
	[tilespmem:s24+$0x1C0] =	vst v61;
	(pc) =	sbr.rel @p0 .LBB2_8-.Ltmp3, $4  }
0x121: {  	v0 =	vmul.f32 v60, v0;
	[tilespmem:s24+$0x100] =	vst v1  }
0x122: {  	[tilespmem:s24+$0x110] =	vst v2;
	v1 =	vmul.f32 v53, v51  }
0x123: {  	[tilespmem:s24+$0x1F0] =	vst v0  }
0x124: {  	s23 =	sadd.s32 $0x40, s23;
	[tilespmem:s24+$0x1B0] =	vst v1;
	s24 =	sadd.s32 $0x400, s24  }
0x125: {  	[spmem:s2] =	stream.indirect.scatter.add.f32 [tilespmem:s17], [sflag:$0x4], $0x40, s21, s16, $0xb8;
	[tilespmem:$0x1DD30] =	vst v63  }
0x126: {  	_ =	swait.ge [sflag:s14], $0x6400  }
0x127: {  	s22 =	sadd.s32 $0x1, s22;
	[sflag:s14] =	ssyncset.done $0x0  }
0x128: {  	p0 =	sne.s32 s22, s11;
	[sflag:s14] =	ssyncadd.s32 $0xFFFF9C00  }
.Ltmp4:
0x129: {  	[bflag:$0x0] =	sbarrier.arrive $0xFFFF;
	(pc) =	sbr.rel @p0 .LBB2_1-.Ltmp4, $4  }
0x12a: {  	[hbm:s10], [sflag:s9] =	dma.local [spmem:s13], $0x1400  }
0x12b: {  	_ =	swait.ge [sflag:s14], $0x1400  }
0x12c: {  	[sflag:s14] =	ssyncset.done $0x0  }
0x12d: {  	[sflag:s14] =	ssyncadd.s32 $0xFFFFEC00  }
0x12e: {  	_ =	sfence.sel $0x180000  }
0x12f: {  	[bflag:$0x0] =	sbarrier.arrive $0xFFFF  }
0x130: {  	p0 =	sne.s32 s0, $0x0;
	_ =	strace $0x9000004A  }
0x131: {  	s0 =	sadd.s32 @!p0 $0x100000, s1;
	[bflag:$0x2] =	sbarrier.arrive $0xFFFF  }
0x132: {  	[sflag:s0] =	ssyncadd.tile.s32 @!p0 $0x1;
	_ =	shalt  }
.Lfunc_end2:
_tile_overlayer_lowered:
.L_overlay_start_2:
0x133: {  	(tag) =	ssettag $0x2  }
0x134: {  	s0 =	rddreg [dreg:$0x0];
	s2 =	stileid.u32  }
0x135: {  	s1 =	rddreg [dreg:$0x1];
	p0 =	sne.s32 s2, $0x0  }
0x136: {  	s3 =	rddreg [dreg:$0x2];
	[bflag:$0x3] =	sbarrier.arrive $0xFFFF;
	s2 =	simm.s32 @!p0 $0x1C04  }
0x137: {  	[timem:s3], [sflag:s2] =	dma.local @!p0 [hbm:s0], s1  }
0x138: {  	s0 =	simm.s32 @!p0 $0x4  }
0x139: {  	_ =	swait.ge @!p0 [sflag:s0], s1  }
0x13a: {  	s1 =	ssub.s32 @!p0 $0x0, s1;
	[sflag:s0] =	ssyncset.done @!p0 $0x0  }
0x13b: {  	[sflag:s0] =	ssyncadd.s32 @!p0 s1  }
0x13c: {  	[bflag:$0x3] =	sbarrier.arrive $0xFFFF  }
0x13d: {  	_ =	shalt  }

// kernel: kernel.15.cloned.1.call-start
scs
__scs_entry_jumppad:
0x0: {  	(pc) =	sbr.rel $0x88, $3  }
0x1: {  	(tag) =	ssettag $0x0;
	lr =	simm.s32 $0x1  }
0x2: {  	[smem:$0x3F8F] =	sst lr;
	_ =	strace $0xD0000000  }
0x3: {  	_ = 	snop  }
0x4: {  	_ = 	snop  }
0x5: {  	_ = 	snop  }
0x6: {  	_ = 	snop  }
0x7: {  	_ = 	snop  }
__scs_overlays_trampoline_lowered:
0x8: {  	[smem:$0x3F9E] =	sst s0  }
0x9: {  	[smem:$0x3F9F] =	sst s1  }
0xa: {  	[smem:$0x3FA0] =	sst s2  }
0xb: {  	[smem:$0x3FA1] =	sst s3  }
0xc: {  	[smem:$0x3FA2] =	sst s4  }
0xd: {  	[smem:$0x3FA3] =	sst s5  }
0xe: {  	[smem:$0x3FA4] =	sst s6  }
0xf: {  	[smem:$0x3FA5] =	sst s7  }
0x10: {  	[smem:$0x3FA6] =	sst s8  }
0x11: {  	[smem:$0x3FA7] =	sst s9;
	s0 =	simm.s32 @!p0 $0x0  }
0x12: {  	s1 =	sld [smem:$0x3F8D];
	s0 =	simm.s32 @p0 $0x1  }
0x13: {  	[smem:$0x3FA8] =	sst s0;
	s0 =	simm.s32 @!p1 $0x0  }
0x14: {  	s2 =	sld [smem:$0x3F8C];
	s0 =	simm.s32 @p1 $0x1  }
0x15: {  	[smem:$0x3FA9] =	sst s0;
	s0 =	simm.s32 @!p2 $0x0  }
0x16: {  	s3 =	sld [smem:$0x3FDB];
	s0 =	simm.s32 @p2 $0x1  }
0x17: {  	s4 =	simm.s32 $0x1BF5;
	[smem:$0x3FAB] =	sst s0  }
0x18: {  	s0 =	sld [smem:$0x3F8E];
	_ =	swait.ge [sflag:s4], $0x0  }
0x19: {  	s7 =	sld [smem:$0x3F8F]  }
0x1a: {  	s8 =	sadd.s32 $0xFFFFE003, lr  }
0x1b: {  	s9 =	sadd.s32 $0xFFFFFEF7, lr;
	s5 =	simm.s32 $0xFFFFFFFF;
	p2 =	slt.u32 s8, $0xFFFFF086  }
0x1c: {  	p1 =	slt.u32 s9, $0xF7A;
	s5 =	simm.s32 @!p2 $0x0  }
0x1d: {  	s5 =	simm.s32 @p1 $0x1;
	p0 =	seq.s32 s7, s2  }
0x1e: {  	s7 =	smul.u32 @!p0 $0xF7A, s2;
	p2 =	seq.s32 @!p0 s5, $0x0  }
0x1f: {  	s9 =	smul.u32 $0xF7A, s1;
	s8 =	simm.s32 @!p0 $0x1BF5;
	p2 =	por !p2, p0  }
0x20: {  	[sflag:s8] =	ssyncset.s32 @!p0 $0xFFFFF086;
	s6 =	sadd.s32 @!p0 s3, s7;
	s7 =	simm.s32 @!p0 $0x108  }
0x21: {  	s3 =	sadd.s32 s3, s9;
	s6 =	sadd.s32 @!p0 $0x88, s6;
	s7 =	simm.s32 @p2 $0x1082  }
0x22: {  	[simem:s7], [sflag:s8] =	dma.local @!p0 [hbm:s6], $0xF7A  }
0x23: {  	s9 =	sor.u32 $0xD0000000, s2;
	s6 =	simm.s32 $0x108;
	_ =	swait.ge @!p0 [sflag:s8], $0x0  }
0x24: {  	s3 =	sadd.s32 $0x88, s3;
	s6 =	simm.s32 @!p1 $0x1082;
	[sflag:s4] =	ssyncset.s32 $0xFFFFF086  }
0x25: {  	[simem:s6], [sflag:s4] =	dma.local [hbm:s3], $0xF7A  }
0x26: {  	[smem:$0x3F8F] =	sst s1;
	(tag) =	ssettag s2;
	_ =	strace s9  }
0x27: {  	s1 =	sld [smem:$0x3F9F]  }
0x28: {  	s2 =	sld [smem:$0x3FA0]  }
0x29: {  	s4 =	sld [smem:$0x3FA2]  }
0x2a: {  	p0 =	seq.s32 s5, $0x0;
	s5 =	sld [smem:$0x3FA3]  }
0x2b: {  	s6 =	sld [smem:$0x3FA4]  }
0x2c: {  	s7 =	sld [smem:$0x3FA5]  }
0x2d: {  	s3 =	simm.s32 $0x108;
	s8 =	sld [smem:$0x3FA6]  }
0x2e: {  	s3 =	simm.s32 @!p0 $0x1082;
	s9 =	sld [smem:$0x3FA7]  }
0x2f: {  	lr =	sadd.s32 s0, s3;
	s0 =	sld [smem:$0x3F9E]  }
0x30: {  	s3 =	sld [smem:$0x3FA1]  }
0x31: {  	[smem:$0x3FAA] =	sst s10  }
0x32: {  	s10 =	sld [smem:$0x3FA8];
	_ =	sdelay $0x3  }
0x33: {  	p0 =	seq.s32 s10, $0x1;
	s10 =	sld [smem:$0x3FAA];
	_ =	sdelay $0x3  }
0x34: {  	[smem:$0x3FAA] =	sst s10  }
0x35: {  	s10 =	sld [smem:$0x3FA9];
	_ =	sdelay $0x3  }
0x36: {  	p1 =	seq.s32 s10, $0x1;
	s10 =	sld [smem:$0x3FAA];
	_ =	sdelay $0x3  }
0x37: {  	[smem:$0x3FAA] =	sst s10  }
0x38: {  	s10 =	sld [smem:$0x3FAB]  }
0x39: {  	_ = 	snop;
	(pc) =	sbr.ind lr, $3  }
0x3a: {  	_ = 	snop  }
0x3b: {  	_ = 	snop  }
0x3c: {  	p2 =	seq.s32 s10, $0x1;
	s10 =	sld [smem:$0x3FAA]  }
0x3d: {  	_ =	shalt  }
0x3e: {  	_ =	shalt  }
0x3f: {  	_ =	shalt  }
0x40: {  	_ =	shalt  }
0x41: {  	_ =	shalt  }
0x42: {  	_ =	shalt  }
0x43: {  	_ =	shalt  }
0x44: {  	_ =	shalt  }
0x45: {  	_ =	shalt  }
0x46: {  	_ =	shalt  }
0x47: {  	_ =	shalt  }
0x48: {  	_ =	shalt  }
0x49: {  	_ =	shalt  }
0x4a: {  	_ =	shalt  }
0x4b: {  	_ =	shalt  }
0x4c: {  	_ =	shalt  }
0x4d: {  	_ =	shalt  }
0x4e: {  	_ =	shalt  }
0x4f: {  	_ =	shalt  }
0x50: {  	_ =	shalt  }
0x51: {  	_ =	shalt  }
0x52: {  	_ =	shalt  }
0x53: {  	_ =	shalt  }
0x54: {  	_ =	shalt  }
0x55: {  	_ =	shalt  }
0x56: {  	_ =	shalt  }
0x57: {  	_ =	shalt  }
0x58: {  	_ =	shalt  }
0x59: {  	_ =	shalt  }
0x5a: {  	_ =	shalt  }
0x5b: {  	_ =	shalt  }
0x5c: {  	_ =	shalt  }
0x5d: {  	_ =	shalt  }
0x5e: {  	_ =	shalt  }
0x5f: {  	_ =	shalt  }
0x60: {  	_ =	shalt  }
0x61: {  	_ =	shalt  }
0x62: {  	_ =	shalt  }
0x63: {  	_ =	shalt  }
0x64: {  	_ =	shalt  }
0x65: {  	_ =	shalt  }
0x66: {  	_ =	shalt  }
0x67: {  	_ =	shalt  }
0x68: {  	_ =	shalt  }
0x69: {  	_ =	shalt  }
0x6a: {  	_ =	shalt  }
0x6b: {  	_ =	shalt  }
0x6c: {  	_ =	shalt  }
0x6d: {  	_ =	shalt  }
0x6e: {  	_ =	shalt  }
0x6f: {  	_ =	shalt  }
0x70: {  	_ =	shalt  }
0x71: {  	_ =	shalt  }
0x72: {  	_ =	shalt  }
0x73: {  	_ =	shalt  }
0x74: {  	_ =	shalt  }
0x75: {  	_ =	shalt  }
0x76: {  	_ =	shalt  }
0x77: {  	_ =	shalt  }
0x78: {  	_ =	shalt  }
0x79: {  	_ =	shalt  }
0x7a: {  	_ =	shalt  }
0x7b: {  	_ =	shalt  }
0x7c: {  	_ =	shalt  }
0x7d: {  	_ =	shalt  }
0x7e: {  	_ =	shalt  }
0x7f: {  	_ =	shalt  }
0x80: {  	_ =	shalt  }
0x81: {  	_ =	shalt  }
0x82: {  	_ =	shalt  }
0x83: {  	_ =	shalt  }
0x84: {  	_ =	shalt  }
0x85: {  	_ =	shalt  }
0x86: {  	_ =	shalt  }
0x87: {  	_ =	shalt  }
.Lfunc_end0:
.L_simem_size_0:
called_computation.2_lowered:
.L_overlay_start_0:
0x88: {  	s2 =	sld [smem:$0x3FD9]  }
0x89: {  	s3 =	sld [smem:$0x3FFE];
	_ =	sdelay $0x1  }
0x8a: {  	s1 =	srdreg.scid  }
0x8b: {  	s0 =	sand.u32 $0x1, s1  }
0x8c: {  	s16 =	sshll.u32 s0, $0xA;
	s2 =	sadd.s32 s3, s2  }
0x8d: {  	s2 =	sadd.s32 s2, s16  }
0x8e: {  	[smem:$0x3FB6] =	sst s2  }
0x8f: {  	_ = 	snop  }
0x90: {  	(tm) =	ssettm $0x1  }
0x91: {  	s17 =	sld [smem:$0x3FFB];
	_ =	sdelay $0x3  }
0x92: {  	_ =	strace s17  }
0x93: {  	s2 =	sld [smem:$0x3FFC];
	_ =	sdelay $0x3  }
0x94: {  	_ =	strace s2  }
0x95: {  	s2 =	sld [smem:$0x3FFD];
	_ =	sdelay $0x3  }
0x96: {  	_ =	strace s2  }
0x97: {  	_ =	strace $0x8FFFFFFF  }
0x98: {  	s18 =	sld [smem:$0x3FDB];
	_ =	sdelay $0x1  }
0x99: {  	s19 =	simm.s32 $_scs_section_size  }
0x9a: {  	s4 =	simm.s32 $_size__tile_overlayer_lowered;
	s5 =	simm.s32 $_tile_overlayer_lowered  }
0x9b: {  	s22 =	simm.s32 $0x1BFF;
	s21 =	sshll.u32 s5, $0x1;
	s2 =	sadd.s32 s19, s18  }
0x9c: {  	s6 =	simm.s32 $0x0;
	s20 =	sshll.u32 s4, $0x1;
	s4 =	sadd.s32 s21, s2  }
0x9d: {  	[timem:s6], [sflag:s22] =	dma.local [hbm:s4], s20  }
0x9e: {  	_ =	swait.ge [sflag:s22], s20  }
0x9f: {  	s3 =	ssub.s32 $0x0, s20;
	[sflag:s22] =	ssyncset.done $0x0  }
0xa0: {  	[sflag:s22] =	ssyncadd.s32 s3;
	_ =	sdelay $0x1  }
0xa1: {  	s23 =	simm.s32 $0x1B8B  }
0xa2: {  	_ =	swait.ge [sflag:s23], $0x1  }
0xa3: {  	[sflag:s23] =	ssyncset.done $0x0  }
0xa4: {  	s25 =	simm.s32 $0x1B8E;
	s24 =	sld [smem:$0x3FFE];
	[sflag:s23] =	ssyncadd.s32 $0xFFFFFFFF  }
0xa5: {  	s26 =	simm.s32 $execute0_lowered;
	[smem:$0x3FD2] =	sst s25  }
0xa6: {  	s4 =	sshll.u32 s26, $0x1;
	_ =	strace $0x8000004C;
	[dreg:$0x1] =	wrdreg $0xFFFFFFFF  }
0xa7: {  	s28 =	simm.s32 $_size_execute0_lowered;
	s2 =	sadd.s32 s2, s4;
	[dreg:$0x0] =	wrdreg $0x0  }
0xa8: {  	s4 =	sshll.u32 s28, $0x1;
	[dreg:$0x2] =	wrdreg s2  }
0xa9: {  	[dreg:$0x3] =	wrdreg s4  }
0xaa: {  	[dreg:$0x4] =	wrdreg $0xC0  }
0xab: {  	_ =	task [dreg:s6], $0x5FFFF  }
0xac: {  	[dreg:$0x1] =	wrdreg $0xFFFFFFFF  }
0xad: {  	[dreg:$0x0] =	wrdreg $0x60  }
0xae: {  	[dreg:$0x2] =	wrdreg s24  }
0xaf: {  	[dreg:$0x3] =	wrdreg $0x13D300  }
0xb0: {  	[dreg:$0x4] =	wrdreg $0x9  }
0xb1: {  	_ =	task.clear_ibuf [dreg:s6], $0x5FFFF;
	_ =	strace $0x9000004C  }
0xb2: {  	s29 =	simm.s32 $0x9;
	_ =	strace $0x8000004E  }
0xb3: {  	_ =	swait.ge [sflag:s29], $0x1  }
0xb4: {  	[sflag:s29] =	ssyncadd.s32 $0xFFFFFFFF  }
0xb5: {  	_ =	strace $0x9000004E  }
0xb6: {  	_ =	sfence  }
0xb7: {  	s30 =	sld [smem:$0x0];
	_ =	sdelay $0x2  }
0xb8: {  	s31 =	sshll.u32 s1, $0xD;
	s1 =	sshrl.u32 s1, $0x2  }
0xb9: {  	s3 =	sand.u32 $0x4000, s31;
	s1 =	sadd.s32 s1, s30  }
0xba: {  	s0 =	sor.u32 s3, s0;
	s1 =	sshll.u32 s1, $0x11  }
0xbb: {  	s0 =	sor.u32 s1, s0  }
0xbc: {  	s0 =	sadd.s32 $0x8F2B, s0  }
0xbd: {  	[sflag:s0] =	ssyncadd.remote.s32 $0x1  }
0xbe: {  	_ =	sfence.sel $0xFFFF  }
0xbf: {  	[dreg:$0x0] =	wrdreg $0xFFFFFFFF;
	(pc) =	sbr.abs _section_cstart, $3  }
0xc0: {  	[dreg:$0x1] =	wrdreg $0xFFFFFFFF  }
0xc1: {  	_ =	task.clear_ibuf [dreg:s6], $0x2FFFF;
	_ =	strace $0x9FFFFFFF  }
0xc2: {  	(tm) =	ssettm $0x7FFFFFFF  }
0xc3: {  	_ =	shalt  }
tec
execute0_lowered:
.L_overlay_start_1:
0x0: {  	(tag) =	ssettag $0x1  }
0x1: {  	s0 =	srdreg.scid;
	s6 =	rddreg [dreg:$0x0]  }
0x2: {  	s2 =	rddreg [dreg:$0x1];
	s3 =	simm.s32 $0x0;
	s14 =	simm.s32 $0x4  }
0x3: {  	s15 =	simm.s32 $0x1;
	s16 =	simm.s32 $0x190;
	s17 =	simm.s32 $0x7530  }
0x4: {  	s18 =	simm.s32 $0xD930;
	s19 =	simm.s32 $0x2;
	s20 =	simm.s32 $0x3  }
0x5: {  	s21 =	simm.s32 $0x4C90;
	s5 =	sand.u32 $0x1, s0;
	s0 =	stileid.u32  }
0x6: {  	s22 =	simm.s32 $0x0;
	[smem:$0x7FF] =	sst s3;
	s8 =	smul.u32 $0xA000, s0  }
0x7: {  	s4 =	sadd.s32 $0x1FE00, s6;
	s1 =	sshll.u32 s5, $0x4;
	s9 =	smul.u32 $0xA0000, s5  }
0x8: {  	s5 =	ssub.s32 $0x2, s5;
	s31 =	sshll.u32 s0, $0x6;
	s1 =	sor.u32 s0, s1  }
0x9: {  	s30 =	sshrl.u32 s5, $0x1;
	s7 =	smul.u32 $0x4E2, s1;
	s1 =	rddreg [dreg:$0x2]  }
0xa: {  	_ =	strace $0x8000004D;
	s9 =	sadd.s32 s8, s9;
	s10 =	sshrl.u32 s8, $0x3  }
0xb: {  	s12 =	ssub.s32 s5, s30;
	s13 =	sadd.s32 s8, s2;
	s9 =	sshrl.u32 s9, $0x3  }
0xc: {  	s10 =	sadd.s32 s10, s6;
	s13 =	sshrl.u32 s13, $0x3;
	s7 =	sadd.s32 s7, s6  }
0xd: {  	s11 =	sadd.s32 s9, s6;
	s8 =	sadd.s32 $0x33800, s10;
	s9 =	sor.u32 $0x1C04, s31  }
0xe: {  	s5 =	sadd.s32 $0x2400, s7;
	s6 =	sadd.s32 $0xC200, s7;
	s7 =	sadd.s32 $0x16000, s7  }
0xf: {  	s10 =	sadd.s32 $0x47800, s11;
	s11 =	smax.u32 s12, $0x1;
	s12 =	simm.s32 $0x2710  }
.LBB2_1:
0x10: {  	[tilespmem:s3], [sflag:$0x1] =	stream.linear.gather [hbm4b:s5+s3], $0x2710, $0x38;
	[tilespmem:$0x1DD30] =	vst v63  }
0x11: {  	_ = 	snop  }
0x12: {  	[tilespmem:s12], [sflag:$0x1] =	stream.linear.gather [hbm4b:s6+s3], $0x2710, $0x38;
	[tilespmem:$0x1DD30] =	vst v63  }
0x13: {  	s23 =	simm.s32 $0x4E20  }
0x14: {  	[tilespmem:s23], [sflag:$0x1] =	stream.linear.gather [hbm4b:s7+s3], $0x2710, $0x38;
	[tilespmem:$0x1DD30] =	vst v63  }
0x15: {  	[spmem:s13], [sflag:s9] =	dma.local [hbm:s8], $0x1400  }
0x16: {  	_ =	swait.ge [sflag:s14], $0x1400  }
0x17: {  	[sflag:s14] =	ssyncset.done $0x0  }
0x18: {  	[sflag:s14] =	ssyncadd.s32 $0xFFFFEC00  }
0x19: {  	_ =	swait.ge [sflag:s15], $0x2710  }
0x1a: {  	[sflag:s15] =	ssyncset.done $0x0  }
0x1b: {  	[sflag:s15] =	ssyncadd.s32 $0xFFFFD8F0  }
0x1c: {  	_ =	swait.ge [sflag:s15], $0x2710  }
0x1d: {  	[sflag:s15] =	ssyncset.done $0x0  }
0x1e: {  	[sflag:s15] =	ssyncadd.s32 $0xFFFFD8F0  }
0x1f: {  	_ =	swait.ge [sflag:s15], $0x2710  }
0x20: {  	[sflag:s15] =	ssyncset.done $0x0  }
0x21: {  	[sflag:s15] =	ssyncadd.s32 $0xFFFFD8F0  }
0x22: {  	s24 =	simm.s32 $0x4FB0;
	s25 =	simm.s32 $0x0;
	[bflag:$0x0] =	sbarrier.arrive $0xFFFF  }
0x23: {  	[tilespmem:s17], [sflag:$0x2] =	stream.indirect.gather [hbm4b:s4+s16], $0x40, s3, s16, $0xb8;
	[tilespmem:$0x1DD30] =	vst v63  }
.LBB2_2:
0x24: {  	s26 =	smul.u32 $0x320, s25;
	_ =	sdelay $0x1  }
0x25: {  	s26 =	sadd.s32 $0x190, s26  }
0x26: {  	[tilespmem:s18], [sflag:$0x3] =	stream.indirect.gather [hbm4b:s4+s16], $0x40, s26, s16, $0xb8;
	[tilespmem:$0x1DD30] =	vst v63  }
0x27: {  	_ =	swait.ge [sflag:s19], $0x6400  }
0x28: {  	s28 =	smul.u32 $0xC80, s25;
	[sflag:s19] =	ssyncset.done $0x0  }
0x29: {  	s29 =	simm.s32 $0x0;
	s30 =	simm.s32 $0x7730;
	v0 =	vmov s23;
	[sflag:s19] =	ssyncadd.s32 $0xFFFF9C00  }
.LBB2_3:
0x2a: {  	v2 =	vld [tilespmem:s30+$0xFFFFFE00]  }
0x2b: {  	v3 =	vld [tilespmem:s30+$0xFFFFFE10]  }
0x2c: {  	v4 =	vld [tilespmem:s30+$0xFFFFFE20]  }
0x2d: {  	v6 =	vld [tilespmem:s30+$0xFFFFFE30]  }
0x2e: {  	s31 =	sshra.s32 s29, $0x2;
	v7 =	vld [tilespmem:s30+$0xFFFFFE40]  }
0x2f: {  	v1 =	vld.idx.msk [tilespmem:v0+s31+$0x0 ss:$0x1], $0xffff  }
0x30: {  	v8 =	vld [tilespmem:s30+$0xFFFFFE50]  }
0x31: {  	v9 =	vld [tilespmem:s30+$0xFFFFFE60]  }
0x32: {  	v11 =	vld [tilespmem:s30+$0xFFFFFE70]  }
0x33: {  	v44 =	vld [tilespmem:s30+$0xFFFFFE80]  }
0x34: {  	v45 =	vld [tilespmem:s30+$0xFFFFFE90];
	v5 =	vbroadcast v1, $0x0  }
0x35: {  	v47 =	vld [tilespmem:s30+$0xFFFFFEA0]  }
0x36: {  	v49 =	vld [tilespmem:s30+$0xFFFFFEB0];
	v2 =	vmul.f32 v5, v2  }
0x37: {  	v50 =	vld [tilespmem:s30+$0xFFFFFEC0];
	v10 =	vbroadcast v1, $0x1;
	v3 =	vmul.f32 v3, v5  }
0x38: {  	v52 =	vld [tilespmem:s30+$0xFFFFFED0];
	[tilespmem:s30+$0xFFFFFE00] =	vst v2;
	v2 =	vmul.f32 v6, v5  }
0x39: {  	v53 =	vld [tilespmem:s30+$0xFFFFFEE0];
	[tilespmem:s30+$0xFFFFFE10] =	vst v3;
	v3 =	vmul.f32 v7, v10  }
0x3a: {  	v54 =	vld [tilespmem:s30+$0xFFFFFEF0];
	[tilespmem:s30+$0xFFFFFE30] =	vst v2;
	v2 =	vbroadcast v1, $0x2  }
0x3b: {  	v56 =	vld [tilespmem:s30+$0xFFFFFF20];
	v4 =	vmul.f32 v4, v5;
	[tilespmem:s30+$0xFFFFFE40] =	vst v3;
	v3 =	vmul.f32 v11, v10  }
0x3c: {  	v58 =	vld [tilespmem:s30+$0xFFFFFF30];
	v46 =	vmul.f32 v8, v10;
	v51 =	vmul.f32 v44, v2  }
0x3d: {  	v60 =	vld [tilespmem:s30+$0xFFFFFF50];
	v6 =	vmul.f32 v45, v2;
	[tilespmem:s30+$0xFFFFFE70] =	vst v3;
	v3 =	vbroadcast v1, $0x3  }
0x3e: {  	v61 =	vld [tilespmem:s30+$0xFFFFFF60];
	[tilespmem:s30+$0xFFFFFE20] =	vst v4;
	v7 =	vmul.f32 v47, v2;
	v2 =	vmul.f32 v49, v2  }
0x3f: {  	v28 =	vld [tilespmem:s30+$0x50];
	v62 =	vbroadcast v1, $0x5;
	v48 =	vmul.f32 v9, v10;
	[tilespmem:s30+$0xFFFFFE50] =	vst v46  }
0x40: {  	v29 =	vld [tilespmem:s30+$0x60];
	v55 =	vmul.f32 v50, v3;
	[tilespmem:s30+$0xFFFFFEB0] =	vst v2;
	v2 =	vmul.f32 v53, v3  }
0x41: {  	v59 =	vld [tilespmem:s30+$0xFFFFFF40];
	[tilespmem:s30+$0xFFFFFE60] =	vst v48;
	v5 =	vmul.f32 v52, v3;
	v3 =	vmul.f32 v54, v3  }
0x42: {  	v30 =	vbroadcast v1, $0x9;
	v14 =	vmul.f32 v60, v62;
	[tilespmem:s30+$0xFFFFFEE0] =	vst v2;
	v2 =	vld [tilespmem:s30+$0xFFFFFF00]  }
0x43: {  	v16 =	vmul.f32 v61, v62;
	[tilespmem:s30+$0xFFFFFEF0] =	vst v3;
	v3 =	vld [tilespmem:s30+$0xFFFFFF10]  }
0x44: {  	v63 =	vld [tilespmem:s30+$0xFFFFFF70];
	v57 =	vbroadcast v1, $0x4;
	v34 =	vmul.f32 v28, v30;
	[tilespmem:s30+$0xFFFFFF50] =	vst v14  }
0x45: {  	v12 =	vld [tilespmem:s30+$0xFFFFFF80];
	v36 =	vmul.f32 v29, v30;
	[tilespmem:s30+$0xFFFFFF60] =	vst v16  }
0x46: {  	v13 =	vld [tilespmem:s30+$0xFFFFFF90];
	v4 =	vmul.f32 v56, v57;
	[tilespmem:s30+$0x50] =	vst v34  }
0x47: {  	v15 =	vld [tilespmem:s30+$0xFFFFFFA0];
	[tilespmem:s30+$0x60] =	vst v36;
	v2 =	vmul.f32 v2, v57  }
0x48: {  	v24 =	vld [tilespmem:s30+$0x20];
	[tilespmem:s30+$0xFFFFFF20] =	vst v4;
	v3 =	vmul.f32 v3, v57  }
0x49: {  	v17 =	vld [tilespmem:s30+$0xFFFFFFB0];
	[tilespmem:s30+$0xFFFFFF00] =	vst v2;
	v2 =	vmul.f32 v58, v57  }
0x4a: {  	v18 =	vld [tilespmem:s30+$0xFFFFFFC0];
	[tilespmem:s30+$0xFFFFFF10] =	vst v3;
	v3 =	vmul.f32 v59, v62  }
0x4b: {  	v20 =	vld [tilespmem:s30+$0xFFFFFFD0];
	v25 =	vbroadcast v1, $0x8;
	[tilespmem:s30+$0xFFFFFF30] =	vst v2;
	v2 =	vbroadcast v1, $0x6  }
0x4c: {  	v21 =	vld [tilespmem:s30+$0xFFFFFFE0];
	[tilespmem:s30+$0xFFFFFF40] =	vst v3;
	v3 =	vmul.f32 v63, v62  }
0x4d: {  	v22 =	vld [tilespmem:s30+$0xFFFFFFF0];
	v4 =	vmul.f32 v24, v25;
	[tilespmem:s30+$0xFFFFFE90] =	vst v6;
	v19 =	vmul.f32 v12, v2  }
0x4e: {  	v6 =	vmul.f32 v13, v2;
	[tilespmem:s30+$0xFFFFFF70] =	vst v3;
	v3 =	vbroadcast v1, $0x7  }
0x4f: {  	v26 =	vld [tilespmem:s30+$0x30];
	[tilespmem:s30+$0xFFFFFEA0] =	vst v7;
	v7 =	vmul.f32 v15, v2;
	v2 =	vmul.f32 v17, v2  }
0x50: {  	v48 =	vld [tilespmem:s30+$0x150];
	[tilespmem:s30+$0x20] =	vst v4  }
0x51: {  	v44 =	vld [tilespmem:s30+$0x120];
	v23 =	vmul.f32 v18, v3;
	[tilespmem:s30+$0xFFFFFFB0] =	vst v2;
	v2 =	vmul.f32 v21, v3  }
0x52: {  	v49 =	vld [tilespmem:s30+$0x160];
	[tilespmem:s30+$0xFFFFFED0] =	vst v5;
	v5 =	vmul.f32 v20, v3;
	v3 =	vmul.f32 v22, v3  }
0x53: {  	v50 =	vbroadcast v1, $0xD;
	[tilespmem:s30+$0xFFFFFFE0] =	vst v2;
	v2 =	vld [tilespmem:s30+$0x0]  }
0x54: {  	v45 =	vbroadcast v1, $0xC;
	[tilespmem:s30+$0xFFFFFFF0] =	vst v3;
	v3 =	vld [tilespmem:s30+$0x10]  }
0x55: {  	v27 =	vld [tilespmem:s30+$0x40];
	[tilespmem:s30+$0xFFFFFE80] =	vst v51;
	v54 =	vmul.f32 v48, v50  }
0x56: {  	v31 =	vld [tilespmem:s30+$0x70];
	[tilespmem:s30+$0xFFFFFEC0] =	vst v55;
	v4 =	vmul.f32 v44, v45  }
0x57: {  	v32 =	vld [tilespmem:s30+$0x80];
	v56 =	vmul.f32 v49, v50;
	[tilespmem:s30+$0x150] =	vst v54  }
0x58: {  	v33 =	vld [tilespmem:s30+$0x90];
	[tilespmem:s30+$0x120] =	vst v4;
	v2 =	vmul.f32 v2, v25  }
0x59: {  	v35 =	vld [tilespmem:s30+$0xA0];
	[tilespmem:s30+$0x160] =	vst v56;
	v3 =	vmul.f32 v3, v25  }
0x5a: {  	v37 =	vld [tilespmem:s30+$0xB0];
	[tilespmem:s30+$0x0] =	vst v2;
	v2 =	vmul.f32 v26, v25  }
0x5b: {  	v38 =	vld [tilespmem:s30+$0xC0];
	[tilespmem:s30+$0x10] =	vst v3;
	v3 =	vmul.f32 v27, v30  }
0x5c: {  	v40 =	vld [tilespmem:s30+$0xD0];
	[tilespmem:s30+$0x30] =	vst v2;
	v2 =	vbroadcast v1, $0xA  }
0x5d: {  	v41 =	vld [tilespmem:s30+$0xE0];
	[tilespmem:s30+$0x40] =	vst v3;
	v3 =	vmul.f32 v31, v30  }
0x5e: {  	v42 =	vld [tilespmem:s30+$0xF0];
	[tilespmem:s30+$0xFFFFFF90] =	vst v6;
	v39 =	vmul.f32 v32, v2  }
0x5f: {  	v6 =	vmul.f32 v33, v2;
	[tilespmem:s30+$0x70] =	vst v3;
	v3 =	vbroadcast v1, $0xB  }
0x60: {  	[tilespmem:s30+$0xFFFFFFA0] =	vst v7;
	v7 =	vmul.f32 v35, v2;
	v2 =	vmul.f32 v37, v2  }
0x61: {  	[tilespmem:s30+$0xFFFFFF80] =	vst v19  }
0x62: {  	v43 =	vmul.f32 v38, v3;
	[tilespmem:s30+$0xB0] =	vst v2;
	v2 =	vmul.f32 v41, v3  }
0x63: {  	[tilespmem:s30+$0xFFFFFFD0] =	vst v5;
	v5 =	vmul.f32 v40, v3;
	v3 =	vmul.f32 v42, v3  }
0x64: {  	[tilespmem:s30+$0xE0] =	vst v2;
	v2 =	vld [tilespmem:s30+$0x100]  }
0x65: {  	[tilespmem:s30+$0xF0] =	vst v3;
	v3 =	vld [tilespmem:s30+$0x110]  }
0x66: {  	v46 =	vld [tilespmem:s30+$0x130];
	[tilespmem:s30+$0xFFFFFFC0] =	vst v23  }
0x67: {  	v47 =	vld [tilespmem:s30+$0x140];
	[tilespmem:s30+$0x80] =	vst v39  }
0x68: {  	[tilespmem:s30+$0x90] =	vst v6  }
0x69: {  	v51 =	vld [tilespmem:s30+$0x170];
	[tilespmem:s30+$0xA0] =	vst v7;
	v2 =	vmul.f32 v2, v45  }
0x6a: {  	v52 =	vld [tilespmem:s30+$0x180];
	[tilespmem:s30+$0xC0] =	vst v43;
	v3 =	vmul.f32 v3, v45  }
0x6b: {  	v53 =	vld [tilespmem:s30+$0x190];
	[tilespmem:s30+$0x100] =	vst v2;
	v2 =	vmul.f32 v46, v45  }
0x6c: {  	v55 =	vld [tilespmem:s30+$0x1A0];
	[tilespmem:s30+$0x110] =	vst v3;
	v3 =	vmul.f32 v47, v50  }
0x6d: {  	v57 =	vld [tilespmem:s30+$0x1B0];
	[tilespmem:s30+$0x130] =	vst v2;
	v2 =	vbroadcast v1, $0xE  }
0x6e: {  	v58 =	vld [tilespmem:s30+$0x1C0];
	[tilespmem:s30+$0x140] =	vst v3;
	v3 =	vmul.f32 v51, v50  }
0x6f: {  	v60 =	vld [tilespmem:s30+$0x1D0];
	[tilespmem:s30+$0xD0] =	vst v5;
	v59 =	vmul.f32 v52, v2  }
0x70: {  	v61 =	vld [tilespmem:s30+$0x1E0];
	v6 =	vmul.f32 v53, v2;
	[tilespmem:s30+$0x170] =	vst v3  }
0x71: {  	v62 =	vld [tilespmem:s30+$0x1F0];
	v1 =	vbroadcast v1, $0xF;
	v3 =	vmul.f32 v55, v2;
	[tilespmem:s30+$0x180] =	vst v59  }
0x72: {  	v2 =	vmul.f32 v57, v2;
	[tilespmem:s30+$0x190] =	vst v6  }
0x73: {  	p0 =	sne.s32 s29, $0x600;
	v63 =	vmul.f32 v58, v1;
	[tilespmem:s30+$0x1A0] =	vst v3  }
.Ltmp0:
0x74: {  	v3 =	vmul.f32 v60, v1;
	[tilespmem:s30+$0x1B0] =	vst v2;
	(pc) =	sbr.rel @p0 .LBB2_3-.Ltmp0, $4  }
0x75: {  	v2 =	vmul.f32 v61, v1;
	[tilespmem:s30+$0x1C0] =	vst v63  }
0x76: {  	v1 =	vmul.f32 v62, v1;
	[tilespmem:s30+$0x1D0] =	vst v3  }
0x77: {  	[tilespmem:s30+$0x1E0] =	vst v2  }
0x78: {  	s29 =	sadd.s32 $0x40, s29;
	[tilespmem:s30+$0x1F0] =	vst v1;
	s30 =	sadd.s32 $0x400, s30  }
0x79: {  	s28 =	sshra.s32 s28, $0x2  }
0x7a: {  	s29 =	sadd.s32 $0x2710, s28  }
0x7b: {  	[spmem:s2] =	stream.indirect.scatter.add.f32 [tilespmem:s17], [sflag:$0x4], $0x40, s29, s16, $0xb8;
	[tilespmem:$0x1DD30] =	vst v63  }
0x7c: {  	_ =	swait.ge [sflag:s14], $0x6400  }
0x7d: {  	[sflag:s14] =	ssyncset.done $0x0  }
0x7e: {  	s28 =	sadd.s32 $0x320, s28;
	[sflag:s14] =	ssyncadd.s32 $0xFFFF9C00  }
0x7f: {  	[tilespmem:s17], [sflag:$0x2] =	stream.indirect.gather [hbm4b:s4+s16], $0x40, s28, s16, $0xb8;
	[tilespmem:$0x1DD30] =	vst v63  }
0x80: {  	_ =	swait.ge [sflag:s20], $0x6400  }
0x81: {  	[sflag:s20] =	ssyncset.done $0x0  }
0x82: {  	v0 =	vmov s24;
	s29 =	simm.s32 $0xDB30;
	s28 =	simm.s32 $0x0;
	[sflag:s20] =	ssyncadd.s32 $0xFFFF9C00  }
.LBB2_5:
0x83: {  	v2 =	vld [tilespmem:s29+$0xFFFFFE00]  }
0x84: {  	v3 =	vld [tilespmem:s29+$0xFFFFFE10]  }
0x85: {  	v4 =	vld [tilespmem:s29+$0xFFFFFE20]  }
0x86: {  	v6 =	vld [tilespmem:s29+$0xFFFFFE30]  }
0x87: {  	s30 =	sshra.s32 s28, $0x2;
	v7 =	vld [tilespmem:s29+$0xFFFFFE40]  }
0x88: {  	v1 =	vld.idx.msk [tilespmem:v0+s30+$0x0 ss:$0x1], $0xffff  }
0x89: {  	v8 =	vld [tilespmem:s29+$0xFFFFFE50]  }
0x8a: {  	v9 =	vld [tilespmem:s29+$0xFFFFFE60]  }
0x8b: {  	v11 =	vld [tilespmem:s29+$0xFFFFFE70]  }
0x8c: {  	v44 =	vld [tilespmem:s29+$0xFFFFFE80]  }
0x8d: {  	v45 =	vld [tilespmem:s29+$0xFFFFFE90];
	v5 =	vbroadcast v1, $0x0  }
0x8e: {  	v47 =	vld [tilespmem:s29+$0xFFFFFEA0]  }
0x8f: {  	v49 =	vld [tilespmem:s29+$0xFFFFFEB0];
	v2 =	vmul.f32 v5, v2  }
0x90: {  	v50 =	vld [tilespmem:s29+$0xFFFFFEC0];
	v10 =	vbroadcast v1, $0x1;
	v3 =	vmul.f32 v3, v5  }
0x91: {  	v52 =	vld [tilespmem:s29+$0xFFFFFED0];
	[tilespmem:s29+$0xFFFFFE00] =	vst v2;
	v2 =	vmul.f32 v6, v5  }
0x92: {  	v53 =	vld [tilespmem:s29+$0xFFFFFEE0];
	[tilespmem:s29+$0xFFFFFE10] =	vst v3;
	v3 =	vmul.f32 v7, v10  }
0x93: {  	v54 =	vld [tilespmem:s29+$0xFFFFFEF0];
	[tilespmem:s29+$0xFFFFFE30] =	vst v2;
	v2 =	vbroadcast v1, $0x2  }
0x94: {  	v56 =	vld [tilespmem:s29+$0xFFFFFF20];
	v4 =	vmul.f32 v4, v5;
	[tilespmem:s29+$0xFFFFFE40] =	vst v3;
	v3 =	vmul.f32 v11, v10  }
0x95: {  	v58 =	vld [tilespmem:s29+$0xFFFFFF30];
	v46 =	vmul.f32 v8, v10;
	v51 =	vmul.f32 v44, v2  }
0x96: {  	v60 =	vld [tilespmem:s29+$0xFFFFFF50];
	v6 =	vmul.f32 v45, v2;
	[tilespmem:s29+$0xFFFFFE70] =	vst v3;
	v3 =	vbroadcast v1, $0x3  }
0x97: {  	v61 =	vld [tilespmem:s29+$0xFFFFFF60];
	[tilespmem:s29+$0xFFFFFE20] =	vst v4;
	v7 =	vmul.f32 v47, v2;
	v2 =	vmul.f32 v49, v2  }
0x98: {  	v28 =	vld [tilespmem:s29+$0x50];
	v62 =	vbroadcast v1, $0x5;
	v48 =	vmul.f32 v9, v10;
	[tilespmem:s29+$0xFFFFFE50] =	vst v46  }
0x99: {  	v29 =	vld [tilespmem:s29+$0x60];
	v55 =	vmul.f32 v50, v3;
	[tilespmem:s29+$0xFFFFFEB0] =	vst v2;
	v2 =	vmul.f32 v53, v3  }
0x9a: {  	v59 =	vld [tilespmem:s29+$0xFFFFFF40];
	[tilespmem:s29+$0xFFFFFE60] =	vst v48;
	v5 =	vmul.f32 v52, v3;
	v3 =	vmul.f32 v54, v3  }
0x9b: {  	v30 =	vbroadcast v1, $0x9;
	v14 =	vmul.f32 v60, v62;
	[tilespmem:s29+$0xFFFFFEE0] =	vst v2;
	v2 =	vld [tilespmem:s29+$0xFFFFFF00]  }
0x9c: {  	v16 =	vmul.f32 v61, v62;
	[tilespmem:s29+$0xFFFFFEF0] =	vst v3;
	v3 =	vld [tilespmem:s29+$0xFFFFFF10]  }
0x9d: {  	v63 =	vld [tilespmem:s29+$0xFFFFFF70];
	v57 =	vbroadcast v1, $0x4;
	v34 =	vmul.f32 v28, v30;
	[tilespmem:s29+$0xFFFFFF50] =	vst v14  }
0x9e: {  	v12 =	vld [tilespmem:s29+$0xFFFFFF80];
	v36 =	vmul.f32 v29, v30;
	[tilespmem:s29+$0xFFFFFF60] =	vst v16  }
0x9f: {  	v13 =	vld [tilespmem:s29+$0xFFFFFF90];
	v4 =	vmul.f32 v56, v57;
	[tilespmem:s29+$0x50] =	vst v34  }
0xa0: {  	v15 =	vld [tilespmem:s29+$0xFFFFFFA0];
	[tilespmem:s29+$0x60] =	vst v36;
	v2 =	vmul.f32 v2, v57  }
0xa1: {  	v24 =	vld [tilespmem:s29+$0x20];
	[tilespmem:s29+$0xFFFFFF20] =	vst v4;
	v3 =	vmul.f32 v3, v57  }
0xa2: {  	v17 =	vld [tilespmem:s29+$0xFFFFFFB0];
	[tilespmem:s29+$0xFFFFFF00] =	vst v2;
	v2 =	vmul.f32 v58, v57  }
0xa3: {  	v18 =	vld [tilespmem:s29+$0xFFFFFFC0];
	[tilespmem:s29+$0xFFFFFF10] =	vst v3;
	v3 =	vmul.f32 v59, v62  }
0xa4: {  	v20 =	vld [tilespmem:s29+$0xFFFFFFD0];
	v25 =	vbroadcast v1, $0x8;
	[tilespmem:s29+$0xFFFFFF30] =	vst v2;
	v2 =	vbroadcast v1, $0x6  }
0xa5: {  	v21 =	vld [tilespmem:s29+$0xFFFFFFE0];
	[tilespmem:s29+$0xFFFFFF40] =	vst v3;
	v3 =	vmul.f32 v63, v62  }
0xa6: {  	v22 =	vld [tilespmem:s29+$0xFFFFFFF0];
	v4 =	vmul.f32 v24, v25;
	[tilespmem:s29+$0xFFFFFE90] =	vst v6;
	v19 =	vmul.f32 v12, v2  }
0xa7: {  	v6 =	vmul.f32 v13, v2;
	[tilespmem:s29+$0xFFFFFF70] =	vst v3;
	v3 =	vbroadcast v1, $0x7  }
0xa8: {  	v26 =	vld [tilespmem:s29+$0x30];
	[tilespmem:s29+$0xFFFFFEA0] =	vst v7;
	v7 =	vmul.f32 v15, v2;
	v2 =	vmul.f32 v17, v2  }
0xa9: {  	v48 =	vld [tilespmem:s29+$0x150];
	[tilespmem:s29+$0x20] =	vst v4  }
0xaa: {  	v44 =	vld [tilespmem:s29+$0x120];
	v23 =	vmul.f32 v18, v3;
	[tilespmem:s29+$0xFFFFFFB0] =	vst v2;
	v2 =	vmul.f32 v21, v3  }
0xab: {  	v49 =	vld [tilespmem:s29+$0x160];
	[tilespmem:s29+$0xFFFFFED0] =	vst v5;
	v5 =	vmul.f32 v20, v3;
	v3 =	vmul.f32 v22, v3  }
0xac: {  	v50 =	vbroadcast v1, $0xD;
	[tilespmem:s29+$0xFFFFFFE0] =	vst v2;
	v2 =	vld [tilespmem:s29+$0x0]  }
0xad: {  	v45 =	vbroadcast v1, $0xC;
	[tilespmem:s29+$0xFFFFFFF0] =	vst v3;
	v3 =	vld [tilespmem:s29+$0x10]  }
0xae: {  	v27 =	vld [tilespmem:s29+$0x40];
	[tilespmem:s29+$0xFFFFFE80] =	vst v51;
	v54 =	vmul.f32 v48, v50  }
0xaf: {  	v31 =	vld [tilespmem:s29+$0x70];
	[tilespmem:s29+$0xFFFFFEC0] =	vst v55;
	v4 =	vmul.f32 v44, v45  }
0xb0: {  	v32 =	vld [tilespmem:s29+$0x80];
	v56 =	vmul.f32 v49, v50;
	[tilespmem:s29+$0x150] =	vst v54  }
0xb1: {  	v33 =	vld [tilespmem:s29+$0x90];
	[tilespmem:s29+$0x120] =	vst v4;
	v2 =	vmul.f32 v2, v25  }
0xb2: {  	v35 =	vld [tilespmem:s29+$0xA0];
	[tilespmem:s29+$0x160] =	vst v56;
	v3 =	vmul.f32 v3, v25  }
0xb3: {  	v37 =	vld [tilespmem:s29+$0xB0];
	[tilespmem:s29+$0x0] =	vst v2;
	v2 =	vmul.f32 v26, v25  }
0xb4: {  	v38 =	vld [tilespmem:s29+$0xC0];
	[tilespmem:s29+$0x10] =	vst v3;
	v3 =	vmul.f32 v27, v30  }
0xb5: {  	v40 =	vld [tilespmem:s29+$0xD0];
	[tilespmem:s29+$0x30] =	vst v2;
	v2 =	vbroadcast v1, $0xA  }
0xb6: {  	v41 =	vld [tilespmem:s29+$0xE0];
	[tilespmem:s29+$0x40] =	vst v3;
	v3 =	vmul.f32 v31, v30  }
0xb7: {  	v42 =	vld [tilespmem:s29+$0xF0];
	[tilespmem:s29+$0xFFFFFF90] =	vst v6;
	v39 =	vmul.f32 v32, v2  }
0xb8: {  	v6 =	vmul.f32 v33, v2;
	[tilespmem:s29+$0x70] =	vst v3;
	v3 =	vbroadcast v1, $0xB  }
0xb9: {  	[tilespmem:s29+$0xFFFFFFA0] =	vst v7;
	v7 =	vmul.f32 v35, v2;
	v2 =	vmul.f32 v37, v2  }
0xba: {  	[tilespmem:s29+$0xFFFFFF80] =	vst v19  }
0xbb: {  	v43 =	vmul.f32 v38, v3;
	[tilespmem:s29+$0xB0] =	vst v2;
	v2 =	vmul.f32 v41, v3  }
0xbc: {  	[tilespmem:s29+$0xFFFFFFD0] =	vst v5;
	v5 =	vmul.f32 v40, v3;
	v3 =	vmul.f32 v42, v3  }
0xbd: {  	[tilespmem:s29+$0xE0] =	vst v2;
	v2 =	vld [tilespmem:s29+$0x100]  }
0xbe: {  	[tilespmem:s29+$0xF0] =	vst v3;
	v3 =	vld [tilespmem:s29+$0x110]  }
0xbf: {  	v46 =	vld [tilespmem:s29+$0x130];
	[tilespmem:s29+$0xFFFFFFC0] =	vst v23  }
0xc0: {  	v47 =	vld [tilespmem:s29+$0x140];
	[tilespmem:s29+$0x80] =	vst v39  }
0xc1: {  	[tilespmem:s29+$0x90] =	vst v6  }
0xc2: {  	v51 =	vld [tilespmem:s29+$0x170];
	[tilespmem:s29+$0xA0] =	vst v7;
	v2 =	vmul.f32 v2, v45  }
0xc3: {  	v52 =	vld [tilespmem:s29+$0x180];
	[tilespmem:s29+$0xC0] =	vst v43;
	v3 =	vmul.f32 v3, v45  }
0xc4: {  	v53 =	vld [tilespmem:s29+$0x190];
	[tilespmem:s29+$0x100] =	vst v2;
	v2 =	vmul.f32 v46, v45  }
0xc5: {  	v55 =	vld [tilespmem:s29+$0x1A0];
	[tilespmem:s29+$0x110] =	vst v3;
	v3 =	vmul.f32 v47, v50  }
0xc6: {  	v57 =	vld [tilespmem:s29+$0x1B0];
	[tilespmem:s29+$0x130] =	vst v2;
	v2 =	vbroadcast v1, $0xE  }
0xc7: {  	v58 =	vld [tilespmem:s29+$0x1C0];
	[tilespmem:s29+$0x140] =	vst v3;
	v3 =	vmul.f32 v51, v50  }
0xc8: {  	v60 =	vld [tilespmem:s29+$0x1D0];
	[tilespmem:s29+$0xD0] =	vst v5;
	v59 =	vmul.f32 v52, v2  }
0xc9: {  	v61 =	vld [tilespmem:s29+$0x1E0];
	v6 =	vmul.f32 v53, v2;
	[tilespmem:s29+$0x170] =	vst v3  }
0xca: {  	v62 =	vld [tilespmem:s29+$0x1F0];
	v1 =	vbroadcast v1, $0xF;
	v3 =	vmul.f32 v55, v2;
	[tilespmem:s29+$0x180] =	vst v59  }
0xcb: {  	v2 =	vmul.f32 v57, v2;
	[tilespmem:s29+$0x190] =	vst v6  }
0xcc: {  	p0 =	sne.s32 s28, $0x600;
	v63 =	vmul.f32 v58, v1;
	[tilespmem:s29+$0x1A0] =	vst v3  }
.Ltmp1:
0xcd: {  	v3 =	vmul.f32 v60, v1;
	[tilespmem:s29+$0x1B0] =	vst v2;
	(pc) =	sbr.rel @p0 .LBB2_5-.Ltmp1, $4  }
0xce: {  	v2 =	vmul.f32 v61, v1;
	[tilespmem:s29+$0x1C0] =	vst v63  }
0xcf: {  	v1 =	vmul.f32 v62, v1;
	[tilespmem:s29+$0x1D0] =	vst v3  }
0xd0: {  	[tilespmem:s29+$0x1E0] =	vst v2  }
0xd1: {  	s28 =	sadd.s32 $0x40, s28;
	[tilespmem:s29+$0x1F0] =	vst v1;
	s29 =	sadd.s32 $0x400, s29  }
0xd2: {  	s25 =	sadd.s32 $0x1, s25  }
0xd3: {  	p0 =	sne.s32 s25, $0xC  }
.Ltmp2:
0xd4: {  	s26 =	sadd.s32 $0x2710, s26;
	(pc) =	sbr.rel @p0 .LBB2_2-.Ltmp2, $4  }
0xd5: {  	[spmem:s2] =	stream.indirect.scatter.add.f32 [tilespmem:s18], [sflag:$0x4], $0x40, s26, s16, $0xb8;
	[tilespmem:$0x1DD30] =	vst v63  }
0xd6: {  	_ =	swait.ge [sflag:s14], $0x6400  }
0xd7: {  	[sflag:s14] =	ssyncset.done $0x0  }
0xd8: {  	s23 =	sadd.s32 $0x320, s23;
	s24 =	sadd.s32 $0x320, s24;
	[sflag:s14] =	ssyncadd.s32 $0xFFFF9C00  }
0xd9: {  	_ =	swait.ge [sflag:s19], $0x6400  }
0xda: {  	[sflag:s19] =	ssyncset.done $0x0  }
0xdb: {  	s23 =	simm.s32 $0x0;
	s24 =	simm.s32 $0x7730;
	[sflag:s19] =	ssyncadd.s32 $0xFFFF9C00  }
.LBB2_8:
0xdc: {  	s25 =	sshra.s32 s23, $0x2  }
0xdd: {  	v0 =	vld [tilespmem:s25+$0x73A0];
	_ =	sdelay $0x1  }
0xde: {  	v1 =	vld [tilespmem:s24+$0xFFFFFE00]  }
0xdf: {  	v2 =	vld [tilespmem:s24+$0xFFFFFE10]  }
0xe0: {  	v3 =	vld [tilespmem:s24+$0xFFFFFE20]  }
0xe1: {  	v5 =	vld [tilespmem:s24+$0xFFFFFE30];
	v4 =	vbroadcast v0, $0x0  }
0xe2: {  	v6 =	vld [tilespmem:s24+$0xFFFFFE40]  }
0xe3: {  	v7 =	vld [tilespmem:s24+$0xFFFFFE50];
	v1 =	vmul.f32 v4, v1  }
0xe4: {  	v8 =	vld [tilespmem:s24+$0xFFFFFE60];
	v2 =	vmul.f32 v2, v4  }
0xe5: {  	v10 =	vld [tilespmem:s24+$0xFFFFFE70];
	v9 =	vbroadcast v0, $0x1;
	v3 =	vmul.f32 v3, v4;
	[tilespmem:s24+$0xFFFFFE00] =	vst v1  }
0xe6: {  	v14 =	vld [tilespmem:s24+$0xFFFFFE80];
	v13 =	vmul.f32 v5, v4;
	[tilespmem:s24+$0xFFFFFE10] =	vst v2  }
0xe7: {  	v16 =	vld [tilespmem:s24+$0xFFFFFE90];
	v15 =	vmul.f32 v6, v9;
	[tilespmem:s24+$0xFFFFFE20] =	vst v3  }
0xe8: {  	v18 =	vld [tilespmem:s24+$0xFFFFFEA0];
	v17 =	vmul.f32 v7, v9;
	[tilespmem:s24+$0xFFFFFE30] =	vst v13  }
0xe9: {  	v23 =	vld [tilespmem:s24+$0xFFFFFEC0];
	v19 =	vbroadcast v0, $0x2;
	v20 =	vmul.f32 v8, v9;
	[tilespmem:s24+$0xFFFFFE40] =	vst v15  }
0xea: {  	v25 =	vld [tilespmem:s24+$0xFFFFFED0];
	v22 =	vmul.f32 v10, v9;
	[tilespmem:s24+$0xFFFFFE50] =	vst v17  }
0xeb: {  	v26 =	vld [tilespmem:s24+$0xFFFFFEE0];
	v24 =	vmul.f32 v14, v19;
	[tilespmem:s24+$0xFFFFFE60] =	vst v20  }
0xec: {  	v35 =	vld [tilespmem:s24+$0xFFFFFF30];
	v27 =	vbroadcast v0, $0x3;
	v5 =	vmul.f32 v16, v19;
	[tilespmem:s24+$0xFFFFFE70] =	vst v22  }
0xed: {  	v36 =	vld [tilespmem:s24+$0xFFFFFF40];
	v6 =	vmul.f32 v18, v19;
	[tilespmem:s24+$0xFFFFFE80] =	vst v24  }
0xee: {  	v37 =	vld [tilespmem:s24+$0xFFFFFF50];
	v29 =	vmul.f32 v23, v27;
	[tilespmem:s24+$0xFFFFFE90] =	vst v5  }
0xef: {  	v38 =	vld [tilespmem:s24+$0xFFFFFF60];
	v34 =	vbroadcast v0, $0x4;
	v4 =	vmul.f32 v25, v27;
	[tilespmem:s24+$0xFFFFFEA0] =	vst v6  }
0xf0: {  	v40 =	vld [tilespmem:s24+$0xFFFFFF70];
	v39 =	vbroadcast v0, $0x5;
	v30 =	vmul.f32 v26, v27;
	[tilespmem:s24+$0xFFFFFEC0] =	vst v29  }
0xf1: {  	v42 =	vld [tilespmem:s24+$0xFFFFFF80];
	v41 =	vmul.f32 v35, v34;
	[tilespmem:s24+$0xFFFFFED0] =	vst v4  }
0xf2: {  	v51 =	vld [tilespmem:s24+$0xFFFFFFC0];
	v43 =	vmul.f32 v36, v39;
	[tilespmem:s24+$0xFFFFFEE0] =	vst v30  }
0xf3: {  	v54 =	vld [tilespmem:s24+$0xFFFFFFE0];
	v45 =	vmul.f32 v37, v39;
	[tilespmem:s24+$0xFFFFFF30] =	vst v41  }
0xf4: {  	v21 =	vld [tilespmem:s24+$0xFFFFFEB0];
	v47 =	vbroadcast v0, $0x6;
	v48 =	vmul.f32 v38, v39;
	[tilespmem:s24+$0xFFFFFF40] =	vst v43  }
0xf5: {  	v28 =	vld [tilespmem:s24+$0xFFFFFEF0];
	v55 =	vbroadcast v0, $0x7;
	v50 =	vmul.f32 v40, v39;
	[tilespmem:s24+$0xFFFFFF50] =	vst v45  }
0xf6: {  	v33 =	vld [tilespmem:s24+$0xFFFFFF20];
	v52 =	vmul.f32 v42, v47;
	[tilespmem:s24+$0xFFFFFF60] =	vst v48  }
0xf7: {  	v44 =	vld [tilespmem:s24+$0xFFFFFF90];
	v57 =	vmul.f32 v51, v55;
	[tilespmem:s24+$0xFFFFFF70] =	vst v50  }
0xf8: {  	v46 =	vld [tilespmem:s24+$0xFFFFFFA0];
	v58 =	vmul.f32 v54, v55;
	[tilespmem:s24+$0xFFFFFF80] =	vst v52  }
0xf9: {  	v53 =	vld [tilespmem:s24+$0xFFFFFFD0];
	v1 =	vmul.f32 v21, v19;
	[tilespmem:s24+$0xFFFFFFC0] =	vst v57  }
0xfa: {  	v63 =	vld [tilespmem:s24+$0x30];
	v2 =	vmul.f32 v28, v27;
	[tilespmem:s24+$0xFFFFFFE0] =	vst v58  }
0xfb: {  	v31 =	vld [tilespmem:s24+$0xFFFFFF00];
	v3 =	vmul.f32 v33, v34;
	[tilespmem:s24+$0xFFFFFEB0] =	vst v1  }
0xfc: {  	v32 =	vld [tilespmem:s24+$0xFFFFFF10];
	v5 =	vmul.f32 v44, v47;
	[tilespmem:s24+$0xFFFFFEF0] =	vst v2  }
0xfd: {  	v61 =	vld [tilespmem:s24+$0x20];
	v62 =	vbroadcast v0, $0x8;
	v6 =	vmul.f32 v46, v47;
	[tilespmem:s24+$0xFFFFFF20] =	vst v3  }
0xfe: {  	v12 =	vld [tilespmem:s24+$0x40];
	v4 =	vmul.f32 v53, v55;
	[tilespmem:s24+$0xFFFFFF90] =	vst v5  }
0xff: {  	v14 =	vld [tilespmem:s24+$0x60];
	v17 =	vmul.f32 v63, v62;
	[tilespmem:s24+$0xFFFFFFA0] =	vst v6  }
0x100: {  	v16 =	vld [tilespmem:s24+$0x70];
	v1 =	vmul.f32 v31, v34;
	[tilespmem:s24+$0xFFFFFFD0] =	vst v4  }
0x101: {  	v18 =	vld [tilespmem:s24+$0x80];
	v15 =	vbroadcast v0, $0x9;
	v2 =	vmul.f32 v32, v34;
	[tilespmem:s24+$0x30] =	vst v17  }
0x102: {  	v39 =	vld [tilespmem:s24+$0x130];
	v3 =	vmul.f32 v61, v62;
	[tilespmem:s24+$0xFFFFFF00] =	vst v1  }
0x103: {  	v42 =	vld [tilespmem:s24+$0x160];
	v19 =	vmul.f32 v12, v15;
	[tilespmem:s24+$0xFFFFFF10] =	vst v2  }
0x104: {  	v49 =	vld [tilespmem:s24+$0xFFFFFFB0];
	v23 =	vbroadcast v0, $0xA;
	v24 =	vmul.f32 v14, v15;
	[tilespmem:s24+$0x20] =	vst v3  }
0x105: {  	v56 =	vld [tilespmem:s24+$0xFFFFFFF0];
	v38 =	vbroadcast v0, $0xC;
	v26 =	vmul.f32 v16, v15;
	[tilespmem:s24+$0x40] =	vst v19  }
0x106: {  	v37 =	vld [tilespmem:s24+$0x120];
	v43 =	vbroadcast v0, $0xD;
	v28 =	vmul.f32 v18, v23;
	[tilespmem:s24+$0x60] =	vst v24  }
0x107: {  	v40 =	vld [tilespmem:s24+$0x140];
	v45 =	vmul.f32 v39, v38;
	[tilespmem:s24+$0x70] =	vst v26  }
0x108: {  	v13 =	vld [tilespmem:s24+$0x50];
	v52 =	vmul.f32 v42, v43;
	[tilespmem:s24+$0x80] =	vst v28  }
0x109: {  	v20 =	vld [tilespmem:s24+$0x90];
	v1 =	vmul.f32 v49, v47;
	[tilespmem:s24+$0x130] =	vst v45  }
0x10a: {  	v22 =	vld [tilespmem:s24+$0xA0];
	v2 =	vmul.f32 v56, v55;
	[tilespmem:s24+$0x160] =	vst v52  }
0x10b: {  	v27 =	vld [tilespmem:s24+$0xC0];
	v3 =	vmul.f32 v37, v38;
	[tilespmem:s24+$0xFFFFFFB0] =	vst v1  }
0x10c: {  	v29 =	vld [tilespmem:s24+$0xD0];
	v47 =	vmul.f32 v40, v43;
	[tilespmem:s24+$0xFFFFFFF0] =	vst v2  }
0x10d: {  	v30 =	vld [tilespmem:s24+$0xE0];
	v21 =	vmul.f32 v13, v15;
	[tilespmem:s24+$0x120] =	vst v3  }
0x10e: {  	v41 =	vld [tilespmem:s24+$0x150];
	v31 =	vbroadcast v0, $0xB;
	v5 =	vmul.f32 v20, v23;
	[tilespmem:s24+$0x140] =	vst v47  }
0x10f: {  	v44 =	vld [tilespmem:s24+$0x170];
	v6 =	vmul.f32 v22, v23;
	[tilespmem:s24+$0x50] =	vst v21  }
0x110: {  	v46 =	vld [tilespmem:s24+$0x180];
	v33 =	vmul.f32 v27, v31;
	[tilespmem:s24+$0x90] =	vst v5  }
0x111: {  	v58 =	vld [tilespmem:s24+$0x1E0];
	v4 =	vmul.f32 v29, v31;
	[tilespmem:s24+$0xA0] =	vst v6  }
0x112: {  	v59 =	vld [tilespmem:s24+$0x0];
	v34 =	vmul.f32 v30, v31;
	[tilespmem:s24+$0xC0] =	vst v33  }
0x113: {  	v60 =	vld [tilespmem:s24+$0x10];
	v51 =	vbroadcast v0, $0xE;
	v49 =	vmul.f32 v41, v43;
	[tilespmem:s24+$0xD0] =	vst v4  }
0x114: {  	v50 =	vld [tilespmem:s24+$0x1A0];
	v0 =	vbroadcast v0, $0xF;
	v54 =	vmul.f32 v44, v43;
	[tilespmem:s24+$0xE0] =	vst v34  }
0x115: {  	v57 =	vld [tilespmem:s24+$0x1D0];
	v56 =	vmul.f32 v46, v51;
	[tilespmem:s24+$0x150] =	vst v49  }
0x116: {  	v48 =	vld [tilespmem:s24+$0x190];
	v63 =	vmul.f32 v58, v0;
	[tilespmem:s24+$0x170] =	vst v54  }
0x117: {  	v25 =	vld [tilespmem:s24+$0xB0];
	v1 =	vmul.f32 v59, v62;
	[tilespmem:s24+$0x180] =	vst v56  }
0x118: {  	v32 =	vld [tilespmem:s24+$0xF0];
	v2 =	vmul.f32 v60, v62;
	[tilespmem:s24+$0x1E0] =	vst v63  }
0x119: {  	v55 =	vld [tilespmem:s24+$0x1C0];
	v59 =	vmul.f32 v50, v51;
	[tilespmem:s24+$0x0] =	vst v1  }
0x11a: {  	v35 =	vld [tilespmem:s24+$0x100];
	v62 =	vmul.f32 v57, v0;
	[tilespmem:s24+$0x10] =	vst v2  }
0x11b: {  	v36 =	vld [tilespmem:s24+$0x110];
	v5 =	vmul.f32 v48, v51;
	[tilespmem:s24+$0x1A0] =	vst v59  }
0x11c: {  	v60 =	vld [tilespmem:s24+$0x1F0];
	v1 =	vmul.f32 v25, v23;
	[tilespmem:s24+$0x1D0] =	vst v62  }
0x11d: {  	v53 =	vld [tilespmem:s24+$0x1B0];
	v2 =	vmul.f32 v32, v31;
	[tilespmem:s24+$0x190] =	vst v5  }
0x11e: {  	v61 =	vmul.f32 v55, v0;
	[tilespmem:s24+$0xB0] =	vst v1  }
0x11f: {  	p0 =	sne.s32 s23, $0x600;
	[tilespmem:s24+$0xF0] =	vst v2;
	v1 =	vmul.f32 v35, v38  }
.Ltmp3:
0x120: {  	v2 =	vmul.f32 v36, v38;
	[tilespmem:s24+$0x1C0] =	vst v61;
	(pc) =	sbr.rel @p0 .LBB2_8-.Ltmp3, $4  }
0x121: {  	v0 =	vmul.f32 v60, v0;
	[tilespmem:s24+$0x100] =	vst v1  }
0x122: {  	[tilespmem:s24+$0x110] =	vst v2;
	v1 =	vmul.f32 v53, v51  }
0x123: {  	[tilespmem:s24+$0x1F0] =	vst v0  }
0x124: {  	s23 =	sadd.s32 $0x40, s23;
	[tilespmem:s24+$0x1B0] =	vst v1;
	s24 =	sadd.s32 $0x400, s24  }
0x125: {  	[spmem:s2] =	stream.indirect.scatter.add.f32 [tilespmem:s17], [sflag:$0x4], $0x40, s21, s16, $0xb8;
	[tilespmem:$0x1DD30] =	vst v63  }
0x126: {  	_ =	swait.ge [sflag:s14], $0x6400  }
0x127: {  	s22 =	sadd.s32 $0x1, s22;
	[sflag:s14] =	ssyncset.done $0x0  }
0x128: {  	p0 =	sne.s32 s22, s11;
	[sflag:s14] =	ssyncadd.s32 $0xFFFF9C00  }
.Ltmp4:
0x129: {  	[bflag:$0x0] =	sbarrier.arrive $0xFFFF;
	(pc) =	sbr.rel @p0 .LBB2_1-.Ltmp4, $4  }
0x12a: {  	[hbm:s10], [sflag:s9] =	dma.local [spmem:s13], $0x1400  }
0x12b: {  	_ =	swait.ge [sflag:s14], $0x1400  }
0x12c: {  	[sflag:s14] =	ssyncset.done $0x0  }
0x12d: {  	[sflag:s14] =	ssyncadd.s32 $0xFFFFEC00  }
0x12e: {  	_ =	sfence.sel $0x180000  }
0x12f: {  	[bflag:$0x0] =	sbarrier.arrive $0xFFFF  }
0x130: {  	p0 =	sne.s32 s0, $0x0;
	_ =	strace $0x9000004D  }
0x131: {  	s0 =	sadd.s32 @!p0 $0x100000, s1;
	[bflag:$0x2] =	sbarrier.arrive $0xFFFF  }
0x132: {  	[sflag:s0] =	ssyncadd.tile.s32 @!p0 $0x1;
	_ =	shalt  }
.Lfunc_end2:
_tile_overlayer_lowered:
.L_overlay_start_2:
0x133: {  	(tag) =	ssettag $0x2  }
0x134: {  	s0 =	rddreg [dreg:$0x0];
	s2 =	stileid.u32  }
0x135: {  	s1 =	rddreg [dreg:$0x1];
	p0 =	sne.s32 s2, $0x0  }
0x136: {  	s3 =	rddreg [dreg:$0x2];
	[bflag:$0x3] =	sbarrier.arrive $0xFFFF;
	s2 =	simm.s32 @!p0 $0x1C04  }
0x137: {  	[timem:s3], [sflag:s2] =	dma.local @!p0 [hbm:s0], s1  }
0x138: {  	s0 =	simm.s32 @!p0 $0x4  }
0x139: {  	_ =	swait.ge @!p0 [sflag:s0], s1  }
0x13a: {  	s1 =	ssub.s32 @!p0 $0x0, s1;
	[sflag:s0] =	ssyncset.done @!p0 $0x0  }
0x13b: {  	[sflag:s0] =	ssyncadd.s32 @!p0 s1  }
0x13c: {  	[bflag:$0x3] =	sbarrier.arrive $0xFFFF  }
0x13d: {  	_ =	shalt  }

// kernel: kernel.9.cloned.1.call-start
scs
__scs_entry_jumppad:
0x0: {  	(pc) =	sbr.rel $0x88, $3  }
0x1: {  	(tag) =	ssettag $0x0;
	lr =	simm.s32 $0x1  }
0x2: {  	[smem:$0x3F8F] =	sst lr;
	_ =	strace $0xD0000000  }
0x3: {  	_ = 	snop  }
0x4: {  	_ = 	snop  }
0x5: {  	_ = 	snop  }
0x6: {  	_ = 	snop  }
0x7: {  	_ = 	snop  }
__scs_overlays_trampoline_lowered:
0x8: {  	[smem:$0x3F9E] =	sst s0  }
0x9: {  	[smem:$0x3F9F] =	sst s1  }
0xa: {  	[smem:$0x3FA0] =	sst s2  }
0xb: {  	[smem:$0x3FA1] =	sst s3  }
0xc: {  	[smem:$0x3FA2] =	sst s4  }
0xd: {  	[smem:$0x3FA3] =	sst s5  }
0xe: {  	[smem:$0x3FA4] =	sst s6  }
0xf: {  	[smem:$0x3FA5] =	sst s7  }
0x10: {  	[smem:$0x3FA6] =	sst s8  }
0x11: {  	[smem:$0x3FA7] =	sst s9;
	s0 =	simm.s32 @!p0 $0x0  }
0x12: {  	s1 =	sld [smem:$0x3F8D];
	s0 =	simm.s32 @p0 $0x1  }
0x13: {  	[smem:$0x3FA8] =	sst s0;
	s0 =	simm.s32 @!p1 $0x0  }
0x14: {  	s2 =	sld [smem:$0x3F8C];
	s0 =	simm.s32 @p1 $0x1  }
0x15: {  	[smem:$0x3FA9] =	sst s0;
	s0 =	simm.s32 @!p2 $0x0  }
0x16: {  	s3 =	sld [smem:$0x3FDB];
	s0 =	simm.s32 @p2 $0x1  }
0x17: {  	s4 =	simm.s32 $0x1BF5;
	[smem:$0x3FAB] =	sst s0  }
0x18: {  	s0 =	sld [smem:$0x3F8E];
	_ =	swait.ge [sflag:s4], $0x0  }
0x19: {  	s7 =	sld [smem:$0x3F8F]  }
0x1a: {  	s8 =	sadd.s32 $0xFFFFE003, lr  }
0x1b: {  	s9 =	sadd.s32 $0xFFFFFEF7, lr;
	s5 =	simm.s32 $0xFFFFFFFF;
	p2 =	slt.u32 s8, $0xFFFFF086  }
0x1c: {  	p1 =	slt.u32 s9, $0xF7A;
	s5 =	simm.s32 @!p2 $0x0  }
0x1d: {  	s5 =	simm.s32 @p1 $0x1;
	p0 =	seq.s32 s7, s2  }
0x1e: {  	s7 =	smul.u32 @!p0 $0xF7A, s2;
	p2 =	seq.s32 @!p0 s5, $0x0  }
0x1f: {  	s9 =	smul.u32 $0xF7A, s1;
	s8 =	simm.s32 @!p0 $0x1BF5;
	p2 =	por !p2, p0  }
0x20: {  	[sflag:s8] =	ssyncset.s32 @!p0 $0xFFFFF086;
	s6 =	sadd.s32 @!p0 s3, s7;
	s7 =	simm.s32 @!p0 $0x108  }
0x21: {  	s3 =	sadd.s32 s3, s9;
	s6 =	sadd.s32 @!p0 $0x88, s6;
	s7 =	simm.s32 @p2 $0x1082  }
0x22: {  	[simem:s7], [sflag:s8] =	dma.local @!p0 [hbm:s6], $0xF7A  }
0x23: {  	s9 =	sor.u32 $0xD0000000, s2;
	s6 =	simm.s32 $0x108;
	_ =	swait.ge @!p0 [sflag:s8], $0x0  }
0x24: {  	s3 =	sadd.s32 $0x88, s3;
	s6 =	simm.s32 @!p1 $0x1082;
	[sflag:s4] =	ssyncset.s32 $0xFFFFF086  }
0x25: {  	[simem:s6], [sflag:s4] =	dma.local [hbm:s3], $0xF7A  }
0x26: {  	[smem:$0x3F8F] =	sst s1;
	(tag) =	ssettag s2;
	_ =	strace s9  }
0x27: {  	s1 =	sld [smem:$0x3F9F]  }
0x28: {  	s2 =	sld [smem:$0x3FA0]  }
0x29: {  	s4 =	sld [smem:$0x3FA2]  }
0x2a: {  	p0 =	seq.s32 s5, $0x0;
	s5 =	sld [smem:$0x3FA3]  }
0x2b: {  	s6 =	sld [smem:$0x3FA4]  }
0x2c: {  	s7 =	sld [smem:$0x3FA5]  }
0x2d: {  	s3 =	simm.s32 $0x108;
	s8 =	sld [smem:$0x3FA6]  }
0x2e: {  	s3 =	simm.s32 @!p0 $0x1082;
	s9 =	sld [smem:$0x3FA7]  }
0x2f: {  	lr =	sadd.s32 s0, s3;
	s0 =	sld [smem:$0x3F9E]  }
0x30: {  	s3 =	sld [smem:$0x3FA1]  }
0x31: {  	[smem:$0x3FAA] =	sst s10  }
0x32: {  	s10 =	sld [smem:$0x3FA8];
	_ =	sdelay $0x3  }
0x33: {  	p0 =	seq.s32 s10, $0x1;
	s10 =	sld [smem:$0x3FAA];
	_ =	sdelay $0x3  }
0x34: {  	[smem:$0x3FAA] =	sst s10  }
0x35: {  	s10 =	sld [smem:$0x3FA9];
	_ =	sdelay $0x3  }
0x36: {  	p1 =	seq.s32 s10, $0x1;
	s10 =	sld [smem:$0x3FAA];
	_ =	sdelay $0x3  }
0x37: {  	[smem:$0x3FAA] =	sst s10  }
0x38: {  	s10 =	sld [smem:$0x3FAB]  }
0x39: {  	_ = 	snop;
	(pc) =	sbr.ind lr, $3  }
0x3a: {  	_ = 	snop  }
0x3b: {  	_ = 	snop  }
0x3c: {  	p2 =	seq.s32 s10, $0x1;
	s10 =	sld [smem:$0x3FAA]  }
0x3d: {  	_ =	shalt  }
0x3e: {  	_ =	shalt  }
0x3f: {  	_ =	shalt  }
0x40: {  	_ =	shalt  }
0x41: {  	_ =	shalt  }
0x42: {  	_ =	shalt  }
0x43: {  	_ =	shalt  }
0x44: {  	_ =	shalt  }
0x45: {  	_ =	shalt  }
0x46: {  	_ =	shalt  }
0x47: {  	_ =	shalt  }
0x48: {  	_ =	shalt  }
0x49: {  	_ =	shalt  }
0x4a: {  	_ =	shalt  }
0x4b: {  	_ =	shalt  }
0x4c: {  	_ =	shalt  }
0x4d: {  	_ =	shalt  }
0x4e: {  	_ =	shalt  }
0x4f: {  	_ =	shalt  }
0x50: {  	_ =	shalt  }
0x51: {  	_ =	shalt  }
0x52: {  	_ =	shalt  }
0x53: {  	_ =	shalt  }
0x54: {  	_ =	shalt  }
0x55: {  	_ =	shalt  }
0x56: {  	_ =	shalt  }
0x57: {  	_ =	shalt  }
0x58: {  	_ =	shalt  }
0x59: {  	_ =	shalt  }
0x5a: {  	_ =	shalt  }
0x5b: {  	_ =	shalt  }
0x5c: {  	_ =	shalt  }
0x5d: {  	_ =	shalt  }
0x5e: {  	_ =	shalt  }
0x5f: {  	_ =	shalt  }
0x60: {  	_ =	shalt  }
0x61: {  	_ =	shalt  }
0x62: {  	_ =	shalt  }
0x63: {  	_ =	shalt  }
0x64: {  	_ =	shalt  }
0x65: {  	_ =	shalt  }
0x66: {  	_ =	shalt  }
0x67: {  	_ =	shalt  }
0x68: {  	_ =	shalt  }
0x69: {  	_ =	shalt  }
0x6a: {  	_ =	shalt  }
0x6b: {  	_ =	shalt  }
0x6c: {  	_ =	shalt  }
0x6d: {  	_ =	shalt  }
0x6e: {  	_ =	shalt  }
0x6f: {  	_ =	shalt  }
0x70: {  	_ =	shalt  }
0x71: {  	_ =	shalt  }
0x72: {  	_ =	shalt  }
0x73: {  	_ =	shalt  }
0x74: {  	_ =	shalt  }
0x75: {  	_ =	shalt  }
0x76: {  	_ =	shalt  }
0x77: {  	_ =	shalt  }
0x78: {  	_ =	shalt  }
0x79: {  	_ =	shalt  }
0x7a: {  	_ =	shalt  }
0x7b: {  	_ =	shalt  }
0x7c: {  	_ =	shalt  }
0x7d: {  	_ =	shalt  }
0x7e: {  	_ =	shalt  }
0x7f: {  	_ =	shalt  }
0x80: {  	_ =	shalt  }
0x81: {  	_ =	shalt  }
0x82: {  	_ =	shalt  }
0x83: {  	_ =	shalt  }
0x84: {  	_ =	shalt  }
0x85: {  	_ =	shalt  }
0x86: {  	_ =	shalt  }
0x87: {  	_ =	shalt  }
.Lfunc_end0:
.L_simem_size_0:
called_computation_lowered:
.L_overlay_start_0:
0x88: {  	s2 =	sld [smem:$0x3FD9]  }
0x89: {  	s3 =	sld [smem:$0x3FFE];
	_ =	sdelay $0x1  }
0x8a: {  	s1 =	srdreg.scid  }
0x8b: {  	s0 =	sand.u32 $0x1, s1  }
0x8c: {  	s16 =	sshll.u32 s0, $0xA;
	s2 =	sadd.s32 s3, s2  }
0x8d: {  	s2 =	sadd.s32 s2, s16  }
0x8e: {  	[smem:$0x3FB6] =	sst s2  }
0x8f: {  	_ = 	snop  }
0x90: {  	(tm) =	ssettm $0x1  }
0x91: {  	s17 =	sld [smem:$0x3FFB];
	_ =	sdelay $0x3  }
0x92: {  	_ =	strace s17  }
0x93: {  	s2 =	sld [smem:$0x3FFC];
	_ =	sdelay $0x3  }
0x94: {  	_ =	strace s2  }
0x95: {  	s2 =	sld [smem:$0x3FFD];
	_ =	sdelay $0x3  }
0x96: {  	_ =	strace s2  }
0x97: {  	_ =	strace $0x8FFFFFFF  }
0x98: {  	s18 =	sld [smem:$0x3FDB];
	_ =	sdelay $0x1  }
0x99: {  	s19 =	simm.s32 $_scs_section_size  }
0x9a: {  	s4 =	simm.s32 $_size__tile_overlayer_lowered;
	s5 =	simm.s32 $_tile_overlayer_lowered  }
0x9b: {  	s22 =	simm.s32 $0x1BFF;
	s21 =	sshll.u32 s5, $0x1;
	s2 =	sadd.s32 s19, s18  }
0x9c: {  	s6 =	simm.s32 $0x0;
	s20 =	sshll.u32 s4, $0x1;
	s4 =	sadd.s32 s21, s2  }
0x9d: {  	[timem:s6], [sflag:s22] =	dma.local [hbm:s4], s20  }
0x9e: {  	_ =	swait.ge [sflag:s22], s20  }
0x9f: {  	s3 =	ssub.s32 $0x0, s20;
	[sflag:s22] =	ssyncset.done $0x0  }
0xa0: {  	[sflag:s22] =	ssyncadd.s32 s3;
	_ =	sdelay $0x1  }
0xa1: {  	s23 =	simm.s32 $0x1B8B  }
0xa2: {  	_ =	swait.ge [sflag:s23], $0x1  }
0xa3: {  	[sflag:s23] =	ssyncset.done $0x0  }
0xa4: {  	s25 =	simm.s32 $0x1B8E;
	s24 =	sld [smem:$0x3FFE];
	[sflag:s23] =	ssyncadd.s32 $0xFFFFFFFF  }
0xa5: {  	s26 =	simm.s32 $execute0_lowered;
	[smem:$0x3FD2] =	sst s25  }
0xa6: {  	s4 =	sshll.u32 s26, $0x1;
	_ =	strace $0x80000046;
	[dreg:$0x1] =	wrdreg $0xFFFFFFFF  }
0xa7: {  	s28 =	simm.s32 $_size_execute0_lowered;
	s2 =	sadd.s32 s2, s4;
	[dreg:$0x0] =	wrdreg $0x0  }
0xa8: {  	s4 =	sshll.u32 s28, $0x1;
	[dreg:$0x2] =	wrdreg s2  }
0xa9: {  	[dreg:$0x3] =	wrdreg s4  }
0xaa: {  	[dreg:$0x4] =	wrdreg $0xC0  }
0xab: {  	_ =	task [dreg:s6], $0x5FFFF  }
0xac: {  	[dreg:$0x1] =	wrdreg $0xFFFFFFFF  }
0xad: {  	[dreg:$0x0] =	wrdreg $0x60  }
0xae: {  	[dreg:$0x2] =	wrdreg s24  }
0xaf: {  	[dreg:$0x3] =	wrdreg $0x4E200  }
0xb0: {  	[dreg:$0x4] =	wrdreg $0x9  }
0xb1: {  	_ =	task.clear_ibuf [dreg:s6], $0x5FFFF;
	_ =	strace $0x90000046  }
0xb2: {  	s29 =	simm.s32 $0x9;
	_ =	strace $0x80000048  }
0xb3: {  	_ =	swait.ge [sflag:s29], $0x1  }
0xb4: {  	[sflag:s29] =	ssyncadd.s32 $0xFFFFFFFF  }
0xb5: {  	_ =	strace $0x90000048  }
0xb6: {  	_ =	sfence  }
0xb7: {  	s30 =	sld [smem:$0x0];
	_ =	sdelay $0x2  }
0xb8: {  	s31 =	sshll.u32 s1, $0xD;
	s1 =	sshrl.u32 s1, $0x2  }
0xb9: {  	s3 =	sand.u32 $0x4000, s31;
	s1 =	sadd.s32 s1, s30  }
0xba: {  	s0 =	sor.u32 s3, s0;
	s1 =	sshll.u32 s1, $0x11  }
0xbb: {  	s0 =	sor.u32 s1, s0  }
0xbc: {  	s0 =	sadd.s32 $0x8F2B, s0  }
0xbd: {  	[sflag:s0] =	ssyncadd.remote.s32 $0x1  }
0xbe: {  	_ =	sfence.sel $0xFFFF  }
0xbf: {  	[dreg:$0x0] =	wrdreg $0xFFFFFFFF;
	(pc) =	sbr.abs _section_cstart, $3  }
0xc0: {  	[dreg:$0x1] =	wrdreg $0xFFFFFFFF  }
0xc1: {  	_ =	task.clear_ibuf [dreg:s6], $0x2FFFF;
	_ =	strace $0x9FFFFFFF  }
0xc2: {  	(tm) =	ssettm $0x7FFFFFFF  }
0xc3: {  	_ =	shalt  }
tec
execute0_lowered:
.L_overlay_start_1:
0x0: {  	(tag) =	ssettag $0x1  }
0x1: {  	s0 =	srdreg.scid;
	s13 =	rddreg [dreg:$0x0]  }
0x2: {  	s2 =	rddreg [dreg:$0x1];
	s12 =	sand.u32 $0x1, s0  }
0x3: {  	s3 =	simm.s32 $0x0;
	s0 =	stileid.u32;
	s1 =	sshll.u32 s12, $0x4  }
0x4: {  	[smem:$0x7FF] =	sst s3;
	s14 =	smul.u32 $0x280, s0;
	s4 =	sor.u32 s0, s1  }
0x5: {  	s8 =	sshll.u32 s0, $0x6;
	s1 =	rddreg [dreg:$0x2];
	s4 =	smul.u32 $0x4E2, s4  }
0x6: {  	_ =	strace $0x80000047;
	s5 =	sshrl.u32 s14, $0x3;
	s9 =	sadd.s32 s14, s2  }
0x7: {  	s7 =	sadd.s32 s5, s13;
	s10 =	sshrl.u32 s9, $0x3;
	s6 =	sadd.s32 s4, s13  }
0x8: {  	s9 =	simm.s32 $0x2;
	s4 =	sadd.s32 $0xC200, s6;
	s5 =	sadd.s32 $0x16000, s6  }
0x9: {  	[tilespmem:s3], [sflag:$0x1] =	stream.linear.gather [hbm4b:s4+s3], $0x2710, $0x38;
	[tilespmem:$0x50A0] =	vst v63  }
0xa: {  	s6 =	sadd.s32 $0x1FE00, s7;
	s7 =	sor.u32 $0x1C02, s8;
	s8 =	simm.s32 $0x2710  }
0xb: {  	[tilespmem:s8], [sflag:$0x1] =	stream.linear.gather [hbm4b:s5+s3], $0x2710, $0x38;
	[tilespmem:$0x50A0] =	vst v63  }
0xc: {  	[spmem:s10], [sflag:s7] =	dma.local [hbm:s6], $0x50  }
0xd: {  	_ =	swait.ge [sflag:s9], $0x50  }
0xe: {  	[sflag:s9] =	ssyncset.done $0x0  }
0xf: {  	s11 =	simm.s32 $0x1;
	[sflag:s9] =	ssyncadd.s32 $0xFFFFFFB0  }
0x10: {  	_ =	swait.ge [sflag:s11], $0x2710  }
0x11: {  	[sflag:s11] =	ssyncset.done $0x0  }
0x12: {  	[sflag:s11] =	ssyncadd.s32 $0xFFFFD8F0  }
0x13: {  	_ =	swait.ge [sflag:s11], $0x2710  }
0x14: {  	s15 =	smul.u32 $0x2800, s12;
	s12 =	ssub.s32 $0x2, s12;
	[sflag:s11] =	ssyncset.done $0x0  }
0x15: {  	s29 =	sshrl.u32 s12, $0x1;
	[sflag:s11] =	ssyncadd.s32 $0xFFFFD8F0  }
0x16: {  	s30 =	ssub.s32 s12, s29;
	[bflag:$0x0] =	sbarrier.arrive $0xFFFF  }
0x17: {  	[spmem:s2] =	stream.indirect.scatter.add.f32 [tilespmem:s8], [sflag:$0x2], $0x1, s3, s8, $0xb8;
	[tilespmem:$0x50A0] =	vst v63  }
0x18: {  	s14 =	sadd.s32 s14, s15;
	s31 =	smax.u32 s30, $0x1;
	_ =	swait.ge [sflag:s9], $0x2710  }
0x19: {  	s14 =	sshrl.u32 s14, $0x3;
	p0 =	sne.s32 s31, $0x1;
	[sflag:s9] =	ssyncset.done $0x0  }
.Ltmp0:
0x1a: {  	s13 =	sadd.s32 s14, s13;
	[sflag:s9] =	ssyncadd.s32 $0xFFFFD8F0;
	(pc) =	sbr.rel @!p0 .LBB2_2-.Ltmp0, $4  }
0x1b: {  	s12 =	sadd.s32 $0x20400, s13;
	[bflag:$0x0] =	sbarrier.arrive $0xFFFF  }
0x1c: {  	[hbm:s12], [sflag:s7] =	dma.local [spmem:s10], $0x50  }
0x1d: {  	_ =	swait.ge [sflag:s9], $0x50  }
0x1e: {  	s13 =	sadd.s32 $0xFFFFFFFF, s31;
	[sflag:s9] =	ssyncset.done $0x0  }
.LBB2_1:
0x1f: {  	p0 =	sne.s32 s13, $0x1;
	s13 =	sadd.s32 $0xFFFFFFFF, s13;
	[sflag:s9] =	ssyncadd.s32 $0xFFFFFFB0  }
0x20: {  	[tilespmem:s3], [sflag:$0x1] =	stream.linear.gather [hbm4b:s4+s3], $0x2710, $0x38;
	[tilespmem:$0x50A0] =	vst v63  }
0x21: {  	_ = 	snop  }
0x22: {  	[tilespmem:s8], [sflag:$0x1] =	stream.linear.gather [hbm4b:s5+s3], $0x2710, $0x38;
	[tilespmem:$0x50A0] =	vst v63  }
0x23: {  	[spmem:s10], [sflag:s7] =	dma.local [hbm:s6], $0x50  }
0x24: {  	_ =	swait.ge [sflag:s9], $0x50  }
0x25: {  	[sflag:s9] =	ssyncset.done $0x0  }
0x26: {  	[sflag:s9] =	ssyncadd.s32 $0xFFFFFFB0  }
0x27: {  	_ =	swait.ge [sflag:s11], $0x2710  }
0x28: {  	[sflag:s11] =	ssyncset.done $0x0  }
0x29: {  	[sflag:s11] =	ssyncadd.s32 $0xFFFFD8F0  }
0x2a: {  	_ =	swait.ge [sflag:s11], $0x2710  }
0x2b: {  	[sflag:s11] =	ssyncset.done $0x0  }
0x2c: {  	[sflag:s11] =	ssyncadd.s32 $0xFFFFD8F0  }
0x2d: {  	[bflag:$0x0] =	sbarrier.arrive $0xFFFF  }
0x2e: {  	[spmem:s2] =	stream.indirect.scatter.add.f32 [tilespmem:s8], [sflag:$0x2], $0x1, s3, s8, $0xb8;
	[tilespmem:$0x50A0] =	vst v63  }
0x2f: {  	_ =	swait.ge [sflag:s9], $0x2710  }
0x30: {  	[sflag:s9] =	ssyncset.done $0x0  }
.Ltmp1:
0x31: {  	[sflag:s9] =	ssyncadd.s32 $0xFFFFD8F0;
	(pc) =	sbr.rel @p0 .LBB2_1-.Ltmp1, $4  }
0x32: {  	[bflag:$0x0] =	sbarrier.arrive $0xFFFF  }
0x33: {  	[hbm:s12], [sflag:s7] =	dma.local [spmem:s10], $0x50  }
0x34: {  	_ =	swait.ge [sflag:s9], $0x50  }
0x35: {  	[sflag:s9] =	ssyncset.done $0x0  }
.LBB2_2:
0x36: {  	[sflag:s9] =	ssyncadd.s32 $0xFFFFFFB0  }
0x37: {  	_ =	sfence.sel $0x180000  }
0x38: {  	[bflag:$0x0] =	sbarrier.arrive $0xFFFF  }
0x39: {  	p0 =	sne.s32 s0, $0x0;
	_ =	strace $0x90000047  }
0x3a: {  	s0 =	sadd.s32 @!p0 $0x100000, s1;
	[bflag:$0x2] =	sbarrier.arrive $0xFFFF  }
0x3b: {  	[sflag:s0] =	ssyncadd.tile.s32 @!p0 $0x1;
	_ =	shalt  }
.Lfunc_end2:
_tile_overlayer_lowered:
.L_overlay_start_2:
0x3c: {  	(tag) =	ssettag $0x2  }
0x3d: {  	s0 =	rddreg [dreg:$0x0];
	s2 =	stileid.u32  }
0x3e: {  	s1 =	rddreg [dreg:$0x1];
	p0 =	sne.s32 s2, $0x0  }
0x3f: {  	s3 =	rddreg [dreg:$0x2];
	[bflag:$0x3] =	sbarrier.arrive $0xFFFF;
	s2 =	simm.s32 @!p0 $0x1C02  }
0x40: {  	[timem:s3], [sflag:s2] =	dma.local @!p0 [hbm:s0], s1  }
0x41: {  	s0 =	simm.s32 @!p0 $0x2  }
0x42: {  	_ =	swait.ge @!p0 [sflag:s0], s1  }
0x43: {  	s1 =	ssub.s32 @!p0 $0x0, s1;
	[sflag:s0] =	ssyncset.done @!p0 $0x0  }
0x44: {  	[sflag:s0] =	ssyncadd.s32 @!p0 s1  }
0x45: {  	[bflag:$0x3] =	sbarrier.arrive $0xFFFF  }
0x46: {  	_ =	shalt  }

</sc_bundles>
